<compile_context>
chip_gen: v7x
topology: tpu7x:2x2x1
jax: 0.10.2.dev20260603
libtpu: 0.0.44.dev20260713+nightly
codegen_flags: <defaults>
</compile_context>

<pallas_src>
import functools

import jax
import jax.numpy as jnp
from jax import lax
from jax.experimental import pallas as pl
from jax.experimental.pallas import tpu as pltpu
from jax.experimental.pallas import tpu_sc as plsc

VOCAB = 1000000
EMBED_DIM = 64
BATCH = 16384
SEQ = 50

_B = BATCH * SEQ
_D = EMBED_DIM

_info = plsc.get_sparse_core_info()
_NC = _info.num_cores
_NS = _info.num_subcores
_NW = _NC * _NS
_C = 256
_BPW = BATCH // _NW


def _make_gather():
    mesh = plsc.VectorSubcoreMesh(core_axis_name="c", subcore_axis_name="s")

    @functools.partial(
        pl.kernel,
        mesh=mesh,
        out_type=jax.ShapeDtypeStruct((SEQ * 8 * 128 * 1024,), jnp.float32),
        compiler_params=pltpu.CompilerParams(
            use_tc_tiling_on_sc=False, needs_layout_passes=False),
        scratch_types=[
            pltpu.VMEM((SEQ, _BPW), jnp.int32),
            pltpu.VMEM((_C, _D), jnp.float32),
            pltpu.VMEM((_C, _D), jnp.float32),
            pltpu.VMEM((8 * 4096,), jnp.float32),
            pltpu.VMEM((8 * 4096,), jnp.float32),
            pltpu.SemaphoreType.DMA,
            pltpu.SemaphoreType.DMA,
            pltpu.SemaphoreType.DMA,
            pltpu.SemaphoreType.DMA,
        ],
    )
    def gather_kernel(table_hbm, idx_hbm, out_hbm,
                      idx_all, rowsA, rowsB, tP0, tP1,
                      gA, gB, oP0, oP1):
        wid = lax.axis_index("s") * _NC + lax.axis_index("c")
        pltpu.sync_copy(idx_hbm.at[:, pl.ds(wid * _BPW, _BPW)], idx_all)

        rows_bufs = ((rowsA, gA), (rowsB, gB))
        t_bufs = ((tP0, oP0), (tP1, oP1))

        iota = lax.iota(jnp.int32, 16)
        dpat = [((k * 16 + iota) >> 3) * 4096 + ((k * 16 + iota) & 7) * 128
                for k in range(4)]

        def gather_copy(s, h):
            rows_v, gsem = rows_bufs[h]
            return pltpu.make_async_copy(
                table_hbm.at[idx_all.at[s, pl.ds(h * _C, _C)]], rows_v, gsem)

        def out_copies(s, t_v, osem):
            base = (s * 8) * 131072 + (wid * 4) * 1024
            return [
                pltpu.make_async_copy(
                    t_v.at[pl.ds(i * 4096, 4096)],
                    out_hbm.at[pl.ds(base + i * 131072, 4096)],
                    osem)
                for i in range(8)
            ]

        def transpose_half(h, rows_v, t_v):
            @plsc.parallel_loop(0, 32)
            def tr_body(bb):
                for u in range(4):
                    b = bb * 4 + u
                    for jj in (0, 1):
                        o = h * 2048 + jj * 1024 + b
                        for k in range(4):
                            vals = rows_v[jj * 128 + b, pl.ds(k * 16, 16)]
                            plsc.store_scatter(t_v, [dpat[k] + o], vals)

        for h in (0, 1):
            gather_copy(0, h).start()

        def loop_body(n, carry):
            for p in (0, 1):
                s = 2 * n + p
                t_v, osem = t_bufs[p]

                @pl.when(n >= 1)
                def _():
                    for c in out_copies(s - 2, t_v, osem):
                        c.wait()

                for h in (0, 1):
                    rows_v, gsem = rows_bufs[h]
                    gather_copy(s, h).wait()
                    transpose_half(h, rows_v, t_v)
                    @pl.when(s < SEQ - 1)
                    def _():
                        gather_copy(s + 1, h).start()

                for c in out_copies(s, t_v, osem):
                    c.start()
            return carry

        lax.fori_loop(0, SEQ // 2, loop_body, 0)

        for p in (0, 1):
            s = SEQ - 2 + p
            t_v, osem = t_bufs[p]
            for c in out_copies(s, t_v, osem):
                c.wait()

    return gather_kernel


_gather = _make_gather()


def kernel(indices, table):
    idx_sm = indices.T.astype(jnp.int32)
    out = _gather(table, idx_sm)
    out5 = out.reshape(SEQ, 8, 128, 8, 128)
    return out5.transpose(2, 4, 0, 1, 3).reshape(BATCH, SEQ, _D)

# --- scband reference (transcript-rebuilt; emitter-appended) ---
"""Pipeline reference for scband-bi-lstm-module2-47098611368147 (READ-ONLY COPY).

The authoritative reference and input builder live on the scoring server;
editing this copy changes nothing except your own understanding.
"""

import jax, jax.numpy as jnp
import numpy as np

VOCAB = 1000000
EMBED_DIM = 64
BATCH = 16384
SEQ = 50

def setup_inputs(seed: int = 0) -> dict:
    key = jax.random.key(seed)
    k_idx, k_tab = jax.random.split(key)
    indices = jax.random.randint(k_idx, (BATCH, SEQ), 0, VOCAB, dtype=jnp.int64 if jax.config.jax_enable_x64 else jnp.int32)
    table = jax.random.normal(k_tab, (VOCAB, EMBED_DIM), dtype=jnp.float32) * 0.02
    return {"indices": indices, "table": table}

def reference(indices, table):
    # Embedding lookup: gather rows of the table by token id.
    out = jnp.take(table, indices, axis=0)  # [BATCH, SEQ, EMBED_DIM]
    return out

if __name__ == "__main__":
    import jax
    _d = setup_inputs()
    print(jax.jit(kernel)(*tuple(_d.values())))

</pallas_src>

<mosaic_0001>
#map = affine_map<(d0, d1) -> (0, 0)>
#map1 = affine_map<(d0, d1) -> (0)>
module attributes {stable_mosaic.version = 14 : i64} {
  func.func @gather_kernel(%arg0: i32, %arg1: i32, %arg2: memref<1000000x64xf32, #tpu.memory_space<hbm>>, %arg3: memref<50x16384xi32, #tpu.memory_space<hbm>>, %arg4: memref<52428800xf32, #tpu.memory_space<hbm>>, %arg5: memref<50x512xi32, #tpu.memory_space<vmem>>, %arg6: memref<256x64xf32, #tpu.memory_space<vmem>>, %arg7: memref<256x64xf32, #tpu.memory_space<vmem>>, %arg8: memref<32768xf32, #tpu.memory_space<vmem>>, %arg9: memref<32768xf32, #tpu.memory_space<vmem>>, %arg10: memref<!tpu.dma_semaphore, #tpu.memory_space<semaphore_mem>>, %arg11: memref<!tpu.dma_semaphore, #tpu.memory_space<semaphore_mem>>, %arg12: memref<!tpu.dma_semaphore, #tpu.memory_space<semaphore_mem>>, %arg13: memref<!tpu.dma_semaphore, #tpu.memory_space<semaphore_mem>>) attributes {dimension_semantics = [#tpu.dimension_semantics<core_parallel>, #tpu.dimension_semantics<subcore_parallel>], iteration_bounds = array<i64: 2, 16>, scalar_prefetch = 0 : i64, scratch_operands = 9 : i64, tpu.core_type = #tpu.core_type<sc_vector_subcore>, window_params = [{transform_indices = #map}, {transform_indices = #map}, {transform_indices = #map1}]} {
    %mul3A = arith.constant 2 : i32
    %mul3A_0 = arith.muli %arg1, %mul3A : i32
    %add3A = arith.addi %mul3A_0, %arg0 : i32
    %mul3A_1 = arith.constant 512 : i32
    %mul3A_2 = arith.muli %add3A, %mul3A_1 : i32
    "tpu.region"() ({
      %run_scoped3A = tpu.sem_alloc : memref<!tpu.dma_semaphore, #tpu.memory_space<semaphore_mem>>
      %dma_start3A_234 = arith.constant 0 : i32
      %dma_start3A_235 = tpu.memref_slice %arg3[%dma_start3A_234, %mul3A_2] : memref<50x16384xi32, #tpu.memory_space<hbm>> -> memref<50x512xi32, #tpu.memory_space<hbm>>
      %dma_start3A_236 = arith.constant 0 : i32
      %dma_start3A_237 = tpu.memref_slice %arg3[%dma_start3A_236, %mul3A_2] : memref<50x16384xi32, #tpu.memory_space<hbm>> -> memref<50x512xi32, #tpu.memory_space<hbm>>
      tpu.enqueue_dma source(%dma_start3A_237 : memref<50x512xi32, #tpu.memory_space<hbm>>) target(%arg5 : memref<50x512xi32, #tpu.memory_space<vmem>>) target_semaphore(%run_scoped3A : memref<!tpu.dma_semaphore, #tpu.memory_space<semaphore_mem>>)
      %dma_wait3A_238 = arith.constant 0 : i32
      %dma_wait3A_239 = tpu.memref_slice %arg3[%dma_wait3A_238, %mul3A_2] : memref<50x16384xi32, #tpu.memory_space<hbm>> -> memref<50x512xi32, #tpu.memory_space<hbm>>
      %dma_wait3A_240 = arith.constant 0 : i32
      %dma_wait3A_241 = tpu.memref_slice %arg3[%dma_wait3A_240, %mul3A_2] : memref<50x16384xi32, #tpu.memory_space<hbm>> -> memref<50x512xi32, #tpu.memory_space<hbm>>
      tpu.wait_dma2 semaphore(%run_scoped3A : memref<!tpu.dma_semaphore, #tpu.memory_space<semaphore_mem>>) src(%dma_wait3A_241 : memref<50x512xi32, #tpu.memory_space<hbm>>) dst(%arg5 : memref<50x512xi32, #tpu.memory_space<vmem>>)
      tpu.yield
    }) : () -> ()
    %iota3A = tpu.iota {dimensions = array<i32: 0>} : vector<16xi32>
    %add3A_3 = arith.constant 0 : i32
    %add3A_4 = vector.broadcast %add3A_3 : i32 to vector<16xi32>
    %add3A_5 = arith.addi %add3A_4, %iota3A : vector<16xi32>
    %shift_right_arithmetic3A = arith.constant 3 : i32
    %shift_right_arithmetic3A_6 = vector.broadcast %shift_right_arithmetic3A : i32 to vector<16xi32>
    %shift_right_arithmetic3A_7 = arith.shrsi %add3A_5, %shift_right_arithmetic3A_6 : vector<16xi32>
    %mul3A_8 = arith.constant 4096 : i32
    %mul3A_9 = vector.broadcast %mul3A_8 : i32 to vector<16xi32>
    %mul3A_10 = arith.muli %shift_right_arithmetic3A_7, %mul3A_9 : vector<16xi32>
    %add3A_11 = arith.constant 0 : i32
    %add3A_12 = vector.broadcast %add3A_11 : i32 to vector<16xi32>
    %add3A_13 = arith.addi %add3A_12, %iota3A : vector<16xi32>
    %and3A = arith.constant 7 : i32
    %and3A_14 = vector.broadcast %and3A : i32 to vector<16xi32>
    %and3A_15 = arith.andi %add3A_13, %and3A_14 : vector<16xi32>
    %mul3A_16 = arith.constant 128 : i32
    %mul3A_17 = vector.broadcast %mul3A_16 : i32 to vector<16xi32>
    %mul3A_18 = arith.muli %and3A_15, %mul3A_17 : vector<16xi32>
    %add3A_19 = arith.addi %mul3A_10, %mul3A_18 : vector<16xi32>
    %add3A_20 = arith.constant 16 : i32
    %add3A_21 = vector.broadcast %add3A_20 : i32 to vector<16xi32>
    %add3A_22 = arith.addi %add3A_21, %iota3A : vector<16xi32>
    %shift_right_arithmetic3A_23 = arith.constant 3 : i32
    %shift_right_arithmetic3A_24 = vector.broadcast %shift_right_arithmetic3A_23 : i32 to vector<16xi32>
    %shift_right_arithmetic3A_25 = arith.shrsi %add3A_22, %shift_right_arithmetic3A_24 : vector<16xi32>
    %mul3A_26 = arith.constant 4096 : i32
    %mul3A_27 = vector.broadcast %mul3A_26 : i32 to vector<16xi32>
    %mul3A_28 = arith.muli %shift_right_arithmetic3A_25, %mul3A_27 : vector<16xi32>
    %add3A_29 = arith.constant 16 : i32
    %add3A_30 = vector.broadcast %add3A_29 : i32 to vector<16xi32>
    %add3A_31 = arith.addi %add3A_30, %iota3A : vector<16xi32>
    %and3A_32 = arith.constant 7 : i32
    %and3A_33 = vector.broadcast %and3A_32 : i32 to vector<16xi32>
    %and3A_34 = arith.andi %add3A_31, %and3A_33 : vector<16xi32>
    %mul3A_35 = arith.constant 128 : i32
    %mul3A_36 = vector.broadcast %mul3A_35 : i32 to vector<16xi32>
    %mul3A_37 = arith.muli %and3A_34, %mul3A_36 : vector<16xi32>
    %add3A_38 = arith.addi %mul3A_28, %mul3A_37 : vector<16xi32>
    %add3A_39 = arith.constant 32 : i32
    %add3A_40 = vector.broadcast %add3A_39 : i32 to vector<16xi32>
    %add3A_41 = arith.addi %add3A_40, %iota3A : vector<16xi32>
    %shift_right_arithmetic3A_42 = arith.constant 3 : i32
    %shift_right_arithmetic3A_43 = vector.broadcast %shift_right_arithmetic3A_42 : i32 to vector<16xi32>
    %shift_right_arithmetic3A_44 = arith.shrsi %add3A_41, %shift_right_arithmetic3A_43 : vector<16xi32>
    %mul3A_45 = arith.constant 4096 : i32
    %mul3A_46 = vector.broadcast %mul3A_45 : i32 to vector<16xi32>
    %mul3A_47 = arith.muli %shift_right_arithmetic3A_44, %mul3A_46 : vector<16xi32>
    %add3A_48 = arith.constant 32 : i32
    %add3A_49 = vector.broadcast %add3A_48 : i32 to vector<16xi32>
    %add3A_50 = arith.addi %add3A_49, %iota3A : vector<16xi32>
    %and3A_51 = arith.constant 7 : i32
    %and3A_52 = vector.broadcast %and3A_51 : i32 to vector<16xi32>
    %and3A_53 = arith.andi %add3A_50, %and3A_52 : vector<16xi32>
    %mul3A_54 = arith.constant 128 : i32
    %mul3A_55 = vector.broadcast %mul3A_54 : i32 to vector<16xi32>
    %mul3A_56 = arith.muli %and3A_53, %mul3A_55 : vector<16xi32>
    %add3A_57 = arith.addi %mul3A_47, %mul3A_56 : vector<16xi32>
    %add3A_58 = arith.constant 48 : i32
    %add3A_59 = vector.broadcast %add3A_58 : i32 to vector<16xi32>
    %add3A_60 = arith.addi %add3A_59, %iota3A : vector<16xi32>
    %shift_right_arithmetic3A_61 = arith.constant 3 : i32
    %shift_right_arithmetic3A_62 = vector.broadcast %shift_right_arithmetic3A_61 : i32 to vector<16xi32>
    %shift_right_arithmetic3A_63 = arith.shrsi %add3A_60, %shift_right_arithmetic3A_62 : vector<16xi32>
    %mul3A_64 = arith.constant 4096 : i32
    %mul3A_65 = vector.broadcast %mul3A_64 : i32 to vector<16xi32>
    %mul3A_66 = arith.muli %shift_right_arithmetic3A_63, %mul3A_65 : vector<16xi32>
    %add3A_67 = arith.constant 48 : i32
    %add3A_68 = vector.broadcast %add3A_67 : i32 to vector<16xi32>
    %add3A_69 = arith.addi %add3A_68, %iota3A : vector<16xi32>
    %and3A_70 = arith.constant 7 : i32
    %and3A_71 = vector.broadcast %and3A_70 : i32 to vector<16xi32>
    %and3A_72 = arith.andi %add3A_69, %and3A_71 : vector<16xi32>
    %mul3A_73 = arith.constant 128 : i32
    %mul3A_74 = vector.broadcast %mul3A_73 : i32 to vector<16xi32>
    %mul3A_75 = arith.muli %and3A_72, %mul3A_74 : vector<16xi32>
    %add3A_76 = arith.addi %mul3A_66, %mul3A_75 : vector<16xi32>
    %dma_start3A = arith.constant 0 : i32
    %dma_start3A_77 = arith.constant 0 : i32
    %dma_start3A_78 = tpu.memref_slice %arg5[%dma_start3A, %dma_start3A_77] : memref<50x512xi32, #tpu.memory_space<vmem>> -> memref<1x256xi32, #tpu.memory_space<vmem>>
    %dma_start3A_79 = tpu.memref_squeeze %dma_start3A_78 : memref<1x256xi32, #tpu.memory_space<vmem>> -> memref<256xi32, #tpu.memory_space<vmem>>
    %dma_start3A_80 = arith.constant 0 : i32
    %dma_start3A_81 = arith.constant 0 : i32
    %dma_start3A_82 = tpu.memref_slice %arg2[%dma_start3A_80, %dma_start3A_81] : memref<1000000x64xf32, #tpu.memory_space<hbm>> -> memref<1000000x64xf32, #tpu.memory_space<hbm>>
    tpu.enqueue_indirect_dma source(%dma_start3A_82 : memref<1000000x64xf32, #tpu.memory_space<hbm>>) target(%arg6 : memref<256x64xf32, #tpu.memory_space<vmem>>) offsets(%dma_start3A_79 : memref<256xi32, #tpu.memory_space<vmem>>) semaphore(%arg10 : memref<!tpu.dma_semaphore, #tpu.memory_space<semaphore_mem>>)
    %dma_start3A_83 = arith.constant 0 : i32
    %dma_start3A_84 = arith.constant 256 : i32
    %dma_start3A_85 = tpu.memref_slice %arg5[%dma_start3A_83, %dma_start3A_84] : memref<50x512xi32, #tpu.memory_space<vmem>> -> memref<1x256xi32, #tpu.memory_space<vmem>>
    %dma_start3A_86 = tpu.memref_squeeze %dma_start3A_85 : memref<1x256xi32, #tpu.memory_space<vmem>> -> memref<256xi32, #tpu.memory_space<vmem>>
    %dma_start3A_87 = arith.constant 0 : i32
    %dma_start3A_88 = arith.constant 0 : i32
    %dma_start3A_89 = tpu.memref_slice %arg2[%dma_start3A_87, %dma_start3A_88] : memref<1000000x64xf32, #tpu.memory_space<hbm>> -> memref<1000000x64xf32, #tpu.memory_space<hbm>>
    tpu.enqueue_indirect_dma source(%dma_start3A_89 : memref<1000000x64xf32, #tpu.memory_space<hbm>>) target(%arg7 : memref<256x64xf32, #tpu.memory_space<vmem>>) offsets(%dma_start3A_86 : memref<256xi32, #tpu.memory_space<vmem>>) semaphore(%arg11 : memref<!tpu.dma_semaphore, #tpu.memory_space<semaphore_mem>>)
    %scan3A = arith.constant 0 : i32
    %scan3A_90 = arith.constant 0 : i32
    %scan3A_91 = arith.constant 25 : i32
    %scan3A_92 = arith.addi %scan3A_90, %scan3A_91 : i32
    %scan3A_93 = arith.constant 1 : i32
    scf.for %scan3A_234 = %scan3A_90 to %scan3A_92 step %scan3A_93  : i32 {
      %mul3A_235 = arith.constant 2 : i32
      %mul3A_236 = arith.muli %mul3A_235, %scan3A_234 : i32
      %add3A_237 = arith.constant 0 : i32
      %add3A_238 = arith.addi %mul3A_236, %add3A_237 : i32
      %ge3A = arith.constant 1 : i32
      %ge3A_239 = arith.cmpi sge, %scan3A_234, %ge3A : i32
      %convert_element_type3A = arith.extui %ge3A_239 : i1 to i32
      %cond3A = arith.constant 0 : i32
      %cond3A_240 = arith.cmpi ne, %convert_element_type3A, %cond3A : i32
      scf.if %cond3A_240 {
        %sub3A = arith.constant 2 : i32
        %sub3A_450 = arith.subi %add3A_238, %sub3A : i32
        %mul3A_451 = arith.constant 8 : i32
        %mul3A_452 = arith.muli %sub3A_450, %mul3A_451 : i32
        %mul3A_453 = arith.constant 131072 : i32
        %mul3A_454 = arith.muli %mul3A_452, %mul3A_453 : i32
        %mul3A_455 = arith.constant 4 : i32
        %mul3A_456 = arith.muli %add3A, %mul3A_455 : i32
        %mul3A_457 = arith.constant 1024 : i32
        %mul3A_458 = arith.muli %mul3A_456, %mul3A_457 : i32
        %add3A_459 = arith.addi %mul3A_454, %mul3A_458 : i32
        %add3A_460 = arith.constant 0 : i32
        %add3A_461 = arith.addi %add3A_459, %add3A_460 : i32
        %add3A_462 = arith.constant 131072 : i32
        %add3A_463 = arith.addi %add3A_459, %add3A_462 : i32
        %add3A_464 = arith.constant 262144 : i32
        %add3A_465 = arith.addi %add3A_459, %add3A_464 : i32
        %add3A_466 = arith.constant 393216 : i32
        %add3A_467 = arith.addi %add3A_459, %add3A_466 : i32
        %add3A_468 = arith.constant 524288 : i32
        %add3A_469 = arith.addi %add3A_459, %add3A_468 : i32
        %add3A_470 = arith.constant 655360 : i32
        %add3A_471 = arith.addi %add3A_459, %add3A_470 : i32
        %add3A_472 = arith.constant 786432 : i32
        %add3A_473 = arith.addi %add3A_459, %add3A_472 : i32
        %add3A_474 = arith.constant 917504 : i32
        %add3A_475 = arith.addi %add3A_459, %add3A_474 : i32
        %dma_wait3A_476 = arith.constant 0 : i32
        %dma_wait3A_477 = tpu.memref_slice %arg8[%dma_wait3A_476] : memref<32768xf32, #tpu.memory_space<vmem>> -> memref<4096xf32, #tpu.memory_space<vmem>>
        %dma_wait3A_478 = tpu.memref_slice %arg4[%add3A_461] : memref<52428800xf32, #tpu.memory_space<hbm>> -> memref<4096xf32, #tpu.memory_space<hbm>>
        %dma_wait3A_479 = tpu.memref_slice %arg4[%add3A_461] : memref<52428800xf32, #tpu.memory_space<hbm>> -> memref<4096xf32, #tpu.memory_space<hbm>>
        %dma_wait3A_480 = arith.constant 0 : i32
        %dma_wait3A_481 = tpu.memref_slice %arg8[%dma_wait3A_480] : memref<32768xf32, #tpu.memory_space<vmem>> -> memref<4096xf32, #tpu.memory_space<vmem>>
        tpu.wait_dma2 semaphore(%arg12 : memref<!tpu.dma_semaphore, #tpu.memory_space<semaphore_mem>>) src(%dma_wait3A_481 : memref<4096xf32, #tpu.memory_space<vmem>>) dst(%dma_wait3A_479 : memref<4096xf32, #tpu.memory_space<hbm>>)
        %dma_wait3A_482 = arith.constant 4096 : i32
        %dma_wait3A_483 = tpu.memref_slice %arg8[%dma_wait3A_482] : memref<32768xf32, #tpu.memory_space<vmem>> -> memref<4096xf32, #tpu.memory_space<vmem>>
        %dma_wait3A_484 = tpu.memref_slice %arg4[%add3A_463] : memref<52428800xf32, #tpu.memory_space<hbm>> -> memref<4096xf32, #tpu.memory_space<hbm>>
        %dma_wait3A_485 = tpu.memref_slice %arg4[%add3A_463] : memref<52428800xf32, #tpu.memory_space<hbm>> -> memref<4096xf32, #tpu.memory_space<hbm>>
        %dma_wait3A_486 = arith.constant 4096 : i32
        %dma_wait3A_487 = tpu.memref_slice %arg8[%dma_wait3A_486] : memref<32768xf32, #tpu.memory_space<vmem>> -> memref<4096xf32, #tpu.memory_space<vmem>>
        tpu.wait_dma2 semaphore(%arg12 : memref<!tpu.dma_semaphore, #tpu.memory_space<semaphore_mem>>) src(%dma_wait3A_487 : memref<4096xf32, #tpu.memory_space<vmem>>) dst(%dma_wait3A_485 : memref<4096xf32, #tpu.memory_space<hbm>>)
        %dma_wait3A_488 = arith.constant 8192 : i32
        %dma_wait3A_489 = tpu.memref_slice %arg8[%dma_wait3A_488] : memref<32768xf32, #tpu.memory_space<vmem>> -> memref<4096xf32, #tpu.memory_space<vmem>>
        %dma_wait3A_490 = tpu.memref_slice %arg4[%add3A_465] : memref<52428800xf32, #tpu.memory_space<hbm>> -> memref<4096xf32, #tpu.memory_space<hbm>>
        %dma_wait3A_491 = tpu.memref_slice %arg4[%add3A_465] : memref<52428800xf32, #tpu.memory_space<hbm>> -> memref<4096xf32, #tpu.memory_space<hbm>>
        %dma_wait3A_492 = arith.constant 8192 : i32
        %dma_wait3A_493 = tpu.memref_slice %arg8[%dma_wait3A_492] : memref<32768xf32, #tpu.memory_space<vmem>> -> memref<4096xf32, #tpu.memory_space<vmem>>
        tpu.wait_dma2 semaphore(%arg12 : memref<!tpu.dma_semaphore, #tpu.memory_space<semaphore_mem>>) src(%dma_wait3A_493 : memref<4096xf32, #tpu.memory_space<vmem>>) dst(%dma_wait3A_491 : memref<4096xf32, #tpu.memory_space<hbm>>)
        %dma_wait3A_494 = arith.constant 12288 : i32
        %dma_wait3A_495 = tpu.memref_slice %arg8[%dma_wait3A_494] : memref<32768xf32, #tpu.memory_space<vmem>> -> memref<4096xf32, #tpu.memory_space<vmem>>
        %dma_wait3A_496 = tpu.memref_slice %arg4[%add3A_467] : memref<52428800xf32, #tpu.memory_space<hbm>> -> memref<4096xf32, #tpu.memory_space<hbm>>
        %dma_wait3A_497 = tpu.memref_slice %arg4[%add3A_467] : memref<52428800xf32, #tpu.memory_space<hbm>> -> memref<4096xf32, #tpu.memory_space<hbm>>
        %dma_wait3A_498 = arith.constant 12288 : i32
        %dma_wait3A_499 = tpu.memref_slice %arg8[%dma_wait3A_498] : memref<32768xf32, #tpu.memory_space<vmem>> -> memref<4096xf32, #tpu.memory_space<vmem>>
        tpu.wait_dma2 semaphore(%arg12 : memref<!tpu.dma_semaphore, #tpu.memory_space<semaphore_mem>>) src(%dma_wait3A_499 : memref<4096xf32, #tpu.memory_space<vmem>>) dst(%dma_wait3A_497 : memref<4096xf32, #tpu.memory_space<hbm>>)
        %dma_wait3A_500 = arith.constant 16384 : i32
        %dma_wait3A_501 = tpu.memref_slice %arg8[%dma_wait3A_500] : memref<32768xf32, #tpu.memory_space<vmem>> -> memref<4096xf32, #tpu.memory_space<vmem>>
        %dma_wait3A_502 = tpu.memref_slice %arg4[%add3A_469] : memref<52428800xf32, #tpu.memory_space<hbm>> -> memref<4096xf32, #tpu.memory_space<hbm>>
        %dma_wait3A_503 = tpu.memref_slice %arg4[%add3A_469] : memref<52428800xf32, #tpu.memory_space<hbm>> -> memref<4096xf32, #tpu.memory_space<hbm>>
        %dma_wait3A_504 = arith.constant 16384 : i32
        %dma_wait3A_505 = tpu.memref_slice %arg8[%dma_wait3A_504] : memref<32768xf32, #tpu.memory_space<vmem>> -> memref<4096xf32, #tpu.memory_space<vmem>>
        tpu.wait_dma2 semaphore(%arg12 : memref<!tpu.dma_semaphore, #tpu.memory_space<semaphore_mem>>) src(%dma_wait3A_505 : memref<4096xf32, #tpu.memory_space<vmem>>) dst(%dma_wait3A_503 : memref<4096xf32, #tpu.memory_space<hbm>>)
        %dma_wait3A_506 = arith.constant 20480 : i32
        %dma_wait3A_507 = tpu.memref_slice %arg8[%dma_wait3A_506] : memref<32768xf32, #tpu.memory_space<vmem>> -> memref<4096xf32, #tpu.memory_space<vmem>>
        %dma_wait3A_508 = tpu.memref_slice %arg4[%add3A_471] : memref<52428800xf32, #tpu.memory_space<hbm>> -> memref<4096xf32, #tpu.memory_space<hbm>>
        %dma_wait3A_509 = tpu.memref_slice %arg4[%add3A_471] : memref<52428800xf32, #tpu.memory_space<hbm>> -> memref<4096xf32, #tpu.memory_space<hbm>>
        %dma_wait3A_510 = arith.constant 20480 : i32
        %dma_wait3A_511 = tpu.memref_slice %arg8[%dma_wait3A_510] : memref<32768xf32, #tpu.memory_space<vmem>> -> memref<4096xf32, #tpu.memory_space<vmem>>
        tpu.wait_dma2 semaphore(%arg12 : memref<!tpu.dma_semaphore, #tpu.memory_space<semaphore_mem>>) src(%dma_wait3A_511 : memref<4096xf32, #tpu.memory_space<vmem>>) dst(%dma_wait3A_509 : memref<4096xf32, #tpu.memory_space<hbm>>)
        %dma_wait3A_512 = arith.constant 24576 : i32
        %dma_wait3A_513 = tpu.memref_slice %arg8[%dma_wait3A_512] : memref<32768xf32, #tpu.memory_space<vmem>> -> memref<4096xf32, #tpu.memory_space<vmem>>
        %dma_wait3A_514 = tpu.memref_slice %arg4[%add3A_473] : memref<52428800xf32, #tpu.memory_space<hbm>> -> memref<4096xf32, #tpu.memory_space<hbm>>
        %dma_wait3A_515 = tpu.memref_slice %arg4[%add3A_473] : memref<52428800xf32, #tpu.memory_space<hbm>> -> memref<4096xf32, #tpu.memory_space<hbm>>
        %dma_wait3A_516 = arith.constant 24576 : i32
        %dma_wait3A_517 = tpu.memref_slice %arg8[%dma_wait3A_516] : memref<32768xf32, #tpu.memory_space<vmem>> -> memref<4096xf32, #tpu.memory_space<vmem>>
        tpu.wait_dma2 semaphore(%arg12 : memref<!tpu.dma_semaphore, #tpu.memory_space<semaphore_mem>>) src(%dma_wait3A_517 : memref<4096xf32, #tpu.memory_space<vmem>>) dst(%dma_wait3A_515 : memref<4096xf32, #tpu.memory_space<hbm>>)
        %dma_wait3A_518 = arith.constant 28672 : i32
        %dma_wait3A_519 = tpu.memref_slice %arg8[%dma_wait3A_518] : memref<32768xf32, #tpu.memory_space<vmem>> -> memref<4096xf32, #tpu.memory_space<vmem>>
        %dma_wait3A_520 = tpu.memref_slice %arg4[%add3A_475] : memref<52428800xf32, #tpu.memory_space<hbm>> -> memref<4096xf32, #tpu.memory_space<hbm>>
        %dma_wait3A_521 = tpu.memref_slice %arg4[%add3A_475] : memref<52428800xf32, #tpu.memory_space<hbm>> -> memref<4096xf32, #tpu.memory_space<hbm>>
        %dma_wait3A_522 = arith.constant 28672 : i32
        %dma_wait3A_523 = tpu.memref_slice %arg8[%dma_wait3A_522] : memref<32768xf32, #tpu.memory_space<vmem>> -> memref<4096xf32, #tpu.memory_space<vmem>>
        tpu.wait_dma2 semaphore(%arg12 : memref<!tpu.dma_semaphore, #tpu.memory_space<semaphore_mem>>) src(%dma_wait3A_523 : memref<4096xf32, #tpu.memory_space<vmem>>) dst(%dma_wait3A_521 : memref<4096xf32, #tpu.memory_space<hbm>>)
      } else {
      }
      %dma_wait3A_241 = arith.constant 0 : i32
      %dma_wait3A_242 = tpu.memref_slice %arg5[%add3A_238, %dma_wait3A_241] : memref<50x512xi32, #tpu.memory_space<vmem>> -> memref<1x256xi32, #tpu.memory_space<vmem>>
      %dma_wait3A_243 = tpu.memref_squeeze %dma_wait3A_242 : memref<1x256xi32, #tpu.memory_space<vmem>> -> memref<256xi32, #tpu.memory_space<vmem>>
      %dma_wait3A_244 = arith.constant 0 : i32
      %dma_wait3A_245 = arith.constant 0 : i32
      %dma_wait3A_246 = tpu.memref_slice %arg2[%dma_wait3A_244, %dma_wait3A_245] : memref<1000000x64xf32, #tpu.memory_space<hbm>> -> memref<1000000x64xf32, #tpu.memory_space<hbm>>
      tpu.wait_indirect_dma semaphore(%arg10 : memref<!tpu.dma_semaphore, #tpu.memory_space<semaphore_mem>>) src(%dma_wait3A_246 : memref<1000000x64xf32, #tpu.memory_space<hbm>>) dst(%arg6 : memref<256x64xf32, #tpu.memory_space<vmem>>)
      %parallel_loop3A = arith.constant 0 : i32
      %parallel_loop3A_247 = arith.constant 32 : i32
      %parallel_loop3A_248 = arith.constant 1 : i32
      scf.for %parallel_loop3A_450 = %parallel_loop3A to %parallel_loop3A_247 step %parallel_loop3A_248  : i32 {
        %parallel_loop3A_451 = arith.constant 4 : i32
        %parallel_loop3A_452 = arith.muli %parallel_loop3A_450, %parallel_loop3A_451 : i32
        %parallel_loop3A_453 = arith.constant 0 : i32
        %parallel_loop3A_454 = arith.addi %parallel_loop3A_452, %parallel_loop3A_453 : i32
        %parallel_loop3A_455 = arith.constant 0 : i32
        %parallel_loop3A_456 = arith.addi %parallel_loop3A_455, %parallel_loop3A_454 : i32
        %parallel_loop3A_457 = arith.constant 0 : i32
        %parallel_loop3A_458 = arith.addi %parallel_loop3A_457, %parallel_loop3A_454 : i32
        %parallel_loop3A_459 = arith.index_cast %parallel_loop3A_458 : i32 to index
        %parallel_loop3A_460 = arith.constant 0 : index
        %parallel_loop3A_461 = tpu.vector_load %arg6[%parallel_loop3A_459, %parallel_loop3A_460] {strides = array<i32>} : memref<256x64xf32, #tpu.memory_space<vmem>>, vector<16xf32>,
        %parallel_loop3A_462 = vector.broadcast %parallel_loop3A_456 : i32 to vector<16xi32>
        %parallel_loop3A_463 = arith.addi %add3A_19, %parallel_loop3A_462 : vector<16xi32>
        tpu.vector_store_idx %arg8[%parallel_loop3A_463], %parallel_loop3A_461 : memref<32768xf32, #tpu.memory_space<vmem>>[vector<16xi32>], vector<16xf32>,
        %parallel_loop3A_464 = arith.constant 0 : i32
        %parallel_loop3A_465 = arith.addi %parallel_loop3A_464, %parallel_loop3A_454 : i32
        %parallel_loop3A_466 = arith.index_cast %parallel_loop3A_465 : i32 to index
        %parallel_loop3A_467 = arith.constant 16 : index
        %parallel_loop3A_468 = tpu.vector_load %arg6[%parallel_loop3A_466, %parallel_loop3A_467] {strides = array<i32>} : memref<256x64xf32, #tpu.memory_space<vmem>>, vector<16xf32>,
        %parallel_loop3A_469 = vector.broadcast %parallel_loop3A_456 : i32 to vector<16xi32>
        %parallel_loop3A_470 = arith.addi %add3A_38, %parallel_loop3A_469 : vector<16xi32>
        tpu.vector_store_idx %arg8[%parallel_loop3A_470], %parallel_loop3A_468 : memref<32768xf32, #tpu.memory_space<vmem>>[vector<16xi32>], vector<16xf32>,
        %parallel_loop3A_471 = arith.constant 0 : i32
        %parallel_loop3A_472 = arith.addi %parallel_loop3A_471, %parallel_loop3A_454 : i32
        %parallel_loop3A_473 = arith.index_cast %parallel_loop3A_472 : i32 to index
        %parallel_loop3A_474 = arith.constant 32 : index
        %parallel_loop3A_475 = tpu.vector_load %arg6[%parallel_loop3A_473, %parallel_loop3A_474] {strides = array<i32>} : memref<256x64xf32, #tpu.memory_space<vmem>>, vector<16xf32>,
        %parallel_loop3A_476 = vector.broadcast %parallel_loop3A_456 : i32 to vector<16xi32>
        %parallel_loop3A_477 = arith.addi %add3A_57, %parallel_loop3A_476 : vector<16xi32>
        tpu.vector_store_idx %arg8[%parallel_loop3A_477], %parallel_loop3A_475 : memref<32768xf32, #tpu.memory_space<vmem>>[vector<16xi32>], vector<16xf32>,
        %parallel_loop3A_478 = arith.constant 0 : i32
        %parallel_loop3A_479 = arith.addi %parallel_loop3A_478, %parallel_loop3A_454 : i32
        %parallel_loop3A_480 = arith.index_cast %parallel_loop3A_479 : i32 to index
        %parallel_loop3A_481 = arith.constant 48 : index
        %parallel_loop3A_482 = tpu.vector_load %arg6[%parallel_loop3A_480, %parallel_loop3A_481] {strides = array<i32>} : memref<256x64xf32, #tpu.memory_space<vmem>>, vector<16xf32>,
        %parallel_loop3A_483 = vector.broadcast %parallel_loop3A_456 : i32 to vector<16xi32>
        %parallel_loop3A_484 = arith.addi %add3A_76, %parallel_loop3A_483 : vector<16xi32>
        tpu.vector_store_idx %arg8[%parallel_loop3A_484], %parallel_loop3A_482 : memref<32768xf32, #tpu.memory_space<vmem>>[vector<16xi32>], vector<16xf32>,
        %parallel_loop3A_485 = arith.constant 1024 : i32
        %parallel_loop3A_486 = arith.addi %parallel_loop3A_485, %parallel_loop3A_454 : i32
        %parallel_loop3A_487 = arith.constant 128 : i32
        %parallel_loop3A_488 = arith.addi %parallel_loop3A_487, %parallel_loop3A_454 : i32
        %parallel_loop3A_489 = arith.index_cast %parallel_loop3A_488 : i32 to index
        %parallel_loop3A_490 = arith.constant 0 : index
        %parallel_loop3A_491 = tpu.vector_load %arg6[%parallel_loop3A_489, %parallel_loop3A_490] {strides = array<i32>} : memref<256x64xf32, #tpu.memory_space<vmem>>, vector<16xf32>,
        %parallel_loop3A_492 = vector.broadcast %parallel_loop3A_486 : i32 to vector<16xi32>
        %parallel_loop3A_493 = arith.addi %add3A_19, %parallel_loop3A_492 : vector<16xi32>
        tpu.vector_store_idx %arg8[%parallel_loop3A_493], %parallel_loop3A_491 : memref<32768xf32, #tpu.memory_space<vmem>>[vector<16xi32>], vector<16xf32>,
        %parallel_loop3A_494 = arith.constant 128 : i32
        %parallel_loop3A_495 = arith.addi %parallel_loop3A_494, %parallel_loop3A_454 : i32
        %parallel_loop3A_496 = arith.index_cast %parallel_loop3A_495 : i32 to index
        %parallel_loop3A_497 = arith.constant 16 : index
        %parallel_loop3A_498 = tpu.vector_load %arg6[%parallel_loop3A_496, %parallel_loop3A_497] {strides = array<i32>} : memref<256x64xf32, #tpu.memory_space<vmem>>, vector<16xf32>,
        %parallel_loop3A_499 = vector.broadcast %parallel_loop3A_486 : i32 to vector<16xi32>
        %parallel_loop3A_500 = arith.addi %add3A_38, %parallel_loop3A_499 : vector<16xi32>
        tpu.vector_store_idx %arg8[%parallel_loop3A_500], %parallel_loop3A_498 : memref<32768xf32, #tpu.memory_space<vmem>>[vector<16xi32>], vector<16xf32>,
        %parallel_loop3A_501 = arith.constant 128 : i32
        %parallel_loop3A_502 = arith.addi %parallel_loop3A_501, %parallel_loop3A_454 : i32
        %parallel_loop3A_503 = arith.index_cast %parallel_loop3A_502 : i32 to index
        %parallel_loop3A_504 = arith.constant 32 : index
        %parallel_loop3A_505 = tpu.vector_load %arg6[%parallel_loop3A_503, %parallel_loop3A_504] {strides = array<i32>} : memref<256x64xf32, #tpu.memory_space<vmem>>, vector<16xf32>,
        %parallel_loop3A_506 = vector.broadcast %parallel_loop3A_486 : i32 to vector<16xi32>
        %parallel_loop3A_507 = arith.addi %add3A_57, %parallel_loop3A_506 : vector<16xi32>
        tpu.vector_store_idx %arg8[%parallel_loop3A_507], %parallel_loop3A_505 : memref<32768xf32, #tpu.memory_space<vmem>>[vector<16xi32>], vector<16xf32>,
        %parallel_loop3A_508 = arith.constant 128 : i32
        %parallel_loop3A_509 = arith.addi %parallel_loop3A_508, %parallel_loop3A_454 : i32
        %parallel_loop3A_510 = arith.index_cast %parallel_loop3A_509 : i32 to index
        %parallel_loop3A_511 = arith.constant 48 : index
        %parallel_loop3A_512 = tpu.vector_load %arg6[%parallel_loop3A_510, %parallel_loop3A_511] {strides = array<i32>} : memref<256x64xf32, #tpu.memory_space<vmem>>, vector<16xf32>,
        %parallel_loop3A_513 = vector.broadcast %parallel_loop3A_486 : i32 to vector<16xi32>
        %parallel_loop3A_514 = arith.addi %add3A_76, %parallel_loop3A_513 : vector<16xi32>
        tpu.vector_store_idx %arg8[%parallel_loop3A_514], %parallel_loop3A_512 : memref<32768xf32, #tpu.memory_space<vmem>>[vector<16xi32>], vector<16xf32>,
        %parallel_loop3A_515 = arith.constant 4 : i32
        %parallel_loop3A_516 = arith.muli %parallel_loop3A_450, %parallel_loop3A_515 : i32
        %parallel_loop3A_517 = arith.constant 1 : i32
        %parallel_loop3A_518 = arith.addi %parallel_loop3A_516, %parallel_loop3A_517 : i32
        %parallel_loop3A_519 = arith.constant 0 : i32
        %parallel_loop3A_520 = arith.addi %parallel_loop3A_519, %parallel_loop3A_518 : i32
        %parallel_loop3A_521 = arith.constant 0 : i32
        %parallel_loop3A_522 = arith.addi %parallel_loop3A_521, %parallel_loop3A_518 : i32
        %parallel_loop3A_523 = arith.index_cast %parallel_loop3A_522 : i32 to index
        %parallel_loop3A_524 = arith.constant 0 : index
        %parallel_loop3A_525 = tpu.vector_load %arg6[%parallel_loop3A_523, %parallel_loop3A_524] {strides = array<i32>} : memref<256x64xf32, #tpu.memory_space<vmem>>, vector<16xf32>,
        %parallel_loop3A_526 = vector.broadcast %parallel_loop3A_520 : i32 to vector<16xi32>
        %parallel_loop3A_527 = arith.addi %add3A_19, %parallel_loop3A_526 : vector<16xi32>
        tpu.vector_store_idx %arg8[%parallel_loop3A_527], %parallel_loop3A_525 : memref<32768xf32, #tpu.memory_space<vmem>>[vector<16xi32>], vector<16xf32>,
        %parallel_loop3A_528 = arith.constant 0 : i32
        %parallel_loop3A_529 = arith.addi %parallel_loop3A_528, %parallel_loop3A_518 : i32
        %parallel_loop3A_530 = arith.index_cast %parallel_loop3A_529 : i32 to index
        %parallel_loop3A_531 = arith.constant 16 : index
        %parallel_loop3A_532 = tpu.vector_load %arg6[%parallel_loop3A_530, %parallel_loop3A_531] {strides = array<i32>} : memref<256x64xf32, #tpu.memory_space<vmem>>, vector<16xf32>,
        %parallel_loop3A_533 = vector.broadcast %parallel_loop3A_520 : i32 to vector<16xi32>
        %parallel_loop3A_534 = arith.addi %add3A_38, %parallel_loop3A_533 : vector<16xi32>
        tpu.vector_store_idx %arg8[%parallel_loop3A_534], %parallel_loop3A_532 : memref<32768xf32, #tpu.memory_space<vmem>>[vector<16xi32>], vector<16xf32>,
        %parallel_loop3A_535 = arith.constant 0 : i32
        %parallel_loop3A_536 = arith.addi %parallel_loop3A_535, %parallel_loop3A_518 : i32
        %parallel_loop3A_537 = arith.index_cast %parallel_loop3A_536 : i32 to index
        %parallel_loop3A_538 = arith.constant 32 : index
        %parallel_loop3A_539 = tpu.vector_load %arg6[%parallel_loop3A_537, %parallel_loop3A_538] {strides = array<i32>} : memref<256x64xf32, #tpu.memory_space<vmem>>, vector<16xf32>,
        %parallel_loop3A_540 = vector.broadcast %parallel_loop3A_520 : i32 to vector<16xi32>
        %parallel_loop3A_541 = arith.addi %add3A_57, %parallel_loop3A_540 : vector<16xi32>
        tpu.vector_store_idx %arg8[%parallel_loop3A_541], %parallel_loop3A_539 : memref<32768xf32, #tpu.memory_space<vmem>>[vector<16xi32>], vector<16xf32>,
        %parallel_loop3A_542 = arith.constant 0 : i32
        %parallel_loop3A_543 = arith.addi %parallel_loop3A_542, %parallel_loop3A_518 : i32
        %parallel_loop3A_544 = arith.index_cast %parallel_loop3A_543 : i32 to index
        %parallel_loop3A_545 = arith.constant 48 : index
        %parallel_loop3A_546 = tpu.vector_load %arg6[%parallel_loop3A_544, %parallel_loop3A_545] {strides = array<i32>} : memref<256x64xf32, #tpu.memory_space<vmem>>, vector<16xf32>,
        %parallel_loop3A_547 = vector.broadcast %parallel_loop3A_520 : i32 to vector<16xi32>
        %parallel_loop3A_548 = arith.addi %add3A_76, %parallel_loop3A_547 : vector<16xi32>
        tpu.vector_store_idx %arg8[%parallel_loop3A_548], %parallel_loop3A_546 : memref<32768xf32, #tpu.memory_space<vmem>>[vector<16xi32>], vector<16xf32>,
        %parallel_loop3A_549 = arith.constant 1024 : i32
        %parallel_loop3A_550 = arith.addi %parallel_loop3A_549, %parallel_loop3A_518 : i32
        %parallel_loop3A_551 = arith.constant 128 : i32
        %parallel_loop3A_552 = arith.addi %parallel_loop3A_551, %parallel_loop3A_518 : i32
        %parallel_loop3A_553 = arith.index_cast %parallel_loop3A_552 : i32 to index
        %parallel_loop3A_554 = arith.constant 0 : index
        %parallel_loop3A_555 = tpu.vector_load %arg6[%parallel_loop3A_553, %parallel_loop3A_554] {strides = array<i32>} : memref<256x64xf32, #tpu.memory_space<vmem>>, vector<16xf32>,
        %parallel_loop3A_556 = vector.broadcast %parallel_loop3A_550 : i32 to vector<16xi32>
        %parallel_loop3A_557 = arith.addi %add3A_19, %parallel_loop3A_556 : vector<16xi32>
        tpu.vector_store_idx %arg8[%parallel_loop3A_557], %parallel_loop3A_555 : memref<32768xf32, #tpu.memory_space<vmem>>[vector<16xi32>], vector<16xf32>,
        %parallel_loop3A_558 = arith.constant 128 : i32
        %parallel_loop3A_559 = arith.addi %parallel_loop3A_558, %parallel_loop3A_518 : i32
        %parallel_loop3A_560 = arith.index_cast %parallel_loop3A_559 : i32 to index
        %parallel_loop3A_561 = arith.constant 16 : index
        %parallel_loop3A_562 = tpu.vector_load %arg6[%parallel_loop3A_560, %parallel_loop3A_561] {strides = array<i32>} : memref<256x64xf32, #tpu.memory_space<vmem>>, vector<16xf32>,
        %parallel_loop3A_563 = vector.broadcast %parallel_loop3A_550 : i32 to vector<16xi32>
        %parallel_loop3A_564 = arith.addi %add3A_38, %parallel_loop3A_563 : vector<16xi32>
        tpu.vector_store_idx %arg8[%parallel_loop3A_564], %parallel_loop3A_562 : memref<32768xf32, #tpu.memory_space<vmem>>[vector<16xi32>], vector<16xf32>,
        %parallel_loop3A_565 = arith.constant 128 : i32
        %parallel_loop3A_566 = arith.addi %parallel_loop3A_565, %parallel_loop3A_518 : i32
        %parallel_loop3A_567 = arith.index_cast %parallel_loop3A_566 : i32 to index
        %parallel_loop3A_568 = arith.constant 32 : index
        %parallel_loop3A_569 = tpu.vector_load %arg6[%parallel_loop3A_567, %parallel_loop3A_568] {strides = array<i32>} : memref<256x64xf32, #tpu.memory_space<vmem>>, vector<16xf32>,
        %parallel_loop3A_570 = vector.broadcast %parallel_loop3A_550 : i32 to vector<16xi32>
        %parallel_loop3A_571 = arith.addi %add3A_57, %parallel_loop3A_570 : vector<16xi32>
        tpu.vector_store_idx %arg8[%parallel_loop3A_571], %parallel_loop3A_569 : memref<32768xf32, #tpu.memory_space<vmem>>[vector<16xi32>], vector<16xf32>,
        %parallel_loop3A_572 = arith.constant 128 : i32
        %parallel_loop3A_573 = arith.addi %parallel_loop3A_572, %parallel_loop3A_518 : i32
        %parallel_loop3A_574 = arith.index_cast %parallel_loop3A_573 : i32 to index
        %parallel_loop3A_575 = arith.constant 48 : index
        %parallel_loop3A_576 = tpu.vector_load %arg6[%parallel_loop3A_574, %parallel_loop3A_575] {strides = array<i32>} : memref<256x64xf32, #tpu.memory_space<vmem>>, vector<16xf32>,
        %parallel_loop3A_577 = vector.broadcast %parallel_loop3A_550 : i32 to vector<16xi32>
        %parallel_loop3A_578 = arith.addi %add3A_76, %parallel_loop3A_577 : vector<16xi32>
        tpu.vector_store_idx %arg8[%parallel_loop3A_578], %parallel_loop3A_576 : memref<32768xf32, #tpu.memory_space<vmem>>[vector<16xi32>], vector<16xf32>,
        %parallel_loop3A_579 = arith.constant 4 : i32
        %parallel_loop3A_580 = arith.muli %parallel_loop3A_450, %parallel_loop3A_579 : i32
        %parallel_loop3A_581 = arith.constant 2 : i32
        %parallel_loop3A_582 = arith.addi %parallel_loop3A_580, %parallel_loop3A_581 : i32
        %parallel_loop3A_583 = arith.constant 0 : i32
        %parallel_loop3A_584 = arith.addi %parallel_loop3A_583, %parallel_loop3A_582 : i32
        %parallel_loop3A_585 = arith.constant 0 : i32
        %parallel_loop3A_586 = arith.addi %parallel_loop3A_585, %parallel_loop3A_582 : i32
        %parallel_loop3A_587 = arith.index_cast %parallel_loop3A_586 : i32 to index
        %parallel_loop3A_588 = arith.constant 0 : index
        %parallel_loop3A_589 = tpu.vector_load %arg6[%parallel_loop3A_587, %parallel_loop3A_588] {strides = array<i32>} : memref<256x64xf32, #tpu.memory_space<vmem>>, vector<16xf32>,
        %parallel_loop3A_590 = vector.broadcast %parallel_loop3A_584 : i32 to vector<16xi32>
        %parallel_loop3A_591 = arith.addi %add3A_19, %parallel_loop3A_590 : vector<16xi32>
        tpu.vector_store_idx %arg8[%parallel_loop3A_591], %parallel_loop3A_589 : memref<32768xf32, #tpu.memory_space<vmem>>[vector<16xi32>], vector<16xf32>,
        %parallel_loop3A_592 = arith.constant 0 : i32
        %parallel_loop3A_593 = arith.addi %parallel_loop3A_592, %parallel_loop3A_582 : i32
        %parallel_loop3A_594 = arith.index_cast %parallel_loop3A_593 : i32 to index
        %parallel_loop3A_595 = arith.constant 16 : index
        %parallel_loop3A_596 = tpu.vector_load %arg6[%parallel_loop3A_594, %parallel_loop3A_595] {strides = array<i32>} : memref<256x64xf32, #tpu.memory_space<vmem>>, vector<16xf32>,
        %parallel_loop3A_597 = vector.broadcast %parallel_loop3A_584 : i32 to vector<16xi32>
        %parallel_loop3A_598 = arith.addi %add3A_38, %parallel_loop3A_597 : vector<16xi32>
        tpu.vector_store_idx %arg8[%parallel_loop3A_598], %parallel_loop3A_596 : memref<32768xf32, #tpu.memory_space<vmem>>[vector<16xi32>], vector<16xf32>,
        %parallel_loop3A_599 = arith.constant 0 : i32
        %parallel_loop3A_600 = arith.addi %parallel_loop3A_599, %parallel_loop3A_582 : i32
        %parallel_loop3A_601 = arith.index_cast %parallel_loop3A_600 : i32 to index
        %parallel_loop3A_602 = arith.constant 32 : index
        %parallel_loop3A_603 = tpu.vector_load %arg6[%parallel_loop3A_601, %parallel_loop3A_602] {strides = array<i32>} : memref<256x64xf32, #tpu.memory_space<vmem>>, vector<16xf32>,
        %parallel_loop3A_604 = vector.broadcast %parallel_loop3A_584 : i32 to vector<16xi32>
        %parallel_loop3A_605 = arith.addi %add3A_57, %parallel_loop3A_604 : vector<16xi32>
        tpu.vector_store_idx %arg8[%parallel_loop3A_605], %parallel_loop3A_603 : memref<32768xf32, #tpu.memory_space<vmem>>[vector<16xi32>], vector<16xf32>,
        %parallel_loop3A_606 = arith.constant 0 : i32
        %parallel_loop3A_607 = arith.addi %parallel_loop3A_606, %parallel_loop3A_582 : i32
        %parallel_loop3A_608 = arith.index_cast %parallel_loop3A_607 : i32 to index
        %parallel_loop3A_609 = arith.constant 48 : index
        %parallel_loop3A_610 = tpu.vector_load %arg6[%parallel_loop3A_608, %parallel_loop3A_609] {strides = array<i32>} : memref<256x64xf32, #tpu.memory_space<vmem>>, vector<16xf32>,
        %parallel_loop3A_611 = vector.broadcast %parallel_loop3A_584 : i32 to vector<16xi32>
        %parallel_loop3A_612 = arith.addi %add3A_76, %parallel_loop3A_611 : vector<16xi32>
        tpu.vector_store_idx %arg8[%parallel_loop3A_612], %parallel_loop3A_610 : memref<32768xf32, #tpu.memory_space<vmem>>[vector<16xi32>], vector<16xf32>,
        %parallel_loop3A_613 = arith.constant 1024 : i32
        %parallel_loop3A_614 = arith.addi %parallel_loop3A_613, %parallel_loop3A_582 : i32
        %parallel_loop3A_615 = arith.constant 128 : i32
        %parallel_loop3A_616 = arith.addi %parallel_loop3A_615, %parallel_loop3A_582 : i32
        %parallel_loop3A_617 = arith.index_cast %parallel_loop3A_616 : i32 to index
        %parallel_loop3A_618 = arith.constant 0 : index
        %parallel_loop3A_619 = tpu.vector_load %arg6[%parallel_loop3A_617, %parallel_loop3A_618] {strides = array<i32>} : memref<256x64xf32, #tpu.memory_space<vmem>>, vector<16xf32>,
        %parallel_loop3A_620 = vector.broadcast %parallel_loop3A_614 : i32 to vector<16xi32>
        %parallel_loop3A_621 = arith.addi %add3A_19, %parallel_loop3A_620 : vector<16xi32>
        tpu.vector_store_idx %arg8[%parallel_loop3A_621], %parallel_loop3A_619 : memref<32768xf32, #tpu.memory_space<vmem>>[vector<16xi32>], vector<16xf32>,
        %parallel_loop3A_622 = arith.constant 128 : i32
        %parallel_loop3A_623 = arith.addi %parallel_loop3A_622, %parallel_loop3A_582 : i32
        %parallel_loop3A_624 = arith.index_cast %parallel_loop3A_623 : i32 to index
        %parallel_loop3A_625 = arith.constant 16 : index
        %parallel_loop3A_626 = tpu.vector_load %arg6[%parallel_loop3A_624, %parallel_loop3A_625] {strides = array<i32>} : memref<256x64xf32, #tpu.memory_space<vmem>>, vector<16xf32>,
        %parallel_loop3A_627 = vector.broadcast %parallel_loop3A_614 : i32 to vector<16xi32>
        %parallel_loop3A_628 = arith.addi %add3A_38, %parallel_loop3A_627 : vector<16xi32>
        tpu.vector_store_idx %arg8[%parallel_loop3A_628], %parallel_loop3A_626 : memref<32768xf32, #tpu.memory_space<vmem>>[vector<16xi32>], vector<16xf32>,
        %parallel_loop3A_629 = arith.constant 128 : i32
        %parallel_loop3A_630 = arith.addi %parallel_loop3A_629, %parallel_loop3A_582 : i32
        %parallel_loop3A_631 = arith.index_cast %parallel_loop3A_630 : i32 to index
        %parallel_loop3A_632 = arith.constant 32 : index
        %parallel_loop3A_633 = tpu.vector_load %arg6[%parallel_loop3A_631, %parallel_loop3A_632] {strides = array<i32>} : memref<256x64xf32, #tpu.memory_space<vmem>>, vector<16xf32>,
        %parallel_loop3A_634 = vector.broadcast %parallel_loop3A_614 : i32 to vector<16xi32>
        %parallel_loop3A_635 = arith.addi %add3A_57, %parallel_loop3A_634 : vector<16xi32>
        tpu.vector_store_idx %arg8[%parallel_loop3A_635], %parallel_loop3A_633 : memref<32768xf32, #tpu.memory_space<vmem>>[vector<16xi32>], vector<16xf32>,
        %parallel_loop3A_636 = arith.constant 128 : i32
        %parallel_loop3A_637 = arith.addi %parallel_loop3A_636, %parallel_loop3A_582 : i32
        %parallel_loop3A_638 = arith.index_cast %parallel_loop3A_637 : i32 to index
        %parallel_loop3A_639 = arith.constant 48 : index
        %parallel_loop3A_640 = tpu.vector_load %arg6[%parallel_loop3A_638, %parallel_loop3A_639] {strides = array<i32>} : memref<256x64xf32, #tpu.memory_space<vmem>>, vector<16xf32>,
        %parallel_loop3A_641 = vector.broadcast %parallel_loop3A_614 : i32 to vector<16xi32>
        %parallel_loop3A_642 = arith.addi %add3A_76, %parallel_loop3A_641 : vector<16xi32>
        tpu.vector_store_idx %arg8[%parallel_loop3A_642], %parallel_loop3A_640 : memref<32768xf32, #tpu.memory_space<vmem>>[vector<16xi32>], vector<16xf32>,
        %parallel_loop3A_643 = arith.constant 4 : i32
        %parallel_loop3A_644 = arith.muli %parallel_loop3A_450, %parallel_loop3A_643 : i32
        %parallel_loop3A_645 = arith.constant 3 : i32
        %parallel_loop3A_646 = arith.addi %parallel_loop3A_644, %parallel_loop3A_645 : i32
        %parallel_loop3A_647 = arith.constant 0 : i32
        %parallel_loop3A_648 = arith.addi %parallel_loop3A_647, %parallel_loop3A_646 : i32
        %parallel_loop3A_649 = arith.constant 0 : i32
        %parallel_loop3A_650 = arith.addi %parallel_loop3A_649, %parallel_loop3A_646 : i32
        %parallel_loop3A_651 = arith.index_cast %parallel_loop3A_650 : i32 to index
        %parallel_loop3A_652 = arith.constant 0 : index
        %parallel_loop3A_653 = tpu.vector_load %arg6[%parallel_loop3A_651, %parallel_loop3A_652] {strides = array<i32>} : memref<256x64xf32, #tpu.memory_space<vmem>>, vector<16xf32>,
        %parallel_loop3A_654 = vector.broadcast %parallel_loop3A_648 : i32 to vector<16xi32>
        %parallel_loop3A_655 = arith.addi %add3A_19, %parallel_loop3A_654 : vector<16xi32>
        tpu.vector_store_idx %arg8[%parallel_loop3A_655], %parallel_loop3A_653 : memref<32768xf32, #tpu.memory_space<vmem>>[vector<16xi32>], vector<16xf32>,
        %parallel_loop3A_656 = arith.constant 0 : i32
        %parallel_loop3A_657 = arith.addi %parallel_loop3A_656, %parallel_loop3A_646 : i32
        %parallel_loop3A_658 = arith.index_cast %parallel_loop3A_657 : i32 to index
        %parallel_loop3A_659 = arith.constant 16 : index
        %parallel_loop3A_660 = tpu.vector_load %arg6[%parallel_loop3A_658, %parallel_loop3A_659] {strides = array<i32>} : memref<256x64xf32, #tpu.memory_space<vmem>>, vector<16xf32>,
        %parallel_loop3A_661 = vector.broadcast %parallel_loop3A_648 : i32 to vector<16xi32>
        %parallel_loop3A_662 = arith.addi %add3A_38, %parallel_loop3A_661 : vector<16xi32>
        tpu.vector_store_idx %arg8[%parallel_loop3A_662], %parallel_loop3A_660 : memref<32768xf32, #tpu.memory_space<vmem>>[vector<16xi32>], vector<16xf32>,
        %parallel_loop3A_663 = arith.constant 0 : i32
        %parallel_loop3A_664 = arith.addi %parallel_loop3A_663, %parallel_loop3A_646 : i32
        %parallel_loop3A_665 = arith.index_cast %parallel_loop3A_664 : i32 to index
        %parallel_loop3A_666 = arith.constant 32 : index
        %parallel_loop3A_667 = tpu.vector_load %arg6[%parallel_loop3A_665, %parallel_loop3A_666] {strides = array<i32>} : memref<256x64xf32, #tpu.memory_space<vmem>>, vector<16xf32>,
        %parallel_loop3A_668 = vector.broadcast %parallel_loop3A_648 : i32 to vector<16xi32>
        %parallel_loop3A_669 = arith.addi %add3A_57, %parallel_loop3A_668 : vector<16xi32>
        tpu.vector_store_idx %arg8[%parallel_loop3A_669], %parallel_loop3A_667 : memref<32768xf32, #tpu.memory_space<vmem>>[vector<16xi32>], vector<16xf32>,
        %parallel_loop3A_670 = arith.constant 0 : i32
        %parallel_loop3A_671 = arith.addi %parallel_loop3A_670, %parallel_loop3A_646 : i32
        %parallel_loop3A_672 = arith.index_cast %parallel_loop3A_671 : i32 to index
        %parallel_loop3A_673 = arith.constant 48 : index
        %parallel_loop3A_674 = tpu.vector_load %arg6[%parallel_loop3A_672, %parallel_loop3A_673] {strides = array<i32>} : memref<256x64xf32, #tpu.memory_space<vmem>>, vector<16xf32>,
        %parallel_loop3A_675 = vector.broadcast %parallel_loop3A_648 : i32 to vector<16xi32>
        %parallel_loop3A_676 = arith.addi %add3A_76, %parallel_loop3A_675 : vector<16xi32>
        tpu.vector_store_idx %arg8[%parallel_loop3A_676], %parallel_loop3A_674 : memref<32768xf32, #tpu.memory_space<vmem>>[vector<16xi32>], vector<16xf32>,
        %parallel_loop3A_677 = arith.constant 1024 : i32
        %parallel_loop3A_678 = arith.addi %parallel_loop3A_677, %parallel_loop3A_646 : i32
        %parallel_loop3A_679 = arith.constant 128 : i32
        %parallel_loop3A_680 = arith.addi %parallel_loop3A_679, %parallel_loop3A_646 : i32
        %parallel_loop3A_681 = arith.index_cast %parallel_loop3A_680 : i32 to index
        %parallel_loop3A_682 = arith.constant 0 : index
        %parallel_loop3A_683 = tpu.vector_load %arg6[%parallel_loop3A_681, %parallel_loop3A_682] {strides = array<i32>} : memref<256x64xf32, #tpu.memory_space<vmem>>, vector<16xf32>,
        %parallel_loop3A_684 = vector.broadcast %parallel_loop3A_678 : i32 to vector<16xi32>
        %parallel_loop3A_685 = arith.addi %add3A_19, %parallel_loop3A_684 : vector<16xi32>
        tpu.vector_store_idx %arg8[%parallel_loop3A_685], %parallel_loop3A_683 : memref<32768xf32, #tpu.memory_space<vmem>>[vector<16xi32>], vector<16xf32>,
        %parallel_loop3A_686 = arith.constant 128 : i32
        %parallel_loop3A_687 = arith.addi %parallel_loop3A_686, %parallel_loop3A_646 : i32
        %parallel_loop3A_688 = arith.index_cast %parallel_loop3A_687 : i32 to index
        %parallel_loop3A_689 = arith.constant 16 : index
        %parallel_loop3A_690 = tpu.vector_load %arg6[%parallel_loop3A_688, %parallel_loop3A_689] {strides = array<i32>} : memref<256x64xf32, #tpu.memory_space<vmem>>, vector<16xf32>,
        %parallel_loop3A_691 = vector.broadcast %parallel_loop3A_678 : i32 to vector<16xi32>
        %parallel_loop3A_692 = arith.addi %add3A_38, %parallel_loop3A_691 : vector<16xi32>
        tpu.vector_store_idx %arg8[%parallel_loop3A_692], %parallel_loop3A_690 : memref<32768xf32, #tpu.memory_space<vmem>>[vector<16xi32>], vector<16xf32>,
        %parallel_loop3A_693 = arith.constant 128 : i32
        %parallel_loop3A_694 = arith.addi %parallel_loop3A_693, %parallel_loop3A_646 : i32
        %parallel_loop3A_695 = arith.index_cast %parallel_loop3A_694 : i32 to index
        %parallel_loop3A_696 = arith.constant 32 : index
        %parallel_loop3A_697 = tpu.vector_load %arg6[%parallel_loop3A_695, %parallel_loop3A_696] {strides = array<i32>} : memref<256x64xf32, #tpu.memory_space<vmem>>, vector<16xf32>,
        %parallel_loop3A_698 = vector.broadcast %parallel_loop3A_678 : i32 to vector<16xi32>
        %parallel_loop3A_699 = arith.addi %add3A_57, %parallel_loop3A_698 : vector<16xi32>
        tpu.vector_store_idx %arg8[%parallel_loop3A_699], %parallel_loop3A_697 : memref<32768xf32, #tpu.memory_space<vmem>>[vector<16xi32>], vector<16xf32>,
        %parallel_loop3A_700 = arith.constant 128 : i32
        %parallel_loop3A_701 = arith.addi %parallel_loop3A_700, %parallel_loop3A_646 : i32
        %parallel_loop3A_702 = arith.index_cast %parallel_loop3A_701 : i32 to index
        %parallel_loop3A_703 = arith.constant 48 : index
        %parallel_loop3A_704 = tpu.vector_load %arg6[%parallel_loop3A_702, %parallel_loop3A_703] {strides = array<i32>} : memref<256x64xf32, #tpu.memory_space<vmem>>, vector<16xf32>,
        %parallel_loop3A_705 = vector.broadcast %parallel_loop3A_678 : i32 to vector<16xi32>
        %parallel_loop3A_706 = arith.addi %add3A_76, %parallel_loop3A_705 : vector<16xi32>
        tpu.vector_store_idx %arg8[%parallel_loop3A_706], %parallel_loop3A_704 : memref<32768xf32, #tpu.memory_space<vmem>>[vector<16xi32>], vector<16xf32>,
      } {sc.loop_unroll_factor = 1 : i64, sc.parallel_access}
      %lt3A = arith.constant 49 : i32
      %lt3A_249 = arith.cmpi slt, %add3A_238, %lt3A : i32
      %convert_element_type3A_250 = arith.extui %lt3A_249 : i1 to i32
      %cond3A_251 = arith.constant 0 : i32
      %cond3A_252 = arith.cmpi ne, %convert_element_type3A_250, %cond3A_251 : i32
      scf.if %cond3A_252 {
        %add3A_450 = arith.constant 1 : i32
        %add3A_451 = arith.addi %add3A_238, %add3A_450 : i32
        %dma_start3A_452 = arith.constant 0 : i32
        %dma_start3A_453 = tpu.memref_slice %arg5[%add3A_451, %dma_start3A_452] : memref<50x512xi32, #tpu.memory_space<vmem>> -> memref<1x256xi32, #tpu.memory_space<vmem>>
        %dma_start3A_454 = tpu.memref_squeeze %dma_start3A_453 : memref<1x256xi32, #tpu.memory_space<vmem>> -> memref<256xi32, #tpu.memory_space<vmem>>
        %dma_start3A_455 = arith.constant 0 : i32
        %dma_start3A_456 = arith.constant 0 : i32
        %dma_start3A_457 = tpu.memref_slice %arg2[%dma_start3A_455, %dma_start3A_456] : memref<1000000x64xf32, #tpu.memory_space<hbm>> -> memref<1000000x64xf32, #tpu.memory_space<hbm>>
        tpu.enqueue_indirect_dma source(%dma_start3A_457 : memref<1000000x64xf32, #tpu.memory_space<hbm>>) target(%arg6 : memref<256x64xf32, #tpu.memory_space<vmem>>) offsets(%dma_start3A_454 : memref<256xi32, #tpu.memory_space<vmem>>) semaphore(%arg10 : memref<!tpu.dma_semaphore, #tpu.memory_space<semaphore_mem>>)
      } else {
      }
      %dma_wait3A_253 = arith.constant 256 : i32
      %dma_wait3A_254 = tpu.memref_slice %arg5[%add3A_238, %dma_wait3A_253] : memref<50x512xi32, #tpu.memory_space<vmem>> -> memref<1x256xi32, #tpu.memory_space<vmem>>
      %dma_wait3A_255 = tpu.memref_squeeze %dma_wait3A_254 : memref<1x256xi32, #tpu.memory_space<vmem>> -> memref<256xi32, #tpu.memory_space<vmem>>
      %dma_wait3A_256 = arith.constant 0 : i32
      %dma_wait3A_257 = arith.constant 0 : i32
      %dma_wait3A_258 = tpu.memref_slice %arg2[%dma_wait3A_256, %dma_wait3A_257] : memref<1000000x64xf32, #tpu.memory_space<hbm>> -> memref<1000000x64xf32, #tpu.memory_space<hbm>>
      tpu.wait_indirect_dma semaphore(%arg11 : memref<!tpu.dma_semaphore, #tpu.memory_space<semaphore_mem>>) src(%dma_wait3A_258 : memref<1000000x64xf32, #tpu.memory_space<hbm>>) dst(%arg7 : memref<256x64xf32, #tpu.memory_space<vmem>>)
      %parallel_loop3A_259 = arith.constant 0 : i32
      %parallel_loop3A_260 = arith.constant 32 : i32
      %parallel_loop3A_261 = arith.constant 1 : i32
      scf.for %parallel_loop3A_450 = %parallel_loop3A_259 to %parallel_loop3A_260 step %parallel_loop3A_261  : i32 {
        %parallel_loop3A_451 = arith.constant 4 : i32
        %parallel_loop3A_452 = arith.muli %parallel_loop3A_450, %parallel_loop3A_451 : i32
        %parallel_loop3A_453 = arith.constant 0 : i32
        %parallel_loop3A_454 = arith.addi %parallel_loop3A_452, %parallel_loop3A_453 : i32
        %parallel_loop3A_455 = arith.constant 2048 : i32
        %parallel_loop3A_456 = arith.addi %parallel_loop3A_455, %parallel_loop3A_454 : i32
        %parallel_loop3A_457 = arith.constant 0 : i32
        %parallel_loop3A_458 = arith.addi %parallel_loop3A_457, %parallel_loop3A_454 : i32
        %parallel_loop3A_459 = arith.index_cast %parallel_loop3A_458 : i32 to index
        %parallel_loop3A_460 = arith.constant 0 : index
        %parallel_loop3A_461 = tpu.vector_load %arg7[%parallel_loop3A_459, %parallel_loop3A_460] {strides = array<i32>} : memref<256x64xf32, #tpu.memory_space<vmem>>, vector<16xf32>,
        %parallel_loop3A_462 = vector.broadcast %parallel_loop3A_456 : i32 to vector<16xi32>
        %parallel_loop3A_463 = arith.addi %add3A_19, %parallel_loop3A_462 : vector<16xi32>
        tpu.vector_store_idx %arg8[%parallel_loop3A_463], %parallel_loop3A_461 : memref<32768xf32, #tpu.memory_space<vmem>>[vector<16xi32>], vector<16xf32>,
        %parallel_loop3A_464 = arith.constant 0 : i32
        %parallel_loop3A_465 = arith.addi %parallel_loop3A_464, %parallel_loop3A_454 : i32
        %parallel_loop3A_466 = arith.index_cast %parallel_loop3A_465 : i32 to index
        %parallel_loop3A_467 = arith.constant 16 : index
        %parallel_loop3A_468 = tpu.vector_load %arg7[%parallel_loop3A_466, %parallel_loop3A_467] {strides = array<i32>} : memref<256x64xf32, #tpu.memory_space<vmem>>, vector<16xf32>,
        %parallel_loop3A_469 = vector.broadcast %parallel_loop3A_456 : i32 to vector<16xi32>
        %parallel_loop3A_470 = arith.addi %add3A_38, %parallel_loop3A_469 : vector<16xi32>
        tpu.vector_store_idx %arg8[%parallel_loop3A_470], %parallel_loop3A_468 : memref<32768xf32, #tpu.memory_space<vmem>>[vector<16xi32>], vector<16xf32>,
        %parallel_loop3A_471 = arith.constant 0 : i32
        %parallel_loop3A_472 = arith.addi %parallel_loop3A_471, %parallel_loop3A_454 : i32
        %parallel_loop3A_473 = arith.index_cast %parallel_loop3A_472 : i32 to index
        %parallel_loop3A_474 = arith.constant 32 : index
        %parallel_loop3A_475 = tpu.vector_load %arg7[%parallel_loop3A_473, %parallel_loop3A_474] {strides = array<i32>} : memref<256x64xf32, #tpu.memory_space<vmem>>, vector<16xf32>,
        %parallel_loop3A_476 = vector.broadcast %parallel_loop3A_456 : i32 to vector<16xi32>
        %parallel_loop3A_477 = arith.addi %add3A_57, %parallel_loop3A_476 : vector<16xi32>
        tpu.vector_store_idx %arg8[%parallel_loop3A_477], %parallel_loop3A_475 : memref<32768xf32, #tpu.memory_space<vmem>>[vector<16xi32>], vector<16xf32>,
        %parallel_loop3A_478 = arith.constant 0 : i32
        %parallel_loop3A_479 = arith.addi %parallel_loop3A_478, %parallel_loop3A_454 : i32
        %parallel_loop3A_480 = arith.index_cast %parallel_loop3A_479 : i32 to index
        %parallel_loop3A_481 = arith.constant 48 : index
        %parallel_loop3A_482 = tpu.vector_load %arg7[%parallel_loop3A_480, %parallel_loop3A_481] {strides = array<i32>} : memref<256x64xf32, #tpu.memory_space<vmem>>, vector<16xf32>,
        %parallel_loop3A_483 = vector.broadcast %parallel_loop3A_456 : i32 to vector<16xi32>
        %parallel_loop3A_484 = arith.addi %add3A_76, %parallel_loop3A_483 : vector<16xi32>
        tpu.vector_store_idx %arg8[%parallel_loop3A_484], %parallel_loop3A_482 : memref<32768xf32, #tpu.memory_space<vmem>>[vector<16xi32>], vector<16xf32>,
        %parallel_loop3A_485 = arith.constant 3072 : i32
        %parallel_loop3A_486 = arith.addi %parallel_loop3A_485, %parallel_loop3A_454 : i32
        %parallel_loop3A_487 = arith.constant 128 : i32
        %parallel_loop3A_488 = arith.addi %parallel_loop3A_487, %parallel_loop3A_454 : i32
        %parallel_loop3A_489 = arith.index_cast %parallel_loop3A_488 : i32 to index
        %parallel_loop3A_490 = arith.constant 0 : index
        %parallel_loop3A_491 = tpu.vector_load %arg7[%parallel_loop3A_489, %parallel_loop3A_490] {strides = array<i32>} : memref<256x64xf32, #tpu.memory_space<vmem>>, vector<16xf32>,
        %parallel_loop3A_492 = vector.broadcast %parallel_loop3A_486 : i32 to vector<16xi32>
        %parallel_loop3A_493 = arith.addi %add3A_19, %parallel_loop3A_492 : vector<16xi32>
        tpu.vector_store_idx %arg8[%parallel_loop3A_493], %parallel_loop3A_491 : memref<32768xf32, #tpu.memory_space<vmem>>[vector<16xi32>], vector<16xf32>,
        %parallel_loop3A_494 = arith.constant 128 : i32
        %parallel_loop3A_495 = arith.addi %parallel_loop3A_494, %parallel_loop3A_454 : i32
        %parallel_loop3A_496 = arith.index_cast %parallel_loop3A_495 : i32 to index
        %parallel_loop3A_497 = arith.constant 16 : index
        %parallel_loop3A_498 = tpu.vector_load %arg7[%parallel_loop3A_496, %parallel_loop3A_497] {strides = array<i32>} : memref<256x64xf32, #tpu.memory_space<vmem>>, vector<16xf32>,
        %parallel_loop3A_499 = vector.broadcast %parallel_loop3A_486 : i32 to vector<16xi32>
        %parallel_loop3A_500 = arith.addi %add3A_38, %parallel_loop3A_499 : vector<16xi32>
        tpu.vector_store_idx %arg8[%parallel_loop3A_500], %parallel_loop3A_498 : memref<32768xf32, #tpu.memory_space<vmem>>[vector<16xi32>], vector<16xf32>,
        %parallel_loop3A_501 = arith.constant 128 : i32
        %parallel_loop3A_502 = arith.addi %parallel_loop3A_501, %parallel_loop3A_454 : i32
        %parallel_loop3A_503 = arith.index_cast %parallel_loop3A_502 : i32 to index
        %parallel_loop3A_504 = arith.constant 32 : index
        %parallel_loop3A_505 = tpu.vector_load %arg7[%parallel_loop3A_503, %parallel_loop3A_504] {strides = array<i32>} : memref<256x64xf32, #tpu.memory_space<vmem>>, vector<16xf32>,
        %parallel_loop3A_506 = vector.broadcast %parallel_loop3A_486 : i32 to vector<16xi32>
        %parallel_loop3A_507 = arith.addi %add3A_57, %parallel_loop3A_506 : vector<16xi32>
        tpu.vector_store_idx %arg8[%parallel_loop3A_507], %parallel_loop3A_505 : memref<32768xf32, #tpu.memory_space<vmem>>[vector<16xi32>], vector<16xf32>,
        %parallel_loop3A_508 = arith.constant 128 : i32
        %parallel_loop3A_509 = arith.addi %parallel_loop3A_508, %parallel_loop3A_454 : i32
        %parallel_loop3A_510 = arith.index_cast %parallel_loop3A_509 : i32 to index
        %parallel_loop3A_511 = arith.constant 48 : index
        %parallel_loop3A_512 = tpu.vector_load %arg7[%parallel_loop3A_510, %parallel_loop3A_511] {strides = array<i32>} : memref<256x64xf32, #tpu.memory_space<vmem>>, vector<16xf32>,
        %parallel_loop3A_513 = vector.broadcast %parallel_loop3A_486 : i32 to vector<16xi32>
        %parallel_loop3A_514 = arith.addi %add3A_76, %parallel_loop3A_513 : vector<16xi32>
        tpu.vector_store_idx %arg8[%parallel_loop3A_514], %parallel_loop3A_512 : memref<32768xf32, #tpu.memory_space<vmem>>[vector<16xi32>], vector<16xf32>,
        %parallel_loop3A_515 = arith.constant 4 : i32
        %parallel_loop3A_516 = arith.muli %parallel_loop3A_450, %parallel_loop3A_515 : i32
        %parallel_loop3A_517 = arith.constant 1 : i32
        %parallel_loop3A_518 = arith.addi %parallel_loop3A_516, %parallel_loop3A_517 : i32
        %parallel_loop3A_519 = arith.constant 2048 : i32
        %parallel_loop3A_520 = arith.addi %parallel_loop3A_519, %parallel_loop3A_518 : i32
        %parallel_loop3A_521 = arith.constant 0 : i32
        %parallel_loop3A_522 = arith.addi %parallel_loop3A_521, %parallel_loop3A_518 : i32
        %parallel_loop3A_523 = arith.index_cast %parallel_loop3A_522 : i32 to index
        %parallel_loop3A_524 = arith.constant 0 : index
        %parallel_loop3A_525 = tpu.vector_load %arg7[%parallel_loop3A_523, %parallel_loop3A_524] {strides = array<i32>} : memref<256x64xf32, #tpu.memory_space<vmem>>, vector<16xf32>,
        %parallel_loop3A_526 = vector.broadcast %parallel_loop3A_520 : i32 to vector<16xi32>
        %parallel_loop3A_527 = arith.addi %add3A_19, %parallel_loop3A_526 : vector<16xi32>
        tpu.vector_store_idx %arg8[%parallel_loop3A_527], %parallel_loop3A_525 : memref<32768xf32, #tpu.memory_space<vmem>>[vector<16xi32>], vector<16xf32>,
        %parallel_loop3A_528 = arith.constant 0 : i32
        %parallel_loop3A_529 = arith.addi %parallel_loop3A_528, %parallel_loop3A_518 : i32
        %parallel_loop3A_530 = arith.index_cast %parallel_loop3A_529 : i32 to index
        %parallel_loop3A_531 = arith.constant 16 : index
        %parallel_loop3A_532 = tpu.vector_load %arg7[%parallel_loop3A_530, %parallel_loop3A_531] {strides = array<i32>} : memref<256x64xf32, #tpu.memory_space<vmem>>, vector<16xf32>,
        %parallel_loop3A_533 = vector.broadcast %parallel_loop3A_520 : i32 to vector<16xi32>
        %parallel_loop3A_534 = arith.addi %add3A_38, %parallel_loop3A_533 : vector<16xi32>
        tpu.vector_store_idx %arg8[%parallel_loop3A_534], %parallel_loop3A_532 : memref<32768xf32, #tpu.memory_space<vmem>>[vector<16xi32>], vector<16xf32>,
        %parallel_loop3A_535 = arith.constant 0 : i32
        %parallel_loop3A_536 = arith.addi %parallel_loop3A_535, %parallel_loop3A_518 : i32
        %parallel_loop3A_537 = arith.index_cast %parallel_loop3A_536 : i32 to index
        %parallel_loop3A_538 = arith.constant 32 : index
        %parallel_loop3A_539 = tpu.vector_load %arg7[%parallel_loop3A_537, %parallel_loop3A_538] {strides = array<i32>} : memref<256x64xf32, #tpu.memory_space<vmem>>, vector<16xf32>,
        %parallel_loop3A_540 = vector.broadcast %parallel_loop3A_520 : i32 to vector<16xi32>
        %parallel_loop3A_541 = arith.addi %add3A_57, %parallel_loop3A_540 : vector<16xi32>
        tpu.vector_store_idx %arg8[%parallel_loop3A_541], %parallel_loop3A_539 : memref<32768xf32, #tpu.memory_space<vmem>>[vector<16xi32>], vector<16xf32>,
        %parallel_loop3A_542 = arith.constant 0 : i32
        %parallel_loop3A_543 = arith.addi %parallel_loop3A_542, %parallel_loop3A_518 : i32
        %parallel_loop3A_544 = arith.index_cast %parallel_loop3A_543 : i32 to index
        %parallel_loop3A_545 = arith.constant 48 : index
        %parallel_loop3A_546 = tpu.vector_load %arg7[%parallel_loop3A_544, %parallel_loop3A_545] {strides = array<i32>} : memref<256x64xf32, #tpu.memory_space<vmem>>, vector<16xf32>,
        %parallel_loop3A_547 = vector.broadcast %parallel_loop3A_520 : i32 to vector<16xi32>
        %parallel_loop3A_548 = arith.addi %add3A_76, %parallel_loop3A_547 : vector<16xi32>
        tpu.vector_store_idx %arg8[%parallel_loop3A_548], %parallel_loop3A_546 : memref<32768xf32, #tpu.memory_space<vmem>>[vector<16xi32>], vector<16xf32>,
        %parallel_loop3A_549 = arith.constant 3072 : i32
        %parallel_loop3A_550 = arith.addi %parallel_loop3A_549, %parallel_loop3A_518 : i32
        %parallel_loop3A_551 = arith.constant 128 : i32
        %parallel_loop3A_552 = arith.addi %parallel_loop3A_551, %parallel_loop3A_518 : i32
        %parallel_loop3A_553 = arith.index_cast %parallel_loop3A_552 : i32 to index
        %parallel_loop3A_554 = arith.constant 0 : index
        %parallel_loop3A_555 = tpu.vector_load %arg7[%parallel_loop3A_553, %parallel_loop3A_554] {strides = array<i32>} : memref<256x64xf32, #tpu.memory_space<vmem>>, vector<16xf32>,
        %parallel_loop3A_556 = vector.broadcast %parallel_loop3A_550 : i32 to vector<16xi32>
        %parallel_loop3A_557 = arith.addi %add3A_19, %parallel_loop3A_556 : vector<16xi32>
        tpu.vector_store_idx %arg8[%parallel_loop3A_557], %parallel_loop3A_555 : memref<32768xf32, #tpu.memory_space<vmem>>[vector<16xi32>], vector<16xf32>,
        %parallel_loop3A_558 = arith.constant 128 : i32
        %parallel_loop3A_559 = arith.addi %parallel_loop3A_558, %parallel_loop3A_518 : i32
        %parallel_loop3A_560 = arith.index_cast %parallel_loop3A_559 : i32 to index
        %parallel_loop3A_561 = arith.constant 16 : index
        %parallel_loop3A_562 = tpu.vector_load %arg7[%parallel_loop3A_560, %parallel_loop3A_561] {strides = array<i32>} : memref<256x64xf32, #tpu.memory_space<vmem>>, vector<16xf32>,
        %parallel_loop3A_563 = vector.broadcast %parallel_loop3A_550 : i32 to vector<16xi32>
        %parallel_loop3A_564 = arith.addi %add3A_38, %parallel_loop3A_563 : vector<16xi32>
        tpu.vector_store_idx %arg8[%parallel_loop3A_564], %parallel_loop3A_562 : memref<32768xf32, #tpu.memory_space<vmem>>[vector<16xi32>], vector<16xf32>,
        %parallel_loop3A_565 = arith.constant 128 : i32
        %parallel_loop3A_566 = arith.addi %parallel_loop3A_565, %parallel_loop3A_518 : i32
        %parallel_loop3A_567 = arith.index_cast %parallel_loop3A_566 : i32 to index
        %parallel_loop3A_568 = arith.constant 32 : index
        %parallel_loop3A_569 = tpu.vector_load %arg7[%parallel_loop3A_567, %parallel_loop3A_568] {strides = array<i32>} : memref<256x64xf32, #tpu.memory_space<vmem>>, vector<16xf32>,
        %parallel_loop3A_570 = vector.broadcast %parallel_loop3A_550 : i32 to vector<16xi32>
        %parallel_loop3A_571 = arith.addi %add3A_57, %parallel_loop3A_570 : vector<16xi32>
        tpu.vector_store_idx %arg8[%parallel_loop3A_571], %parallel_loop3A_569 : memref<32768xf32, #tpu.memory_space<vmem>>[vector<16xi32>], vector<16xf32>,
        %parallel_loop3A_572 = arith.constant 128 : i32
        %parallel_loop3A_573 = arith.addi %parallel_loop3A_572, %parallel_loop3A_518 : i32
        %parallel_loop3A_574 = arith.index_cast %parallel_loop3A_573 : i32 to index
        %parallel_loop3A_575 = arith.constant 48 : index
        %parallel_loop3A_576 = tpu.vector_load %arg7[%parallel_loop3A_574, %parallel_loop3A_575] {strides = array<i32>} : memref<256x64xf32, #tpu.memory_space<vmem>>, vector<16xf32>,
        %parallel_loop3A_577 = vector.broadcast %parallel_loop3A_550 : i32 to vector<16xi32>
        %parallel_loop3A_578 = arith.addi %add3A_76, %parallel_loop3A_577 : vector<16xi32>
        tpu.vector_store_idx %arg8[%parallel_loop3A_578], %parallel_loop3A_576 : memref<32768xf32, #tpu.memory_space<vmem>>[vector<16xi32>], vector<16xf32>,
        %parallel_loop3A_579 = arith.constant 4 : i32
        %parallel_loop3A_580 = arith.muli %parallel_loop3A_450, %parallel_loop3A_579 : i32
        %parallel_loop3A_581 = arith.constant 2 : i32
        %parallel_loop3A_582 = arith.addi %parallel_loop3A_580, %parallel_loop3A_581 : i32
        %parallel_loop3A_583 = arith.constant 2048 : i32
        %parallel_loop3A_584 = arith.addi %parallel_loop3A_583, %parallel_loop3A_582 : i32
        %parallel_loop3A_585 = arith.constant 0 : i32
        %parallel_loop3A_586 = arith.addi %parallel_loop3A_585, %parallel_loop3A_582 : i32
        %parallel_loop3A_587 = arith.index_cast %parallel_loop3A_586 : i32 to index
        %parallel_loop3A_588 = arith.constant 0 : index
        %parallel_loop3A_589 = tpu.vector_load %arg7[%parallel_loop3A_587, %parallel_loop3A_588] {strides = array<i32>} : memref<256x64xf32, #tpu.memory_space<vmem>>, vector<16xf32>,
        %parallel_loop3A_590 = vector.broadcast %parallel_loop3A_584 : i32 to vector<16xi32>
        %parallel_loop3A_591 = arith.addi %add3A_19, %parallel_loop3A_590 : vector<16xi32>
        tpu.vector_store_idx %arg8[%parallel_loop3A_591], %parallel_loop3A_589 : memref<32768xf32, #tpu.memory_space<vmem>>[vector<16xi32>], vector<16xf32>,
        %parallel_loop3A_592 = arith.constant 0 : i32
        %parallel_loop3A_593 = arith.addi %parallel_loop3A_592, %parallel_loop3A_582 : i32
        %parallel_loop3A_594 = arith.index_cast %parallel_loop3A_593 : i32 to index
        %parallel_loop3A_595 = arith.constant 16 : index
        %parallel_loop3A_596 = tpu.vector_load %arg7[%parallel_loop3A_594, %parallel_loop3A_595] {strides = array<i32>} : memref<256x64xf32, #tpu.memory_space<vmem>>, vector<16xf32>,
        %parallel_loop3A_597 = vector.broadcast %parallel_loop3A_584 : i32 to vector<16xi32>
        %parallel_loop3A_598 = arith.addi %add3A_38, %parallel_loop3A_597 : vector<16xi32>
        tpu.vector_store_idx %arg8[%parallel_loop3A_598], %parallel_loop3A_596 : memref<32768xf32, #tpu.memory_space<vmem>>[vector<16xi32>], vector<16xf32>,
        %parallel_loop3A_599 = arith.constant 0 : i32
        %parallel_loop3A_600 = arith.addi %parallel_loop3A_599, %parallel_loop3A_582 : i32
        %parallel_loop3A_601 = arith.index_cast %parallel_loop3A_600 : i32 to index
        %parallel_loop3A_602 = arith.constant 32 : index
        %parallel_loop3A_603 = tpu.vector_load %arg7[%parallel_loop3A_601, %parallel_loop3A_602] {strides = array<i32>} : memref<256x64xf32, #tpu.memory_space<vmem>>, vector<16xf32>,
        %parallel_loop3A_604 = vector.broadcast %parallel_loop3A_584 : i32 to vector<16xi32>
        %parallel_loop3A_605 = arith.addi %add3A_57, %parallel_loop3A_604 : vector<16xi32>
        tpu.vector_store_idx %arg8[%parallel_loop3A_605], %parallel_loop3A_603 : memref<32768xf32, #tpu.memory_space<vmem>>[vector<16xi32>], vector<16xf32>,
        %parallel_loop3A_606 = arith.constant 0 : i32
        %parallel_loop3A_607 = arith.addi %parallel_loop3A_606, %parallel_loop3A_582 : i32
        %parallel_loop3A_608 = arith.index_cast %parallel_loop3A_607 : i32 to index
        %parallel_loop3A_609 = arith.constant 48 : index
        %parallel_loop3A_610 = tpu.vector_load %arg7[%parallel_loop3A_608, %parallel_loop3A_609] {strides = array<i32>} : memref<256x64xf32, #tpu.memory_space<vmem>>, vector<16xf32>,
        %parallel_loop3A_611 = vector.broadcast %parallel_loop3A_584 : i32 to vector<16xi32>
        %parallel_loop3A_612 = arith.addi %add3A_76, %parallel_loop3A_611 : vector<16xi32>
        tpu.vector_store_idx %arg8[%parallel_loop3A_612], %parallel_loop3A_610 : memref<32768xf32, #tpu.memory_space<vmem>>[vector<16xi32>], vector<16xf32>,
        %parallel_loop3A_613 = arith.constant 3072 : i32
        %parallel_loop3A_614 = arith.addi %parallel_loop3A_613, %parallel_loop3A_582 : i32
        %parallel_loop3A_615 = arith.constant 128 : i32
        %parallel_loop3A_616 = arith.addi %parallel_loop3A_615, %parallel_loop3A_582 : i32
        %parallel_loop3A_617 = arith.index_cast %parallel_loop3A_616 : i32 to index
        %parallel_loop3A_618 = arith.constant 0 : index
        %parallel_loop3A_619 = tpu.vector_load %arg7[%parallel_loop3A_617, %parallel_loop3A_618] {strides = array<i32>} : memref<256x64xf32, #tpu.memory_space<vmem>>, vector<16xf32>,
        %parallel_loop3A_620 = vector.broadcast %parallel_loop3A_614 : i32 to vector<16xi32>
        %parallel_loop3A_621 = arith.addi %add3A_19, %parallel_loop3A_620 : vector<16xi32>
        tpu.vector_store_idx %arg8[%parallel_loop3A_621], %parallel_loop3A_619 : memref<32768xf32, #tpu.memory_space<vmem>>[vector<16xi32>], vector<16xf32>,
        %parallel_loop3A_622 = arith.constant 128 : i32
        %parallel_loop3A_623 = arith.addi %parallel_loop3A_622, %parallel_loop3A_582 : i32
        %parallel_loop3A_624 = arith.index_cast %parallel_loop3A_623 : i32 to index
        %parallel_loop3A_625 = arith.constant 16 : index
        %parallel_loop3A_626 = tpu.vector_load %arg7[%parallel_loop3A_624, %parallel_loop3A_625] {strides = array<i32>} : memref<256x64xf32, #tpu.memory_space<vmem>>, vector<16xf32>,
        %parallel_loop3A_627 = vector.broadcast %parallel_loop3A_614 : i32 to vector<16xi32>
        %parallel_loop3A_628 = arith.addi %add3A_38, %parallel_loop3A_627 : vector<16xi32>
        tpu.vector_store_idx %arg8[%parallel_loop3A_628], %parallel_loop3A_626 : memref<32768xf32, #tpu.memory_space<vmem>>[vector<16xi32>], vector<16xf32>,
        %parallel_loop3A_629 = arith.constant 128 : i32
        %parallel_loop3A_630 = arith.addi %parallel_loop3A_629, %parallel_loop3A_582 : i32
        %parallel_loop3A_631 = arith.index_cast %parallel_loop3A_630 : i32 to index
        %parallel_loop3A_632 = arith.constant 32 : index
        %parallel_loop3A_633 = tpu.vector_load %arg7[%parallel_loop3A_631, %parallel_loop3A_632] {strides = array<i32>} : memref<256x64xf32, #tpu.memory_space<vmem>>, vector<16xf32>,
        %parallel_loop3A_634 = vector.broadcast %parallel_loop3A_614 : i32 to vector<16xi32>
        %parallel_loop3A_635 = arith.addi %add3A_57, %parallel_loop3A_634 : vector<16xi32>
        tpu.vector_store_idx %arg8[%parallel_loop3A_635], %parallel_loop3A_633 : memref<32768xf32, #tpu.memory_space<vmem>>[vector<16xi32>], vector<16xf32>,
        %parallel_loop3A_636 = arith.constant 128 : i32
        %parallel_loop3A_637 = arith.addi %parallel_loop3A_636, %parallel_loop3A_582 : i32
        %parallel_loop3A_638 = arith.index_cast %parallel_loop3A_637 : i32 to index
        %parallel_loop3A_639 = arith.constant 48 : index
        %parallel_loop3A_640 = tpu.vector_load %arg7[%parallel_loop3A_638, %parallel_loop3A_639] {strides = array<i32>} : memref<256x64xf32, #tpu.memory_space<vmem>>, vector<16xf32>,
        %parallel_loop3A_641 = vector.broadcast %parallel_loop3A_614 : i32 to vector<16xi32>
        %parallel_loop3A_642 = arith.addi %add3A_76, %parallel_loop3A_641 : vector<16xi32>
        tpu.vector_store_idx %arg8[%parallel_loop3A_642], %parallel_loop3A_640 : memref<32768xf32, #tpu.memory_space<vmem>>[vector<16xi32>], vector<16xf32>,
        %parallel_loop3A_643 = arith.constant 4 : i32
        %parallel_loop3A_644 = arith.muli %parallel_loop3A_450, %parallel_loop3A_643 : i32
        %parallel_loop3A_645 = arith.constant 3 : i32
        %parallel_loop3A_646 = arith.addi %parallel_loop3A_644, %parallel_loop3A_645 : i32
        %parallel_loop3A_647 = arith.constant 2048 : i32
        %parallel_loop3A_648 = arith.addi %parallel_loop3A_647, %parallel_loop3A_646 : i32
        %parallel_loop3A_649 = arith.constant 0 : i32
        %parallel_loop3A_650 = arith.addi %parallel_loop3A_649, %parallel_loop3A_646 : i32
        %parallel_loop3A_651 = arith.index_cast %parallel_loop3A_650 : i32 to index
        %parallel_loop3A_652 = arith.constant 0 : index
        %parallel_loop3A_653 = tpu.vector_load %arg7[%parallel_loop3A_651, %parallel_loop3A_652] {strides = array<i32>} : memref<256x64xf32, #tpu.memory_space<vmem>>, vector<16xf32>,
        %parallel_loop3A_654 = vector.broadcast %parallel_loop3A_648 : i32 to vector<16xi32>
        %parallel_loop3A_655 = arith.addi %add3A_19, %parallel_loop3A_654 : vector<16xi32>
        tpu.vector_store_idx %arg8[%parallel_loop3A_655], %parallel_loop3A_653 : memref<32768xf32, #tpu.memory_space<vmem>>[vector<16xi32>], vector<16xf32>,
        %parallel_loop3A_656 = arith.constant 0 : i32
        %parallel_loop3A_657 = arith.addi %parallel_loop3A_656, %parallel_loop3A_646 : i32
        %parallel_loop3A_658 = arith.index_cast %parallel_loop3A_657 : i32 to index
        %parallel_loop3A_659 = arith.constant 16 : index
        %parallel_loop3A_660 = tpu.vector_load %arg7[%parallel_loop3A_658, %parallel_loop3A_659] {strides = array<i32>} : memref<256x64xf32, #tpu.memory_space<vmem>>, vector<16xf32>,
        %parallel_loop3A_661 = vector.broadcast %parallel_loop3A_648 : i32 to vector<16xi32>
        %parallel_loop3A_662 = arith.addi %add3A_38, %parallel_loop3A_661 : vector<16xi32>
        tpu.vector_store_idx %arg8[%parallel_loop3A_662], %parallel_loop3A_660 : memref<32768xf32, #tpu.memory_space<vmem>>[vector<16xi32>], vector<16xf32>,
        %parallel_loop3A_663 = arith.constant 0 : i32
        %parallel_loop3A_664 = arith.addi %parallel_loop3A_663, %parallel_loop3A_646 : i32
        %parallel_loop3A_665 = arith.index_cast %parallel_loop3A_664 : i32 to index
        %parallel_loop3A_666 = arith.constant 32 : index
        %parallel_loop3A_667 = tpu.vector_load %arg7[%parallel_loop3A_665, %parallel_loop3A_666] {strides = array<i32>} : memref<256x64xf32, #tpu.memory_space<vmem>>, vector<16xf32>,
        %parallel_loop3A_668 = vector.broadcast %parallel_loop3A_648 : i32 to vector<16xi32>
        %parallel_loop3A_669 = arith.addi %add3A_57, %parallel_loop3A_668 : vector<16xi32>
        tpu.vector_store_idx %arg8[%parallel_loop3A_669], %parallel_loop3A_667 : memref<32768xf32, #tpu.memory_space<vmem>>[vector<16xi32>], vector<16xf32>,
        %parallel_loop3A_670 = arith.constant 0 : i32
        %parallel_loop3A_671 = arith.addi %parallel_loop3A_670, %parallel_loop3A_646 : i32
        %parallel_loop3A_672 = arith.index_cast %parallel_loop3A_671 : i32 to index
        %parallel_loop3A_673 = arith.constant 48 : index
        %parallel_loop3A_674 = tpu.vector_load %arg7[%parallel_loop3A_672, %parallel_loop3A_673] {strides = array<i32>} : memref<256x64xf32, #tpu.memory_space<vmem>>, vector<16xf32>,
        %parallel_loop3A_675 = vector.broadcast %parallel_loop3A_648 : i32 to vector<16xi32>
        %parallel_loop3A_676 = arith.addi %add3A_76, %parallel_loop3A_675 : vector<16xi32>
        tpu.vector_store_idx %arg8[%parallel_loop3A_676], %parallel_loop3A_674 : memref<32768xf32, #tpu.memory_space<vmem>>[vector<16xi32>], vector<16xf32>,
        %parallel_loop3A_677 = arith.constant 3072 : i32
        %parallel_loop3A_678 = arith.addi %parallel_loop3A_677, %parallel_loop3A_646 : i32
        %parallel_loop3A_679 = arith.constant 128 : i32
        %parallel_loop3A_680 = arith.addi %parallel_loop3A_679, %parallel_loop3A_646 : i32
        %parallel_loop3A_681 = arith.index_cast %parallel_loop3A_680 : i32 to index
        %parallel_loop3A_682 = arith.constant 0 : index
        %parallel_loop3A_683 = tpu.vector_load %arg7[%parallel_loop3A_681, %parallel_loop3A_682] {strides = array<i32>} : memref<256x64xf32, #tpu.memory_space<vmem>>, vector<16xf32>,
        %parallel_loop3A_684 = vector.broadcast %parallel_loop3A_678 : i32 to vector<16xi32>
        %parallel_loop3A_685 = arith.addi %add3A_19, %parallel_loop3A_684 : vector<16xi32>
        tpu.vector_store_idx %arg8[%parallel_loop3A_685], %parallel_loop3A_683 : memref<32768xf32, #tpu.memory_space<vmem>>[vector<16xi32>], vector<16xf32>,
        %parallel_loop3A_686 = arith.constant 128 : i32
        %parallel_loop3A_687 = arith.addi %parallel_loop3A_686, %parallel_loop3A_646 : i32
        %parallel_loop3A_688 = arith.index_cast %parallel_loop3A_687 : i32 to index
        %parallel_loop3A_689 = arith.constant 16 : index
        %parallel_loop3A_690 = tpu.vector_load %arg7[%parallel_loop3A_688, %parallel_loop3A_689] {strides = array<i32>} : memref<256x64xf32, #tpu.memory_space<vmem>>, vector<16xf32>,
        %parallel_loop3A_691 = vector.broadcast %parallel_loop3A_678 : i32 to vector<16xi32>
        %parallel_loop3A_692 = arith.addi %add3A_38, %parallel_loop3A_691 : vector<16xi32>
        tpu.vector_store_idx %arg8[%parallel_loop3A_692], %parallel_loop3A_690 : memref<32768xf32, #tpu.memory_space<vmem>>[vector<16xi32>], vector<16xf32>,
        %parallel_loop3A_693 = arith.constant 128 : i32
        %parallel_loop3A_694 = arith.addi %parallel_loop3A_693, %parallel_loop3A_646 : i32
        %parallel_loop3A_695 = arith.index_cast %parallel_loop3A_694 : i32 to index
        %parallel_loop3A_696 = arith.constant 32 : index
        %parallel_loop3A_697 = tpu.vector_load %arg7[%parallel_loop3A_695, %parallel_loop3A_696] {strides = array<i32>} : memref<256x64xf32, #tpu.memory_space<vmem>>, vector<16xf32>,
        %parallel_loop3A_698 = vector.broadcast %parallel_loop3A_678 : i32 to vector<16xi32>
        %parallel_loop3A_699 = arith.addi %add3A_57, %parallel_loop3A_698 : vector<16xi32>
        tpu.vector_store_idx %arg8[%parallel_loop3A_699], %parallel_loop3A_697 : memref<32768xf32, #tpu.memory_space<vmem>>[vector<16xi32>], vector<16xf32>,
        %parallel_loop3A_700 = arith.constant 128 : i32
        %parallel_loop3A_701 = arith.addi %parallel_loop3A_700, %parallel_loop3A_646 : i32
        %parallel_loop3A_702 = arith.index_cast %parallel_loop3A_701 : i32 to index
        %parallel_loop3A_703 = arith.constant 48 : index
        %parallel_loop3A_704 = tpu.vector_load %arg7[%parallel_loop3A_702, %parallel_loop3A_703] {strides = array<i32>} : memref<256x64xf32, #tpu.memory_space<vmem>>, vector<16xf32>,
        %parallel_loop3A_705 = vector.broadcast %parallel_loop3A_678 : i32 to vector<16xi32>
        %parallel_loop3A_706 = arith.addi %add3A_76, %parallel_loop3A_705 : vector<16xi32>
        tpu.vector_store_idx %arg8[%parallel_loop3A_706], %parallel_loop3A_704 : memref<32768xf32, #tpu.memory_space<vmem>>[vector<16xi32>], vector<16xf32>,
      } {sc.loop_unroll_factor = 1 : i64, sc.parallel_access}
      %lt3A_262 = arith.constant 49 : i32
      %lt3A_263 = arith.cmpi slt, %add3A_238, %lt3A_262 : i32
      %convert_element_type3A_264 = arith.extui %lt3A_263 : i1 to i32
      %cond3A_265 = arith.constant 0 : i32
      %cond3A_266 = arith.cmpi ne, %convert_element_type3A_264, %cond3A_265 : i32
      scf.if %cond3A_266 {
        %add3A_450 = arith.constant 1 : i32
        %add3A_451 = arith.addi %add3A_238, %add3A_450 : i32
        %dma_start3A_452 = arith.constant 256 : i32
        %dma_start3A_453 = tpu.memref_slice %arg5[%add3A_451, %dma_start3A_452] : memref<50x512xi32, #tpu.memory_space<vmem>> -> memref<1x256xi32, #tpu.memory_space<vmem>>
        %dma_start3A_454 = tpu.memref_squeeze %dma_start3A_453 : memref<1x256xi32, #tpu.memory_space<vmem>> -> memref<256xi32, #tpu.memory_space<vmem>>
        %dma_start3A_455 = arith.constant 0 : i32
        %dma_start3A_456 = arith.constant 0 : i32
        %dma_start3A_457 = tpu.memref_slice %arg2[%dma_start3A_455, %dma_start3A_456] : memref<1000000x64xf32, #tpu.memory_space<hbm>> -> memref<1000000x64xf32, #tpu.memory_space<hbm>>
        tpu.enqueue_indirect_dma source(%dma_start3A_457 : memref<1000000x64xf32, #tpu.memory_space<hbm>>) target(%arg7 : memref<256x64xf32, #tpu.memory_space<vmem>>) offsets(%dma_start3A_454 : memref<256xi32, #tpu.memory_space<vmem>>) semaphore(%arg11 : memref<!tpu.dma_semaphore, #tpu.memory_space<semaphore_mem>>)
      } else {
      }
      %mul3A_267 = arith.constant 8 : i32
      %mul3A_268 = arith.muli %add3A_238, %mul3A_267 : i32
      %mul3A_269 = arith.constant 131072 : i32
      %mul3A_270 = arith.muli %mul3A_268, %mul3A_269 : i32
      %mul3A_271 = arith.constant 4 : i32
      %mul3A_272 = arith.muli %add3A, %mul3A_271 : i32
      %mul3A_273 = arith.constant 1024 : i32
      %mul3A_274 = arith.muli %mul3A_272, %mul3A_273 : i32
      %add3A_275 = arith.addi %mul3A_270, %mul3A_274 : i32
      %add3A_276 = arith.constant 0 : i32
      %add3A_277 = arith.addi %add3A_275, %add3A_276 : i32
      %add3A_278 = arith.constant 131072 : i32
      %add3A_279 = arith.addi %add3A_275, %add3A_278 : i32
      %add3A_280 = arith.constant 262144 : i32
      %add3A_281 = arith.addi %add3A_275, %add3A_280 : i32
      %add3A_282 = arith.constant 393216 : i32
      %add3A_283 = arith.addi %add3A_275, %add3A_282 : i32
      %add3A_284 = arith.constant 524288 : i32
      %add3A_285 = arith.addi %add3A_275, %add3A_284 : i32
      %add3A_286 = arith.constant 655360 : i32
      %add3A_287 = arith.addi %add3A_275, %add3A_286 : i32
      %add3A_288 = arith.constant 786432 : i32
      %add3A_289 = arith.addi %add3A_275, %add3A_288 : i32
      %add3A_290 = arith.constant 917504 : i32
      %add3A_291 = arith.addi %add3A_275, %add3A_290 : i32
      %dma_start3A_292 = arith.constant 0 : i32
      %dma_start3A_293 = tpu.memref_slice %arg8[%dma_start3A_292] : memref<32768xf32, #tpu.memory_space<vmem>> -> memref<4096xf32, #tpu.memory_space<vmem>>
      %dma_start3A_294 = tpu.memref_slice %arg4[%add3A_277] : memref<52428800xf32, #tpu.memory_space<hbm>> -> memref<4096xf32, #tpu.memory_space<hbm>>
      %dma_start3A_295 = tpu.memref_slice %arg4[%add3A_277] : memref<52428800xf32, #tpu.memory_space<hbm>> -> memref<4096xf32, #tpu.memory_space<hbm>>
      %dma_start3A_296 = arith.constant 0 : i32
      %dma_start3A_297 = tpu.memref_slice %arg8[%dma_start3A_296] : memref<32768xf32, #tpu.memory_space<vmem>> -> memref<4096xf32, #tpu.memory_space<vmem>>
      tpu.enqueue_dma source(%dma_start3A_297 : memref<4096xf32, #tpu.memory_space<vmem>>) target(%dma_start3A_295 : memref<4096xf32, #tpu.memory_space<hbm>>) target_semaphore(%arg12 : memref<!tpu.dma_semaphore, #tpu.memory_space<semaphore_mem>>)
      %dma_start3A_298 = arith.constant 4096 : i32
      %dma_start3A_299 = tpu.memref_slice %arg8[%dma_start3A_298] : memref<32768xf32, #tpu.memory_space<vmem>> -> memref<4096xf32, #tpu.memory_space<vmem>>
      %dma_start3A_300 = tpu.memref_slice %arg4[%add3A_279] : memref<52428800xf32, #tpu.memory_space<hbm>> -> memref<4096xf32, #tpu.memory_space<hbm>>
      %dma_start3A_301 = tpu.memref_slice %arg4[%add3A_279] : memref<52428800xf32, #tpu.memory_space<hbm>> -> memref<4096xf32, #tpu.memory_space<hbm>>
      %dma_start3A_302 = arith.constant 4096 : i32
      %dma_start3A_303 = tpu.memref_slice %arg8[%dma_start3A_302] : memref<32768xf32, #tpu.memory_space<vmem>> -> memref<4096xf32, #tpu.memory_space<vmem>>
      tpu.enqueue_dma source(%dma_start3A_303 : memref<4096xf32, #tpu.memory_space<vmem>>) target(%dma_start3A_301 : memref<4096xf32, #tpu.memory_space<hbm>>) target_semaphore(%arg12 : memref<!tpu.dma_semaphore, #tpu.memory_space<semaphore_mem>>)
      %dma_start3A_304 = arith.constant 8192 : i32
      %dma_start3A_305 = tpu.memref_slice %arg8[%dma_start3A_304] : memref<32768xf32, #tpu.memory_space<vmem>> -> memref<4096xf32, #tpu.memory_space<vmem>>
      %dma_start3A_306 = tpu.memref_slice %arg4[%add3A_281] : memref<52428800xf32, #tpu.memory_space<hbm>> -> memref<4096xf32, #tpu.memory_space<hbm>>
      %dma_start3A_307 = tpu.memref_slice %arg4[%add3A_281] : memref<52428800xf32, #tpu.memory_space<hbm>> -> memref<4096xf32, #tpu.memory_space<hbm>>
      %dma_start3A_308 = arith.constant 8192 : i32
      %dma_start3A_309 = tpu.memref_slice %arg8[%dma_start3A_308] : memref<32768xf32, #tpu.memory_space<vmem>> -> memref<4096xf32, #tpu.memory_space<vmem>>
      tpu.enqueue_dma source(%dma_start3A_309 : memref<4096xf32, #tpu.memory_space<vmem>>) target(%dma_start3A_307 : memref<4096xf32, #tpu.memory_space<hbm>>) target_semaphore(%arg12 : memref<!tpu.dma_semaphore, #tpu.memory_space<semaphore_mem>>)
      %dma_start3A_310 = arith.constant 12288 : i32
      %dma_start3A_311 = tpu.memref_slice %arg8[%dma_start3A_310] : memref<32768xf32, #tpu.memory_space<vmem>> -> memref<4096xf32, #tpu.memory_space<vmem>>
      %dma_start3A_312 = tpu.memref_slice %arg4[%add3A_283] : memref<52428800xf32, #tpu.memory_space<hbm>> -> memref<4096xf32, #tpu.memory_space<hbm>>
      %dma_start3A_313 = tpu.memref_slice %arg4[%add3A_283] : memref<52428800xf32, #tpu.memory_space<hbm>> -> memref<4096xf32, #tpu.memory_space<hbm>>
      %dma_start3A_314 = arith.constant 12288 : i32
      %dma_start3A_315 = tpu.memref_slice %arg8[%dma_start3A_314] : memref<32768xf32, #tpu.memory_space<vmem>> -> memref<4096xf32, #tpu.memory_space<vmem>>
      tpu.enqueue_dma source(%dma_start3A_315 : memref<4096xf32, #tpu.memory_space<vmem>>) target(%dma_start3A_313 : memref<4096xf32, #tpu.memory_space<hbm>>) target_semaphore(%arg12 : memref<!tpu.dma_semaphore, #tpu.memory_space<semaphore_mem>>)
      %dma_start3A_316 = arith.constant 16384 : i32
      %dma_start3A_317 = tpu.memref_slice %arg8[%dma_start3A_316] : memref<32768xf32, #tpu.memory_space<vmem>> -> memref<4096xf32, #tpu.memory_space<vmem>>
      %dma_start3A_318 = tpu.memref_slice %arg4[%add3A_285] : memref<52428800xf32, #tpu.memory_space<hbm>> -> memref<4096xf32, #tpu.memory_space<hbm>>
      %dma_start3A_319 = tpu.memref_slice %arg4[%add3A_285] : memref<52428800xf32, #tpu.memory_space<hbm>> -> memref<4096xf32, #tpu.memory_space<hbm>>
      %dma_start3A_320 = arith.constant 16384 : i32
      %dma_start3A_321 = tpu.memref_slice %arg8[%dma_start3A_320] : memref<32768xf32, #tpu.memory_space<vmem>> -> memref<4096xf32, #tpu.memory_space<vmem>>
      tpu.enqueue_dma source(%dma_start3A_321 : memref<4096xf32, #tpu.memory_space<vmem>>) target(%dma_start3A_319 : memref<4096xf32, #tpu.memory_space<hbm>>) target_semaphore(%arg12 : memref<!tpu.dma_semaphore, #tpu.memory_space<semaphore_mem>>)
      %dma_start3A_322 = arith.constant 20480 : i32
      %dma_start3A_323 = tpu.memref_slice %arg8[%dma_start3A_322] : memref<32768xf32, #tpu.memory_space<vmem>> -> memref<4096xf32, #tpu.memory_space<vmem>>
      %dma_start3A_324 = tpu.memref_slice %arg4[%add3A_287] : memref<52428800xf32, #tpu.memory_space<hbm>> -> memref<4096xf32, #tpu.memory_space<hbm>>
      %dma_start3A_325 = tpu.memref_slice %arg4[%add3A_287] : memref<52428800xf32, #tpu.memory_space<hbm>> -> memref<4096xf32, #tpu.memory_space<hbm>>
      %dma_start3A_326 = arith.constant 20480 : i32
      %dma_start3A_327 = tpu.memref_slice %arg8[%dma_start3A_326] : memref<32768xf32, #tpu.memory_space<vmem>> -> memref<4096xf32, #tpu.memory_space<vmem>>
      tpu.enqueue_dma source(%dma_start3A_327 : memref<4096xf32, #tpu.memory_space<vmem>>) target(%dma_start3A_325 : memref<4096xf32, #tpu.memory_space<hbm>>) target_semaphore(%arg12 : memref<!tpu.dma_semaphore, #tpu.memory_space<semaphore_mem>>)
      %dma_start3A_328 = arith.constant 24576 : i32
      %dma_start3A_329 = tpu.memref_slice %arg8[%dma_start3A_328] : memref<32768xf32, #tpu.memory_space<vmem>> -> memref<4096xf32, #tpu.memory_space<vmem>>
      %dma_start3A_330 = tpu.memref_slice %arg4[%add3A_289] : memref<52428800xf32, #tpu.memory_space<hbm>> -> memref<4096xf32, #tpu.memory_space<hbm>>
      %dma_start3A_331 = tpu.memref_slice %arg4[%add3A_289] : memref<52428800xf32, #tpu.memory_space<hbm>> -> memref<4096xf32, #tpu.memory_space<hbm>>
      %dma_start3A_332 = arith.constant 24576 : i32
      %dma_start3A_333 = tpu.memref_slice %arg8[%dma_start3A_332] : memref<32768xf32, #tpu.memory_space<vmem>> -> memref<4096xf32, #tpu.memory_space<vmem>>
      tpu.enqueue_dma source(%dma_start3A_333 : memref<4096xf32, #tpu.memory_space<vmem>>) target(%dma_start3A_331 : memref<4096xf32, #tpu.memory_space<hbm>>) target_semaphore(%arg12 : memref<!tpu.dma_semaphore, #tpu.memory_space<semaphore_mem>>)
      %dma_start3A_334 = arith.constant 28672 : i32
      %dma_start3A_335 = tpu.memref_slice %arg8[%dma_start3A_334] : memref<32768xf32, #tpu.memory_space<vmem>> -> memref<4096xf32, #tpu.memory_space<vmem>>
      %dma_start3A_336 = tpu.memref_slice %arg4[%add3A_291] : memref<52428800xf32, #tpu.memory_space<hbm>> -> memref<4096xf32, #tpu.memory_space<hbm>>
      %dma_start3A_337 = tpu.memref_slice %arg4[%add3A_291] : memref<52428800xf32, #tpu.memory_space<hbm>> -> memref<4096xf32, #tpu.memory_space<hbm>>
      %dma_start3A_338 = arith.constant 28672 : i32
      %dma_start3A_339 = tpu.memref_slice %arg8[%dma_start3A_338] : memref<32768xf32, #tpu.memory_space<vmem>> -> memref<4096xf32, #tpu.memory_space<vmem>>
      tpu.enqueue_dma source(%dma_start3A_339 : memref<4096xf32, #tpu.memory_space<vmem>>) target(%dma_start3A_337 : memref<4096xf32, #tpu.memory_space<hbm>>) target_semaphore(%arg12 : memref<!tpu.dma_semaphore, #tpu.memory_space<semaphore_mem>>)
      %mul3A_340 = arith.constant 2 : i32
      %mul3A_341 = arith.muli %mul3A_340, %scan3A_234 : i32
      %add3A_342 = arith.constant 1 : i32
      %add3A_343 = arith.addi %mul3A_341, %add3A_342 : i32
      %ge3A_344 = arith.constant 1 : i32
      %ge3A_345 = arith.cmpi sge, %scan3A_234, %ge3A_344 : i32
      %convert_element_type3A_346 = arith.extui %ge3A_345 : i1 to i32
      %cond3A_347 = arith.constant 0 : i32
      %cond3A_348 = arith.cmpi ne, %convert_element_type3A_346, %cond3A_347 : i32
      scf.if %cond3A_348 {
        %sub3A = arith.constant 2 : i32
        %sub3A_450 = arith.subi %add3A_343, %sub3A : i32
        %mul3A_451 = arith.constant 8 : i32
        %mul3A_452 = arith.muli %sub3A_450, %mul3A_451 : i32
        %mul3A_453 = arith.constant 131072 : i32
        %mul3A_454 = arith.muli %mul3A_452, %mul3A_453 : i32
        %mul3A_455 = arith.constant 4 : i32
        %mul3A_456 = arith.muli %add3A, %mul3A_455 : i32
        %mul3A_457 = arith.constant 1024 : i32
        %mul3A_458 = arith.muli %mul3A_456, %mul3A_457 : i32
        %add3A_459 = arith.addi %mul3A_454, %mul3A_458 : i32
        %add3A_460 = arith.constant 0 : i32
        %add3A_461 = arith.addi %add3A_459, %add3A_460 : i32
        %add3A_462 = arith.constant 131072 : i32
        %add3A_463 = arith.addi %add3A_459, %add3A_462 : i32
        %add3A_464 = arith.constant 262144 : i32
        %add3A_465 = arith.addi %add3A_459, %add3A_464 : i32
        %add3A_466 = arith.constant 393216 : i32
        %add3A_467 = arith.addi %add3A_459, %add3A_466 : i32
        %add3A_468 = arith.constant 524288 : i32
        %add3A_469 = arith.addi %add3A_459, %add3A_468 : i32
        %add3A_470 = arith.constant 655360 : i32
        %add3A_471 = arith.addi %add3A_459, %add3A_470 : i32
        %add3A_472 = arith.constant 786432 : i32
        %add3A_473 = arith.addi %add3A_459, %add3A_472 : i32
        %add3A_474 = arith.constant 917504 : i32
        %add3A_475 = arith.addi %add3A_459, %add3A_474 : i32
        %dma_wait3A_476 = arith.constant 0 : i32
        %dma_wait3A_477 = tpu.memref_slice %arg9[%dma_wait3A_476] : memref<32768xf32, #tpu.memory_space<vmem>> -> memref<4096xf32, #tpu.memory_space<vmem>>
        %dma_wait3A_478 = tpu.memref_slice %arg4[%add3A_461] : memref<52428800xf32, #tpu.memory_space<hbm>> -> memref<4096xf32, #tpu.memory_space<hbm>>
        %dma_wait3A_479 = tpu.memref_slice %arg4[%add3A_461] : memref<52428800xf32, #tpu.memory_space<hbm>> -> memref<4096xf32, #tpu.memory_space<hbm>>
        %dma_wait3A_480 = arith.constant 0 : i32
        %dma_wait3A_481 = tpu.memref_slice %arg9[%dma_wait3A_480] : memref<32768xf32, #tpu.memory_space<vmem>> -> memref<4096xf32, #tpu.memory_space<vmem>>
        tpu.wait_dma2 semaphore(%arg13 : memref<!tpu.dma_semaphore, #tpu.memory_space<semaphore_mem>>) src(%dma_wait3A_481 : memref<4096xf32, #tpu.memory_space<vmem>>) dst(%dma_wait3A_479 : memref<4096xf32, #tpu.memory_space<hbm>>)
        %dma_wait3A_482 = arith.constant 4096 : i32
        %dma_wait3A_483 = tpu.memref_slice %arg9[%dma_wait3A_482] : memref<32768xf32, #tpu.memory_space<vmem>> -> memref<4096xf32, #tpu.memory_space<vmem>>
        %dma_wait3A_484 = tpu.memref_slice %arg4[%add3A_463] : memref<52428800xf32, #tpu.memory_space<hbm>> -> memref<4096xf32, #tpu.memory_space<hbm>>
        %dma_wait3A_485 = tpu.memref_slice %arg4[%add3A_463] : memref<52428800xf32, #tpu.memory_space<hbm>> -> memref<4096xf32, #tpu.memory_space<hbm>>
        %dma_wait3A_486 = arith.constant 4096 : i32
        %dma_wait3A_487 = tpu.memref_slice %arg9[%dma_wait3A_486] : memref<32768xf32, #tpu.memory_space<vmem>> -> memref<4096xf32, #tpu.memory_space<vmem>>
        tpu.wait_dma2 semaphore(%arg13 : memref<!tpu.dma_semaphore, #tpu.memory_space<semaphore_mem>>) src(%dma_wait3A_487 : memref<4096xf32, #tpu.memory_space<vmem>>) dst(%dma_wait3A_485 : memref<4096xf32, #tpu.memory_space<hbm>>)
        %dma_wait3A_488 = arith.constant 8192 : i32
        %dma_wait3A_489 = tpu.memref_slice %arg9[%dma_wait3A_488] : memref<32768xf32, #tpu.memory_space<vmem>> -> memref<4096xf32, #tpu.memory_space<vmem>>
        %dma_wait3A_490 = tpu.memref_slice %arg4[%add3A_465] : memref<52428800xf32, #tpu.memory_space<hbm>> -> memref<4096xf32, #tpu.memory_space<hbm>>
        %dma_wait3A_491 = tpu.memref_slice %arg4[%add3A_465] : memref<52428800xf32, #tpu.memory_space<hbm>> -> memref<4096xf32, #tpu.memory_space<hbm>>
        %dma_wait3A_492 = arith.constant 8192 : i32
        %dma_wait3A_493 = tpu.memref_slice %arg9[%dma_wait3A_492] : memref<32768xf32, #tpu.memory_space<vmem>> -> memref<4096xf32, #tpu.memory_space<vmem>>
        tpu.wait_dma2 semaphore(%arg13 : memref<!tpu.dma_semaphore, #tpu.memory_space<semaphore_mem>>) src(%dma_wait3A_493 : memref<4096xf32, #tpu.memory_space<vmem>>) dst(%dma_wait3A_491 : memref<4096xf32, #tpu.memory_space<hbm>>)
        %dma_wait3A_494 = arith.constant 12288 : i32
        %dma_wait3A_495 = tpu.memref_slice %arg9[%dma_wait3A_494] : memref<32768xf32, #tpu.memory_space<vmem>> -> memref<4096xf32, #tpu.memory_space<vmem>>
        %dma_wait3A_496 = tpu.memref_slice %arg4[%add3A_467] : memref<52428800xf32, #tpu.memory_space<hbm>> -> memref<4096xf32, #tpu.memory_space<hbm>>
        %dma_wait3A_497 = tpu.memref_slice %arg4[%add3A_467] : memref<52428800xf32, #tpu.memory_space<hbm>> -> memref<4096xf32, #tpu.memory_space<hbm>>
        %dma_wait3A_498 = arith.constant 12288 : i32
        %dma_wait3A_499 = tpu.memref_slice %arg9[%dma_wait3A_498] : memref<32768xf32, #tpu.memory_space<vmem>> -> memref<4096xf32, #tpu.memory_space<vmem>>
        tpu.wait_dma2 semaphore(%arg13 : memref<!tpu.dma_semaphore, #tpu.memory_space<semaphore_mem>>) src(%dma_wait3A_499 : memref<4096xf32, #tpu.memory_space<vmem>>) dst(%dma_wait3A_497 : memref<4096xf32, #tpu.memory_space<hbm>>)
        %dma_wait3A_500 = arith.constant 16384 : i32
        %dma_wait3A_501 = tpu.memref_slice %arg9[%dma_wait3A_500] : memref<32768xf32, #tpu.memory_space<vmem>> -> memref<4096xf32, #tpu.memory_space<vmem>>
        %dma_wait3A_502 = tpu.memref_slice %arg4[%add3A_469] : memref<52428800xf32, #tpu.memory_space<hbm>> -> memref<4096xf32, #tpu.memory_space<hbm>>
        %dma_wait3A_503 = tpu.memref_slice %arg4[%add3A_469] : memref<52428800xf32, #tpu.memory_space<hbm>> -> memref<4096xf32, #tpu.memory_space<hbm>>
        %dma_wait3A_504 = arith.constant 16384 : i32
        %dma_wait3A_505 = tpu.memref_slice %arg9[%dma_wait3A_504] : memref<32768xf32, #tpu.memory_space<vmem>> -> memref<4096xf32, #tpu.memory_space<vmem>>
        tpu.wait_dma2 semaphore(%arg13 : memref<!tpu.dma_semaphore, #tpu.memory_space<semaphore_mem>>) src(%dma_wait3A_505 : memref<4096xf32, #tpu.memory_space<vmem>>) dst(%dma_wait3A_503 : memref<4096xf32, #tpu.memory_space<hbm>>)
        %dma_wait3A_506 = arith.constant 20480 : i32
        %dma_wait3A_507 = tpu.memref_slice %arg9[%dma_wait3A_506] : memref<32768xf32, #tpu.memory_space<vmem>> -> memref<4096xf32, #tpu.memory_space<vmem>>
        %dma_wait3A_508 = tpu.memref_slice %arg4[%add3A_471] : memref<52428800xf32, #tpu.memory_space<hbm>> -> memref<4096xf32, #tpu.memory_space<hbm>>
        %dma_wait3A_509 = tpu.memref_slice %arg4[%add3A_471] : memref<52428800xf32, #tpu.memory_space<hbm>> -> memref<4096xf32, #tpu.memory_space<hbm>>
        %dma_wait3A_510 = arith.constant 20480 : i32
        %dma_wait3A_511 = tpu.memref_slice %arg9[%dma_wait3A_510] : memref<32768xf32, #tpu.memory_space<vmem>> -> memref<4096xf32, #tpu.memory_space<vmem>>
        tpu.wait_dma2 semaphore(%arg13 : memref<!tpu.dma_semaphore, #tpu.memory_space<semaphore_mem>>) src(%dma_wait3A_511 : memref<4096xf32, #tpu.memory_space<vmem>>) dst(%dma_wait3A_509 : memref<4096xf32, #tpu.memory_space<hbm>>)
        %dma_wait3A_512 = arith.constant 24576 : i32
        %dma_wait3A_513 = tpu.memref_slice %arg9[%dma_wait3A_512] : memref<32768xf32, #tpu.memory_space<vmem>> -> memref<4096xf32, #tpu.memory_space<vmem>>
        %dma_wait3A_514 = tpu.memref_slice %arg4[%add3A_473] : memref<52428800xf32, #tpu.memory_space<hbm>> -> memref<4096xf32, #tpu.memory_space<hbm>>
        %dma_wait3A_515 = tpu.memref_slice %arg4[%add3A_473] : memref<52428800xf32, #tpu.memory_space<hbm>> -> memref<4096xf32, #tpu.memory_space<hbm>>
        %dma_wait3A_516 = arith.constant 24576 : i32
        %dma_wait3A_517 = tpu.memref_slice %arg9[%dma_wait3A_516] : memref<32768xf32, #tpu.memory_space<vmem>> -> memref<4096xf32, #tpu.memory_space<vmem>>
        tpu.wait_dma2 semaphore(%arg13 : memref<!tpu.dma_semaphore, #tpu.memory_space<semaphore_mem>>) src(%dma_wait3A_517 : memref<4096xf32, #tpu.memory_space<vmem>>) dst(%dma_wait3A_515 : memref<4096xf32, #tpu.memory_space<hbm>>)
        %dma_wait3A_518 = arith.constant 28672 : i32
        %dma_wait3A_519 = tpu.memref_slice %arg9[%dma_wait3A_518] : memref<32768xf32, #tpu.memory_space<vmem>> -> memref<4096xf32, #tpu.memory_space<vmem>>
        %dma_wait3A_520 = tpu.memref_slice %arg4[%add3A_475] : memref<52428800xf32, #tpu.memory_space<hbm>> -> memref<4096xf32, #tpu.memory_space<hbm>>
        %dma_wait3A_521 = tpu.memref_slice %arg4[%add3A_475] : memref<52428800xf32, #tpu.memory_space<hbm>> -> memref<4096xf32, #tpu.memory_space<hbm>>
        %dma_wait3A_522 = arith.constant 28672 : i32
        %dma_wait3A_523 = tpu.memref_slice %arg9[%dma_wait3A_522] : memref<32768xf32, #tpu.memory_space<vmem>> -> memref<4096xf32, #tpu.memory_space<vmem>>
        tpu.wait_dma2 semaphore(%arg13 : memref<!tpu.dma_semaphore, #tpu.memory_space<semaphore_mem>>) src(%dma_wait3A_523 : memref<4096xf32, #tpu.memory_space<vmem>>) dst(%dma_wait3A_521 : memref<4096xf32, #tpu.memory_space<hbm>>)
      } else {
      }
      %dma_wait3A_349 = arith.constant 0 : i32
      %dma_wait3A_350 = tpu.memref_slice %arg5[%add3A_343, %dma_wait3A_349] : memref<50x512xi32, #tpu.memory_space<vmem>> -> memref<1x256xi32, #tpu.memory_space<vmem>>
      %dma_wait3A_351 = tpu.memref_squeeze %dma_wait3A_350 : memref<1x256xi32, #tpu.memory_space<vmem>> -> memref<256xi32, #tpu.memory_space<vmem>>
      %dma_wait3A_352 = arith.constant 0 : i32
      %dma_wait3A_353 = arith.constant 0 : i32
      %dma_wait3A_354 = tpu.memref_slice %arg2[%dma_wait3A_352, %dma_wait3A_353] : memref<1000000x64xf32, #tpu.memory_space<hbm>> -> memref<1000000x64xf32, #tpu.memory_space<hbm>>
      tpu.wait_indirect_dma semaphore(%arg10 : memref<!tpu.dma_semaphore, #tpu.memory_space<semaphore_mem>>) src(%dma_wait3A_354 : memref<1000000x64xf32, #tpu.memory_space<hbm>>) dst(%arg6 : memref<256x64xf32, #tpu.memory_space<vmem>>)
      %parallel_loop3A_355 = arith.constant 0 : i32
      %parallel_loop3A_356 = arith.constant 32 : i32
      %parallel_loop3A_357 = arith.constant 1 : i32
      scf.for %parallel_loop3A_450 = %parallel_loop3A_355 to %parallel_loop3A_356 step %parallel_loop3A_357  : i32 {
        %parallel_loop3A_451 = arith.constant 4 : i32
        %parallel_loop3A_452 = arith.muli %parallel_loop3A_450, %parallel_loop3A_451 : i32
        %parallel_loop3A_453 = arith.constant 0 : i32
        %parallel_loop3A_454 = arith.addi %parallel_loop3A_452, %parallel_loop3A_453 : i32
        %parallel_loop3A_455 = arith.constant 0 : i32
        %parallel_loop3A_456 = arith.addi %parallel_loop3A_455, %parallel_loop3A_454 : i32
        %parallel_loop3A_457 = arith.constant 0 : i32
        %parallel_loop3A_458 = arith.addi %parallel_loop3A_457, %parallel_loop3A_454 : i32
        %parallel_loop3A_459 = arith.index_cast %parallel_loop3A_458 : i32 to index
        %parallel_loop3A_460 = arith.constant 0 : index
        %parallel_loop3A_461 = tpu.vector_load %arg6[%parallel_loop3A_459, %parallel_loop3A_460] {strides = array<i32>} : memref<256x64xf32, #tpu.memory_space<vmem>>, vector<16xf32>,
        %parallel_loop3A_462 = vector.broadcast %parallel_loop3A_456 : i32 to vector<16xi32>
        %parallel_loop3A_463 = arith.addi %add3A_19, %parallel_loop3A_462 : vector<16xi32>
        tpu.vector_store_idx %arg9[%parallel_loop3A_463], %parallel_loop3A_461 : memref<32768xf32, #tpu.memory_space<vmem>>[vector<16xi32>], vector<16xf32>,
        %parallel_loop3A_464 = arith.constant 0 : i32
        %parallel_loop3A_465 = arith.addi %parallel_loop3A_464, %parallel_loop3A_454 : i32
        %parallel_loop3A_466 = arith.index_cast %parallel_loop3A_465 : i32 to index
        %parallel_loop3A_467 = arith.constant 16 : index
        %parallel_loop3A_468 = tpu.vector_load %arg6[%parallel_loop3A_466, %parallel_loop3A_467] {strides = array<i32>} : memref<256x64xf32, #tpu.memory_space<vmem>>, vector<16xf32>,
        %parallel_loop3A_469 = vector.broadcast %parallel_loop3A_456 : i32 to vector<16xi32>
        %parallel_loop3A_470 = arith.addi %add3A_38, %parallel_loop3A_469 : vector<16xi32>
        tpu.vector_store_idx %arg9[%parallel_loop3A_470], %parallel_loop3A_468 : memref<32768xf32, #tpu.memory_space<vmem>>[vector<16xi32>], vector<16xf32>,
        %parallel_loop3A_471 = arith.constant 0 : i32
        %parallel_loop3A_472 = arith.addi %parallel_loop3A_471, %parallel_loop3A_454 : i32
        %parallel_loop3A_473 = arith.index_cast %parallel_loop3A_472 : i32 to index
        %parallel_loop3A_474 = arith.constant 32 : index
        %parallel_loop3A_475 = tpu.vector_load %arg6[%parallel_loop3A_473, %parallel_loop3A_474] {strides = array<i32>} : memref<256x64xf32, #tpu.memory_space<vmem>>, vector<16xf32>,
        %parallel_loop3A_476 = vector.broadcast %parallel_loop3A_456 : i32 to vector<16xi32>
        %parallel_loop3A_477 = arith.addi %add3A_57, %parallel_loop3A_476 : vector<16xi32>
        tpu.vector_store_idx %arg9[%parallel_loop3A_477], %parallel_loop3A_475 : memref<32768xf32, #tpu.memory_space<vmem>>[vector<16xi32>], vector<16xf32>,
        %parallel_loop3A_478 = arith.constant 0 : i32
        %parallel_loop3A_479 = arith.addi %parallel_loop3A_478, %parallel_loop3A_454 : i32
        %parallel_loop3A_480 = arith.index_cast %parallel_loop3A_479 : i32 to index
        %parallel_loop3A_481 = arith.constant 48 : index
        %parallel_loop3A_482 = tpu.vector_load %arg6[%parallel_loop3A_480, %parallel_loop3A_481] {strides = array<i32>} : memref<256x64xf32, #tpu.memory_space<vmem>>, vector<16xf32>,
        %parallel_loop3A_483 = vector.broadcast %parallel_loop3A_456 : i32 to vector<16xi32>
        %parallel_loop3A_484 = arith.addi %add3A_76, %parallel_loop3A_483 : vector<16xi32>
        tpu.vector_store_idx %arg9[%parallel_loop3A_484], %parallel_loop3A_482 : memref<32768xf32, #tpu.memory_space<vmem>>[vector<16xi32>], vector<16xf32>,
        %parallel_loop3A_485 = arith.constant 1024 : i32
        %parallel_loop3A_486 = arith.addi %parallel_loop3A_485, %parallel_loop3A_454 : i32
        %parallel_loop3A_487 = arith.constant 128 : i32
        %parallel_loop3A_488 = arith.addi %parallel_loop3A_487, %parallel_loop3A_454 : i32
        %parallel_loop3A_489 = arith.index_cast %parallel_loop3A_488 : i32 to index
        %parallel_loop3A_490 = arith.constant 0 : index
        %parallel_loop3A_491 = tpu.vector_load %arg6[%parallel_loop3A_489, %parallel_loop3A_490] {strides = array<i32>} : memref<256x64xf32, #tpu.memory_space<vmem>>, vector<16xf32>,
        %parallel_loop3A_492 = vector.broadcast %parallel_loop3A_486 : i32 to vector<16xi32>
        %parallel_loop3A_493 = arith.addi %add3A_19, %parallel_loop3A_492 : vector<16xi32>
        tpu.vector_store_idx %arg9[%parallel_loop3A_493], %parallel_loop3A_491 : memref<32768xf32, #tpu.memory_space<vmem>>[vector<16xi32>], vector<16xf32>,
        %parallel_loop3A_494 = arith.constant 128 : i32
        %parallel_loop3A_495 = arith.addi %parallel_loop3A_494, %parallel_loop3A_454 : i32
        %parallel_loop3A_496 = arith.index_cast %parallel_loop3A_495 : i32 to index
        %parallel_loop3A_497 = arith.constant 16 : index
        %parallel_loop3A_498 = tpu.vector_load %arg6[%parallel_loop3A_496, %parallel_loop3A_497] {strides = array<i32>} : memref<256x64xf32, #tpu.memory_space<vmem>>, vector<16xf32>,
        %parallel_loop3A_499 = vector.broadcast %parallel_loop3A_486 : i32 to vector<16xi32>
        %parallel_loop3A_500 = arith.addi %add3A_38, %parallel_loop3A_499 : vector<16xi32>
        tpu.vector_store_idx %arg9[%parallel_loop3A_500], %parallel_loop3A_498 : memref<32768xf32, #tpu.memory_space<vmem>>[vector<16xi32>], vector<16xf32>,
        %parallel_loop3A_501 = arith.constant 128 : i32
        %parallel_loop3A_502 = arith.addi %parallel_loop3A_501, %parallel_loop3A_454 : i32
        %parallel_loop3A_503 = arith.index_cast %parallel_loop3A_502 : i32 to index
        %parallel_loop3A_504 = arith.constant 32 : index
        %parallel_loop3A_505 = tpu.vector_load %arg6[%parallel_loop3A_503, %parallel_loop3A_504] {strides = array<i32>} : memref<256x64xf32, #tpu.memory_space<vmem>>, vector<16xf32>,
        %parallel_loop3A_506 = vector.broadcast %parallel_loop3A_486 : i32 to vector<16xi32>
        %parallel_loop3A_507 = arith.addi %add3A_57, %parallel_loop3A_506 : vector<16xi32>
        tpu.vector_store_idx %arg9[%parallel_loop3A_507], %parallel_loop3A_505 : memref<32768xf32, #tpu.memory_space<vmem>>[vector<16xi32>], vector<16xf32>,
        %parallel_loop3A_508 = arith.constant 128 : i32
        %parallel_loop3A_509 = arith.addi %parallel_loop3A_508, %parallel_loop3A_454 : i32
        %parallel_loop3A_510 = arith.index_cast %parallel_loop3A_509 : i32 to index
        %parallel_loop3A_511 = arith.constant 48 : index
        %parallel_loop3A_512 = tpu.vector_load %arg6[%parallel_loop3A_510, %parallel_loop3A_511] {strides = array<i32>} : memref<256x64xf32, #tpu.memory_space<vmem>>, vector<16xf32>,
        %parallel_loop3A_513 = vector.broadcast %parallel_loop3A_486 : i32 to vector<16xi32>
        %parallel_loop3A_514 = arith.addi %add3A_76, %parallel_loop3A_513 : vector<16xi32>
        tpu.vector_store_idx %arg9[%parallel_loop3A_514], %parallel_loop3A_512 : memref<32768xf32, #tpu.memory_space<vmem>>[vector<16xi32>], vector<16xf32>,
        %parallel_loop3A_515 = arith.constant 4 : i32
        %parallel_loop3A_516 = arith.muli %parallel_loop3A_450, %parallel_loop3A_515 : i32
        %parallel_loop3A_517 = arith.constant 1 : i32
        %parallel_loop3A_518 = arith.addi %parallel_loop3A_516, %parallel_loop3A_517 : i32
        %parallel_loop3A_519 = arith.constant 0 : i32
        %parallel_loop3A_520 = arith.addi %parallel_loop3A_519, %parallel_loop3A_518 : i32
        %parallel_loop3A_521 = arith.constant 0 : i32
        %parallel_loop3A_522 = arith.addi %parallel_loop3A_521, %parallel_loop3A_518 : i32
        %parallel_loop3A_523 = arith.index_cast %parallel_loop3A_522 : i32 to index
        %parallel_loop3A_524 = arith.constant 0 : index
        %parallel_loop3A_525 = tpu.vector_load %arg6[%parallel_loop3A_523, %parallel_loop3A_524] {strides = array<i32>} : memref<256x64xf32, #tpu.memory_space<vmem>>, vector<16xf32>,
        %parallel_loop3A_526 = vector.broadcast %parallel_loop3A_520 : i32 to vector<16xi32>
        %parallel_loop3A_527 = arith.addi %add3A_19, %parallel_loop3A_526 : vector<16xi32>
        tpu.vector_store_idx %arg9[%parallel_loop3A_527], %parallel_loop3A_525 : memref<32768xf32, #tpu.memory_space<vmem>>[vector<16xi32>], vector<16xf32>,
        %parallel_loop3A_528 = arith.constant 0 : i32
        %parallel_loop3A_529 = arith.addi %parallel_loop3A_528, %parallel_loop3A_518 : i32
        %parallel_loop3A_530 = arith.index_cast %parallel_loop3A_529 : i32 to index
        %parallel_loop3A_531 = arith.constant 16 : index
        %parallel_loop3A_532 = tpu.vector_load %arg6[%parallel_loop3A_530, %parallel_loop3A_531] {strides = array<i32>} : memref<256x64xf32, #tpu.memory_space<vmem>>, vector<16xf32>,
        %parallel_loop3A_533 = vector.broadcast %parallel_loop3A_520 : i32 to vector<16xi32>
        %parallel_loop3A_534 = arith.addi %add3A_38, %parallel_loop3A_533 : vector<16xi32>
        tpu.vector_store_idx %arg9[%parallel_loop3A_534], %parallel_loop3A_532 : memref<32768xf32, #tpu.memory_space<vmem>>[vector<16xi32>], vector<16xf32>,
        %parallel_loop3A_535 = arith.constant 0 : i32
        %parallel_loop3A_536 = arith.addi %parallel_loop3A_535, %parallel_loop3A_518 : i32
        %parallel_loop3A_537 = arith.index_cast %parallel_loop3A_536 : i32 to index
        %parallel_loop3A_538 = arith.constant 32 : index
        %parallel_loop3A_539 = tpu.vector_load %arg6[%parallel_loop3A_537, %parallel_loop3A_538] {strides = array<i32>} : memref<256x64xf32, #tpu.memory_space<vmem>>, vector<16xf32>,
        %parallel_loop3A_540 = vector.broadcast %parallel_loop3A_520 : i32 to vector<16xi32>
        %parallel_loop3A_541 = arith.addi %add3A_57, %parallel_loop3A_540 : vector<16xi32>
        tpu.vector_store_idx %arg9[%parallel_loop3A_541], %parallel_loop3A_539 : memref<32768xf32, #tpu.memory_space<vmem>>[vector<16xi32>], vector<16xf32>,
        %parallel_loop3A_542 = arith.constant 0 : i32
        %parallel_loop3A_543 = arith.addi %parallel_loop3A_542, %parallel_loop3A_518 : i32
        %parallel_loop3A_544 = arith.index_cast %parallel_loop3A_543 : i32 to index
        %parallel_loop3A_545 = arith.constant 48 : index
        %parallel_loop3A_546 = tpu.vector_load %arg6[%parallel_loop3A_544, %parallel_loop3A_545] {strides = array<i32>} : memref<256x64xf32, #tpu.memory_space<vmem>>, vector<16xf32>,
        %parallel_loop3A_547 = vector.broadcast %parallel_loop3A_520 : i32 to vector<16xi32>
        %parallel_loop3A_548 = arith.addi %add3A_76, %parallel_loop3A_547 : vector<16xi32>
        tpu.vector_store_idx %arg9[%parallel_loop3A_548], %parallel_loop3A_546 : memref<32768xf32, #tpu.memory_space<vmem>>[vector<16xi32>], vector<16xf32>,
        %parallel_loop3A_549 = arith.constant 1024 : i32
        %parallel_loop3A_550 = arith.addi %parallel_loop3A_549, %parallel_loop3A_518 : i32
        %parallel_loop3A_551 = arith.constant 128 : i32
        %parallel_loop3A_552 = arith.addi %parallel_loop3A_551, %parallel_loop3A_518 : i32
        %parallel_loop3A_553 = arith.index_cast %parallel_loop3A_552 : i32 to index
        %parallel_loop3A_554 = arith.constant 0 : index
        %parallel_loop3A_555 = tpu.vector_load %arg6[%parallel_loop3A_553, %parallel_loop3A_554] {strides = array<i32>} : memref<256x64xf32, #tpu.memory_space<vmem>>, vector<16xf32>,
        %parallel_loop3A_556 = vector.broadcast %parallel_loop3A_550 : i32 to vector<16xi32>
        %parallel_loop3A_557 = arith.addi %add3A_19, %parallel_loop3A_556 : vector<16xi32>
        tpu.vector_store_idx %arg9[%parallel_loop3A_557], %parallel_loop3A_555 : memref<32768xf32, #tpu.memory_space<vmem>>[vector<16xi32>], vector<16xf32>,
        %parallel_loop3A_558 = arith.constant 128 : i32
        %parallel_loop3A_559 = arith.addi %parallel_loop3A_558, %parallel_loop3A_518 : i32
        %parallel_loop3A_560 = arith.index_cast %parallel_loop3A_559 : i32 to index
        %parallel_loop3A_561 = arith.constant 16 : index
        %parallel_loop3A_562 = tpu.vector_load %arg6[%parallel_loop3A_560, %parallel_loop3A_561] {strides = array<i32>} : memref<256x64xf32, #tpu.memory_space<vmem>>, vector<16xf32>,
        %parallel_loop3A_563 = vector.broadcast %parallel_loop3A_550 : i32 to vector<16xi32>
        %parallel_loop3A_564 = arith.addi %add3A_38, %parallel_loop3A_563 : vector<16xi32>
        tpu.vector_store_idx %arg9[%parallel_loop3A_564], %parallel_loop3A_562 : memref<32768xf32, #tpu.memory_space<vmem>>[vector<16xi32>], vector<16xf32>,
        %parallel_loop3A_565 = arith.constant 128 : i32
        %parallel_loop3A_566 = arith.addi %parallel_loop3A_565, %parallel_loop3A_518 : i32
        %parallel_loop3A_567 = arith.index_cast %parallel_loop3A_566 : i32 to index
        %parallel_loop3A_568 = arith.constant 32 : index
        %parallel_loop3A_569 = tpu.vector_load %arg6[%parallel_loop3A_567, %parallel_loop3A_568] {strides = array<i32>} : memref<256x64xf32, #tpu.memory_space<vmem>>, vector<16xf32>,
        %parallel_loop3A_570 = vector.broadcast %parallel_loop3A_550 : i32 to vector<16xi32>
        %parallel_loop3A_571 = arith.addi %add3A_57, %parallel_loop3A_570 : vector<16xi32>
        tpu.vector_store_idx %arg9[%parallel_loop3A_571], %parallel_loop3A_569 : memref<32768xf32, #tpu.memory_space<vmem>>[vector<16xi32>], vector<16xf32>,
        %parallel_loop3A_572 = arith.constant 128 : i32
        %parallel_loop3A_573 = arith.addi %parallel_loop3A_572, %parallel_loop3A_518 : i32
        %parallel_loop3A_574 = arith.index_cast %parallel_loop3A_573 : i32 to index
        %parallel_loop3A_575 = arith.constant 48 : index
        %parallel_loop3A_576 = tpu.vector_load %arg6[%parallel_loop3A_574, %parallel_loop3A_575] {strides = array<i32>} : memref<256x64xf32, #tpu.memory_space<vmem>>, vector<16xf32>,
        %parallel_loop3A_577 = vector.broadcast %parallel_loop3A_550 : i32 to vector<16xi32>
        %parallel_loop3A_578 = arith.addi %add3A_76, %parallel_loop3A_577 : vector<16xi32>
        tpu.vector_store_idx %arg9[%parallel_loop3A_578], %parallel_loop3A_576 : memref<32768xf32, #tpu.memory_space<vmem>>[vector<16xi32>], vector<16xf32>,
        %parallel_loop3A_579 = arith.constant 4 : i32
        %parallel_loop3A_580 = arith.muli %parallel_loop3A_450, %parallel_loop3A_579 : i32
        %parallel_loop3A_581 = arith.constant 2 : i32
        %parallel_loop3A_582 = arith.addi %parallel_loop3A_580, %parallel_loop3A_581 : i32
        %parallel_loop3A_583 = arith.constant 0 : i32
        %parallel_loop3A_584 = arith.addi %parallel_loop3A_583, %parallel_loop3A_582 : i32
        %parallel_loop3A_585 = arith.constant 0 : i32
        %parallel_loop3A_586 = arith.addi %parallel_loop3A_585, %parallel_loop3A_582 : i32
        %parallel_loop3A_587 = arith.index_cast %parallel_loop3A_586 : i32 to index
        %parallel_loop3A_588 = arith.constant 0 : index
        %parallel_loop3A_589 = tpu.vector_load %arg6[%parallel_loop3A_587, %parallel_loop3A_588] {strides = array<i32>} : memref<256x64xf32, #tpu.memory_space<vmem>>, vector<16xf32>,
        %parallel_loop3A_590 = vector.broadcast %parallel_loop3A_584 : i32 to vector<16xi32>
        %parallel_loop3A_591 = arith.addi %add3A_19, %parallel_loop3A_590 : vector<16xi32>
        tpu.vector_store_idx %arg9[%parallel_loop3A_591], %parallel_loop3A_589 : memref<32768xf32, #tpu.memory_space<vmem>>[vector<16xi32>], vector<16xf32>,
        %parallel_loop3A_592 = arith.constant 0 : i32
        %parallel_loop3A_593 = arith.addi %parallel_loop3A_592, %parallel_loop3A_582 : i32
        %parallel_loop3A_594 = arith.index_cast %parallel_loop3A_593 : i32 to index
        %parallel_loop3A_595 = arith.constant 16 : index
        %parallel_loop3A_596 = tpu.vector_load %arg6[%parallel_loop3A_594, %parallel_loop3A_595] {strides = array<i32>} : memref<256x64xf32, #tpu.memory_space<vmem>>, vector<16xf32>,
        %parallel_loop3A_597 = vector.broadcast %parallel_loop3A_584 : i32 to vector<16xi32>
        %parallel_loop3A_598 = arith.addi %add3A_38, %parallel_loop3A_597 : vector<16xi32>
        tpu.vector_store_idx %arg9[%parallel_loop3A_598], %parallel_loop3A_596 : memref<32768xf32, #tpu.memory_space<vmem>>[vector<16xi32>], vector<16xf32>,
        %parallel_loop3A_599 = arith.constant 0 : i32
        %parallel_loop3A_600 = arith.addi %parallel_loop3A_599, %parallel_loop3A_582 : i32
        %parallel_loop3A_601 = arith.index_cast %parallel_loop3A_600 : i32 to index
        %parallel_loop3A_602 = arith.constant 32 : index
        %parallel_loop3A_603 = tpu.vector_load %arg6[%parallel_loop3A_601, %parallel_loop3A_602] {strides = array<i32>} : memref<256x64xf32, #tpu.memory_space<vmem>>, vector<16xf32>,
        %parallel_loop3A_604 = vector.broadcast %parallel_loop3A_584 : i32 to vector<16xi32>
        %parallel_loop3A_605 = arith.addi %add3A_57, %parallel_loop3A_604 : vector<16xi32>
        tpu.vector_store_idx %arg9[%parallel_loop3A_605], %parallel_loop3A_603 : memref<32768xf32, #tpu.memory_space<vmem>>[vector<16xi32>], vector<16xf32>,
        %parallel_loop3A_606 = arith.constant 0 : i32
        %parallel_loop3A_607 = arith.addi %parallel_loop3A_606, %parallel_loop3A_582 : i32
        %parallel_loop3A_608 = arith.index_cast %parallel_loop3A_607 : i32 to index
        %parallel_loop3A_609 = arith.constant 48 : index
        %parallel_loop3A_610 = tpu.vector_load %arg6[%parallel_loop3A_608, %parallel_loop3A_609] {strides = array<i32>} : memref<256x64xf32, #tpu.memory_space<vmem>>, vector<16xf32>,
        %parallel_loop3A_611 = vector.broadcast %parallel_loop3A_584 : i32 to vector<16xi32>
        %parallel_loop3A_612 = arith.addi %add3A_76, %parallel_loop3A_611 : vector<16xi32>
        tpu.vector_store_idx %arg9[%parallel_loop3A_612], %parallel_loop3A_610 : memref<32768xf32, #tpu.memory_space<vmem>>[vector<16xi32>], vector<16xf32>,
        %parallel_loop3A_613 = arith.constant 1024 : i32
        %parallel_loop3A_614 = arith.addi %parallel_loop3A_613, %parallel_loop3A_582 : i32
        %parallel_loop3A_615 = arith.constant 128 : i32
        %parallel_loop3A_616 = arith.addi %parallel_loop3A_615, %parallel_loop3A_582 : i32
        %parallel_loop3A_617 = arith.index_cast %parallel_loop3A_616 : i32 to index
        %parallel_loop3A_618 = arith.constant 0 : index
        %parallel_loop3A_619 = tpu.vector_load %arg6[%parallel_loop3A_617, %parallel_loop3A_618] {strides = array<i32>} : memref<256x64xf32, #tpu.memory_space<vmem>>, vector<16xf32>,
        %parallel_loop3A_620 = vector.broadcast %parallel_loop3A_614 : i32 to vector<16xi32>
        %parallel_loop3A_621 = arith.addi %add3A_19, %parallel_loop3A_620 : vector<16xi32>
        tpu.vector_store_idx %arg9[%parallel_loop3A_621], %parallel_loop3A_619 : memref<32768xf32, #tpu.memory_space<vmem>>[vector<16xi32>], vector<16xf32>,
        %parallel_loop3A_622 = arith.constant 128 : i32
        %parallel_loop3A_623 = arith.addi %parallel_loop3A_622, %parallel_loop3A_582 : i32
        %parallel_loop3A_624 = arith.index_cast %parallel_loop3A_623 : i32 to index
        %parallel_loop3A_625 = arith.constant 16 : index
        %parallel_loop3A_626 = tpu.vector_load %arg6[%parallel_loop3A_624, %parallel_loop3A_625] {strides = array<i32>} : memref<256x64xf32, #tpu.memory_space<vmem>>, vector<16xf32>,
        %parallel_loop3A_627 = vector.broadcast %parallel_loop3A_614 : i32 to vector<16xi32>
        %parallel_loop3A_628 = arith.addi %add3A_38, %parallel_loop3A_627 : vector<16xi32>
        tpu.vector_store_idx %arg9[%parallel_loop3A_628], %parallel_loop3A_626 : memref<32768xf32, #tpu.memory_space<vmem>>[vector<16xi32>], vector<16xf32>,
        %parallel_loop3A_629 = arith.constant 128 : i32
        %parallel_loop3A_630 = arith.addi %parallel_loop3A_629, %parallel_loop3A_582 : i32
        %parallel_loop3A_631 = arith.index_cast %parallel_loop3A_630 : i32 to index
        %parallel_loop3A_632 = arith.constant 32 : index
        %parallel_loop3A_633 = tpu.vector_load %arg6[%parallel_loop3A_631, %parallel_loop3A_632] {strides = array<i32>} : memref<256x64xf32, #tpu.memory_space<vmem>>, vector<16xf32>,
        %parallel_loop3A_634 = vector.broadcast %parallel_loop3A_614 : i32 to vector<16xi32>
        %parallel_loop3A_635 = arith.addi %add3A_57, %parallel_loop3A_634 : vector<16xi32>
        tpu.vector_store_idx %arg9[%parallel_loop3A_635], %parallel_loop3A_633 : memref<32768xf32, #tpu.memory_space<vmem>>[vector<16xi32>], vector<16xf32>,
        %parallel_loop3A_636 = arith.constant 128 : i32
        %parallel_loop3A_637 = arith.addi %parallel_loop3A_636, %parallel_loop3A_582 : i32
        %parallel_loop3A_638 = arith.index_cast %parallel_loop3A_637 : i32 to index
        %parallel_loop3A_639 = arith.constant 48 : index
        %parallel_loop3A_640 = tpu.vector_load %arg6[%parallel_loop3A_638, %parallel_loop3A_639] {strides = array<i32>} : memref<256x64xf32, #tpu.memory_space<vmem>>, vector<16xf32>,
        %parallel_loop3A_641 = vector.broadcast %parallel_loop3A_614 : i32 to vector<16xi32>
        %parallel_loop3A_642 = arith.addi %add3A_76, %parallel_loop3A_641 : vector<16xi32>
        tpu.vector_store_idx %arg9[%parallel_loop3A_642], %parallel_loop3A_640 : memref<32768xf32, #tpu.memory_space<vmem>>[vector<16xi32>], vector<16xf32>,
        %parallel_loop3A_643 = arith.constant 4 : i32
        %parallel_loop3A_644 = arith.muli %parallel_loop3A_450, %parallel_loop3A_643 : i32
        %parallel_loop3A_645 = arith.constant 3 : i32
        %parallel_loop3A_646 = arith.addi %parallel_loop3A_644, %parallel_loop3A_645 : i32
        %parallel_loop3A_647 = arith.constant 0 : i32
        %parallel_loop3A_648 = arith.addi %parallel_loop3A_647, %parallel_loop3A_646 : i32
        %parallel_loop3A_649 = arith.constant 0 : i32
        %parallel_loop3A_650 = arith.addi %parallel_loop3A_649, %parallel_loop3A_646 : i32
        %parallel_loop3A_651 = arith.index_cast %parallel_loop3A_650 : i32 to index
        %parallel_loop3A_652 = arith.constant 0 : index
        %parallel_loop3A_653 = tpu.vector_load %arg6[%parallel_loop3A_651, %parallel_loop3A_652] {strides = array<i32>} : memref<256x64xf32, #tpu.memory_space<vmem>>, vector<16xf32>,
        %parallel_loop3A_654 = vector.broadcast %parallel_loop3A_648 : i32 to vector<16xi32>
        %parallel_loop3A_655 = arith.addi %add3A_19, %parallel_loop3A_654 : vector<16xi32>
        tpu.vector_store_idx %arg9[%parallel_loop3A_655], %parallel_loop3A_653 : memref<32768xf32, #tpu.memory_space<vmem>>[vector<16xi32>], vector<16xf32>,
        %parallel_loop3A_656 = arith.constant 0 : i32
        %parallel_loop3A_657 = arith.addi %parallel_loop3A_656, %parallel_loop3A_646 : i32
        %parallel_loop3A_658 = arith.index_cast %parallel_loop3A_657 : i32 to index
        %parallel_loop3A_659 = arith.constant 16 : index
        %parallel_loop3A_660 = tpu.vector_load %arg6[%parallel_loop3A_658, %parallel_loop3A_659] {strides = array<i32>} : memref<256x64xf32, #tpu.memory_space<vmem>>, vector<16xf32>,
        %parallel_loop3A_661 = vector.broadcast %parallel_loop3A_648 : i32 to vector<16xi32>
        %parallel_loop3A_662 = arith.addi %add3A_38, %parallel_loop3A_661 : vector<16xi32>
        tpu.vector_store_idx %arg9[%parallel_loop3A_662], %parallel_loop3A_660 : memref<32768xf32, #tpu.memory_space<vmem>>[vector<16xi32>], vector<16xf32>,
        %parallel_loop3A_663 = arith.constant 0 : i32
        %parallel_loop3A_664 = arith.addi %parallel_loop3A_663, %parallel_loop3A_646 : i32
        %parallel_loop3A_665 = arith.index_cast %parallel_loop3A_664 : i32 to index
        %parallel_loop3A_666 = arith.constant 32 : index
        %parallel_loop3A_667 = tpu.vector_load %arg6[%parallel_loop3A_665, %parallel_loop3A_666] {strides = array<i32>} : memref<256x64xf32, #tpu.memory_space<vmem>>, vector<16xf32>,
        %parallel_loop3A_668 = vector.broadcast %parallel_loop3A_648 : i32 to vector<16xi32>
        %parallel_loop3A_669 = arith.addi %add3A_57, %parallel_loop3A_668 : vector<16xi32>
        tpu.vector_store_idx %arg9[%parallel_loop3A_669], %parallel_loop3A_667 : memref<32768xf32, #tpu.memory_space<vmem>>[vector<16xi32>], vector<16xf32>,
        %parallel_loop3A_670 = arith.constant 0 : i32
        %parallel_loop3A_671 = arith.addi %parallel_loop3A_670, %parallel_loop3A_646 : i32
        %parallel_loop3A_672 = arith.index_cast %parallel_loop3A_671 : i32 to index
        %parallel_loop3A_673 = arith.constant 48 : index
        %parallel_loop3A_674 = tpu.vector_load %arg6[%parallel_loop3A_672, %parallel_loop3A_673] {strides = array<i32>} : memref<256x64xf32, #tpu.memory_space<vmem>>, vector<16xf32>,
        %parallel_loop3A_675 = vector.broadcast %parallel_loop3A_648 : i32 to vector<16xi32>
        %parallel_loop3A_676 = arith.addi %add3A_76, %parallel_loop3A_675 : vector<16xi32>
        tpu.vector_store_idx %arg9[%parallel_loop3A_676], %parallel_loop3A_674 : memref<32768xf32, #tpu.memory_space<vmem>>[vector<16xi32>], vector<16xf32>,
        %parallel_loop3A_677 = arith.constant 1024 : i32
        %parallel_loop3A_678 = arith.addi %parallel_loop3A_677, %parallel_loop3A_646 : i32
        %parallel_loop3A_679 = arith.constant 128 : i32
        %parallel_loop3A_680 = arith.addi %parallel_loop3A_679, %parallel_loop3A_646 : i32
        %parallel_loop3A_681 = arith.index_cast %parallel_loop3A_680 : i32 to index
        %parallel_loop3A_682 = arith.constant 0 : index
        %parallel_loop3A_683 = tpu.vector_load %arg6[%parallel_loop3A_681, %parallel_loop3A_682] {strides = array<i32>} : memref<256x64xf32, #tpu.memory_space<vmem>>, vector<16xf32>,
        %parallel_loop3A_684 = vector.broadcast %parallel_loop3A_678 : i32 to vector<16xi32>
        %parallel_loop3A_685 = arith.addi %add3A_19, %parallel_loop3A_684 : vector<16xi32>
        tpu.vector_store_idx %arg9[%parallel_loop3A_685], %parallel_loop3A_683 : memref<32768xf32, #tpu.memory_space<vmem>>[vector<16xi32>], vector<16xf32>,
        %parallel_loop3A_686 = arith.constant 128 : i32
        %parallel_loop3A_687 = arith.addi %parallel_loop3A_686, %parallel_loop3A_646 : i32
        %parallel_loop3A_688 = arith.index_cast %parallel_loop3A_687 : i32 to index
        %parallel_loop3A_689 = arith.constant 16 : index
        %parallel_loop3A_690 = tpu.vector_load %arg6[%parallel_loop3A_688, %parallel_loop3A_689] {strides = array<i32>} : memref<256x64xf32, #tpu.memory_space<vmem>>, vector<16xf32>,
        %parallel_loop3A_691 = vector.broadcast %parallel_loop3A_678 : i32 to vector<16xi32>
        %parallel_loop3A_692 = arith.addi %add3A_38, %parallel_loop3A_691 : vector<16xi32>
        tpu.vector_store_idx %arg9[%parallel_loop3A_692], %parallel_loop3A_690 : memref<32768xf32, #tpu.memory_space<vmem>>[vector<16xi32>], vector<16xf32>,
        %parallel_loop3A_693 = arith.constant 128 : i32
        %parallel_loop3A_694 = arith.addi %parallel_loop3A_693, %parallel_loop3A_646 : i32
        %parallel_loop3A_695 = arith.index_cast %parallel_loop3A_694 : i32 to index
        %parallel_loop3A_696 = arith.constant 32 : index
        %parallel_loop3A_697 = tpu.vector_load %arg6[%parallel_loop3A_695, %parallel_loop3A_696] {strides = array<i32>} : memref<256x64xf32, #tpu.memory_space<vmem>>, vector<16xf32>,
        %parallel_loop3A_698 = vector.broadcast %parallel_loop3A_678 : i32 to vector<16xi32>
        %parallel_loop3A_699 = arith.addi %add3A_57, %parallel_loop3A_698 : vector<16xi32>
        tpu.vector_store_idx %arg9[%parallel_loop3A_699], %parallel_loop3A_697 : memref<32768xf32, #tpu.memory_space<vmem>>[vector<16xi32>], vector<16xf32>,
        %parallel_loop3A_700 = arith.constant 128 : i32
        %parallel_loop3A_701 = arith.addi %parallel_loop3A_700, %parallel_loop3A_646 : i32
        %parallel_loop3A_702 = arith.index_cast %parallel_loop3A_701 : i32 to index
        %parallel_loop3A_703 = arith.constant 48 : index
        %parallel_loop3A_704 = tpu.vector_load %arg6[%parallel_loop3A_702, %parallel_loop3A_703] {strides = array<i32>} : memref<256x64xf32, #tpu.memory_space<vmem>>, vector<16xf32>,
        %parallel_loop3A_705 = vector.broadcast %parallel_loop3A_678 : i32 to vector<16xi32>
        %parallel_loop3A_706 = arith.addi %add3A_76, %parallel_loop3A_705 : vector<16xi32>
        tpu.vector_store_idx %arg9[%parallel_loop3A_706], %parallel_loop3A_704 : memref<32768xf32, #tpu.memory_space<vmem>>[vector<16xi32>], vector<16xf32>,
      } {sc.loop_unroll_factor = 1 : i64, sc.parallel_access}
      %lt3A_358 = arith.constant 49 : i32
      %lt3A_359 = arith.cmpi slt, %add3A_343, %lt3A_358 : i32
      %convert_element_type3A_360 = arith.extui %lt3A_359 : i1 to i32
      %cond3A_361 = arith.constant 0 : i32
      %cond3A_362 = arith.cmpi ne, %convert_element_type3A_360, %cond3A_361 : i32
      scf.if %cond3A_362 {
        %add3A_450 = arith.constant 1 : i32
        %add3A_451 = arith.addi %add3A_343, %add3A_450 : i32
        %dma_start3A_452 = arith.constant 0 : i32
        %dma_start3A_453 = tpu.memref_slice %arg5[%add3A_451, %dma_start3A_452] : memref<50x512xi32, #tpu.memory_space<vmem>> -> memref<1x256xi32, #tpu.memory_space<vmem>>
        %dma_start3A_454 = tpu.memref_squeeze %dma_start3A_453 : memref<1x256xi32, #tpu.memory_space<vmem>> -> memref<256xi32, #tpu.memory_space<vmem>>
        %dma_start3A_455 = arith.constant 0 : i32
        %dma_start3A_456 = arith.constant 0 : i32
        %dma_start3A_457 = tpu.memref_slice %arg2[%dma_start3A_455, %dma_start3A_456] : memref<1000000x64xf32, #tpu.memory_space<hbm>> -> memref<1000000x64xf32, #tpu.memory_space<hbm>>
        tpu.enqueue_indirect_dma source(%dma_start3A_457 : memref<1000000x64xf32, #tpu.memory_space<hbm>>) target(%arg6 : memref<256x64xf32, #tpu.memory_space<vmem>>) offsets(%dma_start3A_454 : memref<256xi32, #tpu.memory_space<vmem>>) semaphore(%arg10 : memref<!tpu.dma_semaphore, #tpu.memory_space<semaphore_mem>>)
      } else {
      }
      %dma_wait3A_363 = arith.constant 256 : i32
      %dma_wait3A_364 = tpu.memref_slice %arg5[%add3A_343, %dma_wait3A_363] : memref<50x512xi32, #tpu.memory_space<vmem>> -> memref<1x256xi32, #tpu.memory_space<vmem>>
      %dma_wait3A_365 = tpu.memref_squeeze %dma_wait3A_364 : memref<1x256xi32, #tpu.memory_space<vmem>> -> memref<256xi32, #tpu.memory_space<vmem>>
      %dma_wait3A_366 = arith.constant 0 : i32
      %dma_wait3A_367 = arith.constant 0 : i32
      %dma_wait3A_368 = tpu.memref_slice %arg2[%dma_wait3A_366, %dma_wait3A_367] : memref<1000000x64xf32, #tpu.memory_space<hbm>> -> memref<1000000x64xf32, #tpu.memory_space<hbm>>
      tpu.wait_indirect_dma semaphore(%arg11 : memref<!tpu.dma_semaphore, #tpu.memory_space<semaphore_mem>>) src(%dma_wait3A_368 : memref<1000000x64xf32, #tpu.memory_space<hbm>>) dst(%arg7 : memref<256x64xf32, #tpu.memory_space<vmem>>)
      %parallel_loop3A_369 = arith.constant 0 : i32
      %parallel_loop3A_370 = arith.constant 32 : i32
      %parallel_loop3A_371 = arith.constant 1 : i32
      scf.for %parallel_loop3A_450 = %parallel_loop3A_369 to %parallel_loop3A_370 step %parallel_loop3A_371  : i32 {
        %parallel_loop3A_451 = arith.constant 4 : i32
        %parallel_loop3A_452 = arith.muli %parallel_loop3A_450, %parallel_loop3A_451 : i32
        %parallel_loop3A_453 = arith.constant 0 : i32
        %parallel_loop3A_454 = arith.addi %parallel_loop3A_452, %parallel_loop3A_453 : i32
        %parallel_loop3A_455 = arith.constant 2048 : i32
        %parallel_loop3A_456 = arith.addi %parallel_loop3A_455, %parallel_loop3A_454 : i32
        %parallel_loop3A_457 = arith.constant 0 : i32
        %parallel_loop3A_458 = arith.addi %parallel_loop3A_457, %parallel_loop3A_454 : i32
        %parallel_loop3A_459 = arith.index_cast %parallel_loop3A_458 : i32 to index
        %parallel_loop3A_460 = arith.constant 0 : index
        %parallel_loop3A_461 = tpu.vector_load %arg7[%parallel_loop3A_459, %parallel_loop3A_460] {strides = array<i32>} : memref<256x64xf32, #tpu.memory_space<vmem>>, vector<16xf32>,
        %parallel_loop3A_462 = vector.broadcast %parallel_loop3A_456 : i32 to vector<16xi32>
        %parallel_loop3A_463 = arith.addi %add3A_19, %parallel_loop3A_462 : vector<16xi32>
        tpu.vector_store_idx %arg9[%parallel_loop3A_463], %parallel_loop3A_461 : memref<32768xf32, #tpu.memory_space<vmem>>[vector<16xi32>], vector<16xf32>,
        %parallel_loop3A_464 = arith.constant 0 : i32
        %parallel_loop3A_465 = arith.addi %parallel_loop3A_464, %parallel_loop3A_454 : i32
        %parallel_loop3A_466 = arith.index_cast %parallel_loop3A_465 : i32 to index
        %parallel_loop3A_467 = arith.constant 16 : index
        %parallel_loop3A_468 = tpu.vector_load %arg7[%parallel_loop3A_466, %parallel_loop3A_467] {strides = array<i32>} : memref<256x64xf32, #tpu.memory_space<vmem>>, vector<16xf32>,
        %parallel_loop3A_469 = vector.broadcast %parallel_loop3A_456 : i32 to vector<16xi32>
        %parallel_loop3A_470 = arith.addi %add3A_38, %parallel_loop3A_469 : vector<16xi32>
        tpu.vector_store_idx %arg9[%parallel_loop3A_470], %parallel_loop3A_468 : memref<32768xf32, #tpu.memory_space<vmem>>[vector<16xi32>], vector<16xf32>,
        %parallel_loop3A_471 = arith.constant 0 : i32
        %parallel_loop3A_472 = arith.addi %parallel_loop3A_471, %parallel_loop3A_454 : i32
        %parallel_loop3A_473 = arith.index_cast %parallel_loop3A_472 : i32 to index
        %parallel_loop3A_474 = arith.constant 32 : index
        %parallel_loop3A_475 = tpu.vector_load %arg7[%parallel_loop3A_473, %parallel_loop3A_474] {strides = array<i32>} : memref<256x64xf32, #tpu.memory_space<vmem>>, vector<16xf32>,
        %parallel_loop3A_476 = vector.broadcast %parallel_loop3A_456 : i32 to vector<16xi32>
        %parallel_loop3A_477 = arith.addi %add3A_57, %parallel_loop3A_476 : vector<16xi32>
        tpu.vector_store_idx %arg9[%parallel_loop3A_477], %parallel_loop3A_475 : memref<32768xf32, #tpu.memory_space<vmem>>[vector<16xi32>], vector<16xf32>,
        %parallel_loop3A_478 = arith.constant 0 : i32
        %parallel_loop3A_479 = arith.addi %parallel_loop3A_478, %parallel_loop3A_454 : i32
        %parallel_loop3A_480 = arith.index_cast %parallel_loop3A_479 : i32 to index
        %parallel_loop3A_481 = arith.constant 48 : index
        %parallel_loop3A_482 = tpu.vector_load %arg7[%parallel_loop3A_480, %parallel_loop3A_481] {strides = array<i32>} : memref<256x64xf32, #tpu.memory_space<vmem>>, vector<16xf32>,
        %parallel_loop3A_483 = vector.broadcast %parallel_loop3A_456 : i32 to vector<16xi32>
        %parallel_loop3A_484 = arith.addi %add3A_76, %parallel_loop3A_483 : vector<16xi32>
        tpu.vector_store_idx %arg9[%parallel_loop3A_484], %parallel_loop3A_482 : memref<32768xf32, #tpu.memory_space<vmem>>[vector<16xi32>], vector<16xf32>,
        %parallel_loop3A_485 = arith.constant 3072 : i32
        %parallel_loop3A_486 = arith.addi %parallel_loop3A_485, %parallel_loop3A_454 : i32
        %parallel_loop3A_487 = arith.constant 128 : i32
        %parallel_loop3A_488 = arith.addi %parallel_loop3A_487, %parallel_loop3A_454 : i32
        %parallel_loop3A_489 = arith.index_cast %parallel_loop3A_488 : i32 to index
        %parallel_loop3A_490 = arith.constant 0 : index
        %parallel_loop3A_491 = tpu.vector_load %arg7[%parallel_loop3A_489, %parallel_loop3A_490] {strides = array<i32>} : memref<256x64xf32, #tpu.memory_space<vmem>>, vector<16xf32>,
        %parallel_loop3A_492 = vector.broadcast %parallel_loop3A_486 : i32 to vector<16xi32>
        %parallel_loop3A_493 = arith.addi %add3A_19, %parallel_loop3A_492 : vector<16xi32>
        tpu.vector_store_idx %arg9[%parallel_loop3A_493], %parallel_loop3A_491 : memref<32768xf32, #tpu.memory_space<vmem>>[vector<16xi32>], vector<16xf32>,
        %parallel_loop3A_494 = arith.constant 128 : i32
        %parallel_loop3A_495 = arith.addi %parallel_loop3A_494, %parallel_loop3A_454 : i32
        %parallel_loop3A_496 = arith.index_cast %parallel_loop3A_495 : i32 to index
        %parallel_loop3A_497 = arith.constant 16 : index
        %parallel_loop3A_498 = tpu.vector_load %arg7[%parallel_loop3A_496, %parallel_loop3A_497] {strides = array<i32>} : memref<256x64xf32, #tpu.memory_space<vmem>>, vector<16xf32>,
        %parallel_loop3A_499 = vector.broadcast %parallel_loop3A_486 : i32 to vector<16xi32>
        %parallel_loop3A_500 = arith.addi %add3A_38, %parallel_loop3A_499 : vector<16xi32>
        tpu.vector_store_idx %arg9[%parallel_loop3A_500], %parallel_loop3A_498 : memref<32768xf32, #tpu.memory_space<vmem>>[vector<16xi32>], vector<16xf32>,
        %parallel_loop3A_501 = arith.constant 128 : i32
        %parallel_loop3A_502 = arith.addi %parallel_loop3A_501, %parallel_loop3A_454 : i32
        %parallel_loop3A_503 = arith.index_cast %parallel_loop3A_502 : i32 to index
        %parallel_loop3A_504 = arith.constant 32 : index
        %parallel_loop3A_505 = tpu.vector_load %arg7[%parallel_loop3A_503, %parallel_loop3A_504] {strides = array<i32>} : memref<256x64xf32, #tpu.memory_space<vmem>>, vector<16xf32>,
        %parallel_loop3A_506 = vector.broadcast %parallel_loop3A_486 : i32 to vector<16xi32>
        %parallel_loop3A_507 = arith.addi %add3A_57, %parallel_loop3A_506 : vector<16xi32>
        tpu.vector_store_idx %arg9[%parallel_loop3A_507], %parallel_loop3A_505 : memref<32768xf32, #tpu.memory_space<vmem>>[vector<16xi32>], vector<16xf32>,
        %parallel_loop3A_508 = arith.constant 128 : i32
        %parallel_loop3A_509 = arith.addi %parallel_loop3A_508, %parallel_loop3A_454 : i32
        %parallel_loop3A_510 = arith.index_cast %parallel_loop3A_509 : i32 to index
        %parallel_loop3A_511 = arith.constant 48 : index
        %parallel_loop3A_512 = tpu.vector_load %arg7[%parallel_loop3A_510, %parallel_loop3A_511] {strides = array<i32>} : memref<256x64xf32, #tpu.memory_space<vmem>>, vector<16xf32>,
        %parallel_loop3A_513 = vector.broadcast %parallel_loop3A_486 : i32 to vector<16xi32>
        %parallel_loop3A_514 = arith.addi %add3A_76, %parallel_loop3A_513 : vector<16xi32>
        tpu.vector_store_idx %arg9[%parallel_loop3A_514], %parallel_loop3A_512 : memref<32768xf32, #tpu.memory_space<vmem>>[vector<16xi32>], vector<16xf32>,
        %parallel_loop3A_515 = arith.constant 4 : i32
        %parallel_loop3A_516 = arith.muli %parallel_loop3A_450, %parallel_loop3A_515 : i32
        %parallel_loop3A_517 = arith.constant 1 : i32
        %parallel_loop3A_518 = arith.addi %parallel_loop3A_516, %parallel_loop3A_517 : i32
        %parallel_loop3A_519 = arith.constant 2048 : i32
        %parallel_loop3A_520 = arith.addi %parallel_loop3A_519, %parallel_loop3A_518 : i32
        %parallel_loop3A_521 = arith.constant 0 : i32
        %parallel_loop3A_522 = arith.addi %parallel_loop3A_521, %parallel_loop3A_518 : i32
        %parallel_loop3A_523 = arith.index_cast %parallel_loop3A_522 : i32 to index
        %parallel_loop3A_524 = arith.constant 0 : index
        %parallel_loop3A_525 = tpu.vector_load %arg7[%parallel_loop3A_523, %parallel_loop3A_524] {strides = array<i32>} : memref<256x64xf32, #tpu.memory_space<vmem>>, vector<16xf32>,
        %parallel_loop3A_526 = vector.broadcast %parallel_loop3A_520 : i32 to vector<16xi32>
        %parallel_loop3A_527 = arith.addi %add3A_19, %parallel_loop3A_526 : vector<16xi32>
        tpu.vector_store_idx %arg9[%parallel_loop3A_527], %parallel_loop3A_525 : memref<32768xf32, #tpu.memory_space<vmem>>[vector<16xi32>], vector<16xf32>,
        %parallel_loop3A_528 = arith.constant 0 : i32
        %parallel_loop3A_529 = arith.addi %parallel_loop3A_528, %parallel_loop3A_518 : i32
        %parallel_loop3A_530 = arith.index_cast %parallel_loop3A_529 : i32 to index
        %parallel_loop3A_531 = arith.constant 16 : index
        %parallel_loop3A_532 = tpu.vector_load %arg7[%parallel_loop3A_530, %parallel_loop3A_531] {strides = array<i32>} : memref<256x64xf32, #tpu.memory_space<vmem>>, vector<16xf32>,
        %parallel_loop3A_533 = vector.broadcast %parallel_loop3A_520 : i32 to vector<16xi32>
        %parallel_loop3A_534 = arith.addi %add3A_38, %parallel_loop3A_533 : vector<16xi32>
        tpu.vector_store_idx %arg9[%parallel_loop3A_534], %parallel_loop3A_532 : memref<32768xf32, #tpu.memory_space<vmem>>[vector<16xi32>], vector<16xf32>,
        %parallel_loop3A_535 = arith.constant 0 : i32
        %parallel_loop3A_536 = arith.addi %parallel_loop3A_535, %parallel_loop3A_518 : i32
        %parallel_loop3A_537 = arith.index_cast %parallel_loop3A_536 : i32 to index
        %parallel_loop3A_538 = arith.constant 32 : index
        %parallel_loop3A_539 = tpu.vector_load %arg7[%parallel_loop3A_537, %parallel_loop3A_538] {strides = array<i32>} : memref<256x64xf32, #tpu.memory_space<vmem>>, vector<16xf32>,
        %parallel_loop3A_540 = vector.broadcast %parallel_loop3A_520 : i32 to vector<16xi32>
        %parallel_loop3A_541 = arith.addi %add3A_57, %parallel_loop3A_540 : vector<16xi32>
        tpu.vector_store_idx %arg9[%parallel_loop3A_541], %parallel_loop3A_539 : memref<32768xf32, #tpu.memory_space<vmem>>[vector<16xi32>], vector<16xf32>,
        %parallel_loop3A_542 = arith.constant 0 : i32
        %parallel_loop3A_543 = arith.addi %parallel_loop3A_542, %parallel_loop3A_518 : i32
        %parallel_loop3A_544 = arith.index_cast %parallel_loop3A_543 : i32 to index
        %parallel_loop3A_545 = arith.constant 48 : index
        %parallel_loop3A_546 = tpu.vector_load %arg7[%parallel_loop3A_544, %parallel_loop3A_545] {strides = array<i32>} : memref<256x64xf32, #tpu.memory_space<vmem>>, vector<16xf32>,
        %parallel_loop3A_547 = vector.broadcast %parallel_loop3A_520 : i32 to vector<16xi32>
        %parallel_loop3A_548 = arith.addi %add3A_76, %parallel_loop3A_547 : vector<16xi32>
        tpu.vector_store_idx %arg9[%parallel_loop3A_548], %parallel_loop3A_546 : memref<32768xf32, #tpu.memory_space<vmem>>[vector<16xi32>], vector<16xf32>,
        %parallel_loop3A_549 = arith.constant 3072 : i32
        %parallel_loop3A_550 = arith.addi %parallel_loop3A_549, %parallel_loop3A_518 : i32
        %parallel_loop3A_551 = arith.constant 128 : i32
        %parallel_loop3A_552 = arith.addi %parallel_loop3A_551, %parallel_loop3A_518 : i32
        %parallel_loop3A_553 = arith.index_cast %parallel_loop3A_552 : i32 to index
        %parallel_loop3A_554 = arith.constant 0 : index
        %parallel_loop3A_555 = tpu.vector_load %arg7[%parallel_loop3A_553, %parallel_loop3A_554] {strides = array<i32>} : memref<256x64xf32, #tpu.memory_space<vmem>>, vector<16xf32>,
        %parallel_loop3A_556 = vector.broadcast %parallel_loop3A_550 : i32 to vector<16xi32>
        %parallel_loop3A_557 = arith.addi %add3A_19, %parallel_loop3A_556 : vector<16xi32>
        tpu.vector_store_idx %arg9[%parallel_loop3A_557], %parallel_loop3A_555 : memref<32768xf32, #tpu.memory_space<vmem>>[vector<16xi32>], vector<16xf32>,
        %parallel_loop3A_558 = arith.constant 128 : i32
        %parallel_loop3A_559 = arith.addi %parallel_loop3A_558, %parallel_loop3A_518 : i32
        %parallel_loop3A_560 = arith.index_cast %parallel_loop3A_559 : i32 to index
        %parallel_loop3A_561 = arith.constant 16 : index
        %parallel_loop3A_562 = tpu.vector_load %arg7[%parallel_loop3A_560, %parallel_loop3A_561] {strides = array<i32>} : memref<256x64xf32, #tpu.memory_space<vmem>>, vector<16xf32>,
        %parallel_loop3A_563 = vector.broadcast %parallel_loop3A_550 : i32 to vector<16xi32>
        %parallel_loop3A_564 = arith.addi %add3A_38, %parallel_loop3A_563 : vector<16xi32>
        tpu.vector_store_idx %arg9[%parallel_loop3A_564], %parallel_loop3A_562 : memref<32768xf32, #tpu.memory_space<vmem>>[vector<16xi32>], vector<16xf32>,
        %parallel_loop3A_565 = arith.constant 128 : i32
        %parallel_loop3A_566 = arith.addi %parallel_loop3A_565, %parallel_loop3A_518 : i32
        %parallel_loop3A_567 = arith.index_cast %parallel_loop3A_566 : i32 to index
        %parallel_loop3A_568 = arith.constant 32 : index
        %parallel_loop3A_569 = tpu.vector_load %arg7[%parallel_loop3A_567, %parallel_loop3A_568] {strides = array<i32>} : memref<256x64xf32, #tpu.memory_space<vmem>>, vector<16xf32>,
        %parallel_loop3A_570 = vector.broadcast %parallel_loop3A_550 : i32 to vector<16xi32>
        %parallel_loop3A_571 = arith.addi %add3A_57, %parallel_loop3A_570 : vector<16xi32>
        tpu.vector_store_idx %arg9[%parallel_loop3A_571], %parallel_loop3A_569 : memref<32768xf32, #tpu.memory_space<vmem>>[vector<16xi32>], vector<16xf32>,
        %parallel_loop3A_572 = arith.constant 128 : i32
        %parallel_loop3A_573 = arith.addi %parallel_loop3A_572, %parallel_loop3A_518 : i32
        %parallel_loop3A_574 = arith.index_cast %parallel_loop3A_573 : i32 to index
        %parallel_loop3A_575 = arith.constant 48 : index
        %parallel_loop3A_576 = tpu.vector_load %arg7[%parallel_loop3A_574, %parallel_loop3A_575] {strides = array<i32>} : memref<256x64xf32, #tpu.memory_space<vmem>>, vector<16xf32>,
        %parallel_loop3A_577 = vector.broadcast %parallel_loop3A_550 : i32 to vector<16xi32>
        %parallel_loop3A_578 = arith.addi %add3A_76, %parallel_loop3A_577 : vector<16xi32>
        tpu.vector_store_idx %arg9[%parallel_loop3A_578], %parallel_loop3A_576 : memref<32768xf32, #tpu.memory_space<vmem>>[vector<16xi32>], vector<16xf32>,
        %parallel_loop3A_579 = arith.constant 4 : i32
        %parallel_loop3A_580 = arith.muli %parallel_loop3A_450, %parallel_loop3A_579 : i32
        %parallel_loop3A_581 = arith.constant 2 : i32
        %parallel_loop3A_582 = arith.addi %parallel_loop3A_580, %parallel_loop3A_581 : i32
        %parallel_loop3A_583 = arith.constant 2048 : i32
        %parallel_loop3A_584 = arith.addi %parallel_loop3A_583, %parallel_loop3A_582 : i32
        %parallel_loop3A_585 = arith.constant 0 : i32
        %parallel_loop3A_586 = arith.addi %parallel_loop3A_585, %parallel_loop3A_582 : i32
        %parallel_loop3A_587 = arith.index_cast %parallel_loop3A_586 : i32 to index
        %parallel_loop3A_588 = arith.constant 0 : index
        %parallel_loop3A_589 = tpu.vector_load %arg7[%parallel_loop3A_587, %parallel_loop3A_588] {strides = array<i32>} : memref<256x64xf32, #tpu.memory_space<vmem>>, vector<16xf32>,
        %parallel_loop3A_590 = vector.broadcast %parallel_loop3A_584 : i32 to vector<16xi32>
        %parallel_loop3A_591 = arith.addi %add3A_19, %parallel_loop3A_590 : vector<16xi32>
        tpu.vector_store_idx %arg9[%parallel_loop3A_591], %parallel_loop3A_589 : memref<32768xf32, #tpu.memory_space<vmem>>[vector<16xi32>], vector<16xf32>,
        %parallel_loop3A_592 = arith.constant 0 : i32
        %parallel_loop3A_593 = arith.addi %parallel_loop3A_592, %parallel_loop3A_582 : i32
        %parallel_loop3A_594 = arith.index_cast %parallel_loop3A_593 : i32 to index
        %parallel_loop3A_595 = arith.constant 16 : index
        %parallel_loop3A_596 = tpu.vector_load %arg7[%parallel_loop3A_594, %parallel_loop3A_595] {strides = array<i32>} : memref<256x64xf32, #tpu.memory_space<vmem>>, vector<16xf32>,
        %parallel_loop3A_597 = vector.broadcast %parallel_loop3A_584 : i32 to vector<16xi32>
        %parallel_loop3A_598 = arith.addi %add3A_38, %parallel_loop3A_597 : vector<16xi32>
        tpu.vector_store_idx %arg9[%parallel_loop3A_598], %parallel_loop3A_596 : memref<32768xf32, #tpu.memory_space<vmem>>[vector<16xi32>], vector<16xf32>,
        %parallel_loop3A_599 = arith.constant 0 : i32
        %parallel_loop3A_600 = arith.addi %parallel_loop3A_599, %parallel_loop3A_582 : i32
        %parallel_loop3A_601 = arith.index_cast %parallel_loop3A_600 : i32 to index
        %parallel_loop3A_602 = arith.constant 32 : index
        %parallel_loop3A_603 = tpu.vector_load %arg7[%parallel_loop3A_601, %parallel_loop3A_602] {strides = array<i32>} : memref<256x64xf32, #tpu.memory_space<vmem>>, vector<16xf32>,
        %parallel_loop3A_604 = vector.broadcast %parallel_loop3A_584 : i32 to vector<16xi32>
        %parallel_loop3A_605 = arith.addi %add3A_57, %parallel_loop3A_604 : vector<16xi32>
        tpu.vector_store_idx %arg9[%parallel_loop3A_605], %parallel_loop3A_603 : memref<32768xf32, #tpu.memory_space<vmem>>[vector<16xi32>], vector<16xf32>,
        %parallel_loop3A_606 = arith.constant 0 : i32
        %parallel_loop3A_607 = arith.addi %parallel_loop3A_606, %parallel_loop3A_582 : i32
        %parallel_loop3A_608 = arith.index_cast %parallel_loop3A_607 : i32 to index
        %parallel_loop3A_609 = arith.constant 48 : index
        %parallel_loop3A_610 = tpu.vector_load %arg7[%parallel_loop3A_608, %parallel_loop3A_609] {strides = array<i32>} : memref<256x64xf32, #tpu.memory_space<vmem>>, vector<16xf32>,
        %parallel_loop3A_611 = vector.broadcast %parallel_loop3A_584 : i32 to vector<16xi32>
        %parallel_loop3A_612 = arith.addi %add3A_76, %parallel_loop3A_611 : vector<16xi32>
        tpu.vector_store_idx %arg9[%parallel_loop3A_612], %parallel_loop3A_610 : memref<32768xf32, #tpu.memory_space<vmem>>[vector<16xi32>], vector<16xf32>,
        %parallel_loop3A_613 = arith.constant 3072 : i32
        %parallel_loop3A_614 = arith.addi %parallel_loop3A_613, %parallel_loop3A_582 : i32
        %parallel_loop3A_615 = arith.constant 128 : i32
        %parallel_loop3A_616 = arith.addi %parallel_loop3A_615, %parallel_loop3A_582 : i32
        %parallel_loop3A_617 = arith.index_cast %parallel_loop3A_616 : i32 to index
        %parallel_loop3A_618 = arith.constant 0 : index
        %parallel_loop3A_619 = tpu.vector_load %arg7[%parallel_loop3A_617, %parallel_loop3A_618] {strides = array<i32>} : memref<256x64xf32, #tpu.memory_space<vmem>>, vector<16xf32>,
        %parallel_loop3A_620 = vector.broadcast %parallel_loop3A_614 : i32 to vector<16xi32>
        %parallel_loop3A_621 = arith.addi %add3A_19, %parallel_loop3A_620 : vector<16xi32>
        tpu.vector_store_idx %arg9[%parallel_loop3A_621], %parallel_loop3A_619 : memref<32768xf32, #tpu.memory_space<vmem>>[vector<16xi32>], vector<16xf32>,
        %parallel_loop3A_622 = arith.constant 128 : i32
        %parallel_loop3A_623 = arith.addi %parallel_loop3A_622, %parallel_loop3A_582 : i32
        %parallel_loop3A_624 = arith.index_cast %parallel_loop3A_623 : i32 to index
        %parallel_loop3A_625 = arith.constant 16 : index
        %parallel_loop3A_626 = tpu.vector_load %arg7[%parallel_loop3A_624, %parallel_loop3A_625] {strides = array<i32>} : memref<256x64xf32, #tpu.memory_space<vmem>>, vector<16xf32>,
        %parallel_loop3A_627 = vector.broadcast %parallel_loop3A_614 : i32 to vector<16xi32>
        %parallel_loop3A_628 = arith.addi %add3A_38, %parallel_loop3A_627 : vector<16xi32>
        tpu.vector_store_idx %arg9[%parallel_loop3A_628], %parallel_loop3A_626 : memref<32768xf32, #tpu.memory_space<vmem>>[vector<16xi32>], vector<16xf32>,
        %parallel_loop3A_629 = arith.constant 128 : i32
        %parallel_loop3A_630 = arith.addi %parallel_loop3A_629, %parallel_loop3A_582 : i32
        %parallel_loop3A_631 = arith.index_cast %parallel_loop3A_630 : i32 to index
        %parallel_loop3A_632 = arith.constant 32 : index
        %parallel_loop3A_633 = tpu.vector_load %arg7[%parallel_loop3A_631, %parallel_loop3A_632] {strides = array<i32>} : memref<256x64xf32, #tpu.memory_space<vmem>>, vector<16xf32>,
        %parallel_loop3A_634 = vector.broadcast %parallel_loop3A_614 : i32 to vector<16xi32>
        %parallel_loop3A_635 = arith.addi %add3A_57, %parallel_loop3A_634 : vector<16xi32>
        tpu.vector_store_idx %arg9[%parallel_loop3A_635], %parallel_loop3A_633 : memref<32768xf32, #tpu.memory_space<vmem>>[vector<16xi32>], vector<16xf32>,
        %parallel_loop3A_636 = arith.constant 128 : i32
        %parallel_loop3A_637 = arith.addi %parallel_loop3A_636, %parallel_loop3A_582 : i32
        %parallel_loop3A_638 = arith.index_cast %parallel_loop3A_637 : i32 to index
        %parallel_loop3A_639 = arith.constant 48 : index
        %parallel_loop3A_640 = tpu.vector_load %arg7[%parallel_loop3A_638, %parallel_loop3A_639] {strides = array<i32>} : memref<256x64xf32, #tpu.memory_space<vmem>>, vector<16xf32>,
        %parallel_loop3A_641 = vector.broadcast %parallel_loop3A_614 : i32 to vector<16xi32>
        %parallel_loop3A_642 = arith.addi %add3A_76, %parallel_loop3A_641 : vector<16xi32>
        tpu.vector_store_idx %arg9[%parallel_loop3A_642], %parallel_loop3A_640 : memref<32768xf32, #tpu.memory_space<vmem>>[vector<16xi32>], vector<16xf32>,
        %parallel_loop3A_643 = arith.constant 4 : i32
        %parallel_loop3A_644 = arith.muli %parallel_loop3A_450, %parallel_loop3A_643 : i32
        %parallel_loop3A_645 = arith.constant 3 : i32
        %parallel_loop3A_646 = arith.addi %parallel_loop3A_644, %parallel_loop3A_645 : i32
        %parallel_loop3A_647 = arith.constant 2048 : i32
        %parallel_loop3A_648 = arith.addi %parallel_loop3A_647, %parallel_loop3A_646 : i32
        %parallel_loop3A_649 = arith.constant 0 : i32
        %parallel_loop3A_650 = arith.addi %parallel_loop3A_649, %parallel_loop3A_646 : i32
        %parallel_loop3A_651 = arith.index_cast %parallel_loop3A_650 : i32 to index
        %parallel_loop3A_652 = arith.constant 0 : index
        %parallel_loop3A_653 = tpu.vector_load %arg7[%parallel_loop3A_651, %parallel_loop3A_652] {strides = array<i32>} : memref<256x64xf32, #tpu.memory_space<vmem>>, vector<16xf32>,
        %parallel_loop3A_654 = vector.broadcast %parallel_loop3A_648 : i32 to vector<16xi32>
        %parallel_loop3A_655 = arith.addi %add3A_19, %parallel_loop3A_654 : vector<16xi32>
        tpu.vector_store_idx %arg9[%parallel_loop3A_655], %parallel_loop3A_653 : memref<32768xf32, #tpu.memory_space<vmem>>[vector<16xi32>], vector<16xf32>,
        %parallel_loop3A_656 = arith.constant 0 : i32
        %parallel_loop3A_657 = arith.addi %parallel_loop3A_656, %parallel_loop3A_646 : i32
        %parallel_loop3A_658 = arith.index_cast %parallel_loop3A_657 : i32 to index
        %parallel_loop3A_659 = arith.constant 16 : index
        %parallel_loop3A_660 = tpu.vector_load %arg7[%parallel_loop3A_658, %parallel_loop3A_659] {strides = array<i32>} : memref<256x64xf32, #tpu.memory_space<vmem>>, vector<16xf32>,
        %parallel_loop3A_661 = vector.broadcast %parallel_loop3A_648 : i32 to vector<16xi32>
        %parallel_loop3A_662 = arith.addi %add3A_38, %parallel_loop3A_661 : vector<16xi32>
        tpu.vector_store_idx %arg9[%parallel_loop3A_662], %parallel_loop3A_660 : memref<32768xf32, #tpu.memory_space<vmem>>[vector<16xi32>], vector<16xf32>,
        %parallel_loop3A_663 = arith.constant 0 : i32
        %parallel_loop3A_664 = arith.addi %parallel_loop3A_663, %parallel_loop3A_646 : i32
        %parallel_loop3A_665 = arith.index_cast %parallel_loop3A_664 : i32 to index
        %parallel_loop3A_666 = arith.constant 32 : index
        %parallel_loop3A_667 = tpu.vector_load %arg7[%parallel_loop3A_665, %parallel_loop3A_666] {strides = array<i32>} : memref<256x64xf32, #tpu.memory_space<vmem>>, vector<16xf32>,
        %parallel_loop3A_668 = vector.broadcast %parallel_loop3A_648 : i32 to vector<16xi32>
        %parallel_loop3A_669 = arith.addi %add3A_57, %parallel_loop3A_668 : vector<16xi32>
        tpu.vector_store_idx %arg9[%parallel_loop3A_669], %parallel_loop3A_667 : memref<32768xf32, #tpu.memory_space<vmem>>[vector<16xi32>], vector<16xf32>,
        %parallel_loop3A_670 = arith.constant 0 : i32
        %parallel_loop3A_671 = arith.addi %parallel_loop3A_670, %parallel_loop3A_646 : i32
        %parallel_loop3A_672 = arith.index_cast %parallel_loop3A_671 : i32 to index
        %parallel_loop3A_673 = arith.constant 48 : index
        %parallel_loop3A_674 = tpu.vector_load %arg7[%parallel_loop3A_672, %parallel_loop3A_673] {strides = array<i32>} : memref<256x64xf32, #tpu.memory_space<vmem>>, vector<16xf32>,
        %parallel_loop3A_675 = vector.broadcast %parallel_loop3A_648 : i32 to vector<16xi32>
        %parallel_loop3A_676 = arith.addi %add3A_76, %parallel_loop3A_675 : vector<16xi32>
        tpu.vector_store_idx %arg9[%parallel_loop3A_676], %parallel_loop3A_674 : memref<32768xf32, #tpu.memory_space<vmem>>[vector<16xi32>], vector<16xf32>,
        %parallel_loop3A_677 = arith.constant 3072 : i32
        %parallel_loop3A_678 = arith.addi %parallel_loop3A_677, %parallel_loop3A_646 : i32
        %parallel_loop3A_679 = arith.constant 128 : i32
        %parallel_loop3A_680 = arith.addi %parallel_loop3A_679, %parallel_loop3A_646 : i32
        %parallel_loop3A_681 = arith.index_cast %parallel_loop3A_680 : i32 to index
        %parallel_loop3A_682 = arith.constant 0 : index
        %parallel_loop3A_683 = tpu.vector_load %arg7[%parallel_loop3A_681, %parallel_loop3A_682] {strides = array<i32>} : memref<256x64xf32, #tpu.memory_space<vmem>>, vector<16xf32>,
        %parallel_loop3A_684 = vector.broadcast %parallel_loop3A_678 : i32 to vector<16xi32>
        %parallel_loop3A_685 = arith.addi %add3A_19, %parallel_loop3A_684 : vector<16xi32>
        tpu.vector_store_idx %arg9[%parallel_loop3A_685], %parallel_loop3A_683 : memref<32768xf32, #tpu.memory_space<vmem>>[vector<16xi32>], vector<16xf32>,
        %parallel_loop3A_686 = arith.constant 128 : i32
        %parallel_loop3A_687 = arith.addi %parallel_loop3A_686, %parallel_loop3A_646 : i32
        %parallel_loop3A_688 = arith.index_cast %parallel_loop3A_687 : i32 to index
        %parallel_loop3A_689 = arith.constant 16 : index
        %parallel_loop3A_690 = tpu.vector_load %arg7[%parallel_loop3A_688, %parallel_loop3A_689] {strides = array<i32>} : memref<256x64xf32, #tpu.memory_space<vmem>>, vector<16xf32>,
        %parallel_loop3A_691 = vector.broadcast %parallel_loop3A_678 : i32 to vector<16xi32>
        %parallel_loop3A_692 = arith.addi %add3A_38, %parallel_loop3A_691 : vector<16xi32>
        tpu.vector_store_idx %arg9[%parallel_loop3A_692], %parallel_loop3A_690 : memref<32768xf32, #tpu.memory_space<vmem>>[vector<16xi32>], vector<16xf32>,
        %parallel_loop3A_693 = arith.constant 128 : i32
        %parallel_loop3A_694 = arith.addi %parallel_loop3A_693, %parallel_loop3A_646 : i32
        %parallel_loop3A_695 = arith.index_cast %parallel_loop3A_694 : i32 to index
        %parallel_loop3A_696 = arith.constant 32 : index
        %parallel_loop3A_697 = tpu.vector_load %arg7[%parallel_loop3A_695, %parallel_loop3A_696] {strides = array<i32>} : memref<256x64xf32, #tpu.memory_space<vmem>>, vector<16xf32>,
        %parallel_loop3A_698 = vector.broadcast %parallel_loop3A_678 : i32 to vector<16xi32>
        %parallel_loop3A_699 = arith.addi %add3A_57, %parallel_loop3A_698 : vector<16xi32>
        tpu.vector_store_idx %arg9[%parallel_loop3A_699], %parallel_loop3A_697 : memref<32768xf32, #tpu.memory_space<vmem>>[vector<16xi32>], vector<16xf32>,
        %parallel_loop3A_700 = arith.constant 128 : i32
        %parallel_loop3A_701 = arith.addi %parallel_loop3A_700, %parallel_loop3A_646 : i32
        %parallel_loop3A_702 = arith.index_cast %parallel_loop3A_701 : i32 to index
        %parallel_loop3A_703 = arith.constant 48 : index
        %parallel_loop3A_704 = tpu.vector_load %arg7[%parallel_loop3A_702, %parallel_loop3A_703] {strides = array<i32>} : memref<256x64xf32, #tpu.memory_space<vmem>>, vector<16xf32>,
        %parallel_loop3A_705 = vector.broadcast %parallel_loop3A_678 : i32 to vector<16xi32>
        %parallel_loop3A_706 = arith.addi %add3A_76, %parallel_loop3A_705 : vector<16xi32>
        tpu.vector_store_idx %arg9[%parallel_loop3A_706], %parallel_loop3A_704 : memref<32768xf32, #tpu.memory_space<vmem>>[vector<16xi32>], vector<16xf32>,
      } {sc.loop_unroll_factor = 1 : i64, sc.parallel_access}
      %lt3A_372 = arith.constant 49 : i32
      %lt3A_373 = arith.cmpi slt, %add3A_343, %lt3A_372 : i32
      %convert_element_type3A_374 = arith.extui %lt3A_373 : i1 to i32
      %cond3A_375 = arith.constant 0 : i32
      %cond3A_376 = arith.cmpi ne, %convert_element_type3A_374, %cond3A_375 : i32
      scf.if %cond3A_376 {
        %add3A_450 = arith.constant 1 : i32
        %add3A_451 = arith.addi %add3A_343, %add3A_450 : i32
        %dma_start3A_452 = arith.constant 256 : i32
        %dma_start3A_453 = tpu.memref_slice %arg5[%add3A_451, %dma_start3A_452] : memref<50x512xi32, #tpu.memory_space<vmem>> -> memref<1x256xi32, #tpu.memory_space<vmem>>
        %dma_start3A_454 = tpu.memref_squeeze %dma_start3A_453 : memref<1x256xi32, #tpu.memory_space<vmem>> -> memref<256xi32, #tpu.memory_space<vmem>>
        %dma_start3A_455 = arith.constant 0 : i32
        %dma_start3A_456 = arith.constant 0 : i32
        %dma_start3A_457 = tpu.memref_slice %arg2[%dma_start3A_455, %dma_start3A_456] : memref<1000000x64xf32, #tpu.memory_space<hbm>> -> memref<1000000x64xf32, #tpu.memory_space<hbm>>
        tpu.enqueue_indirect_dma source(%dma_start3A_457 : memref<1000000x64xf32, #tpu.memory_space<hbm>>) target(%arg7 : memref<256x64xf32, #tpu.memory_space<vmem>>) offsets(%dma_start3A_454 : memref<256xi32, #tpu.memory_space<vmem>>) semaphore(%arg11 : memref<!tpu.dma_semaphore, #tpu.memory_space<semaphore_mem>>)
      } else {
      }
      %mul3A_377 = arith.constant 8 : i32
      %mul3A_378 = arith.muli %add3A_343, %mul3A_377 : i32
      %mul3A_379 = arith.constant 131072 : i32
      %mul3A_380 = arith.muli %mul3A_378, %mul3A_379 : i32
      %mul3A_381 = arith.constant 4 : i32
      %mul3A_382 = arith.muli %add3A, %mul3A_381 : i32
      %mul3A_383 = arith.constant 1024 : i32
      %mul3A_384 = arith.muli %mul3A_382, %mul3A_383 : i32
      %add3A_385 = arith.addi %mul3A_380, %mul3A_384 : i32
      %add3A_386 = arith.constant 0 : i32
      %add3A_387 = arith.addi %add3A_385, %add3A_386 : i32
      %add3A_388 = arith.constant 131072 : i32
      %add3A_389 = arith.addi %add3A_385, %add3A_388 : i32
      %add3A_390 = arith.constant 262144 : i32
      %add3A_391 = arith.addi %add3A_385, %add3A_390 : i32
      %add3A_392 = arith.constant 393216 : i32
      %add3A_393 = arith.addi %add3A_385, %add3A_392 : i32
      %add3A_394 = arith.constant 524288 : i32
      %add3A_395 = arith.addi %add3A_385, %add3A_394 : i32
      %add3A_396 = arith.constant 655360 : i32
      %add3A_397 = arith.addi %add3A_385, %add3A_396 : i32
      %add3A_398 = arith.constant 786432 : i32
      %add3A_399 = arith.addi %add3A_385, %add3A_398 : i32
      %add3A_400 = arith.constant 917504 : i32
      %add3A_401 = arith.addi %add3A_385, %add3A_400 : i32
      %dma_start3A_402 = arith.constant 0 : i32
      %dma_start3A_403 = tpu.memref_slice %arg9[%dma_start3A_402] : memref<32768xf32, #tpu.memory_space<vmem>> -> memref<4096xf32, #tpu.memory_space<vmem>>
      %dma_start3A_404 = tpu.memref_slice %arg4[%add3A_387] : memref<52428800xf32, #tpu.memory_space<hbm>> -> memref<4096xf32, #tpu.memory_space<hbm>>
      %dma_start3A_405 = tpu.memref_slice %arg4[%add3A_387] : memref<52428800xf32, #tpu.memory_space<hbm>> -> memref<4096xf32, #tpu.memory_space<hbm>>
      %dma_start3A_406 = arith.constant 0 : i32
      %dma_start3A_407 = tpu.memref_slice %arg9[%dma_start3A_406] : memref<32768xf32, #tpu.memory_space<vmem>> -> memref<4096xf32, #tpu.memory_space<vmem>>
      tpu.enqueue_dma source(%dma_start3A_407 : memref<4096xf32, #tpu.memory_space<vmem>>) target(%dma_start3A_405 : memref<4096xf32, #tpu.memory_space<hbm>>) target_semaphore(%arg13 : memref<!tpu.dma_semaphore, #tpu.memory_space<semaphore_mem>>)
      %dma_start3A_408 = arith.constant 4096 : i32
      %dma_start3A_409 = tpu.memref_slice %arg9[%dma_start3A_408] : memref<32768xf32, #tpu.memory_space<vmem>> -> memref<4096xf32, #tpu.memory_space<vmem>>
      %dma_start3A_410 = tpu.memref_slice %arg4[%add3A_389] : memref<52428800xf32, #tpu.memory_space<hbm>> -> memref<4096xf32, #tpu.memory_space<hbm>>
      %dma_start3A_411 = tpu.memref_slice %arg4[%add3A_389] : memref<52428800xf32, #tpu.memory_space<hbm>> -> memref<4096xf32, #tpu.memory_space<hbm>>
      %dma_start3A_412 = arith.constant 4096 : i32
      %dma_start3A_413 = tpu.memref_slice %arg9[%dma_start3A_412] : memref<32768xf32, #tpu.memory_space<vmem>> -> memref<4096xf32, #tpu.memory_space<vmem>>
      tpu.enqueue_dma source(%dma_start3A_413 : memref<4096xf32, #tpu.memory_space<vmem>>) target(%dma_start3A_411 : memref<4096xf32, #tpu.memory_space<hbm>>) target_semaphore(%arg13 : memref<!tpu.dma_semaphore, #tpu.memory_space<semaphore_mem>>)
      %dma_start3A_414 = arith.constant 8192 : i32
      %dma_start3A_415 = tpu.memref_slice %arg9[%dma_start3A_414] : memref<32768xf32, #tpu.memory_space<vmem>> -> memref<4096xf32, #tpu.memory_space<vmem>>
      %dma_start3A_416 = tpu.memref_slice %arg4[%add3A_391] : memref<52428800xf32, #tpu.memory_space<hbm>> -> memref<4096xf32, #tpu.memory_space<hbm>>
      %dma_start3A_417 = tpu.memref_slice %arg4[%add3A_391] : memref<52428800xf32, #tpu.memory_space<hbm>> -> memref<4096xf32, #tpu.memory_space<hbm>>
      %dma_start3A_418 = arith.constant 8192 : i32
      %dma_start3A_419 = tpu.memref_slice %arg9[%dma_start3A_418] : memref<32768xf32, #tpu.memory_space<vmem>> -> memref<4096xf32, #tpu.memory_space<vmem>>
      tpu.enqueue_dma source(%dma_start3A_419 : memref<4096xf32, #tpu.memory_space<vmem>>) target(%dma_start3A_417 : memref<4096xf32, #tpu.memory_space<hbm>>) target_semaphore(%arg13 : memref<!tpu.dma_semaphore, #tpu.memory_space<semaphore_mem>>)
      %dma_start3A_420 = arith.constant 12288 : i32
      %dma_start3A_421 = tpu.memref_slice %arg9[%dma_start3A_420] : memref<32768xf32, #tpu.memory_space<vmem>> -> memref<4096xf32, #tpu.memory_space<vmem>>
      %dma_start3A_422 = tpu.memref_slice %arg4[%add3A_393] : memref<52428800xf32, #tpu.memory_space<hbm>> -> memref<4096xf32, #tpu.memory_space<hbm>>
      %dma_start3A_423 = tpu.memref_slice %arg4[%add3A_393] : memref<52428800xf32, #tpu.memory_space<hbm>> -> memref<4096xf32, #tpu.memory_space<hbm>>
      %dma_start3A_424 = arith.constant 12288 : i32
      %dma_start3A_425 = tpu.memref_slice %arg9[%dma_start3A_424] : memref<32768xf32, #tpu.memory_space<vmem>> -> memref<4096xf32, #tpu.memory_space<vmem>>
      tpu.enqueue_dma source(%dma_start3A_425 : memref<4096xf32, #tpu.memory_space<vmem>>) target(%dma_start3A_423 : memref<4096xf32, #tpu.memory_space<hbm>>) target_semaphore(%arg13 : memref<!tpu.dma_semaphore, #tpu.memory_space<semaphore_mem>>)
      %dma_start3A_426 = arith.constant 16384 : i32
      %dma_start3A_427 = tpu.memref_slice %arg9[%dma_start3A_426] : memref<32768xf32, #tpu.memory_space<vmem>> -> memref<4096xf32, #tpu.memory_space<vmem>>
      %dma_start3A_428 = tpu.memref_slice %arg4[%add3A_395] : memref<52428800xf32, #tpu.memory_space<hbm>> -> memref<4096xf32, #tpu.memory_space<hbm>>
      %dma_start3A_429 = tpu.memref_slice %arg4[%add3A_395] : memref<52428800xf32, #tpu.memory_space<hbm>> -> memref<4096xf32, #tpu.memory_space<hbm>>
      %dma_start3A_430 = arith.constant 16384 : i32
      %dma_start3A_431 = tpu.memref_slice %arg9[%dma_start3A_430] : memref<32768xf32, #tpu.memory_space<vmem>> -> memref<4096xf32, #tpu.memory_space<vmem>>
      tpu.enqueue_dma source(%dma_start3A_431 : memref<4096xf32, #tpu.memory_space<vmem>>) target(%dma_start3A_429 : memref<4096xf32, #tpu.memory_space<hbm>>) target_semaphore(%arg13 : memref<!tpu.dma_semaphore, #tpu.memory_space<semaphore_mem>>)
      %dma_start3A_432 = arith.constant 20480 : i32
      %dma_start3A_433 = tpu.memref_slice %arg9[%dma_start3A_432] : memref<32768xf32, #tpu.memory_space<vmem>> -> memref<4096xf32, #tpu.memory_space<vmem>>
      %dma_start3A_434 = tpu.memref_slice %arg4[%add3A_397] : memref<52428800xf32, #tpu.memory_space<hbm>> -> memref<4096xf32, #tpu.memory_space<hbm>>
      %dma_start3A_435 = tpu.memref_slice %arg4[%add3A_397] : memref<52428800xf32, #tpu.memory_space<hbm>> -> memref<4096xf32, #tpu.memory_space<hbm>>
      %dma_start3A_436 = arith.constant 20480 : i32
      %dma_start3A_437 = tpu.memref_slice %arg9[%dma_start3A_436] : memref<32768xf32, #tpu.memory_space<vmem>> -> memref<4096xf32, #tpu.memory_space<vmem>>
      tpu.enqueue_dma source(%dma_start3A_437 : memref<4096xf32, #tpu.memory_space<vmem>>) target(%dma_start3A_435 : memref<4096xf32, #tpu.memory_space<hbm>>) target_semaphore(%arg13 : memref<!tpu.dma_semaphore, #tpu.memory_space<semaphore_mem>>)
      %dma_start3A_438 = arith.constant 24576 : i32
      %dma_start3A_439 = tpu.memref_slice %arg9[%dma_start3A_438] : memref<32768xf32, #tpu.memory_space<vmem>> -> memref<4096xf32, #tpu.memory_space<vmem>>
      %dma_start3A_440 = tpu.memref_slice %arg4[%add3A_399] : memref<52428800xf32, #tpu.memory_space<hbm>> -> memref<4096xf32, #tpu.memory_space<hbm>>
      %dma_start3A_441 = tpu.memref_slice %arg4[%add3A_399] : memref<52428800xf32, #tpu.memory_space<hbm>> -> memref<4096xf32, #tpu.memory_space<hbm>>
      %dma_start3A_442 = arith.constant 24576 : i32
      %dma_start3A_443 = tpu.memref_slice %arg9[%dma_start3A_442] : memref<32768xf32, #tpu.memory_space<vmem>> -> memref<4096xf32, #tpu.memory_space<vmem>>
      tpu.enqueue_dma source(%dma_start3A_443 : memref<4096xf32, #tpu.memory_space<vmem>>) target(%dma_start3A_441 : memref<4096xf32, #tpu.memory_space<hbm>>) target_semaphore(%arg13 : memref<!tpu.dma_semaphore, #tpu.memory_space<semaphore_mem>>)
      %dma_start3A_444 = arith.constant 28672 : i32
      %dma_start3A_445 = tpu.memref_slice %arg9[%dma_start3A_444] : memref<32768xf32, #tpu.memory_space<vmem>> -> memref<4096xf32, #tpu.memory_space<vmem>>
      %dma_start3A_446 = tpu.memref_slice %arg4[%add3A_401] : memref<52428800xf32, #tpu.memory_space<hbm>> -> memref<4096xf32, #tpu.memory_space<hbm>>
      %dma_start3A_447 = tpu.memref_slice %arg4[%add3A_401] : memref<52428800xf32, #tpu.memory_space<hbm>> -> memref<4096xf32, #tpu.memory_space<hbm>>
      %dma_start3A_448 = arith.constant 28672 : i32
      %dma_start3A_449 = tpu.memref_slice %arg9[%dma_start3A_448] : memref<32768xf32, #tpu.memory_space<vmem>> -> memref<4096xf32, #tpu.memory_space<vmem>>
      tpu.enqueue_dma source(%dma_start3A_449 : memref<4096xf32, #tpu.memory_space<vmem>>) target(%dma_start3A_447 : memref<4096xf32, #tpu.memory_space<hbm>>) target_semaphore(%arg13 : memref<!tpu.dma_semaphore, #tpu.memory_space<semaphore_mem>>)
    }
    %scan3A_94 = arith.constant 25 : i32
    %mul3A_95 = arith.constant 4 : i32
    %mul3A_96 = arith.muli %add3A, %mul3A_95 : i32
    %mul3A_97 = arith.constant 1024 : i32
    %mul3A_98 = arith.muli %mul3A_96, %mul3A_97 : i32
    %add3A_99 = arith.constant 50331648 : i32
    %add3A_100 = arith.addi %add3A_99, %mul3A_98 : i32
    %add3A_101 = arith.constant 0 : i32
    %add3A_102 = arith.addi %add3A_100, %add3A_101 : i32
    %add3A_103 = arith.constant 131072 : i32
    %add3A_104 = arith.addi %add3A_100, %add3A_103 : i32
    %add3A_105 = arith.constant 262144 : i32
    %add3A_106 = arith.addi %add3A_100, %add3A_105 : i32
    %add3A_107 = arith.constant 393216 : i32
    %add3A_108 = arith.addi %add3A_100, %add3A_107 : i32
    %add3A_109 = arith.constant 524288 : i32
    %add3A_110 = arith.addi %add3A_100, %add3A_109 : i32
    %add3A_111 = arith.constant 655360 : i32
    %add3A_112 = arith.addi %add3A_100, %add3A_111 : i32
    %add3A_113 = arith.constant 786432 : i32
    %add3A_114 = arith.addi %add3A_100, %add3A_113 : i32
    %add3A_115 = arith.constant 917504 : i32
    %add3A_116 = arith.addi %add3A_100, %add3A_115 : i32
    %dma_wait3A = arith.constant 0 : i32
    %dma_wait3A_117 = tpu.memref_slice %arg8[%dma_wait3A] : memref<32768xf32, #tpu.memory_space<vmem>> -> memref<4096xf32, #tpu.memory_space<vmem>>
    %dma_wait3A_118 = tpu.memref_slice %arg4[%add3A_102] : memref<52428800xf32, #tpu.memory_space<hbm>> -> memref<4096xf32, #tpu.memory_space<hbm>>
    %dma_wait3A_119 = tpu.memref_slice %arg4[%add3A_102] : memref<52428800xf32, #tpu.memory_space<hbm>> -> memref<4096xf32, #tpu.memory_space<hbm>>
    %dma_wait3A_120 = arith.constant 0 : i32
    %dma_wait3A_121 = tpu.memref_slice %arg8[%dma_wait3A_120] : memref<32768xf32, #tpu.memory_space<vmem>> -> memref<4096xf32, #tpu.memory_space<vmem>>
    tpu.wait_dma2 semaphore(%arg12 : memref<!tpu.dma_semaphore, #tpu.memory_space<semaphore_mem>>) src(%dma_wait3A_121 : memref<4096xf32, #tpu.memory_space<vmem>>) dst(%dma_wait3A_119 : memref<4096xf32, #tpu.memory_space<hbm>>)
    %dma_wait3A_122 = arith.constant 4096 : i32
    %dma_wait3A_123 = tpu.memref_slice %arg8[%dma_wait3A_122] : memref<32768xf32, #tpu.memory_space<vmem>> -> memref<4096xf32, #tpu.memory_space<vmem>>
    %dma_wait3A_124 = tpu.memref_slice %arg4[%add3A_104] : memref<52428800xf32, #tpu.memory_space<hbm>> -> memref<4096xf32, #tpu.memory_space<hbm>>
    %dma_wait3A_125 = tpu.memref_slice %arg4[%add3A_104] : memref<52428800xf32, #tpu.memory_space<hbm>> -> memref<4096xf32, #tpu.memory_space<hbm>>
    %dma_wait3A_126 = arith.constant 4096 : i32
    %dma_wait3A_127 = tpu.memref_slice %arg8[%dma_wait3A_126] : memref<32768xf32, #tpu.memory_space<vmem>> -> memref<4096xf32, #tpu.memory_space<vmem>>
    tpu.wait_dma2 semaphore(%arg12 : memref<!tpu.dma_semaphore, #tpu.memory_space<semaphore_mem>>) src(%dma_wait3A_127 : memref<4096xf32, #tpu.memory_space<vmem>>) dst(%dma_wait3A_125 : memref<4096xf32, #tpu.memory_space<hbm>>)
    %dma_wait3A_128 = arith.constant 8192 : i32
    %dma_wait3A_129 = tpu.memref_slice %arg8[%dma_wait3A_128] : memref<32768xf32, #tpu.memory_space<vmem>> -> memref<4096xf32, #tpu.memory_space<vmem>>
    %dma_wait3A_130 = tpu.memref_slice %arg4[%add3A_106] : memref<52428800xf32, #tpu.memory_space<hbm>> -> memref<4096xf32, #tpu.memory_space<hbm>>
    %dma_wait3A_131 = tpu.memref_slice %arg4[%add3A_106] : memref<52428800xf32, #tpu.memory_space<hbm>> -> memref<4096xf32, #tpu.memory_space<hbm>>
    %dma_wait3A_132 = arith.constant 8192 : i32
    %dma_wait3A_133 = tpu.memref_slice %arg8[%dma_wait3A_132] : memref<32768xf32, #tpu.memory_space<vmem>> -> memref<4096xf32, #tpu.memory_space<vmem>>
    tpu.wait_dma2 semaphore(%arg12 : memref<!tpu.dma_semaphore, #tpu.memory_space<semaphore_mem>>) src(%dma_wait3A_133 : memref<4096xf32, #tpu.memory_space<vmem>>) dst(%dma_wait3A_131 : memref<4096xf32, #tpu.memory_space<hbm>>)
    %dma_wait3A_134 = arith.constant 12288 : i32
    %dma_wait3A_135 = tpu.memref_slice %arg8[%dma_wait3A_134] : memref<32768xf32, #tpu.memory_space<vmem>> -> memref<4096xf32, #tpu.memory_space<vmem>>
    %dma_wait3A_136 = tpu.memref_slice %arg4[%add3A_108] : memref<52428800xf32, #tpu.memory_space<hbm>> -> memref<4096xf32, #tpu.memory_space<hbm>>
    %dma_wait3A_137 = tpu.memref_slice %arg4[%add3A_108] : memref<52428800xf32, #tpu.memory_space<hbm>> -> memref<4096xf32, #tpu.memory_space<hbm>>
    %dma_wait3A_138 = arith.constant 12288 : i32
    %dma_wait3A_139 = tpu.memref_slice %arg8[%dma_wait3A_138] : memref<32768xf32, #tpu.memory_space<vmem>> -> memref<4096xf32, #tpu.memory_space<vmem>>
    tpu.wait_dma2 semaphore(%arg12 : memref<!tpu.dma_semaphore, #tpu.memory_space<semaphore_mem>>) src(%dma_wait3A_139 : memref<4096xf32, #tpu.memory_space<vmem>>) dst(%dma_wait3A_137 : memref<4096xf32, #tpu.memory_space<hbm>>)
    %dma_wait3A_140 = arith.constant 16384 : i32
    %dma_wait3A_141 = tpu.memref_slice %arg8[%dma_wait3A_140] : memref<32768xf32, #tpu.memory_space<vmem>> -> memref<4096xf32, #tpu.memory_space<vmem>>
    %dma_wait3A_142 = tpu.memref_slice %arg4[%add3A_110] : memref<52428800xf32, #tpu.memory_space<hbm>> -> memref<4096xf32, #tpu.memory_space<hbm>>
    %dma_wait3A_143 = tpu.memref_slice %arg4[%add3A_110] : memref<52428800xf32, #tpu.memory_space<hbm>> -> memref<4096xf32, #tpu.memory_space<hbm>>
    %dma_wait3A_144 = arith.constant 16384 : i32
    %dma_wait3A_145 = tpu.memref_slice %arg8[%dma_wait3A_144] : memref<32768xf32, #tpu.memory_space<vmem>> -> memref<4096xf32, #tpu.memory_space<vmem>>
    tpu.wait_dma2 semaphore(%arg12 : memref<!tpu.dma_semaphore, #tpu.memory_space<semaphore_mem>>) src(%dma_wait3A_145 : memref<4096xf32, #tpu.memory_space<vmem>>) dst(%dma_wait3A_143 : memref<4096xf32, #tpu.memory_space<hbm>>)
    %dma_wait3A_146 = arith.constant 20480 : i32
    %dma_wait3A_147 = tpu.memref_slice %arg8[%dma_wait3A_146] : memref<32768xf32, #tpu.memory_space<vmem>> -> memref<4096xf32, #tpu.memory_space<vmem>>
    %dma_wait3A_148 = tpu.memref_slice %arg4[%add3A_112] : memref<52428800xf32, #tpu.memory_space<hbm>> -> memref<4096xf32, #tpu.memory_space<hbm>>
    %dma_wait3A_149 = tpu.memref_slice %arg4[%add3A_112] : memref<52428800xf32, #tpu.memory_space<hbm>> -> memref<4096xf32, #tpu.memory_space<hbm>>
    %dma_wait3A_150 = arith.constant 20480 : i32
    %dma_wait3A_151 = tpu.memref_slice %arg8[%dma_wait3A_150] : memref<32768xf32, #tpu.memory_space<vmem>> -> memref<4096xf32, #tpu.memory_space<vmem>>
    tpu.wait_dma2 semaphore(%arg12 : memref<!tpu.dma_semaphore, #tpu.memory_space<semaphore_mem>>) src(%dma_wait3A_151 : memref<4096xf32, #tpu.memory_space<vmem>>) dst(%dma_wait3A_149 : memref<4096xf32, #tpu.memory_space<hbm>>)
    %dma_wait3A_152 = arith.constant 24576 : i32
    %dma_wait3A_153 = tpu.memref_slice %arg8[%dma_wait3A_152] : memref<32768xf32, #tpu.memory_space<vmem>> -> memref<4096xf32, #tpu.memory_space<vmem>>
    %dma_wait3A_154 = tpu.memref_slice %arg4[%add3A_114] : memref<52428800xf32, #tpu.memory_space<hbm>> -> memref<4096xf32, #tpu.memory_space<hbm>>
    %dma_wait3A_155 = tpu.memref_slice %arg4[%add3A_114] : memref<52428800xf32, #tpu.memory_space<hbm>> -> memref<4096xf32, #tpu.memory_space<hbm>>
    %dma_wait3A_156 = arith.constant 24576 : i32
    %dma_wait3A_157 = tpu.memref_slice %arg8[%dma_wait3A_156] : memref<32768xf32, #tpu.memory_space<vmem>> -> memref<4096xf32, #tpu.memory_space<vmem>>
    tpu.wait_dma2 semaphore(%arg12 : memref<!tpu.dma_semaphore, #tpu.memory_space<semaphore_mem>>) src(%dma_wait3A_157 : memref<4096xf32, #tpu.memory_space<vmem>>) dst(%dma_wait3A_155 : memref<4096xf32, #tpu.memory_space<hbm>>)
    %dma_wait3A_158 = arith.constant 28672 : i32
    %dma_wait3A_159 = tpu.memref_slice %arg8[%dma_wait3A_158] : memref<32768xf32, #tpu.memory_space<vmem>> -> memref<4096xf32, #tpu.memory_space<vmem>>
    %dma_wait3A_160 = tpu.memref_slice %arg4[%add3A_116] : memref<52428800xf32, #tpu.memory_space<hbm>> -> memref<4096xf32, #tpu.memory_space<hbm>>
    %dma_wait3A_161 = tpu.memref_slice %arg4[%add3A_116] : memref<52428800xf32, #tpu.memory_space<hbm>> -> memref<4096xf32, #tpu.memory_space<hbm>>
    %dma_wait3A_162 = arith.constant 28672 : i32
    %dma_wait3A_163 = tpu.memref_slice %arg8[%dma_wait3A_162] : memref<32768xf32, #tpu.memory_space<vmem>> -> memref<4096xf32, #tpu.memory_space<vmem>>
    tpu.wait_dma2 semaphore(%arg12 : memref<!tpu.dma_semaphore, #tpu.memory_space<semaphore_mem>>) src(%dma_wait3A_163 : memref<4096xf32, #tpu.memory_space<vmem>>) dst(%dma_wait3A_161 : memref<4096xf32, #tpu.memory_space<hbm>>)
    %mul3A_164 = arith.constant 4 : i32
    %mul3A_165 = arith.muli %add3A, %mul3A_164 : i32
    %mul3A_166 = arith.constant 1024 : i32
    %mul3A_167 = arith.muli %mul3A_165, %mul3A_166 : i32
    %add3A_168 = arith.constant 51380224 : i32
    %add3A_169 = arith.addi %add3A_168, %mul3A_167 : i32
    %add3A_170 = arith.constant 0 : i32
    %add3A_171 = arith.addi %add3A_169, %add3A_170 : i32
    %add3A_172 = arith.constant 131072 : i32
    %add3A_173 = arith.addi %add3A_169, %add3A_172 : i32
    %add3A_174 = arith.constant 262144 : i32
    %add3A_175 = arith.addi %add3A_169, %add3A_174 : i32
    %add3A_176 = arith.constant 393216 : i32
    %add3A_177 = arith.addi %add3A_169, %add3A_176 : i32
    %add3A_178 = arith.constant 524288 : i32
    %add3A_179 = arith.addi %add3A_169, %add3A_178 : i32
    %add3A_180 = arith.constant 655360 : i32
    %add3A_181 = arith.addi %add3A_169, %add3A_180 : i32
    %add3A_182 = arith.constant 786432 : i32
    %add3A_183 = arith.addi %add3A_169, %add3A_182 : i32
    %add3A_184 = arith.constant 917504 : i32
    %add3A_185 = arith.addi %add3A_169, %add3A_184 : i32
    %dma_wait3A_186 = arith.constant 0 : i32
    %dma_wait3A_187 = tpu.memref_slice %arg9[%dma_wait3A_186] : memref<32768xf32, #tpu.memory_space<vmem>> -> memref<4096xf32, #tpu.memory_space<vmem>>
    %dma_wait3A_188 = tpu.memref_slice %arg4[%add3A_171] : memref<52428800xf32, #tpu.memory_space<hbm>> -> memref<4096xf32, #tpu.memory_space<hbm>>
    %dma_wait3A_189 = tpu.memref_slice %arg4[%add3A_171] : memref<52428800xf32, #tpu.memory_space<hbm>> -> memref<4096xf32, #tpu.memory_space<hbm>>
    %dma_wait3A_190 = arith.constant 0 : i32
    %dma_wait3A_191 = tpu.memref_slice %arg9[%dma_wait3A_190] : memref<32768xf32, #tpu.memory_space<vmem>> -> memref<4096xf32, #tpu.memory_space<vmem>>
    tpu.wait_dma2 semaphore(%arg13 : memref<!tpu.dma_semaphore, #tpu.memory_space<semaphore_mem>>) src(%dma_wait3A_191 : memref<4096xf32, #tpu.memory_space<vmem>>) dst(%dma_wait3A_189 : memref<4096xf32, #tpu.memory_space<hbm>>)
    %dma_wait3A_192 = arith.constant 4096 : i32
    %dma_wait3A_193 = tpu.memref_slice %arg9[%dma_wait3A_192] : memref<32768xf32, #tpu.memory_space<vmem>> -> memref<4096xf32, #tpu.memory_space<vmem>>
    %dma_wait3A_194 = tpu.memref_slice %arg4[%add3A_173] : memref<52428800xf32, #tpu.memory_space<hbm>> -> memref<4096xf32, #tpu.memory_space<hbm>>
    %dma_wait3A_195 = tpu.memref_slice %arg4[%add3A_173] : memref<52428800xf32, #tpu.memory_space<hbm>> -> memref<4096xf32, #tpu.memory_space<hbm>>
    %dma_wait3A_196 = arith.constant 4096 : i32
    %dma_wait3A_197 = tpu.memref_slice %arg9[%dma_wait3A_196] : memref<32768xf32, #tpu.memory_space<vmem>> -> memref<4096xf32, #tpu.memory_space<vmem>>
    tpu.wait_dma2 semaphore(%arg13 : memref<!tpu.dma_semaphore, #tpu.memory_space<semaphore_mem>>) src(%dma_wait3A_197 : memref<4096xf32, #tpu.memory_space<vmem>>) dst(%dma_wait3A_195 : memref<4096xf32, #tpu.memory_space<hbm>>)
    %dma_wait3A_198 = arith.constant 8192 : i32
    %dma_wait3A_199 = tpu.memref_slice %arg9[%dma_wait3A_198] : memref<32768xf32, #tpu.memory_space<vmem>> -> memref<4096xf32, #tpu.memory_space<vmem>>
    %dma_wait3A_200 = tpu.memref_slice %arg4[%add3A_175] : memref<52428800xf32, #tpu.memory_space<hbm>> -> memref<4096xf32, #tpu.memory_space<hbm>>
    %dma_wait3A_201 = tpu.memref_slice %arg4[%add3A_175] : memref<52428800xf32, #tpu.memory_space<hbm>> -> memref<4096xf32, #tpu.memory_space<hbm>>
    %dma_wait3A_202 = arith.constant 8192 : i32
    %dma_wait3A_203 = tpu.memref_slice %arg9[%dma_wait3A_202] : memref<32768xf32, #tpu.memory_space<vmem>> -> memref<4096xf32, #tpu.memory_space<vmem>>
    tpu.wait_dma2 semaphore(%arg13 : memref<!tpu.dma_semaphore, #tpu.memory_space<semaphore_mem>>) src(%dma_wait3A_203 : memref<4096xf32, #tpu.memory_space<vmem>>) dst(%dma_wait3A_201 : memref<4096xf32, #tpu.memory_space<hbm>>)
    %dma_wait3A_204 = arith.constant 12288 : i32
    %dma_wait3A_205 = tpu.memref_slice %arg9[%dma_wait3A_204] : memref<32768xf32, #tpu.memory_space<vmem>> -> memref<4096xf32, #tpu.memory_space<vmem>>
    %dma_wait3A_206 = tpu.memref_slice %arg4[%add3A_177] : memref<52428800xf32, #tpu.memory_space<hbm>> -> memref<4096xf32, #tpu.memory_space<hbm>>
    %dma_wait3A_207 = tpu.memref_slice %arg4[%add3A_177] : memref<52428800xf32, #tpu.memory_space<hbm>> -> memref<4096xf32, #tpu.memory_space<hbm>>
    %dma_wait3A_208 = arith.constant 12288 : i32
    %dma_wait3A_209 = tpu.memref_slice %arg9[%dma_wait3A_208] : memref<32768xf32, #tpu.memory_space<vmem>> -> memref<4096xf32, #tpu.memory_space<vmem>>
    tpu.wait_dma2 semaphore(%arg13 : memref<!tpu.dma_semaphore, #tpu.memory_space<semaphore_mem>>) src(%dma_wait3A_209 : memref<4096xf32, #tpu.memory_space<vmem>>) dst(%dma_wait3A_207 : memref<4096xf32, #tpu.memory_space<hbm>>)
    %dma_wait3A_210 = arith.constant 16384 : i32
    %dma_wait3A_211 = tpu.memref_slice %arg9[%dma_wait3A_210] : memref<32768xf32, #tpu.memory_space<vmem>> -> memref<4096xf32, #tpu.memory_space<vmem>>
    %dma_wait3A_212 = tpu.memref_slice %arg4[%add3A_179] : memref<52428800xf32, #tpu.memory_space<hbm>> -> memref<4096xf32, #tpu.memory_space<hbm>>
    %dma_wait3A_213 = tpu.memref_slice %arg4[%add3A_179] : memref<52428800xf32, #tpu.memory_space<hbm>> -> memref<4096xf32, #tpu.memory_space<hbm>>
    %dma_wait3A_214 = arith.constant 16384 : i32
    %dma_wait3A_215 = tpu.memref_slice %arg9[%dma_wait3A_214] : memref<32768xf32, #tpu.memory_space<vmem>> -> memref<4096xf32, #tpu.memory_space<vmem>>
    tpu.wait_dma2 semaphore(%arg13 : memref<!tpu.dma_semaphore, #tpu.memory_space<semaphore_mem>>) src(%dma_wait3A_215 : memref<4096xf32, #tpu.memory_space<vmem>>) dst(%dma_wait3A_213 : memref<4096xf32, #tpu.memory_space<hbm>>)
    %dma_wait3A_216 = arith.constant 20480 : i32
    %dma_wait3A_217 = tpu.memref_slice %arg9[%dma_wait3A_216] : memref<32768xf32, #tpu.memory_space<vmem>> -> memref<4096xf32, #tpu.memory_space<vmem>>
    %dma_wait3A_218 = tpu.memref_slice %arg4[%add3A_181] : memref<52428800xf32, #tpu.memory_space<hbm>> -> memref<4096xf32, #tpu.memory_space<hbm>>
    %dma_wait3A_219 = tpu.memref_slice %arg4[%add3A_181] : memref<52428800xf32, #tpu.memory_space<hbm>> -> memref<4096xf32, #tpu.memory_space<hbm>>
    %dma_wait3A_220 = arith.constant 20480 : i32
    %dma_wait3A_221 = tpu.memref_slice %arg9[%dma_wait3A_220] : memref<32768xf32, #tpu.memory_space<vmem>> -> memref<4096xf32, #tpu.memory_space<vmem>>
    tpu.wait_dma2 semaphore(%arg13 : memref<!tpu.dma_semaphore, #tpu.memory_space<semaphore_mem>>) src(%dma_wait3A_221 : memref<4096xf32, #tpu.memory_space<vmem>>) dst(%dma_wait3A_219 : memref<4096xf32, #tpu.memory_space<hbm>>)
    %dma_wait3A_222 = arith.constant 24576 : i32
    %dma_wait3A_223 = tpu.memref_slice %arg9[%dma_wait3A_222] : memref<32768xf32, #tpu.memory_space<vmem>> -> memref<4096xf32, #tpu.memory_space<vmem>>
    %dma_wait3A_224 = tpu.memref_slice %arg4[%add3A_183] : memref<52428800xf32, #tpu.memory_space<hbm>> -> memref<4096xf32, #tpu.memory_space<hbm>>
    %dma_wait3A_225 = tpu.memref_slice %arg4[%add3A_183] : memref<52428800xf32, #tpu.memory_space<hbm>> -> memref<4096xf32, #tpu.memory_space<hbm>>
    %dma_wait3A_226 = arith.constant 24576 : i32
    %dma_wait3A_227 = tpu.memref_slice %arg9[%dma_wait3A_226] : memref<32768xf32, #tpu.memory_space<vmem>> -> memref<4096xf32, #tpu.memory_space<vmem>>
    tpu.wait_dma2 semaphore(%arg13 : memref<!tpu.dma_semaphore, #tpu.memory_space<semaphore_mem>>) src(%dma_wait3A_227 : memref<4096xf32, #tpu.memory_space<vmem>>) dst(%dma_wait3A_225 : memref<4096xf32, #tpu.memory_space<hbm>>)
    %dma_wait3A_228 = arith.constant 28672 : i32
    %dma_wait3A_229 = tpu.memref_slice %arg9[%dma_wait3A_228] : memref<32768xf32, #tpu.memory_space<vmem>> -> memref<4096xf32, #tpu.memory_space<vmem>>
    %dma_wait3A_230 = tpu.memref_slice %arg4[%add3A_185] : memref<52428800xf32, #tpu.memory_space<hbm>> -> memref<4096xf32, #tpu.memory_space<hbm>>
    %dma_wait3A_231 = tpu.memref_slice %arg4[%add3A_185] : memref<52428800xf32, #tpu.memory_space<hbm>> -> memref<4096xf32, #tpu.memory_space<hbm>>
    %dma_wait3A_232 = arith.constant 28672 : i32
    %dma_wait3A_233 = tpu.memref_slice %arg9[%dma_wait3A_232] : memref<32768xf32, #tpu.memory_space<vmem>> -> memref<4096xf32, #tpu.memory_space<vmem>>
    tpu.wait_dma2 semaphore(%arg13 : memref<!tpu.dma_semaphore, #tpu.memory_space<semaphore_mem>>) src(%dma_wait3A_233 : memref<4096xf32, #tpu.memory_space<vmem>>) dst(%dma_wait3A_231 : memref<4096xf32, #tpu.memory_space<hbm>>)
    return
  }
}

</mosaic_0001>

<sc_bundles>
// kernel: kernel.3.cloned.1.call-start
scs
__scs_entry_jumppad:
0x0: {  	(pc) =	sbr.rel $0x88, $3  }
0x1: {  	(tag) =	ssettag $0x0;
	lr =	simm.s32 $0x1  }
0x2: {  	[smem:$0x3F9F] =	sst lr;
	_ =	strace $0xD0000000  }
0x3: {  	_ = 	snop  }
0x4: {  	_ = 	snop  }
0x5: {  	_ = 	snop  }
0x6: {  	_ = 	snop  }
0x7: {  	_ = 	snop  }
__scs_overlays_trampoline_lowered:
0x8: {  	[smem:$0x3FAE] =	sst s0  }
0x9: {  	[smem:$0x3FAF] =	sst s1  }
0xa: {  	[smem:$0x3FB0] =	sst s2  }
0xb: {  	[smem:$0x3FB1] =	sst s3  }
0xc: {  	[smem:$0x3FB2] =	sst s4  }
0xd: {  	[smem:$0x3FB3] =	sst s5  }
0xe: {  	[smem:$0x3FB4] =	sst s6  }
0xf: {  	[smem:$0x3FB5] =	sst s7  }
0x10: {  	[smem:$0x3FB6] =	sst s8  }
0x11: {  	[smem:$0x3FB7] =	sst s9;
	s0 =	simm.s32 @!p0 $0x0  }
0x12: {  	s1 =	sld [smem:$0x3F9D];
	s0 =	simm.s32 @p0 $0x1  }
0x13: {  	[smem:$0x3FB8] =	sst s0;
	s0 =	simm.s32 @!p1 $0x0  }
0x14: {  	s2 =	sld [smem:$0x3F9C];
	s0 =	simm.s32 @p1 $0x1  }
0x15: {  	[smem:$0x3FB9] =	sst s0;
	s0 =	simm.s32 @!p2 $0x0  }
0x16: {  	s3 =	sld [smem:$0x3FDB];
	s0 =	simm.s32 @p2 $0x1  }
0x17: {  	s4 =	simm.s32 $0x1BF5;
	[smem:$0x3FBB] =	sst s0  }
0x18: {  	s0 =	sld [smem:$0x3F9E];
	_ =	swait.ge [sflag:s4], $0x0  }
0x19: {  	s7 =	sld [smem:$0x3F9F]  }
0x1a: {  	s8 =	sadd.s32 $0xFFFFE003, lr  }
0x1b: {  	s9 =	sadd.s32 $0xFFFFFEF7, lr;
	s5 =	simm.s32 $0xFFFFFFFF;
	p2 =	slt.u32 s8, $0xFFFFF086  }
0x1c: {  	p1 =	slt.u32 s9, $0xF7A;
	s5 =	simm.s32 @!p2 $0x0  }
0x1d: {  	s5 =	simm.s32 @p1 $0x1;
	p0 =	seq.s32 s7, s2  }
0x1e: {  	s7 =	smul.u32 @!p0 $0xF7A, s2;
	p2 =	seq.s32 @!p0 s5, $0x0  }
0x1f: {  	s9 =	smul.u32 $0xF7A, s1;
	s8 =	simm.s32 @!p0 $0x1BF5;
	p2 =	por !p2, p0  }
0x20: {  	[sflag:s8] =	ssyncset.s32 @!p0 $0xFFFFF086;
	s6 =	sadd.s32 @!p0 s3, s7;
	s7 =	simm.s32 @!p0 $0x108  }
0x21: {  	s3 =	sadd.s32 s3, s9;
	s6 =	sadd.s32 @!p0 $0x88, s6;
	s7 =	simm.s32 @p2 $0x1082  }
0x22: {  	[simem:s7], [sflag:s8] =	dma.local @!p0 [hbm:s6], $0xF7A  }
0x23: {  	s9 =	sor.u32 $0xD0000000, s2;
	s6 =	simm.s32 $0x108;
	_ =	swait.ge @!p0 [sflag:s8], $0x0  }
0x24: {  	s3 =	sadd.s32 $0x88, s3;
	s6 =	simm.s32 @!p1 $0x1082;
	[sflag:s4] =	ssyncset.s32 $0xFFFFF086  }
0x25: {  	[simem:s6], [sflag:s4] =	dma.local [hbm:s3], $0xF7A  }
0x26: {  	[smem:$0x3F9F] =	sst s1;
	(tag) =	ssettag s2;
	_ =	strace s9  }
0x27: {  	s1 =	sld [smem:$0x3FAF]  }
0x28: {  	s2 =	sld [smem:$0x3FB0]  }
0x29: {  	s4 =	sld [smem:$0x3FB2]  }
0x2a: {  	p0 =	seq.s32 s5, $0x0;
	s5 =	sld [smem:$0x3FB3]  }
0x2b: {  	s6 =	sld [smem:$0x3FB4]  }
0x2c: {  	s7 =	sld [smem:$0x3FB5]  }
0x2d: {  	s3 =	simm.s32 $0x108;
	s8 =	sld [smem:$0x3FB6]  }
0x2e: {  	s3 =	simm.s32 @!p0 $0x1082;
	s9 =	sld [smem:$0x3FB7]  }
0x2f: {  	lr =	sadd.s32 s0, s3;
	s0 =	sld [smem:$0x3FAE]  }
0x30: {  	s3 =	sld [smem:$0x3FB1]  }
0x31: {  	[smem:$0x3FBA] =	sst s10  }
0x32: {  	s10 =	sld [smem:$0x3FB8];
	_ =	sdelay $0x3  }
0x33: {  	p0 =	seq.s32 s10, $0x1;
	s10 =	sld [smem:$0x3FBA];
	_ =	sdelay $0x3  }
0x34: {  	[smem:$0x3FBA] =	sst s10  }
0x35: {  	s10 =	sld [smem:$0x3FB9];
	_ =	sdelay $0x3  }
0x36: {  	p1 =	seq.s32 s10, $0x1;
	s10 =	sld [smem:$0x3FBA];
	_ =	sdelay $0x3  }
0x37: {  	[smem:$0x3FBA] =	sst s10  }
0x38: {  	s10 =	sld [smem:$0x3FBB]  }
0x39: {  	_ = 	snop;
	(pc) =	sbr.ind lr, $3  }
0x3a: {  	_ = 	snop  }
0x3b: {  	_ = 	snop  }
0x3c: {  	p2 =	seq.s32 s10, $0x1;
	s10 =	sld [smem:$0x3FBA]  }
0x3d: {  	_ =	shalt  }
0x3e: {  	_ =	shalt  }
0x3f: {  	_ =	shalt  }
0x40: {  	_ =	shalt  }
0x41: {  	_ =	shalt  }
0x42: {  	_ =	shalt  }
0x43: {  	_ =	shalt  }
0x44: {  	_ =	shalt  }
0x45: {  	_ =	shalt  }
0x46: {  	_ =	shalt  }
0x47: {  	_ =	shalt  }
0x48: {  	_ =	shalt  }
0x49: {  	_ =	shalt  }
0x4a: {  	_ =	shalt  }
0x4b: {  	_ =	shalt  }
0x4c: {  	_ =	shalt  }
0x4d: {  	_ =	shalt  }
0x4e: {  	_ =	shalt  }
0x4f: {  	_ =	shalt  }
0x50: {  	_ =	shalt  }
0x51: {  	_ =	shalt  }
0x52: {  	_ =	shalt  }
0x53: {  	_ =	shalt  }
0x54: {  	_ =	shalt  }
0x55: {  	_ =	shalt  }
0x56: {  	_ =	shalt  }
0x57: {  	_ =	shalt  }
0x58: {  	_ =	shalt  }
0x59: {  	_ =	shalt  }
0x5a: {  	_ =	shalt  }
0x5b: {  	_ =	shalt  }
0x5c: {  	_ =	shalt  }
0x5d: {  	_ =	shalt  }
0x5e: {  	_ =	shalt  }
0x5f: {  	_ =	shalt  }
0x60: {  	_ =	shalt  }
0x61: {  	_ =	shalt  }
0x62: {  	_ =	shalt  }
0x63: {  	_ =	shalt  }
0x64: {  	_ =	shalt  }
0x65: {  	_ =	shalt  }
0x66: {  	_ =	shalt  }
0x67: {  	_ =	shalt  }
0x68: {  	_ =	shalt  }
0x69: {  	_ =	shalt  }
0x6a: {  	_ =	shalt  }
0x6b: {  	_ =	shalt  }
0x6c: {  	_ =	shalt  }
0x6d: {  	_ =	shalt  }
0x6e: {  	_ =	shalt  }
0x6f: {  	_ =	shalt  }
0x70: {  	_ =	shalt  }
0x71: {  	_ =	shalt  }
0x72: {  	_ =	shalt  }
0x73: {  	_ =	shalt  }
0x74: {  	_ =	shalt  }
0x75: {  	_ =	shalt  }
0x76: {  	_ =	shalt  }
0x77: {  	_ =	shalt  }
0x78: {  	_ =	shalt  }
0x79: {  	_ =	shalt  }
0x7a: {  	_ =	shalt  }
0x7b: {  	_ =	shalt  }
0x7c: {  	_ =	shalt  }
0x7d: {  	_ =	shalt  }
0x7e: {  	_ =	shalt  }
0x7f: {  	_ =	shalt  }
0x80: {  	_ =	shalt  }
0x81: {  	_ =	shalt  }
0x82: {  	_ =	shalt  }
0x83: {  	_ =	shalt  }
0x84: {  	_ =	shalt  }
0x85: {  	_ =	shalt  }
0x86: {  	_ =	shalt  }
0x87: {  	_ =	shalt  }
.Lfunc_end0:
.L_simem_size_0:
called_computation_lowered:
.L_overlay_start_0:
0x88: {  	s2 =	sld [smem:$0x3FD9]  }
0x89: {  	s3 =	sld [smem:$0x3FFE];
	_ =	sdelay $0x1  }
0x8a: {  	s1 =	srdreg.scid  }
0x8b: {  	s0 =	sand.u32 $0x1, s1  }
0x8c: {  	s17 =	sshll.u32 s0, $0xA;
	s2 =	sadd.s32 s3, s2  }
0x8d: {  	s2 =	sadd.s32 s2, s17  }
0x8e: {  	[smem:$0x3FC6] =	sst s2  }
0x8f: {  	_ = 	snop  }
0x90: {  	s2 =	sld [smem:$0x3FD0];
	(tm) =	ssettm $0x1  }
0x91: {  	s18 =	sld [smem:$0x3FFB];
	_ =	sdelay $0x3  }
0x92: {  	_ =	strace s18  }
0x93: {  	s3 =	sld [smem:$0x3FFC];
	_ =	sdelay $0x3  }
0x94: {  	_ =	strace s3  }
0x95: {  	s3 =	sld [smem:$0x3FFD];
	_ =	sdelay $0x3  }
0x96: {  	_ =	strace s3  }
0x97: {  	_ =	strace $0x8FFFFFFF  }
0x98: {  	s19 =	sld [smem:$0x3FDB];
	_ =	sdelay $0x1  }
0x99: {  	s4 =	simm.s32 $_scs_section_size  }
0x9a: {  	s5 =	simm.s32 $_size__tile_overlayer_lowered;
	s6 =	simm.s32 $_tile_overlayer_lowered  }
0x9b: {  	s22 =	simm.s32 $0x1BFF;
	s21 =	sshll.u32 s6, $0x1;
	s3 =	sadd.s32 s4, s19  }
0x9c: {  	s7 =	simm.s32 $0x0;
	s20 =	sshll.u32 s5, $0x1;
	s5 =	sadd.s32 s21, s3  }
0x9d: {  	[timem:s7], [sflag:s22] =	dma.local [hbm:s5], s20  }
0x9e: {  	_ =	swait.ge [sflag:s22], s20  }
0x9f: {  	s4 =	ssub.s32 $0x0, s20;
	[sflag:s22] =	ssyncset.done $0x0  }
0xa0: {  	[sflag:s22] =	ssyncadd.s32 s4;
	_ =	sdelay $0x1  }
0xa1: {  	s23 =	simm.s32 $0x1B8B  }
0xa2: {  	_ =	swait.ge [sflag:s23], $0x1  }
0xa3: {  	[sflag:s23] =	ssyncset.done $0x0  }
0xa4: {  	s25 =	simm.s32 $0x1B8E;
	s24 =	sld [smem:$0x3FFE];
	[sflag:s23] =	ssyncadd.s32 $0xFFFFFFFF  }
0xa5: {  	s26 =	simm.s32 $execute0_lowered;
	[smem:$0x3FD2] =	sst s25  }
0xa6: {  	s5 =	sshll.u32 s26, $0x1;
	_ =	strace $0x80000046;
	[dreg:$0x1] =	wrdreg $0xFFFFFFFF  }
0xa7: {  	s28 =	simm.s32 $_size_execute0_lowered;
	s3 =	sadd.s32 s3, s5;
	[dreg:$0x0] =	wrdreg $0x0  }
0xa8: {  	s5 =	sshll.u32 s28, $0x1;
	[dreg:$0x2] =	wrdreg s3  }
0xa9: {  	[dreg:$0x3] =	wrdreg s5  }
0xaa: {  	[dreg:$0x4] =	wrdreg $0xC0  }
0xab: {  	_ =	task [dreg:s7], $0x5FFFF  }
0xac: {  	[dreg:$0x1] =	wrdreg $0xFFFFFFFF  }
0xad: {  	[dreg:$0x0] =	wrdreg $0x60  }
0xae: {  	[dreg:$0x2] =	wrdreg s24  }
0xaf: {  	[dreg:$0x3] =	wrdreg s2  }
0xb0: {  	[dreg:$0x4] =	wrdreg $0x9  }
0xb1: {  	_ =	task.clear_ibuf [dreg:s7], $0x5FFFF;
	_ =	strace $0x90000046  }
0xb2: {  	s29 =	simm.s32 $0x9;
	_ =	strace $0x80000048  }
0xb3: {  	_ =	swait.ge [sflag:s29], $0x1  }
0xb4: {  	[sflag:s29] =	ssyncadd.s32 $0xFFFFFFFF  }
0xb5: {  	_ =	strace $0x90000048  }
0xb6: {  	_ =	sfence  }
0xb7: {  	s30 =	sld [smem:$0x0];
	_ =	sdelay $0x2  }
0xb8: {  	s31 =	sshll.u32 s1, $0xD;
	s1 =	sshrl.u32 s1, $0x2  }
0xb9: {  	s3 =	sand.u32 $0x4000, s31;
	s1 =	sadd.s32 s1, s30  }
0xba: {  	s0 =	sor.u32 s3, s0;
	s1 =	sshll.u32 s1, $0x11  }
0xbb: {  	s0 =	sor.u32 s1, s0  }
0xbc: {  	s0 =	sadd.s32 $0x8F2B, s0  }
0xbd: {  	[sflag:s0] =	ssyncadd.remote.s32 $0x1  }
0xbe: {  	_ =	sfence.sel $0xFFFF  }
0xbf: {  	[dreg:$0x0] =	wrdreg $0xFFFFFFFF;
	(pc) =	sbr.abs _section_cstart, $3  }
0xc0: {  	[dreg:$0x1] =	wrdreg $0xFFFFFFFF  }
0xc1: {  	_ =	task.clear_ibuf [dreg:s7], $0x2FFFF;
	_ =	strace $0x9FFFFFFF  }
0xc2: {  	(tm) =	ssettm $0x7FFFFFFF  }
0xc3: {  	_ =	shalt  }
tec
execute0_lowered:
.L_overlay_start_1:
0x0: {  	(tag) =	ssettag $0x1  }
0x1: {  	v0 =	vimm.s32 $0x1380  }
0x2: {  	vm14 =	vcmask $0x300;
	vm13 =	vcmask $0x704;
	vm12 =	vcmask $0xB08  }
0x3: {  	vm11 =	vcmask $0xF0C;
	vm10 =	vcmask $0x1310;
	vm9 =	vcmask $0x1714  }
0x4: {  	vm8 =	vcmask $0x1B18;
	vm7 =	vcmask $0x1F1C;
	vm6 =	vcmask $0x2320  }
0x5: {  	vm5 =	vcmask $0x2724;
	vm4 =	vcmask $0x2B28;
	vm3 =	vcmask $0x2F2C  }
0x6: {  	vm2 =	vcmask $0x3330;
	vm1 =	vcmask $0x3734;
	vm0 =	vcmask $0x3B38  }
0x7: {  	v1 =	vimm.s32 $0x3380;
	v2 =	vimm.s32 $0x5380;
	v3 =	vimm.s32 $0x7380  }
0x8: {  	v0 =	vsel vm14, $0x0, v0;
	v1 =	vsel vm14, $0x2000, v1;
	v2 =	vsel vm14, $0x4000, v2  }
0x9: {  	v3 =	vsel vm14, $0x6000, v3;
	v0 =	vsel vm13, $0x80, v0;
	v1 =	vsel vm13, $0x2080, v1  }
0xa: {  	v2 =	vsel vm13, $0x4080, v2;
	v3 =	vsel vm13, $0x6080, v3;
	v0 =	vsel vm12, $0x100, v0  }
0xb: {  	v1 =	vsel vm12, $0x2100, v1;
	v2 =	vsel vm12, $0x4100, v2;
	v3 =	vsel vm12, $0x6100, v3  }
0xc: {  	v0 =	vsel vm11, $0x180, v0;
	v1 =	vsel vm11, $0x2180, v1;
	v2 =	vsel vm11, $0x4180, v2  }
0xd: {  	v3 =	vsel vm11, $0x6180, v3;
	v0 =	vsel vm10, $0x200, v0;
	v1 =	vsel vm10, $0x2200, v1  }
0xe: {  	s0 =	rddreg [dreg:$0x0];
	v2 =	vsel vm10, $0x4200, v2;
	v3 =	vsel vm10, $0x6200, v3;
	v0 =	vsel vm9, $0x280, v0  }
0xf: {  	s1 =	srdreg.scid;
	s2 =	stileid.u32;
	v1 =	vsel vm9, $0x2280, v1;
	v2 =	vsel vm9, $0x4280, v2;
	v3 =	vsel vm9, $0x6280, v3  }
0x10: {  	s7 =	rddreg [dreg:$0x1];
	s3 =	simm.s32 $0x0;
	s21 =	simm.s32 $0x1;
	v0 =	vsel vm8, $0x300, v0;
	v1 =	vsel vm8, $0x2300, v1;
	v2 =	vsel vm8, $0x4300, v2  }
0x11: {  	s22 =	simm.s32 $0xE400;
	s1 =	sand.u32 $0x1, s1;
	s2 =	sshll.u32 s2, $0x1;
	v3 =	vsel vm8, $0x6300, v3;
	v0 =	vsel vm7, $0x380, v0;
	v1 =	vsel vm7, $0x2380, v1  }
0x12: {  	[smem:$0x7FF] =	sst s3;
	s26 =	sadd.s32 $0x4000, s7;
	s28 =	sadd.s32 $0x8000, s7;
	v2 =	vsel vm7, $0x4380, v2;
	v3 =	vsel vm7, $0x6380, v3;
	v0 =	vsel vm6, $0x1000, v0  }
0x13: {  	s29 =	sadd.s32 $0xC000, s7;
	_ =	strace $0x80000047;
	[dreg:$0x5] =	wrdreg s26;
	v1 =	vsel vm6, $0x3000, v1;
	v2 =	vsel vm6, $0x5000, v2;
	v3 =	vsel vm6, $0x7000, v3  }
0x14: {  	s30 =	sadd.s32 $0x10000, s7;
	s31 =	sadd.s32 $0x14000, s7;
	[dreg:$0x6] =	wrdreg s28;
	v0 =	vsel vm5, $0x1080, v0;
	v1 =	vsel vm5, $0x3080, v1;
	v2 =	vsel vm5, $0x5080, v2  }
0x15: {  	s12 =	sadd.s32 $0x18000, s7;
	s13 =	sadd.s32 $0x1C000, s7;
	[dreg:$0x7] =	wrdreg s29;
	v3 =	vsel vm5, $0x7080, v3;
	v0 =	vsel vm4, $0x1100, v0;
	v1 =	vsel vm4, $0x3100, v1  }
0x16: {  	s2 =	sor.u32 s1, s2;
	s1 =	ssub.s32 $0x2, s1;
	[dreg:$0x8] =	wrdreg s30;
	v2 =	vsel vm4, $0x5100, v2;
	v3 =	vsel vm4, $0x7100, v3;
	v0 =	vsel vm3, $0x1180, v0  }
0x17: {  	[dreg:$0x9] =	wrdreg s31;
	s4 =	sshll.u32 s2, $0x6;
	s6 =	sshrl.u32 s1, $0x1;
	v1 =	vsel vm3, $0x3180, v1;
	v2 =	vsel vm3, $0x5180, v2;
	v3 =	vsel vm3, $0x7180, v3  }
0x18: {  	s25 =	sshll.u32 s2, $0xC;
	s5 =	sadd.s32 s4, s0;
	s4 =	sadd.s32 $0xF42A00, s0;
	v0 =	vsel vm2, $0x1200, v0;
	v1 =	vsel vm2, $0x3200, v1;
	v2 =	vsel vm2, $0x5200, v2  }
0x19: {  	s23 =	ssub.s32 s1, s6;
	[dreg:$0x4] =	wrdreg s25;
	s24 =	sadd.s32 $0x600, s5;
	v3 =	vsel vm2, $0x7200, v3;
	v0 =	vsel vm1, $0x1280, v0;
	v1 =	vsel vm1, $0x3280, v1  }
0x1a: {  	s1 =	simm.s32 $0x16400;
	s0 =	smax.u32 s23, $0x1;
	[dreg:$0x3] =	wrdreg s24;
	v2 =	vsel vm1, $0x5280, v2;
	v3 =	vsel vm1, $0x7280, v3;
	v0 =	vsel vm0, $0x1300, v0  }
0x1b: {  	s23 =	simm.s32 $0x2;
	s5 =	simm.s32 $0x0;
	[dreg:$0xa] =	wrdreg s0;
	v1 =	vsel vm0, $0x3300, v1;
	v2 =	vsel vm0, $0x5300, v2;
	v3 =	vsel vm0, $0x7300, v3  }
.LBB2_1:
0x1c: {  	[dreg:$0xb] =	wrdreg s5  }
0x1d: {  	s0 =	rddreg [dreg:$0x3]  }
0x1e: {  	s2 =	simm.s32 $0x200;
	s26 =	simm.s32 $0x4000;
	s28 =	simm.s32 $0x5  }
0x1f: {  	[tilespmem:s3], [sflag:$0x5] =	stream.strided.gather [hbm4b:s0+s2], $0x6400, s26, s2, $0x38;
	[tilespmem:$0x1E400] =	vst v63  }
0x20: {  	_ =	swait.ge [sflag:s28], $0x6400  }
0x21: {  	[sflag:s28] =	ssyncset.done $0x0  }
0x22: {  	s29 =	simm.s32 $0x100;
	s30 =	simm.s32 $0x6400;
	[sflag:s28] =	ssyncadd.s32 $0xFFFF9C00  }
0x23: {  	[tilespmem:s30], [sflag:$0x1] =	stream.indirect.gather [hbm4b:s4+s29], $0x40, s3, s29, $0xb8;
	[tilespmem:$0x1E400] =	vst v63  }
0x24: {  	s31 =	simm.s32 $0xA400;
	s25 =	simm.s32 $0x0  }
0x25: {  	[tilespmem:s31], [sflag:$0x2] =	stream.indirect.gather [hbm4b:s4+s29], $0x40, s29, s29, $0xb8;
	[tilespmem:$0x1E400] =	vst v63  }
.LBB2_2:
0x26: {  	p0 =	seq.s32 s25, $0x0  }
0x27: {  	s0 =	simm.s32 @!p0 $0x3  }
0x28: {  	_ =	swait.ge @!p0 [sflag:s0], $0x1000  }
0x29: {  	[sflag:s0] =	ssyncset.done @!p0 $0x0  }
0x2a: {  	[sflag:s0] =	ssyncadd.s32 @!p0 $0xFFFFF000  }
0x2b: {  	_ =	swait.ge @!p0 [sflag:s0], $0x1000  }
0x2c: {  	[sflag:s0] =	ssyncset.done @!p0 $0x0  }
0x2d: {  	[sflag:s0] =	ssyncadd.s32 @!p0 $0xFFFFF000  }
0x2e: {  	_ =	swait.ge @!p0 [sflag:s0], $0x1000  }
0x2f: {  	[sflag:s0] =	ssyncset.done @!p0 $0x0  }
0x30: {  	[sflag:s0] =	ssyncadd.s32 @!p0 $0xFFFFF000  }
0x31: {  	_ =	swait.ge @!p0 [sflag:s0], $0x1000  }
0x32: {  	[sflag:s0] =	ssyncset.done @!p0 $0x0  }
0x33: {  	[sflag:s0] =	ssyncadd.s32 @!p0 $0xFFFFF000  }
0x34: {  	_ =	swait.ge @!p0 [sflag:s0], $0x1000  }
0x35: {  	[sflag:s0] =	ssyncset.done @!p0 $0x0  }
0x36: {  	[sflag:s0] =	ssyncadd.s32 @!p0 $0xFFFFF000  }
0x37: {  	_ =	swait.ge @!p0 [sflag:s0], $0x1000  }
0x38: {  	[sflag:s0] =	ssyncset.done @!p0 $0x0  }
0x39: {  	[sflag:s0] =	ssyncadd.s32 @!p0 $0xFFFFF000  }
0x3a: {  	_ =	swait.ge @!p0 [sflag:s0], $0x1000  }
0x3b: {  	[sflag:s0] =	ssyncset.done @!p0 $0x0  }
0x3c: {  	[sflag:s0] =	ssyncadd.s32 @!p0 $0xFFFFF000  }
0x3d: {  	_ =	swait.ge @!p0 [sflag:s0], $0x1000  }
0x3e: {  	[sflag:s0] =	ssyncset.done @!p0 $0x0  }
0x3f: {  	[sflag:s0] =	ssyncadd.s32 @!p0 $0xFFFFF000  }
0x40: {  	_ =	swait.ge [sflag:s21], $0x4000  }
0x41: {  	[sflag:s21] =	ssyncset.done $0x0  }
0x42: {  	s6 =	simm.s32 $0x0;
	s26 =	simm.s32 $0x0;
	[sflag:s21] =	ssyncadd.s32 $0xFFFFC000  }
0x43: {  	v5 =	vor.u32 s6, v0;
	v4 =	vld [tilespmem:s26+$0x6400];
	_ =	sdelay $0x4  }
0x44: {  	[tilespmem:v5+s22+$0x0] =	vst.idx.msk $0xffff, v4  }
0x45: {  	v5 =	vor.u32 s6, v1;
	v4 =	vld [tilespmem:s26+$0x6410];
	_ =	sdelay $0x4  }
0x46: {  	[tilespmem:v5+s22+$0x0] =	vst.idx.msk $0xffff, v4  }
0x47: {  	v5 =	vor.u32 s6, v2;
	v4 =	vld [tilespmem:s26+$0x6420];
	_ =	sdelay $0x4  }
0x48: {  	[tilespmem:v5+s22+$0x0] =	vst.idx.msk $0xffff, v4  }
0x49: {  	v5 =	vor.u32 s6, v3;
	v4 =	vld [tilespmem:s26+$0x6430];
	_ =	sdelay $0x4  }
0x4a: {  	s7 =	simm.s32 $0x400;
	[tilespmem:v5+s22+$0x0] =	vst.idx.msk $0xffff, v4  }
0x4b: {  	v5 =	vor.u32 s7, v0;
	v4 =	vld [tilespmem:s26+$0x8400];
	_ =	sdelay $0x4  }
0x4c: {  	[tilespmem:v5+s22+$0x0] =	vst.idx.msk $0xffff, v4  }
0x4d: {  	v5 =	vor.u32 s7, v1;
	v4 =	vld [tilespmem:s26+$0x8410]  }
0x4e: {  	s2 =	simm.s32 $0x4;
	s29 =	simm.s32 $0x100  }
0x4f: {  	v7 =	vor.u32 s2, v0;
	v6 =	vld [tilespmem:s29+$0x6400];
	_ =	sdelay $0x2  }
0x50: {  	[tilespmem:v5+s22+$0x0] =	vst.idx.msk $0xffff, v4  }
0x51: {  	v5 =	vor.u32 s7, v2;
	v4 =	vld [tilespmem:s26+$0x8420]  }
0x52: {  	[tilespmem:v7+s22+$0x0] =	vst.idx.msk $0xffff, v6  }
0x53: {  	v7 =	vor.u32 s2, v1;
	v6 =	vld [tilespmem:s29+$0x6410];
	_ =	sdelay $0x2  }
0x54: {  	[tilespmem:v5+s22+$0x0] =	vst.idx.msk $0xffff, v4  }
0x55: {  	v5 =	vor.u32 s7, v3;
	v4 =	vld [tilespmem:s26+$0x8430]  }
0x56: {  	[tilespmem:v7+s22+$0x0] =	vst.idx.msk $0xffff, v6  }
0x57: {  	v7 =	vor.u32 s2, v2;
	v6 =	vld [tilespmem:s29+$0x6420];
	_ =	sdelay $0x2  }
0x58: {  	s8 =	simm.s32 $0x1;
	[tilespmem:v5+s22+$0x0] =	vst.idx.msk $0xffff, v4  }
0x59: {  	v5 =	vor.u32 s8, v0;
	v4 =	vld [tilespmem:s26+$0x6440]  }
0x5a: {  	[tilespmem:v7+s22+$0x0] =	vst.idx.msk $0xffff, v6  }
0x5b: {  	v7 =	vor.u32 s2, v3;
	v6 =	vld [tilespmem:s29+$0x6430];
	_ =	sdelay $0x2  }
0x5c: {  	[tilespmem:v5+s22+$0x0] =	vst.idx.msk $0xffff, v4  }
0x5d: {  	v5 =	vor.u32 s8, v1;
	v4 =	vld [tilespmem:s26+$0x6450]  }
0x5e: {  	s9 =	simm.s32 $0x404;
	[tilespmem:v7+s22+$0x0] =	vst.idx.msk $0xffff, v6  }
0x5f: {  	v7 =	vor.u32 s9, v0;
	v6 =	vld [tilespmem:s29+$0x8400];
	_ =	sdelay $0x2  }
0x60: {  	[tilespmem:v5+s22+$0x0] =	vst.idx.msk $0xffff, v4  }
0x61: {  	v5 =	vor.u32 s8, v2;
	v4 =	vld [tilespmem:s26+$0x6460]  }
0x62: {  	[tilespmem:v7+s22+$0x0] =	vst.idx.msk $0xffff, v6  }
0x63: {  	v7 =	vor.u32 s9, v1;
	v6 =	vld [tilespmem:s29+$0x8410]  }
0x64: {  	s5 =	simm.s32 $0x8;
	s30 =	simm.s32 $0x200  }
0x65: {  	v9 =	vor.u32 s5, v0;
	v8 =	vld [tilespmem:s30+$0x6400]  }
0x66: {  	[tilespmem:v5+s22+$0x0] =	vst.idx.msk $0xffff, v4  }
0x67: {  	v5 =	vor.u32 s8, v3;
	v4 =	vld [tilespmem:s26+$0x6470]  }
0x68: {  	[tilespmem:v7+s22+$0x0] =	vst.idx.msk $0xffff, v6  }
0x69: {  	v7 =	vor.u32 s9, v2;
	v6 =	vld [tilespmem:s29+$0x8420]  }
0x6a: {  	[tilespmem:v9+s22+$0x0] =	vst.idx.msk $0xffff, v8  }
0x6b: {  	v9 =	vor.u32 s5, v1;
	v8 =	vld [tilespmem:s30+$0x6410]  }
0x6c: {  	s10 =	simm.s32 $0x401;
	[tilespmem:v5+s22+$0x0] =	vst.idx.msk $0xffff, v4  }
0x6d: {  	v5 =	vor.u32 s10, v0;
	v4 =	vld [tilespmem:s26+$0x8440]  }
0x6e: {  	[tilespmem:v7+s22+$0x0] =	vst.idx.msk $0xffff, v6  }
0x6f: {  	v7 =	vor.u32 s9, v3;
	v6 =	vld [tilespmem:s29+$0x8430]  }
0x70: {  	[tilespmem:v9+s22+$0x0] =	vst.idx.msk $0xffff, v8  }
0x71: {  	v9 =	vor.u32 s5, v2;
	v8 =	vld [tilespmem:s30+$0x6420]  }
0x72: {  	[tilespmem:v5+s22+$0x0] =	vst.idx.msk $0xffff, v4  }
0x73: {  	v5 =	vor.u32 s10, v1;
	v4 =	vld [tilespmem:s26+$0x8450]  }
0x74: {  	s11 =	simm.s32 $0x5;
	[tilespmem:v7+s22+$0x0] =	vst.idx.msk $0xffff, v6  }
0x75: {  	v7 =	vor.u32 s11, v0;
	v6 =	vld [tilespmem:s29+$0x6440]  }
0x76: {  	[tilespmem:v9+s22+$0x0] =	vst.idx.msk $0xffff, v8  }
0x77: {  	v9 =	vor.u32 s5, v3;
	v8 =	vld [tilespmem:s30+$0x6430]  }
0x78: {  	[tilespmem:v5+s22+$0x0] =	vst.idx.msk $0xffff, v4  }
0x79: {  	v5 =	vor.u32 s10, v2;
	v4 =	vld [tilespmem:s26+$0x8460]  }
0x7a: {  	[tilespmem:v7+s22+$0x0] =	vst.idx.msk $0xffff, v6  }
0x7b: {  	v7 =	vor.u32 s11, v1;
	v6 =	vld [tilespmem:s29+$0x6450]  }
0x7c: {  	s14 =	simm.s32 $0x408;
	[tilespmem:v9+s22+$0x0] =	vst.idx.msk $0xffff, v8  }
0x7d: {  	v9 =	vor.u32 s14, v0;
	v8 =	vld [tilespmem:s30+$0x8400]  }
0x7e: {  	[tilespmem:v5+s22+$0x0] =	vst.idx.msk $0xffff, v4  }
0x7f: {  	v5 =	vor.u32 s10, v3;
	v4 =	vld [tilespmem:s26+$0x8470]  }
0x80: {  	[tilespmem:v7+s22+$0x0] =	vst.idx.msk $0xffff, v6  }
0x81: {  	v7 =	vor.u32 s11, v2;
	v6 =	vld [tilespmem:s29+$0x6460]  }
0x82: {  	[tilespmem:v9+s22+$0x0] =	vst.idx.msk $0xffff, v8  }
0x83: {  	s15 =	simm.s32 $0xC;
	s31 =	simm.s32 $0x300;
	v9 =	vor.u32 s14, v1;
	v8 =	vld [tilespmem:s30+$0x8410]  }
0x84: {  	s6 =	simm.s32 $0x2;
	[tilespmem:v5+s22+$0x0] =	vst.idx.msk $0xffff, v4;
	v4 =	vld [tilespmem:s31+$0x6400];
	v5 =	vor.u32 s15, v0  }
0x85: {  	v11 =	vor.u32 s6, v0;
	v10 =	vld [tilespmem:s26+$0x6480]  }
0x86: {  	[tilespmem:v7+s22+$0x0] =	vst.idx.msk $0xffff, v6  }
0x87: {  	v7 =	vor.u32 s11, v3;
	v6 =	vld [tilespmem:s29+$0x6470]  }
0x88: {  	[tilespmem:v9+s22+$0x0] =	vst.idx.msk $0xffff, v8  }
0x89: {  	v9 =	vor.u32 s14, v2;
	v8 =	vld [tilespmem:s30+$0x8420];
	[tilespmem:v5+s22+$0x0] =	vst.idx.msk $0xffff, v4  }
0x8a: {  	v5 =	vor.u32 s15, v1;
	v4 =	vld [tilespmem:s31+$0x6410];
	[tilespmem:v11+s22+$0x0] =	vst.idx.msk $0xffff, v10  }
0x8b: {  	v11 =	vor.u32 s6, v1;
	v10 =	vld [tilespmem:s26+$0x6490]  }
0x8c: {  	s16 =	simm.s32 $0x405;
	[tilespmem:v7+s22+$0x0] =	vst.idx.msk $0xffff, v6  }
0x8d: {  	v7 =	vor.u32 s16, v0;
	v6 =	vld [tilespmem:s29+$0x8440]  }
0x8e: {  	[tilespmem:v9+s22+$0x0] =	vst.idx.msk $0xffff, v8  }
0x8f: {  	v9 =	vor.u32 s14, v3;
	v8 =	vld [tilespmem:s30+$0x8430];
	[tilespmem:v5+s22+$0x0] =	vst.idx.msk $0xffff, v4  }
0x90: {  	v5 =	vor.u32 s15, v2;
	v4 =	vld [tilespmem:s31+$0x6420];
	[tilespmem:v11+s22+$0x0] =	vst.idx.msk $0xffff, v10  }
0x91: {  	v11 =	vor.u32 s6, v2;
	v10 =	vld [tilespmem:s26+$0x64A0]  }
0x92: {  	[tilespmem:v7+s22+$0x0] =	vst.idx.msk $0xffff, v6  }
0x93: {  	v7 =	vor.u32 s16, v1;
	v6 =	vld [tilespmem:s29+$0x8450]  }
0x94: {  	s17 =	simm.s32 $0x9;
	[tilespmem:v9+s22+$0x0] =	vst.idx.msk $0xffff, v8  }
0x95: {  	v9 =	vor.u32 s17, v0;
	v8 =	vld [tilespmem:s30+$0x6440];
	[tilespmem:v5+s22+$0x0] =	vst.idx.msk $0xffff, v4  }
0x96: {  	v5 =	vor.u32 s15, v3;
	v4 =	vld [tilespmem:s31+$0x6430];
	[tilespmem:v11+s22+$0x0] =	vst.idx.msk $0xffff, v10  }
0x97: {  	v11 =	vor.u32 s6, v3;
	v10 =	vld [tilespmem:s26+$0x64B0]  }
0x98: {  	[tilespmem:v7+s22+$0x0] =	vst.idx.msk $0xffff, v6  }
0x99: {  	v7 =	vor.u32 s16, v2;
	v6 =	vld [tilespmem:s29+$0x8460]  }
0x9a: {  	[tilespmem:v9+s22+$0x0] =	vst.idx.msk $0xffff, v8  }
0x9b: {  	s18 =	simm.s32 $0x40C;
	v9 =	vor.u32 s17, v1;
	v8 =	vld [tilespmem:s30+$0x6450];
	[tilespmem:v5+s22+$0x0] =	vst.idx.msk $0xffff, v4  }
0x9c: {  	s7 =	simm.s32 $0x402;
	v5 =	vor.u32 s18, v0;
	v4 =	vld [tilespmem:s31+$0x8400];
	[tilespmem:v11+s22+$0x0] =	vst.idx.msk $0xffff, v10  }
0x9d: {  	v11 =	vor.u32 s7, v0;
	v10 =	vld [tilespmem:s26+$0x8480]  }
0x9e: {  	[tilespmem:v7+s22+$0x0] =	vst.idx.msk $0xffff, v6  }
0x9f: {  	v7 =	vor.u32 s16, v3;
	v6 =	vld [tilespmem:s29+$0x8470]  }
0xa0: {  	[tilespmem:v9+s22+$0x0] =	vst.idx.msk $0xffff, v8  }
0xa1: {  	v9 =	vor.u32 s17, v2;
	v8 =	vld [tilespmem:s30+$0x6460];
	[tilespmem:v5+s22+$0x0] =	vst.idx.msk $0xffff, v4  }
0xa2: {  	v5 =	vor.u32 s18, v1;
	v4 =	vld [tilespmem:s31+$0x8410];
	[tilespmem:v11+s22+$0x0] =	vst.idx.msk $0xffff, v10  }
0xa3: {  	s19 =	simm.s32 $0x10;
	s0 =	simm.s32 $0x400;
	v11 =	vor.u32 s7, v1;
	v10 =	vld [tilespmem:s26+$0x8490]  }
0xa4: {  	s8 =	simm.s32 $0x6;
	[tilespmem:v7+s22+$0x0] =	vst.idx.msk $0xffff, v6;
	v6 =	vld [tilespmem:s0+$0x6400];
	v7 =	vor.u32 s19, v0  }
0xa5: {  	v13 =	vor.u32 s8, v0;
	v12 =	vld [tilespmem:s29+$0x6480]  }
0xa6: {  	[tilespmem:v9+s22+$0x0] =	vst.idx.msk $0xffff, v8  }
0xa7: {  	v9 =	vor.u32 s17, v3;
	v8 =	vld [tilespmem:s30+$0x6470];
	[tilespmem:v5+s22+$0x0] =	vst.idx.msk $0xffff, v4  }
0xa8: {  	v5 =	vor.u32 s18, v2;
	v4 =	vld [tilespmem:s31+$0x8420];
	[tilespmem:v11+s22+$0x0] =	vst.idx.msk $0xffff, v10  }
0xa9: {  	[tilespmem:v7+s22+$0x0] =	vst.idx.msk $0xffff, v6;
	v7 =	vor.u32 s7, v2;
	v6 =	vld [tilespmem:s26+$0x84A0]  }
0xaa: {  	[tilespmem:v13+s22+$0x0] =	vst.idx.msk $0xffff, v12;
	v10 =	vld [tilespmem:s0+$0x6410];
	v11 =	vor.u32 s19, v1  }
0xab: {  	v13 =	vor.u32 s8, v1;
	v12 =	vld [tilespmem:s29+$0x6490]  }
0xac: {  	s24 =	simm.s32 $0x409;
	[tilespmem:v9+s22+$0x0] =	vst.idx.msk $0xffff, v8  }
0xad: {  	v9 =	vor.u32 s24, v0;
	v8 =	vld [tilespmem:s30+$0x8440];
	[tilespmem:v5+s22+$0x0] =	vst.idx.msk $0xffff, v4  }
0xae: {  	v5 =	vor.u32 s18, v3;
	v4 =	vld [tilespmem:s31+$0x8430];
	[tilespmem:v7+s22+$0x0] =	vst.idx.msk $0xffff, v6  }
0xaf: {  	[tilespmem:v11+s22+$0x0] =	vst.idx.msk $0xffff, v10;
	v7 =	vor.u32 s7, v3;
	v6 =	vld [tilespmem:s26+$0x84B0]  }
0xb0: {  	[tilespmem:v13+s22+$0x0] =	vst.idx.msk $0xffff, v12;
	v11 =	vor.u32 s19, v2;
	v10 =	vld [tilespmem:s0+$0x6420]  }
0xb1: {  	v13 =	vor.u32 s8, v2;
	v12 =	vld [tilespmem:s29+$0x64A0]  }
0xb2: {  	[tilespmem:v9+s22+$0x0] =	vst.idx.msk $0xffff, v8  }
0xb3: {  	v9 =	vor.u32 s24, v1;
	v8 =	vld [tilespmem:s30+$0x8450];
	s6 =	simm.s32 $0xD;
	[tilespmem:v5+s22+$0x0] =	vst.idx.msk $0xffff, v4  }
0xb4: {  	s20 =	simm.s32 $0x3;
	v5 =	vor.u32 s6, v0;
	v4 =	vld [tilespmem:s31+$0x6440];
	[tilespmem:v7+s22+$0x0] =	vst.idx.msk $0xffff, v6  }
0xb5: {  	[tilespmem:v11+s22+$0x0] =	vst.idx.msk $0xffff, v10;
	v7 =	vor.u32 s20, v0;
	v6 =	vld [tilespmem:s26+$0x64C0]  }
0xb6: {  	[tilespmem:v13+s22+$0x0] =	vst.idx.msk $0xffff, v12;
	v11 =	vor.u32 s19, v3;
	v10 =	vld [tilespmem:s0+$0x6430]  }
0xb7: {  	v13 =	vor.u32 s8, v3;
	v12 =	vld [tilespmem:s29+$0x64B0]  }
0xb8: {  	[tilespmem:v9+s22+$0x0] =	vst.idx.msk $0xffff, v8  }
0xb9: {  	v9 =	vor.u32 s24, v2;
	v8 =	vld [tilespmem:s30+$0x8460];
	[tilespmem:v5+s22+$0x0] =	vst.idx.msk $0xffff, v4  }
0xba: {  	v5 =	vor.u32 s6, v1;
	v4 =	vld [tilespmem:s31+$0x6450];
	[tilespmem:v7+s22+$0x0] =	vst.idx.msk $0xffff, v6  }
0xbb: {  	s7 =	simm.s32 $0x410;
	[tilespmem:v11+s22+$0x0] =	vst.idx.msk $0xffff, v10;
	v7 =	vor.u32 s20, v1;
	v6 =	vld [tilespmem:s26+$0x64D0]  }
0xbc: {  	s2 =	simm.s32 $0x406;
	[tilespmem:v13+s22+$0x0] =	vst.idx.msk $0xffff, v12;
	v11 =	vor.u32 s7, v0;
	v10 =	vld [tilespmem:s0+$0x8400]  }
0xbd: {  	v13 =	vor.u32 s2, v0;
	v12 =	vld [tilespmem:s29+$0x8480]  }
0xbe: {  	[tilespmem:v9+s22+$0x0] =	vst.idx.msk $0xffff, v8  }
0xbf: {  	v15 =	vor.u32 s24, v3;
	v14 =	vld [tilespmem:s30+$0x8470];
	[tilespmem:v5+s22+$0x0] =	vst.idx.msk $0xffff, v4  }
0xc0: {  	v9 =	vor.u32 s6, v2;
	v8 =	vld [tilespmem:s31+$0x6460];
	[tilespmem:v7+s22+$0x0] =	vst.idx.msk $0xffff, v6  }
0xc1: {  	s28 =	sshll.u32 s25, $0x1;
	s5 =	simm.s32 $0x40B;
	[tilespmem:v11+s22+$0x0] =	vst.idx.msk $0xffff, v10;
	v5 =	vor.u32 s20, v2;
	v4 =	vld [tilespmem:s26+$0x64E0]  }
0xc2: {  	s9 =	simm.s32 $0x14;
	s14 =	simm.s32 $0x417;
	s17 =	simm.s32 $0x403;
	[tilespmem:v13+s22+$0x0] =	vst.idx.msk $0xffff, v12;
	v11 =	vor.u32 s7, v1;
	v10 =	vld [tilespmem:s0+$0x8410]  }
0xc3: {  	s24 =	simm.s32 $0x407;
	s16 =	simm.s32 $0x40F;
	s19 =	simm.s32 $0x500;
	v6 =	vld [tilespmem:s29+$0x8490];
	v7 =	vor.u32 s2, v1  }
0xc4: {  	[tilespmem:v15+s22+$0x0] =	vst.idx.msk $0xffff, v14;
	s15 =	simm.s32 $0x413;
	s8 =	simm.s32 $0x1800;
	v13 =	vor.u32 s9, v0;
	s18 =	simm.s32 $0xA;
	v12 =	vld [tilespmem:s19+$0x6400]  }
.LBB2_3:
0xc5: {  	p1 =	sne.s32 s8, $0x7C00;
	[tilespmem:v9+s22+$0x0] =	vst.idx.msk $0xffff, v8;
	v8 =	vld [tilespmem:s30+$0x6480];
	v9 =	vor.u32 s18, v0  }
0xc6: {  	v15 =	vor.u32 s6, v3;
	v14 =	vld [tilespmem:s31+$0x6470];
	[tilespmem:v5+s22+$0x0] =	vst.idx.msk $0xffff, v4  }
0xc7: {  	v5 =	vor.u32 s20, v3;
	[tilespmem:v11+s22+$0x0] =	vst.idx.msk $0xffff, v10;
	v4 =	vld [tilespmem:s26+$0x64F0]  }
0xc8: {  	v11 =	vor.u32 s7, v2;
	v10 =	vld [tilespmem:s0+$0x8420];
	[tilespmem:v7+s22+$0x0] =	vst.idx.msk $0xffff, v6  }
0xc9: {  	v7 =	vor.u32 s2, v2;
	[tilespmem:v13+s22+$0x0] =	vst.idx.msk $0xffff, v12;
	v6 =	vld [tilespmem:s29+$0x84A0]  }
0xca: {  	v13 =	vor.u32 s9, v1;
	v12 =	vld [tilespmem:s19+$0x6410];
	[tilespmem:v9+s22+$0x0] =	vst.idx.msk $0xffff, v8  }
0xcb: {  	s10 =	sadd.s32 $0xFFFFFFFE, s16;
	v9 =	vor.u32 s18, v1;
	[tilespmem:v15+s22+$0x0] =	vst.idx.msk $0xffff, v14;
	v8 =	vld [tilespmem:s30+$0x6490]  }
0xcc: {  	v15 =	vor.u32 s10, v0;
	v14 =	vld [tilespmem:s31+$0x8440];
	[tilespmem:v5+s22+$0x0] =	vst.idx.msk $0xffff, v4  }
0xcd: {  	v5 =	vor.u32 s17, v0;
	[tilespmem:v11+s22+$0x0] =	vst.idx.msk $0xffff, v10;
	v4 =	vld [tilespmem:s26+$0x84C0]  }
0xce: {  	v11 =	vor.u32 s7, v3;
	v10 =	vld [tilespmem:s0+$0x8430];
	[tilespmem:v7+s22+$0x0] =	vst.idx.msk $0xffff, v6  }
0xcf: {  	v7 =	vor.u32 s2, v3;
	[tilespmem:v13+s22+$0x0] =	vst.idx.msk $0xffff, v12;
	v6 =	vld [tilespmem:s29+$0x84B0]  }
0xd0: {  	v13 =	vor.u32 s9, v2;
	v12 =	vld [tilespmem:s19+$0x6420];
	[tilespmem:v9+s22+$0x0] =	vst.idx.msk $0xffff, v8  }
0xd1: {  	v9 =	vor.u32 s18, v2;
	[tilespmem:v15+s22+$0x0] =	vst.idx.msk $0xffff, v14;
	v8 =	vld [tilespmem:s30+$0x64A0]  }
0xd2: {  	v15 =	vor.u32 s10, v1;
	v14 =	vld [tilespmem:s31+$0x8450];
	[tilespmem:v5+s22+$0x0] =	vst.idx.msk $0xffff, v4  }
0xd3: {  	s6 =	sadd.s32 $0xFFFFFBFE, s15;
	v5 =	vor.u32 s17, v1;
	[tilespmem:v11+s22+$0x0] =	vst.idx.msk $0xffff, v10;
	v4 =	vld [tilespmem:s26+$0x84D0]  }
0xd4: {  	s20 =	sadd.s32 $0xFFFFFC00, s24;
	v11 =	vor.u32 s6, v0;
	v10 =	vld [tilespmem:s0+$0x6440];
	[tilespmem:v7+s22+$0x0] =	vst.idx.msk $0xffff, v6  }
0xd5: {  	v7 =	vor.u32 s20, v0;
	[tilespmem:v13+s22+$0x0] =	vst.idx.msk $0xffff, v12;
	v6 =	vld [tilespmem:s29+$0x64C0]  }
0xd6: {  	v13 =	vor.u32 s9, v3;
	v12 =	vld [tilespmem:s19+$0x6430];
	[tilespmem:v9+s22+$0x0] =	vst.idx.msk $0xffff, v8  }
0xd7: {  	v9 =	vor.u32 s18, v3;
	[tilespmem:v15+s22+$0x0] =	vst.idx.msk $0xffff, v14;
	v8 =	vld [tilespmem:s30+$0x64B0]  }
0xd8: {  	v15 =	vor.u32 s10, v2;
	v14 =	vld [tilespmem:s31+$0x8460];
	[tilespmem:v5+s22+$0x0] =	vst.idx.msk $0xffff, v4  }
0xd9: {  	v5 =	vor.u32 s17, v2;
	[tilespmem:v11+s22+$0x0] =	vst.idx.msk $0xffff, v10;
	v4 =	vld [tilespmem:s26+$0x84E0]  }
0xda: {  	v11 =	vor.u32 s6, v1;
	v10 =	vld [tilespmem:s0+$0x6450];
	[tilespmem:v7+s22+$0x0] =	vst.idx.msk $0xffff, v6  }
0xdb: {  	s7 =	sadd.s32 $0xFFFFFFFD, s14;
	v7 =	vor.u32 s20, v1;
	[tilespmem:v13+s22+$0x0] =	vst.idx.msk $0xffff, v12;
	v6 =	vld [tilespmem:s29+$0x64D0]  }
0xdc: {  	s2 =	sadd.s32 $0xFFFFFFFF, s5;
	v13 =	vor.u32 s7, v0;
	v12 =	vld [tilespmem:s19+$0x8400];
	[tilespmem:v9+s22+$0x0] =	vst.idx.msk $0xffff, v8  }
0xdd: {  	[tilespmem:v15+s22+$0x0] =	vst.idx.msk $0xffff, v14;
	v14 =	vld [tilespmem:s30+$0x8480];
	v15 =	vor.u32 s2, v0  }
0xde: {  	v17 =	vor.u32 s10, v3;
	v16 =	vld [tilespmem:s31+$0x8470];
	[tilespmem:v5+s22+$0x0] =	vst.idx.msk $0xffff, v4  }
0xdf: {  	v19 =	vor.u32 s17, v3;
	s17 =	smov.u32 s24;
	s24 =	smov.u32 s5;
	s5 =	smov.u32 s16;
	[tilespmem:v11+s22+$0x0] =	vst.idx.msk $0xffff, v10;
	v18 =	vld [tilespmem:s26+$0x84F0]  }
.Ltmp0:
0xe0: {  	s16 =	smov.u32 s15;
	s15 =	smov.u32 s14;
	v9 =	vor.u32 s6, v2;
	v8 =	vld [tilespmem:s0+$0x6460];
	[tilespmem:v7+s22+$0x0] =	vst.idx.msk $0xffff, v6;
	(pc) =	sbr.rel @p1 .LBB2_3-.Ltmp0, $4  }
0xe1: {  	v5 =	vor.u32 s20, v2;
	s26 =	smov.u32 s29;
	[tilespmem:v13+s22+$0x0] =	vst.idx.msk $0xffff, v12;
	v4 =	vld [tilespmem:s29+$0x64E0];
	s29 =	smov.u32 s30;
	s30 =	smov.u32 s31  }
0xe2: {  	s14 =	sadd.s32 $0x4, s14;
	v11 =	vor.u32 s7, v1;
	s31 =	smov.u32 s0;
	s0 =	smov.u32 s19;
	v10 =	vld [tilespmem:s19+$0x8410];
	[tilespmem:v15+s22+$0x0] =	vst.idx.msk $0xffff, v14  }
0xe3: {  	s9 =	sadd.s32 $0xFFFFFBFD, s14;
	v7 =	vor.u32 s2, v1;
	s19 =	sshra.s32 s8, $0x2;
	[tilespmem:v17+s22+$0x0] =	vst.idx.msk $0xffff, v16;
	v6 =	vld [tilespmem:s29+$0x8490]  }
0xe4: {  	s18 =	sadd.s32 $0xFFFFFBFF, s5;
	v13 =	vor.u32 s9, v0;
	s8 =	sadd.s32 $0x400, s8;
	v12 =	vld [tilespmem:s19+$0x6400];
	[tilespmem:v19+s22+$0x0] =	vst.idx.msk $0xffff, v18  }
0xe5: {  	_ =	sdelay $0x3  }
0xe6: {  	[tilespmem:v13+s22+$0x0] =	vst.idx.msk $0xffff, v12  }
0xe7: {  	v13 =	vor.u32 s9, v1;
	v12 =	vld [tilespmem:s19+$0x6410];
	_ =	sdelay $0x4  }
0xe8: {  	[tilespmem:v13+s22+$0x0] =	vst.idx.msk $0xffff, v12  }
0xe9: {  	v13 =	vor.u32 s9, v2;
	v12 =	vld [tilespmem:s19+$0x6420];
	_ =	sdelay $0x4  }
0xea: {  	[tilespmem:v13+s22+$0x0] =	vst.idx.msk $0xffff, v12  }
0xeb: {  	v13 =	vor.u32 s9, v3;
	v12 =	vld [tilespmem:s19+$0x6430];
	_ =	sdelay $0x4  }
0xec: {  	s8 =	sadd.s32 $0xFFFFFFFD, s14;
	[tilespmem:v13+s22+$0x0] =	vst.idx.msk $0xffff, v12  }
0xed: {  	v13 =	vor.u32 s8, v0;
	v12 =	vld [tilespmem:s19+$0x8400];
	_ =	sdelay $0x4  }
0xee: {  	[tilespmem:v13+s22+$0x0] =	vst.idx.msk $0xffff, v12  }
0xef: {  	v13 =	vor.u32 s8, v1;
	v12 =	vld [tilespmem:s19+$0x8410];
	_ =	sdelay $0x3  }
0xf0: {  	[tilespmem:v11+s22+$0x0] =	vst.idx.msk $0xffff, v10  }
0xf1: {  	v11 =	vor.u32 s7, v2;
	v10 =	vld [tilespmem:s0+$0x8420];
	[tilespmem:v13+s22+$0x0] =	vst.idx.msk $0xffff, v12  }
0xf2: {  	v13 =	vor.u32 s8, v2;
	v12 =	vld [tilespmem:s19+$0x8420];
	_ =	sdelay $0x3  }
0xf3: {  	[tilespmem:v11+s22+$0x0] =	vst.idx.msk $0xffff, v10  }
0xf4: {  	v11 =	vor.u32 s7, v3;
	v10 =	vld [tilespmem:s0+$0x8430];
	[tilespmem:v13+s22+$0x0] =	vst.idx.msk $0xffff, v12  }
0xf5: {  	v13 =	vor.u32 s8, v3;
	v12 =	vld [tilespmem:s19+$0x8430];
	_ =	sdelay $0x3  }
0xf6: {  	s10 =	sadd.s32 $0xFFFFFBFE, s15;
	[tilespmem:v11+s22+$0x0] =	vst.idx.msk $0xffff, v10  }
0xf7: {  	s11 =	sadd.s32 $0xFFFFFBFE, s14;
	v11 =	vor.u32 s10, v0;
	v10 =	vld [tilespmem:s0+$0x6440];
	[tilespmem:v13+s22+$0x0] =	vst.idx.msk $0xffff, v12  }
0xf8: {  	v13 =	vor.u32 s11, v0;
	v12 =	vld [tilespmem:s19+$0x6440];
	_ =	sdelay $0x3  }
0xf9: {  	[tilespmem:v11+s22+$0x0] =	vst.idx.msk $0xffff, v10  }
0xfa: {  	v11 =	vor.u32 s10, v1;
	v10 =	vld [tilespmem:s0+$0x6450];
	[tilespmem:v13+s22+$0x0] =	vst.idx.msk $0xffff, v12  }
0xfb: {  	v13 =	vor.u32 s11, v1;
	v12 =	vld [tilespmem:s19+$0x6450];
	_ =	sdelay $0x3  }
0xfc: {  	[tilespmem:v11+s22+$0x0] =	vst.idx.msk $0xffff, v10  }
0xfd: {  	v11 =	vor.u32 s10, v2;
	v10 =	vld [tilespmem:s0+$0x6460];
	[tilespmem:v13+s22+$0x0] =	vst.idx.msk $0xffff, v12  }
0xfe: {  	v13 =	vor.u32 s11, v2;
	v12 =	vld [tilespmem:s19+$0x6460];
	_ =	sdelay $0x1  }
0xff: {  	[tilespmem:v9+s22+$0x0] =	vst.idx.msk $0xffff, v8  }
0x100: {  	v9 =	vor.u32 s6, v3;
	v8 =	vld [tilespmem:s31+$0x6470]  }
0x101: {  	[tilespmem:v11+s22+$0x0] =	vst.idx.msk $0xffff, v10  }
0x102: {  	v11 =	vor.u32 s10, v3;
	v10 =	vld [tilespmem:s0+$0x6470];
	[tilespmem:v13+s22+$0x0] =	vst.idx.msk $0xffff, v12  }
0x103: {  	v13 =	vor.u32 s11, v3;
	v12 =	vld [tilespmem:s19+$0x6470];
	_ =	sdelay $0x1  }
0x104: {  	[tilespmem:v9+s22+$0x0] =	vst.idx.msk $0xffff, v8;
	s9 =	sadd.s32 $0xFFFFFFFE, s16  }
0x105: {  	v8 =	vld [tilespmem:s31+$0x8440];
	v9 =	vor.u32 s9, v0  }
0x106: {  	s10 =	sadd.s32 $0xFFFFFFFE, s15;
	[tilespmem:v11+s22+$0x0] =	vst.idx.msk $0xffff, v10  }
0x107: {  	v11 =	vor.u32 s10, v0;
	v10 =	vld [tilespmem:s0+$0x8440];
	s11 =	sadd.s32 $0xFFFFFFFE, s14;
	[tilespmem:v13+s22+$0x0] =	vst.idx.msk $0xffff, v12  }
0x108: {  	v13 =	vor.u32 s11, v0;
	v12 =	vld [tilespmem:s19+$0x8440];
	_ =	sdelay $0x1  }
0x109: {  	[tilespmem:v9+s22+$0x0] =	vst.idx.msk $0xffff, v8  }
0x10a: {  	v9 =	vor.u32 s9, v1;
	v8 =	vld [tilespmem:s31+$0x8450]  }
0x10b: {  	[tilespmem:v11+s22+$0x0] =	vst.idx.msk $0xffff, v10  }
0x10c: {  	v11 =	vor.u32 s10, v1;
	v10 =	vld [tilespmem:s0+$0x8450];
	[tilespmem:v13+s22+$0x0] =	vst.idx.msk $0xffff, v12  }
0x10d: {  	v13 =	vor.u32 s11, v1;
	v12 =	vld [tilespmem:s19+$0x8450];
	_ =	sdelay $0x1  }
0x10e: {  	[tilespmem:v9+s22+$0x0] =	vst.idx.msk $0xffff, v8  }
0x10f: {  	v9 =	vor.u32 s9, v2;
	v8 =	vld [tilespmem:s31+$0x8460]  }
0x110: {  	[tilespmem:v11+s22+$0x0] =	vst.idx.msk $0xffff, v10  }
0x111: {  	v11 =	vor.u32 s10, v2;
	v10 =	vld [tilespmem:s0+$0x8460];
	[tilespmem:v13+s22+$0x0] =	vst.idx.msk $0xffff, v12  }
0x112: {  	v13 =	vor.u32 s11, v2;
	v12 =	vld [tilespmem:s19+$0x8460];
	_ =	sdelay $0x1  }
0x113: {  	[tilespmem:v9+s22+$0x0] =	vst.idx.msk $0xffff, v8  }
0x114: {  	v9 =	vor.u32 s9, v3;
	v8 =	vld [tilespmem:s31+$0x8470]  }
0x115: {  	[tilespmem:v11+s22+$0x0] =	vst.idx.msk $0xffff, v10  }
0x116: {  	v11 =	vor.u32 s10, v3;
	v10 =	vld [tilespmem:s0+$0x8470];
	[tilespmem:v13+s22+$0x0] =	vst.idx.msk $0xffff, v12  }
0x117: {  	v13 =	vor.u32 s11, v3;
	v12 =	vld [tilespmem:s19+$0x8470];
	_ =	sdelay $0x1  }
0x118: {  	v14 =	vld [tilespmem:s30+$0x6480];
	v15 =	vor.u32 s18, v0;
	s9 =	sadd.s32 $0xFFFFFBFF, s16;
	[tilespmem:v9+s22+$0x0] =	vst.idx.msk $0xffff, v8  }
0x119: {  	v9 =	vor.u32 s9, v0;
	v8 =	vld [tilespmem:s31+$0x6480]  }
0x11a: {  	s10 =	sadd.s32 $0xFFFFFBFF, s15;
	[tilespmem:v11+s22+$0x0] =	vst.idx.msk $0xffff, v10  }
0x11b: {  	v11 =	vor.u32 s10, v0;
	v10 =	vld [tilespmem:s0+$0x6480];
	s11 =	sadd.s32 $0xFFFFFBFF, s14;
	[tilespmem:v13+s22+$0x0] =	vst.idx.msk $0xffff, v12  }
0x11c: {  	v13 =	vor.u32 s11, v0;
	v12 =	vld [tilespmem:s19+$0x6480]  }
0x11d: {  	[tilespmem:v15+s22+$0x0] =	vst.idx.msk $0xffff, v14  }
0x11e: {  	v15 =	vor.u32 s18, v1;
	v14 =	vld [tilespmem:s30+$0x6490];
	[tilespmem:v9+s22+$0x0] =	vst.idx.msk $0xffff, v8  }
0x11f: {  	v9 =	vor.u32 s9, v1;
	v8 =	vld [tilespmem:s31+$0x6490]  }
0x120: {  	[tilespmem:v11+s22+$0x0] =	vst.idx.msk $0xffff, v10  }
0x121: {  	v11 =	vor.u32 s10, v1;
	v10 =	vld [tilespmem:s0+$0x6490];
	[tilespmem:v13+s22+$0x0] =	vst.idx.msk $0xffff, v12  }
0x122: {  	v13 =	vor.u32 s11, v1;
	v12 =	vld [tilespmem:s19+$0x6490]  }
0x123: {  	[tilespmem:v15+s22+$0x0] =	vst.idx.msk $0xffff, v14  }
0x124: {  	v15 =	vor.u32 s18, v2;
	v14 =	vld [tilespmem:s30+$0x64A0];
	[tilespmem:v9+s22+$0x0] =	vst.idx.msk $0xffff, v8  }
0x125: {  	v9 =	vor.u32 s9, v2;
	v8 =	vld [tilespmem:s31+$0x64A0]  }
0x126: {  	[tilespmem:v11+s22+$0x0] =	vst.idx.msk $0xffff, v10  }
0x127: {  	v11 =	vor.u32 s10, v2;
	v10 =	vld [tilespmem:s0+$0x64A0];
	[tilespmem:v13+s22+$0x0] =	vst.idx.msk $0xffff, v12  }
0x128: {  	v13 =	vor.u32 s11, v2;
	v12 =	vld [tilespmem:s19+$0x64A0]  }
0x129: {  	[tilespmem:v15+s22+$0x0] =	vst.idx.msk $0xffff, v14  }
0x12a: {  	v15 =	vor.u32 s18, v3;
	v14 =	vld [tilespmem:s30+$0x64B0];
	[tilespmem:v9+s22+$0x0] =	vst.idx.msk $0xffff, v8  }
0x12b: {  	v9 =	vor.u32 s9, v3;
	v8 =	vld [tilespmem:s31+$0x64B0]  }
0x12c: {  	[tilespmem:v11+s22+$0x0] =	vst.idx.msk $0xffff, v10  }
0x12d: {  	v11 =	vor.u32 s10, v3;
	v10 =	vld [tilespmem:s0+$0x64B0];
	[tilespmem:v13+s22+$0x0] =	vst.idx.msk $0xffff, v12  }
0x12e: {  	v13 =	vor.u32 s11, v3;
	v12 =	vld [tilespmem:s19+$0x64B0]  }
0x12f: {  	[tilespmem:v15+s22+$0x0] =	vst.idx.msk $0xffff, v14;
	s9 =	sadd.s32 $0xFFFFFFFF, s5  }
0x130: {  	v14 =	vld [tilespmem:s30+$0x8480];
	v15 =	vor.u32 s9, v0;
	[tilespmem:v9+s22+$0x0] =	vst.idx.msk $0xffff, v8;
	s10 =	sadd.s32 $0xFFFFFFFF, s16  }
0x131: {  	v8 =	vld [tilespmem:s31+$0x8480];
	v9 =	vor.u32 s10, v0  }
0x132: {  	[tilespmem:v11+s22+$0x0] =	vst.idx.msk $0xffff, v10;
	s11 =	sadd.s32 $0xFFFFFFFF, s15  }
0x133: {  	s18 =	sadd.s32 $0xFFFFFFFF, s14;
	v10 =	vld [tilespmem:s0+$0x8480];
	v11 =	vor.u32 s11, v0;
	[tilespmem:v13+s22+$0x0] =	vst.idx.msk $0xffff, v12  }
0x134: {  	v13 =	vor.u32 s18, v0;
	v12 =	vld [tilespmem:s19+$0x8480]  }
0x135: {  	[tilespmem:v15+s22+$0x0] =	vst.idx.msk $0xffff, v14  }
0x136: {  	v15 =	vor.u32 s9, v1;
	v14 =	vld [tilespmem:s30+$0x8490];
	[tilespmem:v9+s22+$0x0] =	vst.idx.msk $0xffff, v8  }
0x137: {  	v9 =	vor.u32 s10, v1;
	v8 =	vld [tilespmem:s31+$0x8490]  }
0x138: {  	[tilespmem:v11+s22+$0x0] =	vst.idx.msk $0xffff, v10  }
0x139: {  	v11 =	vor.u32 s11, v1;
	v10 =	vld [tilespmem:s0+$0x8490];
	[tilespmem:v13+s22+$0x0] =	vst.idx.msk $0xffff, v12  }
0x13a: {  	[tilespmem:v7+s22+$0x0] =	vst.idx.msk $0xffff, v6;
	v13 =	vor.u32 s18, v1;
	v12 =	vld [tilespmem:s19+$0x8490]  }
0x13b: {  	v7 =	vor.u32 s2, v2;
	v6 =	vld [tilespmem:s29+$0x84A0];
	[tilespmem:v15+s22+$0x0] =	vst.idx.msk $0xffff, v14  }
0x13c: {  	v15 =	vor.u32 s9, v2;
	v14 =	vld [tilespmem:s30+$0x84A0];
	[tilespmem:v9+s22+$0x0] =	vst.idx.msk $0xffff, v8  }
0x13d: {  	v9 =	vor.u32 s10, v2;
	v8 =	vld [tilespmem:s31+$0x84A0]  }
0x13e: {  	[tilespmem:v11+s22+$0x0] =	vst.idx.msk $0xffff, v10  }
0x13f: {  	v11 =	vor.u32 s11, v2;
	v10 =	vld [tilespmem:s0+$0x84A0];
	[tilespmem:v13+s22+$0x0] =	vst.idx.msk $0xffff, v12  }
0x140: {  	[tilespmem:v7+s22+$0x0] =	vst.idx.msk $0xffff, v6;
	v13 =	vor.u32 s18, v2;
	v12 =	vld [tilespmem:s19+$0x84A0]  }
0x141: {  	v7 =	vor.u32 s2, v3;
	v6 =	vld [tilespmem:s29+$0x84B0];
	[tilespmem:v15+s22+$0x0] =	vst.idx.msk $0xffff, v14  }
0x142: {  	v15 =	vor.u32 s9, v3;
	v14 =	vld [tilespmem:s30+$0x84B0];
	[tilespmem:v9+s22+$0x0] =	vst.idx.msk $0xffff, v8  }
0x143: {  	v9 =	vor.u32 s10, v3;
	v8 =	vld [tilespmem:s31+$0x84B0]  }
0x144: {  	[tilespmem:v11+s22+$0x0] =	vst.idx.msk $0xffff, v10  }
0x145: {  	v11 =	vor.u32 s11, v3;
	v10 =	vld [tilespmem:s0+$0x84B0];
	[tilespmem:v13+s22+$0x0] =	vst.idx.msk $0xffff, v12  }
0x146: {  	s7 =	sadd.s32 $0xFFFFFC00, s24;
	[tilespmem:v7+s22+$0x0] =	vst.idx.msk $0xffff, v6;
	v13 =	vor.u32 s18, v3;
	v12 =	vld [tilespmem:s19+$0x84B0]  }
0x147: {  	v7 =	vor.u32 s7, v0;
	v6 =	vld [tilespmem:s29+$0x64C0];
	s8 =	sadd.s32 $0xFFFFFC00, s5;
	[tilespmem:v15+s22+$0x0] =	vst.idx.msk $0xffff, v14  }
0x148: {  	s9 =	sadd.s32 $0xFFFFFC00, s16;
	v15 =	vor.u32 s8, v0;
	v14 =	vld [tilespmem:s30+$0x64C0];
	[tilespmem:v9+s22+$0x0] =	vst.idx.msk $0xffff, v8  }
0x149: {  	v9 =	vor.u32 s9, v0;
	v8 =	vld [tilespmem:s31+$0x64C0]  }
0x14a: {  	s10 =	sadd.s32 $0xFFFFFC00, s15;
	[tilespmem:v11+s22+$0x0] =	vst.idx.msk $0xffff, v10  }
0x14b: {  	s11 =	sadd.s32 $0xFFFFFC00, s14;
	v11 =	vor.u32 s10, v0;
	v10 =	vld [tilespmem:s0+$0x64C0];
	[tilespmem:v13+s22+$0x0] =	vst.idx.msk $0xffff, v12  }
0x14c: {  	[tilespmem:v7+s22+$0x0] =	vst.idx.msk $0xffff, v6;
	v13 =	vor.u32 s11, v0;
	v12 =	vld [tilespmem:s19+$0x64C0]  }
0x14d: {  	v7 =	vor.u32 s7, v1;
	v6 =	vld [tilespmem:s29+$0x64D0];
	[tilespmem:v15+s22+$0x0] =	vst.idx.msk $0xffff, v14  }
0x14e: {  	v15 =	vor.u32 s8, v1;
	v14 =	vld [tilespmem:s30+$0x64D0];
	[tilespmem:v9+s22+$0x0] =	vst.idx.msk $0xffff, v8  }
0x14f: {  	v9 =	vor.u32 s9, v1;
	v8 =	vld [tilespmem:s31+$0x64D0]  }
0x150: {  	[tilespmem:v11+s22+$0x0] =	vst.idx.msk $0xffff, v10  }
0x151: {  	v11 =	vor.u32 s10, v1;
	v10 =	vld [tilespmem:s0+$0x64D0];
	[tilespmem:v13+s22+$0x0] =	vst.idx.msk $0xffff, v12  }
0x152: {  	[tilespmem:v7+s22+$0x0] =	vst.idx.msk $0xffff, v6;
	v13 =	vor.u32 s11, v1;
	v12 =	vld [tilespmem:s19+$0x64D0]  }
0x153: {  	v7 =	vor.u32 s7, v2;
	v6 =	vld [tilespmem:s29+$0x64E0];
	[tilespmem:v15+s22+$0x0] =	vst.idx.msk $0xffff, v14  }
0x154: {  	v15 =	vor.u32 s8, v2;
	v14 =	vld [tilespmem:s30+$0x64E0];
	[tilespmem:v9+s22+$0x0] =	vst.idx.msk $0xffff, v8  }
0x155: {  	[tilespmem:v5+s22+$0x0] =	vst.idx.msk $0xffff, v4;
	v9 =	vor.u32 s9, v2;
	v8 =	vld [tilespmem:s31+$0x64E0]  }
0x156: {  	[tilespmem:v11+s22+$0x0] =	vst.idx.msk $0xffff, v10  }
0x157: {  	v11 =	vor.u32 s10, v2;
	v10 =	vld [tilespmem:s0+$0x64E0];
	[tilespmem:v13+s22+$0x0] =	vst.idx.msk $0xffff, v12  }
0x158: {  	[tilespmem:v7+s22+$0x0] =	vst.idx.msk $0xffff, v6;
	v5 =	vor.u32 s11, v2;
	v4 =	vld [tilespmem:s19+$0x64E0]  }
0x159: {  	v7 =	vor.u32 s7, v3;
	v6 =	vld [tilespmem:s29+$0x64F0];
	[tilespmem:v15+s22+$0x0] =	vst.idx.msk $0xffff, v14  }
0x15a: {  	v15 =	vor.u32 s8, v3;
	v14 =	vld [tilespmem:s30+$0x64F0];
	[tilespmem:v9+s22+$0x0] =	vst.idx.msk $0xffff, v8  }
0x15b: {  	v9 =	vor.u32 s9, v3;
	v8 =	vld [tilespmem:s31+$0x64F0]  }
0x15c: {  	v12 =	vld [tilespmem:s26+$0x64F0];
	v13 =	vor.u32 s20, v3;
	[tilespmem:v11+s22+$0x0] =	vst.idx.msk $0xffff, v10  }
0x15d: {  	v11 =	vor.u32 s10, v3;
	v10 =	vld [tilespmem:s0+$0x64F0];
	[tilespmem:v5+s22+$0x0] =	vst.idx.msk $0xffff, v4  }
0x15e: {  	[tilespmem:v7+s22+$0x0] =	vst.idx.msk $0xffff, v6;
	v5 =	vor.u32 s11, v3;
	v4 =	vld [tilespmem:s19+$0x64F0]  }
0x15f: {  	v7 =	vor.u32 s24, v0;
	v6 =	vld [tilespmem:s29+$0x84C0];
	[tilespmem:v15+s22+$0x0] =	vst.idx.msk $0xffff, v14  }
0x160: {  	v15 =	vor.u32 s5, v0;
	v14 =	vld [tilespmem:s30+$0x84C0];
	[tilespmem:v9+s22+$0x0] =	vst.idx.msk $0xffff, v8  }
0x161: {  	v9 =	vor.u32 s16, v0;
	v8 =	vld [tilespmem:s31+$0x84C0];
	[tilespmem:v13+s22+$0x0] =	vst.idx.msk $0xffff, v12  }
0x162: {  	v13 =	vor.u32 s17, v0;
	v12 =	vld [tilespmem:s26+$0x84C0];
	[tilespmem:v11+s22+$0x0] =	vst.idx.msk $0xffff, v10  }
0x163: {  	v11 =	vor.u32 s15, v0;
	v10 =	vld [tilespmem:s0+$0x84C0];
	[tilespmem:v5+s22+$0x0] =	vst.idx.msk $0xffff, v4  }
0x164: {  	[tilespmem:v7+s22+$0x0] =	vst.idx.msk $0xffff, v6;
	v5 =	vor.u32 s14, v0;
	v4 =	vld [tilespmem:s19+$0x84C0]  }
0x165: {  	v7 =	vor.u32 s24, v1;
	v6 =	vld [tilespmem:s29+$0x84D0];
	[tilespmem:v15+s22+$0x0] =	vst.idx.msk $0xffff, v14  }
0x166: {  	v15 =	vor.u32 s5, v1;
	v14 =	vld [tilespmem:s30+$0x84D0];
	[tilespmem:v9+s22+$0x0] =	vst.idx.msk $0xffff, v8  }
0x167: {  	v9 =	vor.u32 s16, v1;
	v8 =	vld [tilespmem:s31+$0x84D0];
	[tilespmem:v13+s22+$0x0] =	vst.idx.msk $0xffff, v12  }
0x168: {  	v13 =	vor.u32 s17, v1;
	v12 =	vld [tilespmem:s26+$0x84D0];
	[tilespmem:v11+s22+$0x0] =	vst.idx.msk $0xffff, v10  }
0x169: {  	v11 =	vor.u32 s15, v1;
	v10 =	vld [tilespmem:s0+$0x84D0];
	[tilespmem:v5+s22+$0x0] =	vst.idx.msk $0xffff, v4  }
0x16a: {  	[tilespmem:v7+s22+$0x0] =	vst.idx.msk $0xffff, v6;
	v5 =	vor.u32 s14, v1;
	v4 =	vld [tilespmem:s19+$0x84D0]  }
0x16b: {  	v7 =	vor.u32 s24, v2;
	v6 =	vld [tilespmem:s29+$0x84E0];
	[tilespmem:v15+s22+$0x0] =	vst.idx.msk $0xffff, v14  }
0x16c: {  	v15 =	vor.u32 s5, v2;
	v14 =	vld [tilespmem:s30+$0x84E0];
	[tilespmem:v9+s22+$0x0] =	vst.idx.msk $0xffff, v8  }
0x16d: {  	v9 =	vor.u32 s16, v2;
	v8 =	vld [tilespmem:s31+$0x84E0];
	[tilespmem:v13+s22+$0x0] =	vst.idx.msk $0xffff, v12  }
0x16e: {  	v13 =	vor.u32 s17, v2;
	v12 =	vld [tilespmem:s26+$0x84E0];
	[tilespmem:v11+s22+$0x0] =	vst.idx.msk $0xffff, v10  }
0x16f: {  	v11 =	vor.u32 s15, v2;
	v10 =	vld [tilespmem:s0+$0x84E0];
	[tilespmem:v5+s22+$0x0] =	vst.idx.msk $0xffff, v4  }
0x170: {  	[tilespmem:v7+s22+$0x0] =	vst.idx.msk $0xffff, v6;
	v5 =	vor.u32 s14, v2;
	v4 =	vld [tilespmem:s19+$0x84E0]  }
0x171: {  	v7 =	vor.u32 s24, v3;
	v6 =	vld [tilespmem:s29+$0x84F0];
	[tilespmem:v15+s22+$0x0] =	vst.idx.msk $0xffff, v14  }
0x172: {  	v15 =	vor.u32 s5, v3;
	v14 =	vld [tilespmem:s30+$0x84F0];
	[tilespmem:v9+s22+$0x0] =	vst.idx.msk $0xffff, v8  }
0x173: {  	v9 =	vor.u32 s16, v3;
	v8 =	vld [tilespmem:s31+$0x84F0];
	[tilespmem:v13+s22+$0x0] =	vst.idx.msk $0xffff, v12  }
0x174: {  	v13 =	vor.u32 s17, v3;
	v12 =	vld [tilespmem:s26+$0x84F0];
	[tilespmem:v11+s22+$0x0] =	vst.idx.msk $0xffff, v10  }
0x175: {  	v11 =	vor.u32 s15, v3;
	v10 =	vld [tilespmem:s0+$0x84F0];
	[tilespmem:v5+s22+$0x0] =	vst.idx.msk $0xffff, v4  }
0x176: {  	[tilespmem:v7+s22+$0x0] =	vst.idx.msk $0xffff, v6;
	v5 =	vor.u32 s14, v3;
	v4 =	vld [tilespmem:s19+$0x84F0]  }
0x177: {  	[tilespmem:v15+s22+$0x0] =	vst.idx.msk $0xffff, v14  }
0x178: {  	[tilespmem:v9+s22+$0x0] =	vst.idx.msk $0xffff, v8  }
0x179: {  	s16 =	sshll.u32 s25, $0xA;
	[tilespmem:v13+s22+$0x0] =	vst.idx.msk $0xffff, v12  }
0x17a: {  	s26 =	sand.u32 $0x3FFFFC00, s16;
	[tilespmem:v11+s22+$0x0] =	vst.idx.msk $0xffff, v10  }
0x17b: {  	s18 =	simm.s32 $0x6400;
	s17 =	simm.s32 $0x100;
	s0 =	sor.u32 $0x200, s26;
	[tilespmem:v5+s22+$0x0] =	vst.idx.msk $0xffff, v4  }
0x17c: {  	[tilespmem:s18], [sflag:$0x1] =	stream.indirect.gather [hbm4b:s4+s17], $0x40, s0, s17, $0xb8;
	[tilespmem:$0x1E400] =	vst v63  }
0x17d: {  	_ =	swait.ge [sflag:s23], $0x4000  }
0x17e: {  	[sflag:s23] =	ssyncset.done $0x0  }
0x17f: {  	s29 =	simm.s32 $0xC400;
	s19 =	simm.s32 $0x800;
	[sflag:s23] =	ssyncadd.s32 $0xFFFFC000  }
0x180: {  	v5 =	vor.u32 s19, v0;
	v4 =	vld [tilespmem:s29+$0xFFFFE000];
	_ =	sdelay $0x4  }
0x181: {  	[tilespmem:v5+s22+$0x0] =	vst.idx.msk $0xffff, v4  }
0x182: {  	v5 =	vor.u32 s19, v1;
	v4 =	vld [tilespmem:s29+$0xFFFFE010];
	_ =	sdelay $0x4  }
0x183: {  	[tilespmem:v5+s22+$0x0] =	vst.idx.msk $0xffff, v4  }
0x184: {  	v5 =	vor.u32 s19, v2;
	v4 =	vld [tilespmem:s29+$0xFFFFE020];
	_ =	sdelay $0x4  }
0x185: {  	[tilespmem:v5+s22+$0x0] =	vst.idx.msk $0xffff, v4  }
0x186: {  	v5 =	vor.u32 s19, v3;
	v4 =	vld [tilespmem:s29+$0xFFFFE030];
	_ =	sdelay $0x4  }
0x187: {  	s20 =	simm.s32 $0xC00;
	[tilespmem:v5+s22+$0x0] =	vst.idx.msk $0xffff, v4  }
0x188: {  	v5 =	vor.u32 s20, v0;
	v4 =	vld [tilespmem:s29+$0x0];
	_ =	sdelay $0x4  }
0x189: {  	[tilespmem:v5+s22+$0x0] =	vst.idx.msk $0xffff, v4  }
0x18a: {  	v5 =	vor.u32 s20, v1;
	v4 =	vld [tilespmem:s29+$0x10]  }
0x18b: {  	s24 =	simm.s32 $0x804;
	s30 =	simm.s32 $0xC500  }
0x18c: {  	v7 =	vor.u32 s24, v0;
	v6 =	vld [tilespmem:s30+$0xFFFFE000];
	_ =	sdelay $0x2  }
0x18d: {  	[tilespmem:v5+s22+$0x0] =	vst.idx.msk $0xffff, v4  }
0x18e: {  	v5 =	vor.u32 s20, v2;
	v4 =	vld [tilespmem:s29+$0x20]  }
0x18f: {  	[tilespmem:v7+s22+$0x0] =	vst.idx.msk $0xffff, v6  }
0x190: {  	v7 =	vor.u32 s24, v1;
	v6 =	vld [tilespmem:s30+$0xFFFFE010];
	_ =	sdelay $0x2  }
0x191: {  	[tilespmem:v5+s22+$0x0] =	vst.idx.msk $0xffff, v4  }
0x192: {  	v5 =	vor.u32 s20, v3;
	v4 =	vld [tilespmem:s29+$0x30]  }
0x193: {  	[tilespmem:v7+s22+$0x0] =	vst.idx.msk $0xffff, v6  }
0x194: {  	v7 =	vor.u32 s24, v2;
	v6 =	vld [tilespmem:s30+$0xFFFFE020];
	_ =	sdelay $0x2  }
0x195: {  	s5 =	simm.s32 $0x801;
	[tilespmem:v5+s22+$0x0] =	vst.idx.msk $0xffff, v4  }
0x196: {  	v5 =	vor.u32 s5, v0;
	v4 =	vld [tilespmem:s29+$0xFFFFE040]  }
0x197: {  	[tilespmem:v7+s22+$0x0] =	vst.idx.msk $0xffff, v6  }
0x198: {  	v7 =	vor.u32 s24, v3;
	v6 =	vld [tilespmem:s30+$0xFFFFE030];
	_ =	sdelay $0x2  }
0x199: {  	[tilespmem:v5+s22+$0x0] =	vst.idx.msk $0xffff, v4  }
0x19a: {  	v5 =	vor.u32 s5, v1;
	v4 =	vld [tilespmem:s29+$0xFFFFE050]  }
0x19b: {  	s6 =	simm.s32 $0xC04;
	[tilespmem:v7+s22+$0x0] =	vst.idx.msk $0xffff, v6  }
0x19c: {  	v7 =	vor.u32 s6, v0;
	v6 =	vld [tilespmem:s30+$0x0];
	_ =	sdelay $0x2  }
0x19d: {  	[tilespmem:v5+s22+$0x0] =	vst.idx.msk $0xffff, v4  }
0x19e: {  	v5 =	vor.u32 s5, v2;
	v4 =	vld [tilespmem:s29+$0xFFFFE060]  }
0x19f: {  	[tilespmem:v7+s22+$0x0] =	vst.idx.msk $0xffff, v6  }
0x1a0: {  	v7 =	vor.u32 s6, v1;
	v6 =	vld [tilespmem:s30+$0x10]  }
0x1a1: {  	s7 =	simm.s32 $0x808;
	s31 =	simm.s32 $0xC600  }
0x1a2: {  	v9 =	vor.u32 s7, v0;
	v8 =	vld [tilespmem:s31+$0xFFFFE000]  }
0x1a3: {  	[tilespmem:v5+s22+$0x0] =	vst.idx.msk $0xffff, v4  }
0x1a4: {  	v5 =	vor.u32 s5, v3;
	v4 =	vld [tilespmem:s29+$0xFFFFE070]  }
0x1a5: {  	[tilespmem:v7+s22+$0x0] =	vst.idx.msk $0xffff, v6  }
0x1a6: {  	v7 =	vor.u32 s6, v2;
	v6 =	vld [tilespmem:s30+$0x20]  }
0x1a7: {  	[tilespmem:v9+s22+$0x0] =	vst.idx.msk $0xffff, v8  }
0x1a8: {  	v9 =	vor.u32 s7, v1;
	v8 =	vld [tilespmem:s31+$0xFFFFE010]  }
0x1a9: {  	s8 =	simm.s32 $0xC01;
	[tilespmem:v5+s22+$0x0] =	vst.idx.msk $0xffff, v4  }
0x1aa: {  	v5 =	vor.u32 s8, v0;
	v4 =	vld [tilespmem:s29+$0x40]  }
0x1ab: {  	[tilespmem:v7+s22+$0x0] =	vst.idx.msk $0xffff, v6  }
0x1ac: {  	v7 =	vor.u32 s6, v3;
	v6 =	vld [tilespmem:s30+$0x30]  }
0x1ad: {  	[tilespmem:v9+s22+$0x0] =	vst.idx.msk $0xffff, v8  }
0x1ae: {  	v9 =	vor.u32 s7, v2;
	v8 =	vld [tilespmem:s31+$0xFFFFE020]  }
0x1af: {  	[tilespmem:v5+s22+$0x0] =	vst.idx.msk $0xffff, v4  }
0x1b0: {  	v5 =	vor.u32 s8, v1;
	v4 =	vld [tilespmem:s29+$0x50]  }
0x1b1: {  	s9 =	simm.s32 $0x805;
	[tilespmem:v7+s22+$0x0] =	vst.idx.msk $0xffff, v6  }
0x1b2: {  	v7 =	vor.u32 s9, v0;
	v6 =	vld [tilespmem:s30+$0xFFFFE040]  }
0x1b3: {  	[tilespmem:v9+s22+$0x0] =	vst.idx.msk $0xffff, v8  }
0x1b4: {  	v9 =	vor.u32 s7, v3;
	v8 =	vld [tilespmem:s31+$0xFFFFE030]  }
0x1b5: {  	[tilespmem:v5+s22+$0x0] =	vst.idx.msk $0xffff, v4  }
0x1b6: {  	v5 =	vor.u32 s8, v2;
	v4 =	vld [tilespmem:s29+$0x60]  }
0x1b7: {  	[tilespmem:v7+s22+$0x0] =	vst.idx.msk $0xffff, v6  }
0x1b8: {  	v7 =	vor.u32 s9, v1;
	v6 =	vld [tilespmem:s30+$0xFFFFE050]  }
0x1b9: {  	s10 =	simm.s32 $0xC08;
	[tilespmem:v9+s22+$0x0] =	vst.idx.msk $0xffff, v8  }
0x1ba: {  	v9 =	vor.u32 s10, v0;
	v8 =	vld [tilespmem:s31+$0x0]  }
0x1bb: {  	[tilespmem:v5+s22+$0x0] =	vst.idx.msk $0xffff, v4  }
0x1bc: {  	v5 =	vor.u32 s8, v3;
	v4 =	vld [tilespmem:s29+$0x70]  }
0x1bd: {  	[tilespmem:v7+s22+$0x0] =	vst.idx.msk $0xffff, v6  }
0x1be: {  	v7 =	vor.u32 s9, v2;
	v6 =	vld [tilespmem:s30+$0xFFFFE060]  }
0x1bf: {  	[tilespmem:v9+s22+$0x0] =	vst.idx.msk $0xffff, v8  }
0x1c0: {  	s11 =	simm.s32 $0x80C;
	s0 =	simm.s32 $0xC700;
	v9 =	vor.u32 s10, v1;
	v8 =	vld [tilespmem:s31+$0x10]  }
0x1c1: {  	s14 =	simm.s32 $0x802;
	[tilespmem:v5+s22+$0x0] =	vst.idx.msk $0xffff, v4;
	v4 =	vld [tilespmem:s0+$0xFFFFE000];
	v5 =	vor.u32 s11, v0  }
0x1c2: {  	v11 =	vor.u32 s14, v0;
	v10 =	vld [tilespmem:s29+$0xFFFFE080]  }
0x1c3: {  	[tilespmem:v7+s22+$0x0] =	vst.idx.msk $0xffff, v6  }
0x1c4: {  	v7 =	vor.u32 s9, v3;
	v6 =	vld [tilespmem:s30+$0xFFFFE070]  }
0x1c5: {  	[tilespmem:v9+s22+$0x0] =	vst.idx.msk $0xffff, v8  }
0x1c6: {  	v9 =	vor.u32 s10, v2;
	v8 =	vld [tilespmem:s31+$0x20];
	[tilespmem:v5+s22+$0x0] =	vst.idx.msk $0xffff, v4  }
0x1c7: {  	v5 =	vor.u32 s11, v1;
	v4 =	vld [tilespmem:s0+$0xFFFFE010];
	[tilespmem:v11+s22+$0x0] =	vst.idx.msk $0xffff, v10  }
0x1c8: {  	v11 =	vor.u32 s14, v1;
	v10 =	vld [tilespmem:s29+$0xFFFFE090]  }
0x1c9: {  	s15 =	simm.s32 $0xC05;
	[tilespmem:v7+s22+$0x0] =	vst.idx.msk $0xffff, v6  }
0x1ca: {  	v7 =	vor.u32 s15, v0;
	v6 =	vld [tilespmem:s30+$0x40]  }
0x1cb: {  	[tilespmem:v9+s22+$0x0] =	vst.idx.msk $0xffff, v8  }
0x1cc: {  	v9 =	vor.u32 s10, v3;
	v8 =	vld [tilespmem:s31+$0x30];
	[tilespmem:v5+s22+$0x0] =	vst.idx.msk $0xffff, v4  }
0x1cd: {  	v5 =	vor.u32 s11, v2;
	v4 =	vld [tilespmem:s0+$0xFFFFE020];
	[tilespmem:v11+s22+$0x0] =	vst.idx.msk $0xffff, v10  }
0x1ce: {  	v11 =	vor.u32 s14, v2;
	v10 =	vld [tilespmem:s29+$0xFFFFE0A0]  }
0x1cf: {  	[tilespmem:v7+s22+$0x0] =	vst.idx.msk $0xffff, v6  }
0x1d0: {  	v7 =	vor.u32 s15, v1;
	v6 =	vld [tilespmem:s30+$0x50]  }
0x1d1: {  	s16 =	simm.s32 $0x809;
	[tilespmem:v9+s22+$0x0] =	vst.idx.msk $0xffff, v8  }
0x1d2: {  	v9 =	vor.u32 s16, v0;
	v8 =	vld [tilespmem:s31+$0xFFFFE040];
	[tilespmem:v5+s22+$0x0] =	vst.idx.msk $0xffff, v4  }
0x1d3: {  	v5 =	vor.u32 s11, v3;
	v4 =	vld [tilespmem:s0+$0xFFFFE030];
	[tilespmem:v11+s22+$0x0] =	vst.idx.msk $0xffff, v10  }
0x1d4: {  	v11 =	vor.u32 s14, v3;
	v10 =	vld [tilespmem:s29+$0xFFFFE0B0]  }
0x1d5: {  	[tilespmem:v7+s22+$0x0] =	vst.idx.msk $0xffff, v6  }
0x1d6: {  	v7 =	vor.u32 s15, v2;
	v6 =	vld [tilespmem:s30+$0x60]  }
0x1d7: {  	[tilespmem:v9+s22+$0x0] =	vst.idx.msk $0xffff, v8  }
0x1d8: {  	s17 =	simm.s32 $0xC0C;
	v9 =	vor.u32 s16, v1;
	v8 =	vld [tilespmem:s31+$0xFFFFE050];
	[tilespmem:v5+s22+$0x0] =	vst.idx.msk $0xffff, v4  }
0x1d9: {  	s18 =	simm.s32 $0xC02;
	v5 =	vor.u32 s17, v0;
	v4 =	vld [tilespmem:s0+$0x0];
	[tilespmem:v11+s22+$0x0] =	vst.idx.msk $0xffff, v10  }
0x1da: {  	v11 =	vor.u32 s18, v0;
	v10 =	vld [tilespmem:s29+$0x80]  }
0x1db: {  	[tilespmem:v7+s22+$0x0] =	vst.idx.msk $0xffff, v6  }
0x1dc: {  	v7 =	vor.u32 s15, v3;
	v6 =	vld [tilespmem:s30+$0x70]  }
0x1dd: {  	[tilespmem:v9+s22+$0x0] =	vst.idx.msk $0xffff, v8  }
0x1de: {  	v9 =	vor.u32 s16, v2;
	v8 =	vld [tilespmem:s31+$0xFFFFE060];
	[tilespmem:v5+s22+$0x0] =	vst.idx.msk $0xffff, v4  }
0x1df: {  	v5 =	vor.u32 s17, v1;
	v4 =	vld [tilespmem:s0+$0x10];
	[tilespmem:v11+s22+$0x0] =	vst.idx.msk $0xffff, v10  }
0x1e0: {  	s19 =	simm.s32 $0x810;
	s15 =	simm.s32 $0xC800;
	v11 =	vor.u32 s18, v1;
	v10 =	vld [tilespmem:s29+$0x90]  }
0x1e1: {  	s20 =	simm.s32 $0x806;
	[tilespmem:v7+s22+$0x0] =	vst.idx.msk $0xffff, v6;
	v6 =	vld [tilespmem:s15+$0xFFFFE000];
	v7 =	vor.u32 s19, v0  }
0x1e2: {  	v13 =	vor.u32 s20, v0;
	v12 =	vld [tilespmem:s30+$0xFFFFE080]  }
0x1e3: {  	[tilespmem:v9+s22+$0x0] =	vst.idx.msk $0xffff, v8  }
0x1e4: {  	v9 =	vor.u32 s16, v3;
	v8 =	vld [tilespmem:s31+$0xFFFFE070];
	[tilespmem:v5+s22+$0x0] =	vst.idx.msk $0xffff, v4  }
0x1e5: {  	v5 =	vor.u32 s17, v2;
	v4 =	vld [tilespmem:s0+$0x20];
	[tilespmem:v11+s22+$0x0] =	vst.idx.msk $0xffff, v10  }
0x1e6: {  	[tilespmem:v7+s22+$0x0] =	vst.idx.msk $0xffff, v6;
	v7 =	vor.u32 s18, v2;
	v6 =	vld [tilespmem:s29+$0xA0]  }
0x1e7: {  	[tilespmem:v13+s22+$0x0] =	vst.idx.msk $0xffff, v12;
	v10 =	vld [tilespmem:s15+$0xFFFFE010];
	v11 =	vor.u32 s19, v1  }
0x1e8: {  	v13 =	vor.u32 s20, v1;
	v12 =	vld [tilespmem:s30+$0xFFFFE090]  }
0x1e9: {  	s24 =	simm.s32 $0xC09;
	[tilespmem:v9+s22+$0x0] =	vst.idx.msk $0xffff, v8  }
0x1ea: {  	v9 =	vor.u32 s24, v0;
	v8 =	vld [tilespmem:s31+$0x40];
	[tilespmem:v5+s22+$0x0] =	vst.idx.msk $0xffff, v4  }
0x1eb: {  	v5 =	vor.u32 s17, v3;
	v4 =	vld [tilespmem:s0+$0x30];
	[tilespmem:v7+s22+$0x0] =	vst.idx.msk $0xffff, v6  }
0x1ec: {  	[tilespmem:v11+s22+$0x0] =	vst.idx.msk $0xffff, v10;
	v7 =	vor.u32 s18, v3;
	v6 =	vld [tilespmem:s29+$0xB0]  }
0x1ed: {  	[tilespmem:v13+s22+$0x0] =	vst.idx.msk $0xffff, v12;
	v11 =	vor.u32 s19, v2;
	v10 =	vld [tilespmem:s15+$0xFFFFE020]  }
0x1ee: {  	v13 =	vor.u32 s20, v2;
	v12 =	vld [tilespmem:s30+$0xFFFFE0A0]  }
0x1ef: {  	[tilespmem:v9+s22+$0x0] =	vst.idx.msk $0xffff, v8  }
0x1f0: {  	s7 =	simm.s32 $0x80D;
	v9 =	vor.u32 s24, v1;
	v8 =	vld [tilespmem:s31+$0x50];
	[tilespmem:v5+s22+$0x0] =	vst.idx.msk $0xffff, v4  }
0x1f1: {  	s2 =	simm.s32 $0x803;
	v5 =	vor.u32 s7, v0;
	v4 =	vld [tilespmem:s0+$0xFFFFE040];
	[tilespmem:v7+s22+$0x0] =	vst.idx.msk $0xffff, v6  }
0x1f2: {  	[tilespmem:v11+s22+$0x0] =	vst.idx.msk $0xffff, v10;
	v7 =	vor.u32 s2, v0;
	v6 =	vld [tilespmem:s29+$0xFFFFE0C0]  }
0x1f3: {  	[tilespmem:v13+s22+$0x0] =	vst.idx.msk $0xffff, v12;
	v11 =	vor.u32 s19, v3;
	v10 =	vld [tilespmem:s15+$0xFFFFE030]  }
0x1f4: {  	v13 =	vor.u32 s20, v3;
	v12 =	vld [tilespmem:s30+$0xFFFFE0B0]  }
0x1f5: {  	[tilespmem:v9+s22+$0x0] =	vst.idx.msk $0xffff, v8  }
0x1f6: {  	v9 =	vor.u32 s24, v2;
	v8 =	vld [tilespmem:s31+$0x60];
	[tilespmem:v5+s22+$0x0] =	vst.idx.msk $0xffff, v4  }
0x1f7: {  	v5 =	vor.u32 s7, v1;
	v4 =	vld [tilespmem:s0+$0xFFFFE050];
	[tilespmem:v7+s22+$0x0] =	vst.idx.msk $0xffff, v6  }
0x1f8: {  	s8 =	simm.s32 $0xC10;
	[tilespmem:v11+s22+$0x0] =	vst.idx.msk $0xffff, v10;
	v7 =	vor.u32 s2, v1;
	v6 =	vld [tilespmem:s29+$0xFFFFE0D0]  }
0x1f9: {  	[tilespmem:v13+s22+$0x0] =	vst.idx.msk $0xffff, v12;
	s18 =	simm.s32 $0xC06;
	v11 =	vor.u32 s8, v0;
	v10 =	vld [tilespmem:s15+$0x0]  }
0x1fa: {  	v12 =	vld [tilespmem:s30+$0x80];
	v13 =	vor.u32 s18, v0  }
0x1fb: {  	[tilespmem:v9+s22+$0x0] =	vst.idx.msk $0xffff, v8  }
0x1fc: {  	v15 =	vor.u32 s24, v3;
	v14 =	vld [tilespmem:s31+$0x70];
	[tilespmem:v5+s22+$0x0] =	vst.idx.msk $0xffff, v4  }
0x1fd: {  	v9 =	vor.u32 s7, v2;
	v8 =	vld [tilespmem:s0+$0xFFFFE060];
	[tilespmem:v7+s22+$0x0] =	vst.idx.msk $0xffff, v6  }
0x1fe: {  	s10 =	simm.s32 $0x814;
	[tilespmem:v11+s22+$0x0] =	vst.idx.msk $0xffff, v10;
	v5 =	vor.u32 s2, v2;
	v4 =	vld [tilespmem:s29+$0xFFFFE0E0]  }
0x1ff: {  	s6 =	simm.s32 $0x80A;
	s16 =	simm.s32 $0xC13;
	s5 =	simm.s32 $0xC900;
	[tilespmem:v13+s22+$0x0] =	vst.idx.msk $0xffff, v12;
	v11 =	vor.u32 s8, v1;
	v10 =	vld [tilespmem:s15+$0x10]  }
0x200: {  	s9 =	simm.s32 $0xC1B;
	s24 =	simm.s32 $0xC0F;
	s20 =	simm.s32 $0xC03;
	v6 =	vld [tilespmem:s30+$0x90];
	v7 =	vor.u32 s18, v1  }
0x201: {  	[tilespmem:v15+s22+$0x0] =	vst.idx.msk $0xffff, v14;
	s14 =	simm.s32 $0xC0B;
	s17 =	simm.s32 $0xC17;
	s19 =	simm.s32 $0xC07;
	v12 =	vld [tilespmem:s5+$0xFFFFE000];
	v13 =	vor.u32 s10, v0  }
.LBB2_5:
0x202: {  	p1 =	sne.s32 s9, $0xC7F;
	[tilespmem:v9+s22+$0x0] =	vst.idx.msk $0xffff, v8;
	v8 =	vld [tilespmem:s31+$0xFFFFE080];
	v9 =	vor.u32 s6, v0  }
0x203: {  	v15 =	vor.u32 s7, v3;
	v14 =	vld [tilespmem:s0+$0xFFFFE070];
	[tilespmem:v5+s22+$0x0] =	vst.idx.msk $0xffff, v4  }
0x204: {  	v5 =	vor.u32 s2, v3;
	[tilespmem:v11+s22+$0x0] =	vst.idx.msk $0xffff, v10;
	v4 =	vld [tilespmem:s29+$0xFFFFE0F0]  }
0x205: {  	v11 =	vor.u32 s8, v2;
	v10 =	vld [tilespmem:s15+$0x20];
	[tilespmem:v7+s22+$0x0] =	vst.idx.msk $0xffff, v6  }
0x206: {  	v7 =	vor.u32 s18, v2;
	[tilespmem:v13+s22+$0x0] =	vst.idx.msk $0xffff, v12;
	v6 =	vld [tilespmem:s30+$0xA0]  }
0x207: {  	v13 =	vor.u32 s10, v1;
	v12 =	vld [tilespmem:s5+$0xFFFFE010];
	[tilespmem:v9+s22+$0x0] =	vst.idx.msk $0xffff, v8  }
0x208: {  	s11 =	sadd.s32 $0xFFFFFFFE, s24;
	v9 =	vor.u32 s6, v1;
	[tilespmem:v15+s22+$0x0] =	vst.idx.msk $0xffff, v14;
	v8 =	vld [tilespmem:s31+$0xFFFFE090]  }
0x209: {  	v15 =	vor.u32 s11, v0;
	v14 =	vld [tilespmem:s0+$0x40];
	[tilespmem:v5+s22+$0x0] =	vst.idx.msk $0xffff, v4  }
0x20a: {  	v5 =	vor.u32 s20, v0;
	[tilespmem:v11+s22+$0x0] =	vst.idx.msk $0xffff, v10;
	v4 =	vld [tilespmem:s29+$0xC0]  }
0x20b: {  	v11 =	vor.u32 s8, v3;
	v10 =	vld [tilespmem:s15+$0x30];
	[tilespmem:v7+s22+$0x0] =	vst.idx.msk $0xffff, v6  }
0x20c: {  	v7 =	vor.u32 s18, v3;
	[tilespmem:v13+s22+$0x0] =	vst.idx.msk $0xffff, v12;
	v6 =	vld [tilespmem:s30+$0xB0]  }
0x20d: {  	v13 =	vor.u32 s10, v2;
	v12 =	vld [tilespmem:s5+$0xFFFFE020];
	[tilespmem:v9+s22+$0x0] =	vst.idx.msk $0xffff, v8  }
0x20e: {  	v9 =	vor.u32 s6, v2;
	[tilespmem:v15+s22+$0x0] =	vst.idx.msk $0xffff, v14;
	v8 =	vld [tilespmem:s31+$0xFFFFE0A0]  }
0x20f: {  	v15 =	vor.u32 s11, v1;
	v14 =	vld [tilespmem:s0+$0x50];
	[tilespmem:v5+s22+$0x0] =	vst.idx.msk $0xffff, v4  }
0x210: {  	s7 =	sadd.s32 $0xFFFFFBFE, s16;
	v5 =	vor.u32 s20, v1;
	[tilespmem:v11+s22+$0x0] =	vst.idx.msk $0xffff, v10;
	v4 =	vld [tilespmem:s29+$0xD0]  }
0x211: {  	s2 =	sadd.s32 $0xFFFFFC00, s19;
	v11 =	vor.u32 s7, v0;
	v10 =	vld [tilespmem:s15+$0xFFFFE040];
	[tilespmem:v7+s22+$0x0] =	vst.idx.msk $0xffff, v6  }
0x212: {  	v7 =	vor.u32 s2, v0;
	[tilespmem:v13+s22+$0x0] =	vst.idx.msk $0xffff, v12;
	v6 =	vld [tilespmem:s30+$0xFFFFE0C0]  }
0x213: {  	v13 =	vor.u32 s10, v3;
	v12 =	vld [tilespmem:s5+$0xFFFFE030];
	[tilespmem:v9+s22+$0x0] =	vst.idx.msk $0xffff, v8  }
0x214: {  	v9 =	vor.u32 s6, v3;
	[tilespmem:v15+s22+$0x0] =	vst.idx.msk $0xffff, v14;
	v8 =	vld [tilespmem:s31+$0xFFFFE0B0]  }
0x215: {  	v15 =	vor.u32 s11, v2;
	v14 =	vld [tilespmem:s0+$0x60];
	[tilespmem:v5+s22+$0x0] =	vst.idx.msk $0xffff, v4  }
0x216: {  	v5 =	vor.u32 s20, v2;
	[tilespmem:v11+s22+$0x0] =	vst.idx.msk $0xffff, v10;
	v4 =	vld [tilespmem:s29+$0xE0]  }
0x217: {  	v11 =	vor.u32 s7, v1;
	v10 =	vld [tilespmem:s15+$0xFFFFE050];
	[tilespmem:v7+s22+$0x0] =	vst.idx.msk $0xffff, v6  }
0x218: {  	s8 =	sadd.s32 $0xFFFFFFFD, s17;
	v7 =	vor.u32 s2, v1;
	[tilespmem:v13+s22+$0x0] =	vst.idx.msk $0xffff, v12;
	v6 =	vld [tilespmem:s30+$0xFFFFE0D0]  }
0x219: {  	s18 =	sadd.s32 $0xFFFFFFFF, s14;
	v13 =	vor.u32 s8, v0;
	v12 =	vld [tilespmem:s5+$0x0];
	[tilespmem:v9+s22+$0x0] =	vst.idx.msk $0xffff, v8  }
0x21a: {  	[tilespmem:v15+s22+$0x0] =	vst.idx.msk $0xffff, v14;
	v14 =	vld [tilespmem:s31+$0x80];
	v15 =	vor.u32 s18, v0  }
0x21b: {  	v17 =	vor.u32 s11, v3;
	v16 =	vld [tilespmem:s0+$0x70];
	[tilespmem:v5+s22+$0x0] =	vst.idx.msk $0xffff, v4  }
0x21c: {  	v19 =	vor.u32 s20, v3;
	[tilespmem:v11+s22+$0x0] =	vst.idx.msk $0xffff, v10;
	v18 =	vld [tilespmem:s29+$0xF0];
	s29 =	smov.u32 s30;
	s30 =	smov.u32 s31;
	s31 =	smov.u32 s0  }
.Ltmp1:
0x21d: {  	v9 =	vor.u32 s7, v2;
	s0 =	smov.u32 s15;
	v8 =	vld [tilespmem:s15+$0xFFFFE060];
	[tilespmem:v7+s22+$0x0] =	vst.idx.msk $0xffff, v6;
	s15 =	smov.u32 s5;
	(pc) =	sbr.rel @p1 .LBB2_5-.Ltmp1, $4  }
0x21e: {  	s20 =	smov.u32 s19;
	s19 =	smov.u32 s14;
	s14 =	smov.u32 s24;
	v5 =	vor.u32 s2, v2;
	[tilespmem:v13+s22+$0x0] =	vst.idx.msk $0xffff, v12;
	v4 =	vld [tilespmem:s29+$0xFFFFE0E0]  }
0x21f: {  	s24 =	smov.u32 s16;
	s16 =	smov.u32 s17;
	s17 =	smov.u32 s9;
	v11 =	vor.u32 s8, v1;
	v10 =	vld [tilespmem:s5+$0x10];
	[tilespmem:v15+s22+$0x0] =	vst.idx.msk $0xffff, v14  }
0x220: {  	s10 =	sadd.s32 $0xFFFFFBFD, s9;
	v7 =	vor.u32 s18, v1;
	s5 =	sadd.s32 $0x100, s5;
	[tilespmem:v17+s22+$0x0] =	vst.idx.msk $0xffff, v16;
	v6 =	vld [tilespmem:s30+$0x90]  }
0x221: {  	s9 =	sadd.s32 $0x4, s9;
	s6 =	sadd.s32 $0xFFFFFBFF, s14;
	v13 =	vor.u32 s10, v0;
	v12 =	vld [tilespmem:s5+$0xFFFFE000];
	[tilespmem:v19+s22+$0x0] =	vst.idx.msk $0xffff, v18  }
0x222: {  	_ =	sdelay $0x3  }
0x223: {  	[tilespmem:v13+s22+$0x0] =	vst.idx.msk $0xffff, v12  }
0x224: {  	v13 =	vor.u32 s10, v1;
	v12 =	vld [tilespmem:s5+$0xFFFFE010];
	_ =	sdelay $0x4  }
0x225: {  	[tilespmem:v13+s22+$0x0] =	vst.idx.msk $0xffff, v12  }
0x226: {  	v13 =	vor.u32 s10, v2;
	v12 =	vld [tilespmem:s5+$0xFFFFE020];
	_ =	sdelay $0x4  }
0x227: {  	[tilespmem:v13+s22+$0x0] =	vst.idx.msk $0xffff, v12  }
0x228: {  	v13 =	vor.u32 s10, v3;
	v12 =	vld [tilespmem:s5+$0xFFFFE030];
	_ =	sdelay $0x4  }
0x229: {  	s9 =	sadd.s32 $0xFFFFFFFD, s17;
	[tilespmem:v13+s22+$0x0] =	vst.idx.msk $0xffff, v12  }
0x22a: {  	v13 =	vor.u32 s9, v0;
	v12 =	vld [tilespmem:s5+$0x0];
	_ =	sdelay $0x4  }
0x22b: {  	[tilespmem:v13+s22+$0x0] =	vst.idx.msk $0xffff, v12  }
0x22c: {  	v13 =	vor.u32 s9, v1;
	v12 =	vld [tilespmem:s5+$0x10];
	_ =	sdelay $0x2  }
0x22d: {  	[tilespmem:v11+s22+$0x0] =	vst.idx.msk $0xffff, v10  }
0x22e: {  	v11 =	vor.u32 s8, v2;
	v10 =	vld [tilespmem:s15+$0x20]  }
0x22f: {  	[tilespmem:v13+s22+$0x0] =	vst.idx.msk $0xffff, v12  }
0x230: {  	v13 =	vor.u32 s9, v2;
	v12 =	vld [tilespmem:s5+$0x20];
	_ =	sdelay $0x2  }
0x231: {  	[tilespmem:v11+s22+$0x0] =	vst.idx.msk $0xffff, v10  }
0x232: {  	v11 =	vor.u32 s8, v3;
	v10 =	vld [tilespmem:s15+$0x30]  }
0x233: {  	[tilespmem:v13+s22+$0x0] =	vst.idx.msk $0xffff, v12  }
0x234: {  	v13 =	vor.u32 s9, v3;
	v12 =	vld [tilespmem:s5+$0x30];
	_ =	sdelay $0x2  }
0x235: {  	[tilespmem:v11+s22+$0x0] =	vst.idx.msk $0xffff, v10;
	s10 =	sadd.s32 $0xFFFFFBFE, s16  }
0x236: {  	v10 =	vld [tilespmem:s15+$0xFFFFE040];
	v11 =	vor.u32 s10, v0  }
0x237: {  	s11 =	sadd.s32 $0xFFFFFBFE, s17;
	[tilespmem:v13+s22+$0x0] =	vst.idx.msk $0xffff, v12  }
0x238: {  	v13 =	vor.u32 s11, v0;
	v12 =	vld [tilespmem:s5+$0xFFFFE040];
	_ =	sdelay $0x2  }
0x239: {  	[tilespmem:v11+s22+$0x0] =	vst.idx.msk $0xffff, v10  }
0x23a: {  	v11 =	vor.u32 s10, v1;
	v10 =	vld [tilespmem:s15+$0xFFFFE050]  }
0x23b: {  	[tilespmem:v13+s22+$0x0] =	vst.idx.msk $0xffff, v12  }
0x23c: {  	v13 =	vor.u32 s11, v1;
	v12 =	vld [tilespmem:s5+$0xFFFFE050];
	_ =	sdelay $0x2  }
0x23d: {  	[tilespmem:v11+s22+$0x0] =	vst.idx.msk $0xffff, v10  }
0x23e: {  	v11 =	vor.u32 s10, v2;
	v10 =	vld [tilespmem:s15+$0xFFFFE060]  }
0x23f: {  	[tilespmem:v13+s22+$0x0] =	vst.idx.msk $0xffff, v12  }
0x240: {  	v13 =	vor.u32 s11, v2;
	v12 =	vld [tilespmem:s5+$0xFFFFE060];
	_ =	sdelay $0x1  }
0x241: {  	[tilespmem:v9+s22+$0x0] =	vst.idx.msk $0xffff, v8  }
0x242: {  	v9 =	vor.u32 s7, v3;
	v8 =	vld [tilespmem:s0+$0xFFFFE070];
	[tilespmem:v11+s22+$0x0] =	vst.idx.msk $0xffff, v10  }
0x243: {  	v11 =	vor.u32 s10, v3;
	v10 =	vld [tilespmem:s15+$0xFFFFE070]  }
0x244: {  	[tilespmem:v13+s22+$0x0] =	vst.idx.msk $0xffff, v12  }
0x245: {  	v13 =	vor.u32 s11, v3;
	v12 =	vld [tilespmem:s5+$0xFFFFE070];
	_ =	sdelay $0x1  }
0x246: {  	[tilespmem:v9+s22+$0x0] =	vst.idx.msk $0xffff, v8;
	s9 =	sadd.s32 $0xFFFFFFFE, s24  }
0x247: {  	v8 =	vld [tilespmem:s0+$0x40];
	s10 =	sadd.s32 $0xFFFFFFFE, s16;
	[tilespmem:v11+s22+$0x0] =	vst.idx.msk $0xffff, v10;
	v9 =	vor.u32 s9, v0  }
0x248: {  	v11 =	vor.u32 s10, v0;
	v10 =	vld [tilespmem:s15+$0x40]  }
0x249: {  	s11 =	sadd.s32 $0xFFFFFFFE, s17;
	[tilespmem:v13+s22+$0x0] =	vst.idx.msk $0xffff, v12  }
0x24a: {  	v13 =	vor.u32 s11, v0;
	v12 =	vld [tilespmem:s5+$0x40];
	_ =	sdelay $0x1  }
0x24b: {  	[tilespmem:v9+s22+$0x0] =	vst.idx.msk $0xffff, v8  }
0x24c: {  	v9 =	vor.u32 s9, v1;
	[tilespmem:v11+s22+$0x0] =	vst.idx.msk $0xffff, v10;
	v8 =	vld [tilespmem:s0+$0x50]  }
0x24d: {  	v11 =	vor.u32 s10, v1;
	v10 =	vld [tilespmem:s15+$0x50]  }
0x24e: {  	[tilespmem:v13+s22+$0x0] =	vst.idx.msk $0xffff, v12  }
0x24f: {  	v13 =	vor.u32 s11, v1;
	v12 =	vld [tilespmem:s5+$0x50];
	_ =	sdelay $0x1  }
0x250: {  	[tilespmem:v9+s22+$0x0] =	vst.idx.msk $0xffff, v8  }
0x251: {  	v9 =	vor.u32 s9, v2;
	[tilespmem:v11+s22+$0x0] =	vst.idx.msk $0xffff, v10;
	v8 =	vld [tilespmem:s0+$0x60]  }
0x252: {  	v11 =	vor.u32 s10, v2;
	v10 =	vld [tilespmem:s15+$0x60]  }
0x253: {  	[tilespmem:v13+s22+$0x0] =	vst.idx.msk $0xffff, v12  }
0x254: {  	v13 =	vor.u32 s11, v2;
	v12 =	vld [tilespmem:s5+$0x60];
	_ =	sdelay $0x1  }
0x255: {  	[tilespmem:v9+s22+$0x0] =	vst.idx.msk $0xffff, v8  }
0x256: {  	v9 =	vor.u32 s9, v3;
	[tilespmem:v11+s22+$0x0] =	vst.idx.msk $0xffff, v10;
	v8 =	vld [tilespmem:s0+$0x70]  }
0x257: {  	v11 =	vor.u32 s10, v3;
	v10 =	vld [tilespmem:s15+$0x70]  }
0x258: {  	[tilespmem:v13+s22+$0x0] =	vst.idx.msk $0xffff, v12  }
0x259: {  	v13 =	vor.u32 s11, v3;
	v12 =	vld [tilespmem:s5+$0x70];
	_ =	sdelay $0x1  }
0x25a: {  	v14 =	vld [tilespmem:s31+$0xFFFFE080];
	v15 =	vor.u32 s6, v0;
	s9 =	sadd.s32 $0xFFFFFBFF, s24;
	[tilespmem:v9+s22+$0x0] =	vst.idx.msk $0xffff, v8  }
0x25b: {  	s10 =	sadd.s32 $0xFFFFFBFF, s16;
	v9 =	vor.u32 s9, v0;
	[tilespmem:v11+s22+$0x0] =	vst.idx.msk $0xffff, v10;
	v8 =	vld [tilespmem:s0+$0xFFFFE080]  }
0x25c: {  	v11 =	vor.u32 s10, v0;
	v10 =	vld [tilespmem:s15+$0xFFFFE080]  }
0x25d: {  	s11 =	sadd.s32 $0xFFFFFBFF, s17;
	[tilespmem:v13+s22+$0x0] =	vst.idx.msk $0xffff, v12  }
0x25e: {  	v13 =	vor.u32 s11, v0;
	v12 =	vld [tilespmem:s5+$0xFFFFE080]  }
0x25f: {  	[tilespmem:v15+s22+$0x0] =	vst.idx.msk $0xffff, v14  }
0x260: {  	v15 =	vor.u32 s6, v1;
	v14 =	vld [tilespmem:s31+$0xFFFFE090];
	[tilespmem:v9+s22+$0x0] =	vst.idx.msk $0xffff, v8  }
0x261: {  	v9 =	vor.u32 s9, v1;
	[tilespmem:v11+s22+$0x0] =	vst.idx.msk $0xffff, v10;
	v8 =	vld [tilespmem:s0+$0xFFFFE090]  }
0x262: {  	v11 =	vor.u32 s10, v1;
	v10 =	vld [tilespmem:s15+$0xFFFFE090]  }
0x263: {  	[tilespmem:v13+s22+$0x0] =	vst.idx.msk $0xffff, v12  }
0x264: {  	v13 =	vor.u32 s11, v1;
	v12 =	vld [tilespmem:s5+$0xFFFFE090]  }
0x265: {  	[tilespmem:v15+s22+$0x0] =	vst.idx.msk $0xffff, v14  }
0x266: {  	v15 =	vor.u32 s6, v2;
	v14 =	vld [tilespmem:s31+$0xFFFFE0A0];
	[tilespmem:v9+s22+$0x0] =	vst.idx.msk $0xffff, v8  }
0x267: {  	v9 =	vor.u32 s9, v2;
	[tilespmem:v11+s22+$0x0] =	vst.idx.msk $0xffff, v10;
	v8 =	vld [tilespmem:s0+$0xFFFFE0A0]  }
0x268: {  	v11 =	vor.u32 s10, v2;
	v10 =	vld [tilespmem:s15+$0xFFFFE0A0]  }
0x269: {  	[tilespmem:v13+s22+$0x0] =	vst.idx.msk $0xffff, v12  }
0x26a: {  	v13 =	vor.u32 s11, v2;
	v12 =	vld [tilespmem:s5+$0xFFFFE0A0]  }
0x26b: {  	[tilespmem:v15+s22+$0x0] =	vst.idx.msk $0xffff, v14  }
0x26c: {  	v15 =	vor.u32 s6, v3;
	v14 =	vld [tilespmem:s31+$0xFFFFE0B0];
	[tilespmem:v9+s22+$0x0] =	vst.idx.msk $0xffff, v8  }
0x26d: {  	v9 =	vor.u32 s9, v3;
	[tilespmem:v11+s22+$0x0] =	vst.idx.msk $0xffff, v10;
	v8 =	vld [tilespmem:s0+$0xFFFFE0B0]  }
0x26e: {  	v11 =	vor.u32 s10, v3;
	v10 =	vld [tilespmem:s15+$0xFFFFE0B0]  }
0x26f: {  	[tilespmem:v13+s22+$0x0] =	vst.idx.msk $0xffff, v12  }
0x270: {  	v13 =	vor.u32 s11, v3;
	v12 =	vld [tilespmem:s5+$0xFFFFE0B0]  }
0x271: {  	s8 =	sadd.s32 $0xFFFFFFFF, s14;
	[tilespmem:v15+s22+$0x0] =	vst.idx.msk $0xffff, v14  }
0x272: {  	v15 =	vor.u32 s8, v0;
	v14 =	vld [tilespmem:s31+$0x80];
	s9 =	sadd.s32 $0xFFFFFFFF, s24;
	[tilespmem:v9+s22+$0x0] =	vst.idx.msk $0xffff, v8  }
0x273: {  	s10 =	sadd.s32 $0xFFFFFFFF, s16;
	v9 =	vor.u32 s9, v0;
	[tilespmem:v11+s22+$0x0] =	vst.idx.msk $0xffff, v10;
	v8 =	vld [tilespmem:s0+$0x80]  }
0x274: {  	v11 =	vor.u32 s10, v0;
	v10 =	vld [tilespmem:s15+$0x80]  }
0x275: {  	s11 =	sadd.s32 $0xFFFFFFFF, s17;
	[tilespmem:v13+s22+$0x0] =	vst.idx.msk $0xffff, v12  }
0x276: {  	v13 =	vor.u32 s11, v0;
	v12 =	vld [tilespmem:s5+$0x80]  }
0x277: {  	[tilespmem:v15+s22+$0x0] =	vst.idx.msk $0xffff, v14  }
0x278: {  	v15 =	vor.u32 s8, v1;
	v14 =	vld [tilespmem:s31+$0x90];
	[tilespmem:v9+s22+$0x0] =	vst.idx.msk $0xffff, v8  }
0x279: {  	v9 =	vor.u32 s9, v1;
	[tilespmem:v11+s22+$0x0] =	vst.idx.msk $0xffff, v10;
	v8 =	vld [tilespmem:s0+$0x90]  }
0x27a: {  	v11 =	vor.u32 s10, v1;
	v10 =	vld [tilespmem:s15+$0x90]  }
0x27b: {  	[tilespmem:v13+s22+$0x0] =	vst.idx.msk $0xffff, v12  }
0x27c: {  	[tilespmem:v7+s22+$0x0] =	vst.idx.msk $0xffff, v6;
	v13 =	vor.u32 s11, v1;
	v12 =	vld [tilespmem:s5+$0x90]  }
0x27d: {  	v7 =	vor.u32 s18, v2;
	v6 =	vld [tilespmem:s30+$0xA0];
	[tilespmem:v15+s22+$0x0] =	vst.idx.msk $0xffff, v14  }
0x27e: {  	v15 =	vor.u32 s8, v2;
	v14 =	vld [tilespmem:s31+$0xA0];
	[tilespmem:v9+s22+$0x0] =	vst.idx.msk $0xffff, v8  }
0x27f: {  	v9 =	vor.u32 s9, v2;
	[tilespmem:v11+s22+$0x0] =	vst.idx.msk $0xffff, v10;
	v8 =	vld [tilespmem:s0+$0xA0]  }
0x280: {  	v11 =	vor.u32 s10, v2;
	v10 =	vld [tilespmem:s15+$0xA0]  }
0x281: {  	[tilespmem:v13+s22+$0x0] =	vst.idx.msk $0xffff, v12  }
0x282: {  	[tilespmem:v7+s22+$0x0] =	vst.idx.msk $0xffff, v6;
	v13 =	vor.u32 s11, v2;
	v12 =	vld [tilespmem:s5+$0xA0]  }
0x283: {  	v7 =	vor.u32 s18, v3;
	v6 =	vld [tilespmem:s30+$0xB0];
	[tilespmem:v15+s22+$0x0] =	vst.idx.msk $0xffff, v14  }
0x284: {  	v15 =	vor.u32 s8, v3;
	v14 =	vld [tilespmem:s31+$0xB0];
	[tilespmem:v9+s22+$0x0] =	vst.idx.msk $0xffff, v8  }
0x285: {  	v9 =	vor.u32 s9, v3;
	[tilespmem:v11+s22+$0x0] =	vst.idx.msk $0xffff, v10;
	v8 =	vld [tilespmem:s0+$0xB0]  }
0x286: {  	v11 =	vor.u32 s10, v3;
	v10 =	vld [tilespmem:s15+$0xB0]  }
0x287: {  	[tilespmem:v13+s22+$0x0] =	vst.idx.msk $0xffff, v12  }
0x288: {  	s7 =	sadd.s32 $0xFFFFFC00, s19;
	[tilespmem:v7+s22+$0x0] =	vst.idx.msk $0xffff, v6;
	v13 =	vor.u32 s11, v3;
	v12 =	vld [tilespmem:s5+$0xB0]  }
0x289: {  	v7 =	vor.u32 s7, v0;
	v6 =	vld [tilespmem:s30+$0xFFFFE0C0];
	s8 =	sadd.s32 $0xFFFFFC00, s14;
	[tilespmem:v15+s22+$0x0] =	vst.idx.msk $0xffff, v14  }
0x28a: {  	v15 =	vor.u32 s8, v0;
	v14 =	vld [tilespmem:s31+$0xFFFFE0C0];
	s9 =	sadd.s32 $0xFFFFFC00, s24;
	[tilespmem:v9+s22+$0x0] =	vst.idx.msk $0xffff, v8  }
0x28b: {  	s10 =	sadd.s32 $0xFFFFFC00, s16;
	v9 =	vor.u32 s9, v0;
	[tilespmem:v11+s22+$0x0] =	vst.idx.msk $0xffff, v10;
	v8 =	vld [tilespmem:s0+$0xFFFFE0C0]  }
0x28c: {  	v11 =	vor.u32 s10, v0;
	v10 =	vld [tilespmem:s15+$0xFFFFE0C0]  }
0x28d: {  	s11 =	sadd.s32 $0xFFFFFC00, s17;
	[tilespmem:v13+s22+$0x0] =	vst.idx.msk $0xffff, v12  }
0x28e: {  	[tilespmem:v7+s22+$0x0] =	vst.idx.msk $0xffff, v6;
	v13 =	vor.u32 s11, v0;
	v12 =	vld [tilespmem:s5+$0xFFFFE0C0]  }
0x28f: {  	v7 =	vor.u32 s7, v1;
	v6 =	vld [tilespmem:s30+$0xFFFFE0D0];
	[tilespmem:v15+s22+$0x0] =	vst.idx.msk $0xffff, v14  }
0x290: {  	v15 =	vor.u32 s8, v1;
	v14 =	vld [tilespmem:s31+$0xFFFFE0D0];
	[tilespmem:v9+s22+$0x0] =	vst.idx.msk $0xffff, v8  }
0x291: {  	v9 =	vor.u32 s9, v1;
	[tilespmem:v11+s22+$0x0] =	vst.idx.msk $0xffff, v10;
	v8 =	vld [tilespmem:s0+$0xFFFFE0D0]  }
0x292: {  	v11 =	vor.u32 s10, v1;
	v10 =	vld [tilespmem:s15+$0xFFFFE0D0]  }
0x293: {  	[tilespmem:v13+s22+$0x0] =	vst.idx.msk $0xffff, v12  }
0x294: {  	[tilespmem:v7+s22+$0x0] =	vst.idx.msk $0xffff, v6;
	v13 =	vor.u32 s11, v1;
	v12 =	vld [tilespmem:s5+$0xFFFFE0D0]  }
0x295: {  	v7 =	vor.u32 s7, v2;
	v6 =	vld [tilespmem:s30+$0xFFFFE0E0];
	[tilespmem:v15+s22+$0x0] =	vst.idx.msk $0xffff, v14  }
0x296: {  	v15 =	vor.u32 s8, v2;
	v14 =	vld [tilespmem:s31+$0xFFFFE0E0];
	[tilespmem:v9+s22+$0x0] =	vst.idx.msk $0xffff, v8  }
0x297: {  	v9 =	vor.u32 s9, v2;
	[tilespmem:v11+s22+$0x0] =	vst.idx.msk $0xffff, v10;
	v8 =	vld [tilespmem:s0+$0xFFFFE0E0]  }
0x298: {  	[tilespmem:v5+s22+$0x0] =	vst.idx.msk $0xffff, v4;
	v11 =	vor.u32 s10, v2;
	v10 =	vld [tilespmem:s15+$0xFFFFE0E0]  }
0x299: {  	[tilespmem:v13+s22+$0x0] =	vst.idx.msk $0xffff, v12  }
0x29a: {  	[tilespmem:v7+s22+$0x0] =	vst.idx.msk $0xffff, v6;
	v5 =	vor.u32 s11, v2;
	v4 =	vld [tilespmem:s5+$0xFFFFE0E0]  }
0x29b: {  	v7 =	vor.u32 s7, v3;
	v6 =	vld [tilespmem:s30+$0xFFFFE0F0];
	[tilespmem:v15+s22+$0x0] =	vst.idx.msk $0xffff, v14  }
0x29c: {  	v15 =	vor.u32 s8, v3;
	v14 =	vld [tilespmem:s31+$0xFFFFE0F0];
	[tilespmem:v9+s22+$0x0] =	vst.idx.msk $0xffff, v8  }
0x29d: {  	v9 =	vor.u32 s9, v3;
	[tilespmem:v11+s22+$0x0] =	vst.idx.msk $0xffff, v10;
	v8 =	vld [tilespmem:s0+$0xFFFFE0F0]  }
0x29e: {  	v11 =	vor.u32 s10, v3;
	v10 =	vld [tilespmem:s15+$0xFFFFE0F0]  }
0x29f: {  	v12 =	vld [tilespmem:s29+$0xFFFFE0F0];
	v13 =	vor.u32 s2, v3;
	[tilespmem:v5+s22+$0x0] =	vst.idx.msk $0xffff, v4  }
0x2a0: {  	[tilespmem:v7+s22+$0x0] =	vst.idx.msk $0xffff, v6;
	v5 =	vor.u32 s11, v3;
	v4 =	vld [tilespmem:s5+$0xFFFFE0F0]  }
0x2a1: {  	v7 =	vor.u32 s19, v0;
	v6 =	vld [tilespmem:s30+$0xC0];
	[tilespmem:v15+s22+$0x0] =	vst.idx.msk $0xffff, v14  }
0x2a2: {  	v15 =	vor.u32 s14, v0;
	v14 =	vld [tilespmem:s31+$0xC0];
	[tilespmem:v9+s22+$0x0] =	vst.idx.msk $0xffff, v8  }
0x2a3: {  	v9 =	vor.u32 s24, v0;
	[tilespmem:v11+s22+$0x0] =	vst.idx.msk $0xffff, v10;
	v8 =	vld [tilespmem:s0+$0xC0]  }
0x2a4: {  	v11 =	vor.u32 s16, v0;
	v10 =	vld [tilespmem:s15+$0xC0];
	[tilespmem:v13+s22+$0x0] =	vst.idx.msk $0xffff, v12  }
0x2a5: {  	v13 =	vor.u32 s20, v0;
	v12 =	vld [tilespmem:s29+$0xC0];
	[tilespmem:v5+s22+$0x0] =	vst.idx.msk $0xffff, v4  }
0x2a6: {  	[tilespmem:v7+s22+$0x0] =	vst.idx.msk $0xffff, v6;
	v5 =	vor.u32 s17, v0;
	v4 =	vld [tilespmem:s5+$0xC0]  }
0x2a7: {  	v7 =	vor.u32 s19, v1;
	v6 =	vld [tilespmem:s30+$0xD0];
	[tilespmem:v15+s22+$0x0] =	vst.idx.msk $0xffff, v14  }
0x2a8: {  	v15 =	vor.u32 s14, v1;
	v14 =	vld [tilespmem:s31+$0xD0];
	[tilespmem:v9+s22+$0x0] =	vst.idx.msk $0xffff, v8  }
0x2a9: {  	v9 =	vor.u32 s24, v1;
	[tilespmem:v11+s22+$0x0] =	vst.idx.msk $0xffff, v10;
	v8 =	vld [tilespmem:s0+$0xD0]  }
0x2aa: {  	v11 =	vor.u32 s16, v1;
	v10 =	vld [tilespmem:s15+$0xD0];
	[tilespmem:v13+s22+$0x0] =	vst.idx.msk $0xffff, v12  }
0x2ab: {  	v13 =	vor.u32 s20, v1;
	v12 =	vld [tilespmem:s29+$0xD0];
	[tilespmem:v5+s22+$0x0] =	vst.idx.msk $0xffff, v4  }
0x2ac: {  	[tilespmem:v7+s22+$0x0] =	vst.idx.msk $0xffff, v6;
	v5 =	vor.u32 s17, v1;
	v4 =	vld [tilespmem:s5+$0xD0]  }
0x2ad: {  	v7 =	vor.u32 s19, v2;
	v6 =	vld [tilespmem:s30+$0xE0];
	[tilespmem:v15+s22+$0x0] =	vst.idx.msk $0xffff, v14  }
0x2ae: {  	v15 =	vor.u32 s14, v2;
	v14 =	vld [tilespmem:s31+$0xE0];
	[tilespmem:v9+s22+$0x0] =	vst.idx.msk $0xffff, v8  }
0x2af: {  	v9 =	vor.u32 s24, v2;
	[tilespmem:v11+s22+$0x0] =	vst.idx.msk $0xffff, v10;
	v8 =	vld [tilespmem:s0+$0xE0]  }
0x2b0: {  	v11 =	vor.u32 s16, v2;
	v10 =	vld [tilespmem:s15+$0xE0];
	[tilespmem:v13+s22+$0x0] =	vst.idx.msk $0xffff, v12  }
0x2b1: {  	v13 =	vor.u32 s20, v2;
	v12 =	vld [tilespmem:s29+$0xE0];
	[tilespmem:v5+s22+$0x0] =	vst.idx.msk $0xffff, v4  }
0x2b2: {  	[tilespmem:v7+s22+$0x0] =	vst.idx.msk $0xffff, v6;
	v5 =	vor.u32 s17, v2;
	v4 =	vld [tilespmem:s5+$0xE0]  }
0x2b3: {  	v7 =	vor.u32 s19, v3;
	v6 =	vld [tilespmem:s30+$0xF0];
	[tilespmem:v15+s22+$0x0] =	vst.idx.msk $0xffff, v14  }
0x2b4: {  	v15 =	vor.u32 s14, v3;
	v14 =	vld [tilespmem:s31+$0xF0];
	[tilespmem:v9+s22+$0x0] =	vst.idx.msk $0xffff, v8  }
0x2b5: {  	v9 =	vor.u32 s24, v3;
	[tilespmem:v11+s22+$0x0] =	vst.idx.msk $0xffff, v10;
	v8 =	vld [tilespmem:s0+$0xF0]  }
0x2b6: {  	v11 =	vor.u32 s16, v3;
	v10 =	vld [tilespmem:s15+$0xF0];
	[tilespmem:v13+s22+$0x0] =	vst.idx.msk $0xffff, v12  }
0x2b7: {  	v13 =	vor.u32 s20, v3;
	v12 =	vld [tilespmem:s29+$0xF0];
	[tilespmem:v5+s22+$0x0] =	vst.idx.msk $0xffff, v4  }
0x2b8: {  	[tilespmem:v7+s22+$0x0] =	vst.idx.msk $0xffff, v6;
	v5 =	vor.u32 s17, v3;
	v4 =	vld [tilespmem:s5+$0xF0]  }
0x2b9: {  	[tilespmem:v15+s22+$0x0] =	vst.idx.msk $0xffff, v14  }
0x2ba: {  	[tilespmem:v9+s22+$0x0] =	vst.idx.msk $0xffff, v8  }
0x2bb: {  	[tilespmem:v11+s22+$0x0] =	vst.idx.msk $0xffff, v10  }
0x2bc: {  	[tilespmem:v13+s22+$0x0] =	vst.idx.msk $0xffff, v12  }
0x2bd: {  	s14 =	sadd.s32 $0x300, s26;
	s16 =	simm.s32 $0xA400;
	s15 =	simm.s32 $0x100;
	[tilespmem:v5+s22+$0x0] =	vst.idx.msk $0xffff, v4  }
0x2be: {  	[tilespmem:s16], [sflag:$0x2] =	stream.indirect.gather [hbm4b:s4+s15], $0x40, s14, s15, $0xb8;
	[tilespmem:$0x1E400] =	vst v63  }
0x2bf: {  	s17 =	sshll.u32 s25, $0x15;
	s18 =	rddreg [dreg:$0x4]  }
0x2c0: {  	s0 =	sor.u32 s18, s17  }
0x2c1: {  	s19 =	rddreg [dreg:$0x1];
	s0 =	sshrl.u32 s0, $0x3  }
0x2c2: {  	s20 =	rddreg [dreg:$0x5];
	s2 =	sadd.s32 s19, s0  }
0x2c3: {  	[hbm4b:s2+s3] =	stream.linear.scatter [tilespmem:s22], [sflag:$0x3], $0x1000, $0x38;
	[tilespmem:$0x1E400] =	vst v63  }
0x2c4: {  	s24 =	simm.s32 $0xF400;
	s6 =	rddreg [dreg:$0x6];
	s2 =	sadd.s32 s0, s20  }
0x2c5: {  	[hbm4b:s2+s3] =	stream.linear.scatter [tilespmem:s24], [sflag:$0x3], $0x1000, $0x38;
	[tilespmem:$0x1E400] =	vst v63  }
0x2c6: {  	s7 =	simm.s32 $0x10400;
	s8 =	rddreg [dreg:$0x7];
	s2 =	sadd.s32 s0, s6  }
0x2c7: {  	[hbm4b:s2+s3] =	stream.linear.scatter [tilespmem:s7], [sflag:$0x3], $0x1000, $0x38;
	[tilespmem:$0x1E400] =	vst v63  }
0x2c8: {  	s9 =	simm.s32 $0x11400;
	s10 =	rddreg [dreg:$0x8];
	s2 =	sadd.s32 s0, s8  }
0x2c9: {  	[hbm4b:s2+s3] =	stream.linear.scatter [tilespmem:s9], [sflag:$0x3], $0x1000, $0x38;
	[tilespmem:$0x1E400] =	vst v63  }
0x2ca: {  	s11 =	simm.s32 $0x12400;
	s14 =	rddreg [dreg:$0x9];
	s2 =	sadd.s32 s0, s10  }
0x2cb: {  	[hbm4b:s2+s3] =	stream.linear.scatter [tilespmem:s11], [sflag:$0x3], $0x1000, $0x38;
	[tilespmem:$0x1E400] =	vst v63  }
0x2cc: {  	s15 =	simm.s32 $0x13400;
	s2 =	sadd.s32 s0, s14  }
0x2cd: {  	[hbm4b:s2+s3] =	stream.linear.scatter [tilespmem:s15], [sflag:$0x3], $0x1000, $0x38;
	[tilespmem:$0x1E400] =	vst v63  }
0x2ce: {  	s17 =	simm.s32 $0x14400;
	s16 =	sadd.s32 s0, s12  }
0x2cf: {  	[hbm4b:s16+s3] =	stream.linear.scatter [tilespmem:s17], [sflag:$0x3], $0x1000, $0x38;
	[tilespmem:$0x1E400] =	vst v63  }
0x2d0: {  	s18 =	simm.s32 $0x15400;
	s0 =	sadd.s32 s0, s13  }
0x2d1: {  	[hbm4b:s0+s3] =	stream.linear.scatter [tilespmem:s18], [sflag:$0x3], $0x1000, $0x38;
	[tilespmem:$0x1E400] =	vst v63  }
0x2d2: {  	s0 =	simm.s32 @!p0 $0x4  }
0x2d3: {  	_ =	swait.ge @!p0 [sflag:s0], $0x1000  }
0x2d4: {  	[sflag:s0] =	ssyncset.done @!p0 $0x0  }
0x2d5: {  	[sflag:s0] =	ssyncadd.s32 @!p0 $0xFFFFF000  }
0x2d6: {  	_ =	swait.ge @!p0 [sflag:s0], $0x1000  }
0x2d7: {  	[sflag:s0] =	ssyncset.done @!p0 $0x0  }
0x2d8: {  	[sflag:s0] =	ssyncadd.s32 @!p0 $0xFFFFF000  }
0x2d9: {  	_ =	swait.ge @!p0 [sflag:s0], $0x1000  }
0x2da: {  	[sflag:s0] =	ssyncset.done @!p0 $0x0  }
0x2db: {  	[sflag:s0] =	ssyncadd.s32 @!p0 $0xFFFFF000  }
0x2dc: {  	_ =	swait.ge @!p0 [sflag:s0], $0x1000  }
0x2dd: {  	[sflag:s0] =	ssyncset.done @!p0 $0x0  }
0x2de: {  	[sflag:s0] =	ssyncadd.s32 @!p0 $0xFFFFF000  }
0x2df: {  	_ =	swait.ge @!p0 [sflag:s0], $0x1000  }
0x2e0: {  	[sflag:s0] =	ssyncset.done @!p0 $0x0  }
0x2e1: {  	[sflag:s0] =	ssyncadd.s32 @!p0 $0xFFFFF000  }
0x2e2: {  	_ =	swait.ge @!p0 [sflag:s0], $0x1000  }
0x2e3: {  	[sflag:s0] =	ssyncset.done @!p0 $0x0  }
0x2e4: {  	[sflag:s0] =	ssyncadd.s32 @!p0 $0xFFFFF000  }
0x2e5: {  	_ =	swait.ge @!p0 [sflag:s0], $0x1000  }
0x2e6: {  	[sflag:s0] =	ssyncset.done @!p0 $0x0  }
0x2e7: {  	[sflag:s0] =	ssyncadd.s32 @!p0 $0xFFFFF000  }
0x2e8: {  	_ =	swait.ge @!p0 [sflag:s0], $0x1000  }
0x2e9: {  	[sflag:s0] =	ssyncset.done @!p0 $0x0  }
0x2ea: {  	[sflag:s0] =	ssyncadd.s32 @!p0 $0xFFFFF000  }
0x2eb: {  	_ =	swait.ge [sflag:s21], $0x4000  }
0x2ec: {  	[sflag:s21] =	ssyncset.done $0x0  }
0x2ed: {  	s29 =	simm.s32 $0x0;
	s19 =	simm.s32 $0x0;
	[sflag:s21] =	ssyncadd.s32 $0xFFFFC000  }
0x2ee: {  	v5 =	vor.u32 s19, v0;
	v4 =	vld [tilespmem:s29+$0x6400];
	_ =	sdelay $0x4  }
0x2ef: {  	[tilespmem:v5+s1+$0x0] =	vst.idx.msk $0xffff, v4  }
0x2f0: {  	v5 =	vor.u32 s19, v1;
	v4 =	vld [tilespmem:s29+$0x6410];
	_ =	sdelay $0x4  }
0x2f1: {  	[tilespmem:v5+s1+$0x0] =	vst.idx.msk $0xffff, v4  }
0x2f2: {  	v5 =	vor.u32 s19, v2;
	v4 =	vld [tilespmem:s29+$0x6420];
	_ =	sdelay $0x4  }
0x2f3: {  	[tilespmem:v5+s1+$0x0] =	vst.idx.msk $0xffff, v4  }
0x2f4: {  	v5 =	vor.u32 s19, v3;
	v4 =	vld [tilespmem:s29+$0x6430];
	_ =	sdelay $0x4  }
0x2f5: {  	s20 =	simm.s32 $0x400;
	[tilespmem:v5+s1+$0x0] =	vst.idx.msk $0xffff, v4  }
0x2f6: {  	v5 =	vor.u32 s20, v0;
	v4 =	vld [tilespmem:s29+$0x8400];
	_ =	sdelay $0x4  }
0x2f7: {  	[tilespmem:v5+s1+$0x0] =	vst.idx.msk $0xffff, v4  }
0x2f8: {  	v5 =	vor.u32 s20, v1;
	v4 =	vld [tilespmem:s29+$0x8410]  }
0x2f9: {  	s30 =	simm.s32 $0x100;
	s24 =	simm.s32 $0x4  }
0x2fa: {  	v7 =	vor.u32 s24, v0;
	v6 =	vld [tilespmem:s30+$0x6400];
	_ =	sdelay $0x2  }
0x2fb: {  	[tilespmem:v5+s1+$0x0] =	vst.idx.msk $0xffff, v4  }
0x2fc: {  	v5 =	vor.u32 s20, v2;
	v4 =	vld [tilespmem:s29+$0x8420]  }
0x2fd: {  	[tilespmem:v7+s1+$0x0] =	vst.idx.msk $0xffff, v6  }
0x2fe: {  	v7 =	vor.u32 s24, v1;
	v6 =	vld [tilespmem:s30+$0x6410];
	_ =	sdelay $0x2  }
0x2ff: {  	[tilespmem:v5+s1+$0x0] =	vst.idx.msk $0xffff, v4  }
0x300: {  	v5 =	vor.u32 s20, v3;
	v4 =	vld [tilespmem:s29+$0x8430]  }
0x301: {  	[tilespmem:v7+s1+$0x0] =	vst.idx.msk $0xffff, v6  }
0x302: {  	v7 =	vor.u32 s24, v2;
	v6 =	vld [tilespmem:s30+$0x6420];
	_ =	sdelay $0x2  }
0x303: {  	s5 =	simm.s32 $0x1;
	[tilespmem:v5+s1+$0x0] =	vst.idx.msk $0xffff, v4  }
0x304: {  	v5 =	vor.u32 s5, v0;
	v4 =	vld [tilespmem:s29+$0x6440]  }
0x305: {  	[tilespmem:v7+s1+$0x0] =	vst.idx.msk $0xffff, v6  }
0x306: {  	v7 =	vor.u32 s24, v3;
	v6 =	vld [tilespmem:s30+$0x6430];
	_ =	sdelay $0x2  }
0x307: {  	[tilespmem:v5+s1+$0x0] =	vst.idx.msk $0xffff, v4  }
0x308: {  	v5 =	vor.u32 s5, v1;
	v4 =	vld [tilespmem:s29+$0x6450]  }
0x309: {  	s6 =	simm.s32 $0x404;
	[tilespmem:v7+s1+$0x0] =	vst.idx.msk $0xffff, v6  }
0x30a: {  	v7 =	vor.u32 s6, v0;
	v6 =	vld [tilespmem:s30+$0x8400];
	_ =	sdelay $0x2  }
0x30b: {  	[tilespmem:v5+s1+$0x0] =	vst.idx.msk $0xffff, v4  }
0x30c: {  	v5 =	vor.u32 s5, v2;
	v4 =	vld [tilespmem:s29+$0x6460]  }
0x30d: {  	[tilespmem:v7+s1+$0x0] =	vst.idx.msk $0xffff, v6  }
0x30e: {  	v7 =	vor.u32 s6, v1;
	v6 =	vld [tilespmem:s30+$0x8410]  }
0x30f: {  	s31 =	simm.s32 $0x200;
	s7 =	simm.s32 $0x8  }
0x310: {  	v9 =	vor.u32 s7, v0;
	v8 =	vld [tilespmem:s31+$0x6400]  }
0x311: {  	[tilespmem:v5+s1+$0x0] =	vst.idx.msk $0xffff, v4  }
0x312: {  	v5 =	vor.u32 s5, v3;
	v4 =	vld [tilespmem:s29+$0x6470]  }
0x313: {  	[tilespmem:v7+s1+$0x0] =	vst.idx.msk $0xffff, v6  }
0x314: {  	v7 =	vor.u32 s6, v2;
	v6 =	vld [tilespmem:s30+$0x8420]  }
0x315: {  	[tilespmem:v9+s1+$0x0] =	vst.idx.msk $0xffff, v8  }
0x316: {  	v9 =	vor.u32 s7, v1;
	v8 =	vld [tilespmem:s31+$0x6410]  }
0x317: {  	s8 =	simm.s32 $0x401;
	[tilespmem:v5+s1+$0x0] =	vst.idx.msk $0xffff, v4  }
0x318: {  	v5 =	vor.u32 s8, v0;
	v4 =	vld [tilespmem:s29+$0x8440]  }
0x319: {  	[tilespmem:v7+s1+$0x0] =	vst.idx.msk $0xffff, v6  }
0x31a: {  	v7 =	vor.u32 s6, v3;
	v6 =	vld [tilespmem:s30+$0x8430]  }
0x31b: {  	[tilespmem:v9+s1+$0x0] =	vst.idx.msk $0xffff, v8  }
0x31c: {  	v9 =	vor.u32 s7, v2;
	v8 =	vld [tilespmem:s31+$0x6420]  }
0x31d: {  	[tilespmem:v5+s1+$0x0] =	vst.idx.msk $0xffff, v4  }
0x31e: {  	v5 =	vor.u32 s8, v1;
	v4 =	vld [tilespmem:s29+$0x8450]  }
0x31f: {  	s9 =	simm.s32 $0x5;
	[tilespmem:v7+s1+$0x0] =	vst.idx.msk $0xffff, v6  }
0x320: {  	v7 =	vor.u32 s9, v0;
	v6 =	vld [tilespmem:s30+$0x6440]  }
0x321: {  	[tilespmem:v9+s1+$0x0] =	vst.idx.msk $0xffff, v8  }
0x322: {  	v9 =	vor.u32 s7, v3;
	v8 =	vld [tilespmem:s31+$0x6430]  }
0x323: {  	[tilespmem:v5+s1+$0x0] =	vst.idx.msk $0xffff, v4  }
0x324: {  	v5 =	vor.u32 s8, v2;
	v4 =	vld [tilespmem:s29+$0x8460]  }
0x325: {  	[tilespmem:v7+s1+$0x0] =	vst.idx.msk $0xffff, v6  }
0x326: {  	v7 =	vor.u32 s9, v1;
	v6 =	vld [tilespmem:s30+$0x6450]  }
0x327: {  	s10 =	simm.s32 $0x408;
	[tilespmem:v9+s1+$0x0] =	vst.idx.msk $0xffff, v8  }
0x328: {  	v9 =	vor.u32 s10, v0;
	v8 =	vld [tilespmem:s31+$0x8400]  }
0x329: {  	[tilespmem:v5+s1+$0x0] =	vst.idx.msk $0xffff, v4  }
0x32a: {  	v5 =	vor.u32 s8, v3;
	v4 =	vld [tilespmem:s29+$0x8470]  }
0x32b: {  	[tilespmem:v7+s1+$0x0] =	vst.idx.msk $0xffff, v6  }
0x32c: {  	v7 =	vor.u32 s9, v2;
	v6 =	vld [tilespmem:s30+$0x6460]  }
0x32d: {  	[tilespmem:v9+s1+$0x0] =	vst.idx.msk $0xffff, v8  }
0x32e: {  	s11 =	simm.s32 $0xC;
	s0 =	simm.s32 $0x300;
	v9 =	vor.u32 s10, v1;
	v8 =	vld [tilespmem:s31+$0x8410]  }
0x32f: {  	s14 =	simm.s32 $0x2;
	[tilespmem:v5+s1+$0x0] =	vst.idx.msk $0xffff, v4;
	v4 =	vld [tilespmem:s0+$0x6400];
	v5 =	vor.u32 s11, v0  }
0x330: {  	v11 =	vor.u32 s14, v0;
	v10 =	vld [tilespmem:s29+$0x6480]  }
0x331: {  	[tilespmem:v7+s1+$0x0] =	vst.idx.msk $0xffff, v6  }
0x332: {  	v7 =	vor.u32 s9, v3;
	v6 =	vld [tilespmem:s30+$0x6470]  }
0x333: {  	[tilespmem:v9+s1+$0x0] =	vst.idx.msk $0xffff, v8  }
0x334: {  	v9 =	vor.u32 s10, v2;
	v8 =	vld [tilespmem:s31+$0x8420];
	[tilespmem:v5+s1+$0x0] =	vst.idx.msk $0xffff, v4  }
0x335: {  	v5 =	vor.u32 s11, v1;
	v4 =	vld [tilespmem:s0+$0x6410];
	[tilespmem:v11+s1+$0x0] =	vst.idx.msk $0xffff, v10  }
0x336: {  	v11 =	vor.u32 s14, v1;
	v10 =	vld [tilespmem:s29+$0x6490]  }
0x337: {  	s15 =	simm.s32 $0x405;
	[tilespmem:v7+s1+$0x0] =	vst.idx.msk $0xffff, v6  }
0x338: {  	v7 =	vor.u32 s15, v0;
	v6 =	vld [tilespmem:s30+$0x8440]  }
0x339: {  	[tilespmem:v9+s1+$0x0] =	vst.idx.msk $0xffff, v8  }
0x33a: {  	v9 =	vor.u32 s10, v3;
	v8 =	vld [tilespmem:s31+$0x8430];
	[tilespmem:v5+s1+$0x0] =	vst.idx.msk $0xffff, v4  }
0x33b: {  	v5 =	vor.u32 s11, v2;
	v4 =	vld [tilespmem:s0+$0x6420];
	[tilespmem:v11+s1+$0x0] =	vst.idx.msk $0xffff, v10  }
0x33c: {  	v11 =	vor.u32 s14, v2;
	v10 =	vld [tilespmem:s29+$0x64A0]  }
0x33d: {  	[tilespmem:v7+s1+$0x0] =	vst.idx.msk $0xffff, v6  }
0x33e: {  	v7 =	vor.u32 s15, v1;
	v6 =	vld [tilespmem:s30+$0x8450]  }
0x33f: {  	s16 =	simm.s32 $0x9;
	[tilespmem:v9+s1+$0x0] =	vst.idx.msk $0xffff, v8  }
0x340: {  	v9 =	vor.u32 s16, v0;
	v8 =	vld [tilespmem:s31+$0x6440];
	[tilespmem:v5+s1+$0x0] =	vst.idx.msk $0xffff, v4  }
0x341: {  	v5 =	vor.u32 s11, v3;
	v4 =	vld [tilespmem:s0+$0x6430];
	[tilespmem:v11+s1+$0x0] =	vst.idx.msk $0xffff, v10  }
0x342: {  	v11 =	vor.u32 s14, v3;
	v10 =	vld [tilespmem:s29+$0x64B0]  }
0x343: {  	[tilespmem:v7+s1+$0x0] =	vst.idx.msk $0xffff, v6  }
0x344: {  	v7 =	vor.u32 s15, v2;
	v6 =	vld [tilespmem:s30+$0x8460]  }
0x345: {  	[tilespmem:v9+s1+$0x0] =	vst.idx.msk $0xffff, v8  }
0x346: {  	s17 =	simm.s32 $0x40C;
	v9 =	vor.u32 s16, v1;
	v8 =	vld [tilespmem:s31+$0x6450];
	[tilespmem:v5+s1+$0x0] =	vst.idx.msk $0xffff, v4  }
0x347: {  	s18 =	simm.s32 $0x402;
	v5 =	vor.u32 s17, v0;
	v4 =	vld [tilespmem:s0+$0x8400];
	[tilespmem:v11+s1+$0x0] =	vst.idx.msk $0xffff, v10  }
0x348: {  	v11 =	vor.u32 s18, v0;
	v10 =	vld [tilespmem:s29+$0x8480]  }
0x349: {  	[tilespmem:v7+s1+$0x0] =	vst.idx.msk $0xffff, v6  }
0x34a: {  	v7 =	vor.u32 s15, v3;
	v6 =	vld [tilespmem:s30+$0x8470]  }
0x34b: {  	[tilespmem:v9+s1+$0x0] =	vst.idx.msk $0xffff, v8  }
0x34c: {  	v9 =	vor.u32 s16, v2;
	v8 =	vld [tilespmem:s31+$0x6460];
	[tilespmem:v5+s1+$0x0] =	vst.idx.msk $0xffff, v4  }
0x34d: {  	v5 =	vor.u32 s17, v1;
	v4 =	vld [tilespmem:s0+$0x8410];
	[tilespmem:v11+s1+$0x0] =	vst.idx.msk $0xffff, v10  }
0x34e: {  	s19 =	simm.s32 $0x10;
	s15 =	simm.s32 $0x400;
	v11 =	vor.u32 s18, v1;
	v10 =	vld [tilespmem:s29+$0x8490]  }
0x34f: {  	s20 =	simm.s32 $0x6;
	[tilespmem:v7+s1+$0x0] =	vst.idx.msk $0xffff, v6;
	v6 =	vld [tilespmem:s15+$0x6400];
	v7 =	vor.u32 s19, v0  }
0x350: {  	v13 =	vor.u32 s20, v0;
	v12 =	vld [tilespmem:s30+$0x6480]  }
0x351: {  	[tilespmem:v9+s1+$0x0] =	vst.idx.msk $0xffff, v8  }
0x352: {  	v9 =	vor.u32 s16, v3;
	v8 =	vld [tilespmem:s31+$0x6470];
	[tilespmem:v5+s1+$0x0] =	vst.idx.msk $0xffff, v4  }
0x353: {  	v5 =	vor.u32 s17, v2;
	v4 =	vld [tilespmem:s0+$0x8420];
	[tilespmem:v11+s1+$0x0] =	vst.idx.msk $0xffff, v10  }
0x354: {  	[tilespmem:v7+s1+$0x0] =	vst.idx.msk $0xffff, v6;
	v7 =	vor.u32 s18, v2;
	v6 =	vld [tilespmem:s29+$0x84A0]  }
0x355: {  	[tilespmem:v13+s1+$0x0] =	vst.idx.msk $0xffff, v12;
	v10 =	vld [tilespmem:s15+$0x6410];
	v11 =	vor.u32 s19, v1  }
0x356: {  	v13 =	vor.u32 s20, v1;
	v12 =	vld [tilespmem:s30+$0x6490]  }
0x357: {  	s24 =	simm.s32 $0x409;
	[tilespmem:v9+s1+$0x0] =	vst.idx.msk $0xffff, v8  }
0x358: {  	v9 =	vor.u32 s24, v0;
	v8 =	vld [tilespmem:s31+$0x8440];
	[tilespmem:v5+s1+$0x0] =	vst.idx.msk $0xffff, v4  }
0x359: {  	v5 =	vor.u32 s17, v3;
	v4 =	vld [tilespmem:s0+$0x8430];
	[tilespmem:v7+s1+$0x0] =	vst.idx.msk $0xffff, v6  }
0x35a: {  	[tilespmem:v11+s1+$0x0] =	vst.idx.msk $0xffff, v10;
	v7 =	vor.u32 s18, v3;
	v6 =	vld [tilespmem:s29+$0x84B0]  }
0x35b: {  	[tilespmem:v13+s1+$0x0] =	vst.idx.msk $0xffff, v12;
	v11 =	vor.u32 s19, v2;
	v10 =	vld [tilespmem:s15+$0x6420]  }
0x35c: {  	v13 =	vor.u32 s20, v2;
	v12 =	vld [tilespmem:s30+$0x64A0]  }
0x35d: {  	[tilespmem:v9+s1+$0x0] =	vst.idx.msk $0xffff, v8  }
0x35e: {  	s7 =	simm.s32 $0xD;
	v9 =	vor.u32 s24, v1;
	v8 =	vld [tilespmem:s31+$0x8450];
	[tilespmem:v5+s1+$0x0] =	vst.idx.msk $0xffff, v4  }
0x35f: {  	s2 =	simm.s32 $0x3;
	v5 =	vor.u32 s7, v0;
	v4 =	vld [tilespmem:s0+$0x6440];
	[tilespmem:v7+s1+$0x0] =	vst.idx.msk $0xffff, v6  }
0x360: {  	[tilespmem:v11+s1+$0x0] =	vst.idx.msk $0xffff, v10;
	v7 =	vor.u32 s2, v0;
	v6 =	vld [tilespmem:s29+$0x64C0]  }
0x361: {  	[tilespmem:v13+s1+$0x0] =	vst.idx.msk $0xffff, v12;
	v11 =	vor.u32 s19, v3;
	v10 =	vld [tilespmem:s15+$0x6430]  }
0x362: {  	v13 =	vor.u32 s20, v3;
	v12 =	vld [tilespmem:s30+$0x64B0]  }
0x363: {  	[tilespmem:v9+s1+$0x0] =	vst.idx.msk $0xffff, v8  }
0x364: {  	v9 =	vor.u32 s24, v2;
	v8 =	vld [tilespmem:s31+$0x8460];
	[tilespmem:v5+s1+$0x0] =	vst.idx.msk $0xffff, v4  }
0x365: {  	v5 =	vor.u32 s7, v1;
	v4 =	vld [tilespmem:s0+$0x6450];
	[tilespmem:v7+s1+$0x0] =	vst.idx.msk $0xffff, v6  }
0x366: {  	s8 =	simm.s32 $0x410;
	[tilespmem:v11+s1+$0x0] =	vst.idx.msk $0xffff, v10;
	v7 =	vor.u32 s2, v1;
	v6 =	vld [tilespmem:s29+$0x64D0]  }
0x367: {  	[tilespmem:v13+s1+$0x0] =	vst.idx.msk $0xffff, v12;
	s18 =	simm.s32 $0x406;
	v11 =	vor.u32 s8, v0;
	v10 =	vld [tilespmem:s15+$0x8400]  }
0x368: {  	v12 =	vld [tilespmem:s30+$0x8480];
	v13 =	vor.u32 s18, v0  }
0x369: {  	[tilespmem:v9+s1+$0x0] =	vst.idx.msk $0xffff, v8  }
0x36a: {  	v15 =	vor.u32 s24, v3;
	v14 =	vld [tilespmem:s31+$0x8470];
	[tilespmem:v5+s1+$0x0] =	vst.idx.msk $0xffff, v4  }
0x36b: {  	v9 =	vor.u32 s7, v2;
	v8 =	vld [tilespmem:s0+$0x6460];
	[tilespmem:v7+s1+$0x0] =	vst.idx.msk $0xffff, v6  }
0x36c: {  	s28 =	sor.u32 $0x1, s28;
	s10 =	simm.s32 $0x14;
	[tilespmem:v11+s1+$0x0] =	vst.idx.msk $0xffff, v10;
	v5 =	vor.u32 s2, v2;
	v4 =	vld [tilespmem:s29+$0x64E0]  }
0x36d: {  	s6 =	simm.s32 $0xA;
	s5 =	simm.s32 $0x40B;
	s16 =	simm.s32 $0x413;
	[tilespmem:v13+s1+$0x0] =	vst.idx.msk $0xffff, v12;
	v11 =	vor.u32 s8, v1;
	v10 =	vld [tilespmem:s15+$0x8410]  }
0x36e: {  	s9 =	simm.s32 $0x1800;
	s24 =	simm.s32 $0x407;
	s20 =	simm.s32 $0x500;
	v6 =	vld [tilespmem:s30+$0x8490];
	v7 =	vor.u32 s18, v1  }
0x36f: {  	[tilespmem:v15+s1+$0x0] =	vst.idx.msk $0xffff, v14;
	s14 =	simm.s32 $0x417;
	s17 =	simm.s32 $0x40F;
	s19 =	simm.s32 $0x403;
	v12 =	vld [tilespmem:s20+$0x6400];
	v13 =	vor.u32 s10, v0  }
.LBB2_7:
0x370: {  	p0 =	sne.s32 s9, $0x7C00;
	[tilespmem:v9+s1+$0x0] =	vst.idx.msk $0xffff, v8;
	v8 =	vld [tilespmem:s31+$0x6480];
	v9 =	vor.u32 s6, v0  }
0x371: {  	v15 =	vor.u32 s7, v3;
	v14 =	vld [tilespmem:s0+$0x6470];
	[tilespmem:v5+s1+$0x0] =	vst.idx.msk $0xffff, v4  }
0x372: {  	v5 =	vor.u32 s2, v3;
	[tilespmem:v11+s1+$0x0] =	vst.idx.msk $0xffff, v10;
	v4 =	vld [tilespmem:s29+$0x64F0]  }
0x373: {  	v11 =	vor.u32 s8, v2;
	v10 =	vld [tilespmem:s15+$0x8420];
	[tilespmem:v7+s1+$0x0] =	vst.idx.msk $0xffff, v6  }
0x374: {  	v7 =	vor.u32 s18, v2;
	[tilespmem:v13+s1+$0x0] =	vst.idx.msk $0xffff, v12;
	v6 =	vld [tilespmem:s30+$0x84A0]  }
0x375: {  	v13 =	vor.u32 s10, v1;
	v12 =	vld [tilespmem:s20+$0x6410];
	[tilespmem:v9+s1+$0x0] =	vst.idx.msk $0xffff, v8  }
0x376: {  	s11 =	sadd.s32 $0xFFFFFFFE, s17;
	v9 =	vor.u32 s6, v1;
	[tilespmem:v15+s1+$0x0] =	vst.idx.msk $0xffff, v14;
	v8 =	vld [tilespmem:s31+$0x6490]  }
0x377: {  	v15 =	vor.u32 s11, v0;
	v14 =	vld [tilespmem:s0+$0x8440];
	[tilespmem:v5+s1+$0x0] =	vst.idx.msk $0xffff, v4  }
0x378: {  	v5 =	vor.u32 s19, v0;
	[tilespmem:v11+s1+$0x0] =	vst.idx.msk $0xffff, v10;
	v4 =	vld [tilespmem:s29+$0x84C0]  }
0x379: {  	v11 =	vor.u32 s8, v3;
	v10 =	vld [tilespmem:s15+$0x8430];
	[tilespmem:v7+s1+$0x0] =	vst.idx.msk $0xffff, v6  }
0x37a: {  	v7 =	vor.u32 s18, v3;
	[tilespmem:v13+s1+$0x0] =	vst.idx.msk $0xffff, v12;
	v6 =	vld [tilespmem:s30+$0x84B0]  }
0x37b: {  	v13 =	vor.u32 s10, v2;
	v12 =	vld [tilespmem:s20+$0x6420];
	[tilespmem:v9+s1+$0x0] =	vst.idx.msk $0xffff, v8  }
0x37c: {  	v9 =	vor.u32 s6, v2;
	[tilespmem:v15+s1+$0x0] =	vst.idx.msk $0xffff, v14;
	v8 =	vld [tilespmem:s31+$0x64A0]  }
0x37d: {  	v15 =	vor.u32 s11, v1;
	v14 =	vld [tilespmem:s0+$0x8450];
	[tilespmem:v5+s1+$0x0] =	vst.idx.msk $0xffff, v4  }
0x37e: {  	s7 =	sadd.s32 $0xFFFFFBFE, s16;
	v5 =	vor.u32 s19, v1;
	[tilespmem:v11+s1+$0x0] =	vst.idx.msk $0xffff, v10;
	v4 =	vld [tilespmem:s29+$0x84D0]  }
0x37f: {  	s2 =	sadd.s32 $0xFFFFFC00, s24;
	v11 =	vor.u32 s7, v0;
	v10 =	vld [tilespmem:s15+$0x6440];
	[tilespmem:v7+s1+$0x0] =	vst.idx.msk $0xffff, v6  }
0x380: {  	v7 =	vor.u32 s2, v0;
	[tilespmem:v13+s1+$0x0] =	vst.idx.msk $0xffff, v12;
	v6 =	vld [tilespmem:s30+$0x64C0]  }
0x381: {  	v13 =	vor.u32 s10, v3;
	v12 =	vld [tilespmem:s20+$0x6430];
	[tilespmem:v9+s1+$0x0] =	vst.idx.msk $0xffff, v8  }
0x382: {  	v9 =	vor.u32 s6, v3;
	[tilespmem:v15+s1+$0x0] =	vst.idx.msk $0xffff, v14;
	v8 =	vld [tilespmem:s31+$0x64B0]  }
0x383: {  	v15 =	vor.u32 s11, v2;
	v14 =	vld [tilespmem:s0+$0x8460];
	[tilespmem:v5+s1+$0x0] =	vst.idx.msk $0xffff, v4  }
0x384: {  	v5 =	vor.u32 s19, v2;
	[tilespmem:v11+s1+$0x0] =	vst.idx.msk $0xffff, v10;
	v4 =	vld [tilespmem:s29+$0x84E0]  }
0x385: {  	v11 =	vor.u32 s7, v1;
	v10 =	vld [tilespmem:s15+$0x6450];
	[tilespmem:v7+s1+$0x0] =	vst.idx.msk $0xffff, v6  }
0x386: {  	s8 =	sadd.s32 $0xFFFFFFFD, s14;
	v7 =	vor.u32 s2, v1;
	[tilespmem:v13+s1+$0x0] =	vst.idx.msk $0xffff, v12;
	v6 =	vld [tilespmem:s30+$0x64D0]  }
0x387: {  	s18 =	sadd.s32 $0xFFFFFFFF, s5;
	v13 =	vor.u32 s8, v0;
	v12 =	vld [tilespmem:s20+$0x8400];
	[tilespmem:v9+s1+$0x0] =	vst.idx.msk $0xffff, v8  }
0x388: {  	[tilespmem:v15+s1+$0x0] =	vst.idx.msk $0xffff, v14;
	v14 =	vld [tilespmem:s31+$0x8480];
	v15 =	vor.u32 s18, v0  }
0x389: {  	v17 =	vor.u32 s11, v3;
	v16 =	vld [tilespmem:s0+$0x8470];
	[tilespmem:v5+s1+$0x0] =	vst.idx.msk $0xffff, v4  }
0x38a: {  	v19 =	vor.u32 s19, v3;
	s19 =	smov.u32 s24;
	s24 =	smov.u32 s5;
	s5 =	smov.u32 s17;
	[tilespmem:v11+s1+$0x0] =	vst.idx.msk $0xffff, v10;
	v18 =	vld [tilespmem:s29+$0x84F0]  }
.Ltmp2:
0x38b: {  	s17 =	smov.u32 s16;
	s16 =	smov.u32 s14;
	v9 =	vor.u32 s7, v2;
	v8 =	vld [tilespmem:s15+$0x6460];
	[tilespmem:v7+s1+$0x0] =	vst.idx.msk $0xffff, v6;
	(pc) =	sbr.rel @p0 .LBB2_7-.Ltmp2, $4  }
0x38c: {  	v5 =	vor.u32 s2, v2;
	s29 =	smov.u32 s30;
	[tilespmem:v13+s1+$0x0] =	vst.idx.msk $0xffff, v12;
	v4 =	vld [tilespmem:s30+$0x64E0];
	s30 =	smov.u32 s31;
	s31 =	smov.u32 s0  }
0x38d: {  	s14 =	sadd.s32 $0x4, s14;
	v11 =	vor.u32 s8, v1;
	s0 =	smov.u32 s15;
	s15 =	smov.u32 s20;
	v10 =	vld [tilespmem:s20+$0x8410];
	[tilespmem:v15+s1+$0x0] =	vst.idx.msk $0xffff, v14  }
0x38e: {  	s10 =	sadd.s32 $0xFFFFFBFD, s14;
	v7 =	vor.u32 s18, v1;
	s20 =	sshra.s32 s9, $0x2;
	[tilespmem:v17+s1+$0x0] =	vst.idx.msk $0xffff, v16;
	v6 =	vld [tilespmem:s30+$0x8490]  }
0x38f: {  	s6 =	sadd.s32 $0xFFFFFBFF, s5;
	v13 =	vor.u32 s10, v0;
	s9 =	sadd.s32 $0x400, s9;
	v12 =	vld [tilespmem:s20+$0x6400];
	[tilespmem:v19+s1+$0x0] =	vst.idx.msk $0xffff, v18  }
0x390: {  	_ =	sdelay $0x3  }
0x391: {  	[tilespmem:v13+s1+$0x0] =	vst.idx.msk $0xffff, v12  }
0x392: {  	v13 =	vor.u32 s10, v1;
	v12 =	vld [tilespmem:s20+$0x6410];
	_ =	sdelay $0x4  }
0x393: {  	[tilespmem:v13+s1+$0x0] =	vst.idx.msk $0xffff, v12  }
0x394: {  	v13 =	vor.u32 s10, v2;
	v12 =	vld [tilespmem:s20+$0x6420];
	_ =	sdelay $0x4  }
0x395: {  	[tilespmem:v13+s1+$0x0] =	vst.idx.msk $0xffff, v12  }
0x396: {  	v13 =	vor.u32 s10, v3;
	v12 =	vld [tilespmem:s20+$0x6430];
	_ =	sdelay $0x4  }
0x397: {  	s9 =	sadd.s32 $0xFFFFFFFD, s14;
	[tilespmem:v13+s1+$0x0] =	vst.idx.msk $0xffff, v12  }
0x398: {  	v13 =	vor.u32 s9, v0;
	v12 =	vld [tilespmem:s20+$0x8400];
	_ =	sdelay $0x4  }
0x399: {  	[tilespmem:v13+s1+$0x0] =	vst.idx.msk $0xffff, v12  }
0x39a: {  	v13 =	vor.u32 s9, v1;
	v12 =	vld [tilespmem:s20+$0x8410];
	_ =	sdelay $0x3  }
0x39b: {  	[tilespmem:v11+s1+$0x0] =	vst.idx.msk $0xffff, v10  }
0x39c: {  	v11 =	vor.u32 s8, v2;
	v10 =	vld [tilespmem:s15+$0x8420];
	[tilespmem:v13+s1+$0x0] =	vst.idx.msk $0xffff, v12  }
0x39d: {  	v13 =	vor.u32 s9, v2;
	v12 =	vld [tilespmem:s20+$0x8420];
	_ =	sdelay $0x3  }
0x39e: {  	[tilespmem:v11+s1+$0x0] =	vst.idx.msk $0xffff, v10  }
0x39f: {  	v11 =	vor.u32 s8, v3;
	v10 =	vld [tilespmem:s15+$0x8430];
	[tilespmem:v13+s1+$0x0] =	vst.idx.msk $0xffff, v12  }
0x3a0: {  	v13 =	vor.u32 s9, v3;
	v12 =	vld [tilespmem:s20+$0x8430];
	_ =	sdelay $0x3  }
0x3a1: {  	[tilespmem:v11+s1+$0x0] =	vst.idx.msk $0xffff, v10;
	s10 =	sadd.s32 $0xFFFFFBFE, s16  }
0x3a2: {  	s11 =	sadd.s32 $0xFFFFFBFE, s14;
	v10 =	vld [tilespmem:s15+$0x6440];
	v11 =	vor.u32 s10, v0;
	[tilespmem:v13+s1+$0x0] =	vst.idx.msk $0xffff, v12  }
0x3a3: {  	v13 =	vor.u32 s11, v0;
	v12 =	vld [tilespmem:s20+$0x6440];
	_ =	sdelay $0x3  }
0x3a4: {  	[tilespmem:v11+s1+$0x0] =	vst.idx.msk $0xffff, v10  }
0x3a5: {  	v11 =	vor.u32 s10, v1;
	v10 =	vld [tilespmem:s15+$0x6450];
	[tilespmem:v13+s1+$0x0] =	vst.idx.msk $0xffff, v12  }
0x3a6: {  	v13 =	vor.u32 s11, v1;
	v12 =	vld [tilespmem:s20+$0x6450];
	_ =	sdelay $0x3  }
0x3a7: {  	[tilespmem:v11+s1+$0x0] =	vst.idx.msk $0xffff, v10  }
0x3a8: {  	v11 =	vor.u32 s10, v2;
	v10 =	vld [tilespmem:s15+$0x6460];
	[tilespmem:v13+s1+$0x0] =	vst.idx.msk $0xffff, v12  }
0x3a9: {  	v13 =	vor.u32 s11, v2;
	v12 =	vld [tilespmem:s20+$0x6460];
	_ =	sdelay $0x1  }
0x3aa: {  	[tilespmem:v9+s1+$0x0] =	vst.idx.msk $0xffff, v8  }
0x3ab: {  	v9 =	vor.u32 s7, v3;
	v8 =	vld [tilespmem:s0+$0x6470]  }
0x3ac: {  	[tilespmem:v11+s1+$0x0] =	vst.idx.msk $0xffff, v10  }
0x3ad: {  	v11 =	vor.u32 s10, v3;
	v10 =	vld [tilespmem:s15+$0x6470];
	[tilespmem:v13+s1+$0x0] =	vst.idx.msk $0xffff, v12  }
0x3ae: {  	v13 =	vor.u32 s11, v3;
	v12 =	vld [tilespmem:s20+$0x6470];
	_ =	sdelay $0x1  }
0x3af: {  	[tilespmem:v9+s1+$0x0] =	vst.idx.msk $0xffff, v8;
	s9 =	sadd.s32 $0xFFFFFFFE, s17  }
0x3b0: {  	v8 =	vld [tilespmem:s0+$0x8440];
	v9 =	vor.u32 s9, v0  }
0x3b1: {  	s10 =	sadd.s32 $0xFFFFFFFE, s16;
	[tilespmem:v11+s1+$0x0] =	vst.idx.msk $0xffff, v10  }
0x3b2: {  	v11 =	vor.u32 s10, v0;
	v10 =	vld [tilespmem:s15+$0x8440];
	s11 =	sadd.s32 $0xFFFFFFFE, s14;
	[tilespmem:v13+s1+$0x0] =	vst.idx.msk $0xffff, v12  }
0x3b3: {  	v13 =	vor.u32 s11, v0;
	v12 =	vld [tilespmem:s20+$0x8440];
	_ =	sdelay $0x1  }
0x3b4: {  	[tilespmem:v9+s1+$0x0] =	vst.idx.msk $0xffff, v8  }
0x3b5: {  	v9 =	vor.u32 s9, v1;
	v8 =	vld [tilespmem:s0+$0x8450]  }
0x3b6: {  	[tilespmem:v11+s1+$0x0] =	vst.idx.msk $0xffff, v10  }
0x3b7: {  	v11 =	vor.u32 s10, v1;
	v10 =	vld [tilespmem:s15+$0x8450];
	[tilespmem:v13+s1+$0x0] =	vst.idx.msk $0xffff, v12  }
0x3b8: {  	v13 =	vor.u32 s11, v1;
	v12 =	vld [tilespmem:s20+$0x8450];
	_ =	sdelay $0x1  }
0x3b9: {  	[tilespmem:v9+s1+$0x0] =	vst.idx.msk $0xffff, v8  }
0x3ba: {  	v9 =	vor.u32 s9, v2;
	v8 =	vld [tilespmem:s0+$0x8460]  }
0x3bb: {  	[tilespmem:v11+s1+$0x0] =	vst.idx.msk $0xffff, v10  }
0x3bc: {  	v11 =	vor.u32 s10, v2;
	v10 =	vld [tilespmem:s15+$0x8460];
	[tilespmem:v13+s1+$0x0] =	vst.idx.msk $0xffff, v12  }
0x3bd: {  	v13 =	vor.u32 s11, v2;
	v12 =	vld [tilespmem:s20+$0x8460];
	_ =	sdelay $0x1  }
0x3be: {  	[tilespmem:v9+s1+$0x0] =	vst.idx.msk $0xffff, v8  }
0x3bf: {  	v9 =	vor.u32 s9, v3;
	v8 =	vld [tilespmem:s0+$0x8470]  }
0x3c0: {  	[tilespmem:v11+s1+$0x0] =	vst.idx.msk $0xffff, v10  }
0x3c1: {  	v11 =	vor.u32 s10, v3;
	v10 =	vld [tilespmem:s15+$0x8470];
	[tilespmem:v13+s1+$0x0] =	vst.idx.msk $0xffff, v12  }
0x3c2: {  	v13 =	vor.u32 s11, v3;
	v12 =	vld [tilespmem:s20+$0x8470];
	_ =	sdelay $0x1  }
0x3c3: {  	v14 =	vld [tilespmem:s31+$0x6480];
	v15 =	vor.u32 s6, v0;
	s9 =	sadd.s32 $0xFFFFFBFF, s17;
	[tilespmem:v9+s1+$0x0] =	vst.idx.msk $0xffff, v8  }
0x3c4: {  	v9 =	vor.u32 s9, v0;
	v8 =	vld [tilespmem:s0+$0x6480]  }
0x3c5: {  	s10 =	sadd.s32 $0xFFFFFBFF, s16;
	[tilespmem:v11+s1+$0x0] =	vst.idx.msk $0xffff, v10  }
0x3c6: {  	v11 =	vor.u32 s10, v0;
	v10 =	vld [tilespmem:s15+$0x6480];
	s11 =	sadd.s32 $0xFFFFFBFF, s14;
	[tilespmem:v13+s1+$0x0] =	vst.idx.msk $0xffff, v12  }
0x3c7: {  	v13 =	vor.u32 s11, v0;
	v12 =	vld [tilespmem:s20+$0x6480]  }
0x3c8: {  	[tilespmem:v15+s1+$0x0] =	vst.idx.msk $0xffff, v14  }
0x3c9: {  	v15 =	vor.u32 s6, v1;
	v14 =	vld [tilespmem:s31+$0x6490];
	[tilespmem:v9+s1+$0x0] =	vst.idx.msk $0xffff, v8  }
0x3ca: {  	v9 =	vor.u32 s9, v1;
	v8 =	vld [tilespmem:s0+$0x6490]  }
0x3cb: {  	[tilespmem:v11+s1+$0x0] =	vst.idx.msk $0xffff, v10  }
0x3cc: {  	v11 =	vor.u32 s10, v1;
	v10 =	vld [tilespmem:s15+$0x6490];
	[tilespmem:v13+s1+$0x0] =	vst.idx.msk $0xffff, v12  }
0x3cd: {  	v13 =	vor.u32 s11, v1;
	v12 =	vld [tilespmem:s20+$0x6490]  }
0x3ce: {  	[tilespmem:v15+s1+$0x0] =	vst.idx.msk $0xffff, v14  }
0x3cf: {  	v15 =	vor.u32 s6, v2;
	v14 =	vld [tilespmem:s31+$0x64A0];
	[tilespmem:v9+s1+$0x0] =	vst.idx.msk $0xffff, v8  }
0x3d0: {  	v9 =	vor.u32 s9, v2;
	v8 =	vld [tilespmem:s0+$0x64A0]  }
0x3d1: {  	[tilespmem:v11+s1+$0x0] =	vst.idx.msk $0xffff, v10  }
0x3d2: {  	v11 =	vor.u32 s10, v2;
	v10 =	vld [tilespmem:s15+$0x64A0];
	[tilespmem:v13+s1+$0x0] =	vst.idx.msk $0xffff, v12  }
0x3d3: {  	v13 =	vor.u32 s11, v2;
	v12 =	vld [tilespmem:s20+$0x64A0]  }
0x3d4: {  	[tilespmem:v15+s1+$0x0] =	vst.idx.msk $0xffff, v14  }
0x3d5: {  	v15 =	vor.u32 s6, v3;
	v14 =	vld [tilespmem:s31+$0x64B0];
	[tilespmem:v9+s1+$0x0] =	vst.idx.msk $0xffff, v8  }
0x3d6: {  	v9 =	vor.u32 s9, v3;
	v8 =	vld [tilespmem:s0+$0x64B0]  }
0x3d7: {  	[tilespmem:v11+s1+$0x0] =	vst.idx.msk $0xffff, v10  }
0x3d8: {  	v11 =	vor.u32 s10, v3;
	v10 =	vld [tilespmem:s15+$0x64B0];
	[tilespmem:v13+s1+$0x0] =	vst.idx.msk $0xffff, v12  }
0x3d9: {  	v13 =	vor.u32 s11, v3;
	v12 =	vld [tilespmem:s20+$0x64B0]  }
0x3da: {  	s8 =	sadd.s32 $0xFFFFFFFF, s5;
	[tilespmem:v15+s1+$0x0] =	vst.idx.msk $0xffff, v14  }
0x3db: {  	v15 =	vor.u32 s8, v0;
	v14 =	vld [tilespmem:s31+$0x8480];
	s9 =	sadd.s32 $0xFFFFFFFF, s17;
	[tilespmem:v9+s1+$0x0] =	vst.idx.msk $0xffff, v8  }
0x3dc: {  	v9 =	vor.u32 s9, v0;
	v8 =	vld [tilespmem:s0+$0x8480]  }
0x3dd: {  	s10 =	sadd.s32 $0xFFFFFFFF, s16;
	[tilespmem:v11+s1+$0x0] =	vst.idx.msk $0xffff, v10  }
0x3de: {  	v11 =	vor.u32 s10, v0;
	v10 =	vld [tilespmem:s15+$0x8480];
	s11 =	sadd.s32 $0xFFFFFFFF, s14;
	[tilespmem:v13+s1+$0x0] =	vst.idx.msk $0xffff, v12  }
0x3df: {  	v13 =	vor.u32 s11, v0;
	v12 =	vld [tilespmem:s20+$0x8480]  }
0x3e0: {  	[tilespmem:v15+s1+$0x0] =	vst.idx.msk $0xffff, v14  }
0x3e1: {  	v15 =	vor.u32 s8, v1;
	v14 =	vld [tilespmem:s31+$0x8490];
	[tilespmem:v9+s1+$0x0] =	vst.idx.msk $0xffff, v8  }
0x3e2: {  	v9 =	vor.u32 s9, v1;
	v8 =	vld [tilespmem:s0+$0x8490]  }
0x3e3: {  	[tilespmem:v11+s1+$0x0] =	vst.idx.msk $0xffff, v10  }
0x3e4: {  	v11 =	vor.u32 s10, v1;
	v10 =	vld [tilespmem:s15+$0x8490];
	[tilespmem:v13+s1+$0x0] =	vst.idx.msk $0xffff, v12  }
0x3e5: {  	[tilespmem:v7+s1+$0x0] =	vst.idx.msk $0xffff, v6;
	v13 =	vor.u32 s11, v1;
	v12 =	vld [tilespmem:s20+$0x8490]  }
0x3e6: {  	v7 =	vor.u32 s18, v2;
	v6 =	vld [tilespmem:s30+$0x84A0];
	[tilespmem:v15+s1+$0x0] =	vst.idx.msk $0xffff, v14  }
0x3e7: {  	v15 =	vor.u32 s8, v2;
	v14 =	vld [tilespmem:s31+$0x84A0];
	[tilespmem:v9+s1+$0x0] =	vst.idx.msk $0xffff, v8  }
0x3e8: {  	v9 =	vor.u32 s9, v2;
	v8 =	vld [tilespmem:s0+$0x84A0]  }
0x3e9: {  	[tilespmem:v11+s1+$0x0] =	vst.idx.msk $0xffff, v10  }
0x3ea: {  	v11 =	vor.u32 s10, v2;
	v10 =	vld [tilespmem:s15+$0x84A0];
	[tilespmem:v13+s1+$0x0] =	vst.idx.msk $0xffff, v12  }
0x3eb: {  	[tilespmem:v7+s1+$0x0] =	vst.idx.msk $0xffff, v6;
	v13 =	vor.u32 s11, v2;
	v12 =	vld [tilespmem:s20+$0x84A0]  }
0x3ec: {  	v7 =	vor.u32 s18, v3;
	v6 =	vld [tilespmem:s30+$0x84B0];
	[tilespmem:v15+s1+$0x0] =	vst.idx.msk $0xffff, v14  }
0x3ed: {  	v15 =	vor.u32 s8, v3;
	v14 =	vld [tilespmem:s31+$0x84B0];
	[tilespmem:v9+s1+$0x0] =	vst.idx.msk $0xffff, v8  }
0x3ee: {  	v9 =	vor.u32 s9, v3;
	v8 =	vld [tilespmem:s0+$0x84B0]  }
0x3ef: {  	[tilespmem:v11+s1+$0x0] =	vst.idx.msk $0xffff, v10  }
0x3f0: {  	v11 =	vor.u32 s10, v3;
	v10 =	vld [tilespmem:s15+$0x84B0];
	[tilespmem:v13+s1+$0x0] =	vst.idx.msk $0xffff, v12  }
0x3f1: {  	[tilespmem:v7+s1+$0x0] =	vst.idx.msk $0xffff, v6;
	s8 =	sadd.s32 $0xFFFFFC00, s24;
	v13 =	vor.u32 s11, v3;
	v12 =	vld [tilespmem:s20+$0x84B0]  }
0x3f2: {  	v6 =	vld [tilespmem:s30+$0x64C0];
	v7 =	vor.u32 s8, v0;
	[tilespmem:v15+s1+$0x0] =	vst.idx.msk $0xffff, v14;
	s9 =	sadd.s32 $0xFFFFFC00, s5  }
0x3f3: {  	v14 =	vld [tilespmem:s31+$0x64C0];
	s10 =	sadd.s32 $0xFFFFFC00, s17;
	v15 =	vor.u32 s9, v0;
	[tilespmem:v9+s1+$0x0] =	vst.idx.msk $0xffff, v8  }
0x3f4: {  	v9 =	vor.u32 s10, v0;
	v8 =	vld [tilespmem:s0+$0x64C0]  }
0x3f5: {  	[tilespmem:v11+s1+$0x0] =	vst.idx.msk $0xffff, v10;
	s11 =	sadd.s32 $0xFFFFFC00, s16  }
0x3f6: {  	s18 =	sadd.s32 $0xFFFFFC00, s14;
	v10 =	vld [tilespmem:s15+$0x64C0];
	v11 =	vor.u32 s11, v0;
	[tilespmem:v13+s1+$0x0] =	vst.idx.msk $0xffff, v12  }
0x3f7: {  	[tilespmem:v7+s1+$0x0] =	vst.idx.msk $0xffff, v6;
	v13 =	vor.u32 s18, v0;
	v12 =	vld [tilespmem:s20+$0x64C0]  }
0x3f8: {  	v7 =	vor.u32 s8, v1;
	v6 =	vld [tilespmem:s30+$0x64D0];
	[tilespmem:v15+s1+$0x0] =	vst.idx.msk $0xffff, v14  }
0x3f9: {  	v15 =	vor.u32 s9, v1;
	v14 =	vld [tilespmem:s31+$0x64D0];
	[tilespmem:v9+s1+$0x0] =	vst.idx.msk $0xffff, v8  }
0x3fa: {  	v9 =	vor.u32 s10, v1;
	v8 =	vld [tilespmem:s0+$0x64D0]  }
0x3fb: {  	[tilespmem:v11+s1+$0x0] =	vst.idx.msk $0xffff, v10  }
0x3fc: {  	v11 =	vor.u32 s11, v1;
	v10 =	vld [tilespmem:s15+$0x64D0];
	[tilespmem:v13+s1+$0x0] =	vst.idx.msk $0xffff, v12  }
0x3fd: {  	[tilespmem:v7+s1+$0x0] =	vst.idx.msk $0xffff, v6;
	v13 =	vor.u32 s18, v1;
	v12 =	vld [tilespmem:s20+$0x64D0]  }
0x3fe: {  	v7 =	vor.u32 s8, v2;
	v6 =	vld [tilespmem:s30+$0x64E0];
	[tilespmem:v15+s1+$0x0] =	vst.idx.msk $0xffff, v14  }
0x3ff: {  	v15 =	vor.u32 s9, v2;
	v14 =	vld [tilespmem:s31+$0x64E0];
	[tilespmem:v9+s1+$0x0] =	vst.idx.msk $0xffff, v8  }
0x400: {  	[tilespmem:v5+s1+$0x0] =	vst.idx.msk $0xffff, v4;
	v9 =	vor.u32 s10, v2;
	v8 =	vld [tilespmem:s0+$0x64E0]  }
0x401: {  	[tilespmem:v11+s1+$0x0] =	vst.idx.msk $0xffff, v10  }
0x402: {  	v11 =	vor.u32 s11, v2;
	v10 =	vld [tilespmem:s15+$0x64E0];
	[tilespmem:v13+s1+$0x0] =	vst.idx.msk $0xffff, v12  }
0x403: {  	v5 =	vor.u32 s18, v2;
	[tilespmem:v7+s1+$0x0] =	vst.idx.msk $0xffff, v6;
	v4 =	vld [tilespmem:s20+$0x64E0]  }
0x404: {  	v7 =	vor.u32 s8, v3;
	v6 =	vld [tilespmem:s30+$0x64F0];
	[tilespmem:v15+s1+$0x0] =	vst.idx.msk $0xffff, v14  }
0x405: {  	v15 =	vor.u32 s9, v3;
	v14 =	vld [tilespmem:s31+$0x64F0];
	[tilespmem:v9+s1+$0x0] =	vst.idx.msk $0xffff, v8  }
0x406: {  	v9 =	vor.u32 s10, v3;
	v8 =	vld [tilespmem:s0+$0x64F0]  }
0x407: {  	v12 =	vld [tilespmem:s29+$0x64F0];
	v13 =	vor.u32 s2, v3;
	[tilespmem:v11+s1+$0x0] =	vst.idx.msk $0xffff, v10  }
0x408: {  	v11 =	vor.u32 s11, v3;
	v10 =	vld [tilespmem:s15+$0x64F0];
	[tilespmem:v5+s1+$0x0] =	vst.idx.msk $0xffff, v4  }
0x409: {  	[tilespmem:v7+s1+$0x0] =	vst.idx.msk $0xffff, v6;
	v5 =	vor.u32 s18, v3;
	v4 =	vld [tilespmem:s20+$0x64F0]  }
0x40a: {  	v7 =	vor.u32 s24, v0;
	v6 =	vld [tilespmem:s30+$0x84C0];
	[tilespmem:v15+s1+$0x0] =	vst.idx.msk $0xffff, v14  }
0x40b: {  	v15 =	vor.u32 s5, v0;
	v14 =	vld [tilespmem:s31+$0x84C0];
	[tilespmem:v9+s1+$0x0] =	vst.idx.msk $0xffff, v8  }
0x40c: {  	v9 =	vor.u32 s17, v0;
	v8 =	vld [tilespmem:s0+$0x84C0];
	[tilespmem:v13+s1+$0x0] =	vst.idx.msk $0xffff, v12  }
0x40d: {  	v13 =	vor.u32 s19, v0;
	v12 =	vld [tilespmem:s29+$0x84C0];
	[tilespmem:v11+s1+$0x0] =	vst.idx.msk $0xffff, v10  }
0x40e: {  	v11 =	vor.u32 s16, v0;
	v10 =	vld [tilespmem:s15+$0x84C0];
	[tilespmem:v5+s1+$0x0] =	vst.idx.msk $0xffff, v4  }
0x40f: {  	[tilespmem:v7+s1+$0x0] =	vst.idx.msk $0xffff, v6;
	v5 =	vor.u32 s14, v0;
	v4 =	vld [tilespmem:s20+$0x84C0]  }
0x410: {  	v7 =	vor.u32 s24, v1;
	v6 =	vld [tilespmem:s30+$0x84D0];
	[tilespmem:v15+s1+$0x0] =	vst.idx.msk $0xffff, v14  }
0x411: {  	v15 =	vor.u32 s5, v1;
	v14 =	vld [tilespmem:s31+$0x84D0];
	[tilespmem:v9+s1+$0x0] =	vst.idx.msk $0xffff, v8  }
0x412: {  	v9 =	vor.u32 s17, v1;
	v8 =	vld [tilespmem:s0+$0x84D0];
	[tilespmem:v13+s1+$0x0] =	vst.idx.msk $0xffff, v12  }
0x413: {  	v13 =	vor.u32 s19, v1;
	v12 =	vld [tilespmem:s29+$0x84D0];
	[tilespmem:v11+s1+$0x0] =	vst.idx.msk $0xffff, v10  }
0x414: {  	v11 =	vor.u32 s16, v1;
	v10 =	vld [tilespmem:s15+$0x84D0];
	[tilespmem:v5+s1+$0x0] =	vst.idx.msk $0xffff, v4  }
0x415: {  	[tilespmem:v7+s1+$0x0] =	vst.idx.msk $0xffff, v6;
	v5 =	vor.u32 s14, v1;
	v4 =	vld [tilespmem:s20+$0x84D0]  }
0x416: {  	v7 =	vor.u32 s24, v2;
	v6 =	vld [tilespmem:s30+$0x84E0];
	[tilespmem:v15+s1+$0x0] =	vst.idx.msk $0xffff, v14  }
0x417: {  	v15 =	vor.u32 s5, v2;
	v14 =	vld [tilespmem:s31+$0x84E0];
	[tilespmem:v9+s1+$0x0] =	vst.idx.msk $0xffff, v8  }
0x418: {  	v9 =	vor.u32 s17, v2;
	v8 =	vld [tilespmem:s0+$0x84E0];
	[tilespmem:v13+s1+$0x0] =	vst.idx.msk $0xffff, v12  }
0x419: {  	v13 =	vor.u32 s19, v2;
	v12 =	vld [tilespmem:s29+$0x84E0];
	[tilespmem:v11+s1+$0x0] =	vst.idx.msk $0xffff, v10  }
0x41a: {  	v11 =	vor.u32 s16, v2;
	v10 =	vld [tilespmem:s15+$0x84E0];
	[tilespmem:v5+s1+$0x0] =	vst.idx.msk $0xffff, v4  }
0x41b: {  	[tilespmem:v7+s1+$0x0] =	vst.idx.msk $0xffff, v6;
	v5 =	vor.u32 s14, v2;
	v4 =	vld [tilespmem:s20+$0x84E0]  }
0x41c: {  	v7 =	vor.u32 s24, v3;
	v6 =	vld [tilespmem:s30+$0x84F0];
	[tilespmem:v15+s1+$0x0] =	vst.idx.msk $0xffff, v14  }
0x41d: {  	v15 =	vor.u32 s5, v3;
	v14 =	vld [tilespmem:s31+$0x84F0];
	[tilespmem:v9+s1+$0x0] =	vst.idx.msk $0xffff, v8  }
0x41e: {  	v9 =	vor.u32 s17, v3;
	v8 =	vld [tilespmem:s0+$0x84F0];
	[tilespmem:v13+s1+$0x0] =	vst.idx.msk $0xffff, v12  }
0x41f: {  	v13 =	vor.u32 s19, v3;
	v12 =	vld [tilespmem:s29+$0x84F0];
	[tilespmem:v11+s1+$0x0] =	vst.idx.msk $0xffff, v10  }
0x420: {  	v11 =	vor.u32 s16, v3;
	v10 =	vld [tilespmem:s15+$0x84F0];
	[tilespmem:v5+s1+$0x0] =	vst.idx.msk $0xffff, v4  }
0x421: {  	[tilespmem:v7+s1+$0x0] =	vst.idx.msk $0xffff, v6;
	v5 =	vor.u32 s14, v3;
	v4 =	vld [tilespmem:s20+$0x84F0]  }
0x422: {  	[tilespmem:v15+s1+$0x0] =	vst.idx.msk $0xffff, v14  }
0x423: {  	[tilespmem:v9+s1+$0x0] =	vst.idx.msk $0xffff, v8  }
0x424: {  	[tilespmem:v13+s1+$0x0] =	vst.idx.msk $0xffff, v12  }
0x425: {  	p0 =	sgt.u32 s28, $0x30;
	[tilespmem:v11+s1+$0x0] =	vst.idx.msk $0xffff, v10  }
0x426: {  	s5 =	simm.s32 @!p0 $0x6400;
	s2 =	simm.s32 @!p0 $0x100;
	s0 =	sadd.s32 @!p0 $0x400, s26;
	[tilespmem:v5+s1+$0x0] =	vst.idx.msk $0xffff, v4  }
0x427: {  	[tilespmem:s5], [sflag:$0x1] =	stream.indirect.gather @!p0 [hbm4b:s4+s2], $0x40, s0, s2, $0xb8;
	[tilespmem:$0x1E400] =	vst v63  }
0x428: {  	_ =	swait.ge [sflag:s23], $0x4000  }
0x429: {  	[sflag:s23] =	ssyncset.done $0x0  }
0x42a: {  	s19 =	simm.s32 $0x800;
	s29 =	simm.s32 $0xC400;
	[sflag:s23] =	ssyncadd.s32 $0xFFFFC000  }
0x42b: {  	v5 =	vor.u32 s19, v0;
	v4 =	vld [tilespmem:s29+$0xFFFFE000];
	_ =	sdelay $0x4  }
0x42c: {  	[tilespmem:v5+s1+$0x0] =	vst.idx.msk $0xffff, v4  }
0x42d: {  	v5 =	vor.u32 s19, v1;
	v4 =	vld [tilespmem:s29+$0xFFFFE010];
	_ =	sdelay $0x4  }
0x42e: {  	[tilespmem:v5+s1+$0x0] =	vst.idx.msk $0xffff, v4  }
0x42f: {  	v5 =	vor.u32 s19, v2;
	v4 =	vld [tilespmem:s29+$0xFFFFE020];
	_ =	sdelay $0x4  }
0x430: {  	[tilespmem:v5+s1+$0x0] =	vst.idx.msk $0xffff, v4  }
0x431: {  	v5 =	vor.u32 s19, v3;
	v4 =	vld [tilespmem:s29+$0xFFFFE030];
	_ =	sdelay $0x4  }
0x432: {  	s20 =	simm.s32 $0xC00;
	[tilespmem:v5+s1+$0x0] =	vst.idx.msk $0xffff, v4  }
0x433: {  	v5 =	vor.u32 s20, v0;
	v4 =	vld [tilespmem:s29+$0x0];
	_ =	sdelay $0x4  }
0x434: {  	[tilespmem:v5+s1+$0x0] =	vst.idx.msk $0xffff, v4  }
0x435: {  	v5 =	vor.u32 s20, v1;
	v4 =	vld [tilespmem:s29+$0x10]  }
0x436: {  	s24 =	simm.s32 $0x804;
	s30 =	simm.s32 $0xC500  }
0x437: {  	v7 =	vor.u32 s24, v0;
	v6 =	vld [tilespmem:s30+$0xFFFFE000];
	_ =	sdelay $0x2  }
0x438: {  	[tilespmem:v5+s1+$0x0] =	vst.idx.msk $0xffff, v4  }
0x439: {  	v5 =	vor.u32 s20, v2;
	v4 =	vld [tilespmem:s29+$0x20]  }
0x43a: {  	[tilespmem:v7+s1+$0x0] =	vst.idx.msk $0xffff, v6  }
0x43b: {  	v7 =	vor.u32 s24, v1;
	v6 =	vld [tilespmem:s30+$0xFFFFE010];
	_ =	sdelay $0x2  }
0x43c: {  	[tilespmem:v5+s1+$0x0] =	vst.idx.msk $0xffff, v4  }
0x43d: {  	v5 =	vor.u32 s20, v3;
	v4 =	vld [tilespmem:s29+$0x30]  }
0x43e: {  	[tilespmem:v7+s1+$0x0] =	vst.idx.msk $0xffff, v6  }
0x43f: {  	v7 =	vor.u32 s24, v2;
	v6 =	vld [tilespmem:s30+$0xFFFFE020];
	_ =	sdelay $0x2  }
0x440: {  	s5 =	simm.s32 $0x801;
	[tilespmem:v5+s1+$0x0] =	vst.idx.msk $0xffff, v4  }
0x441: {  	v5 =	vor.u32 s5, v0;
	v4 =	vld [tilespmem:s29+$0xFFFFE040]  }
0x442: {  	[tilespmem:v7+s1+$0x0] =	vst.idx.msk $0xffff, v6  }
0x443: {  	v7 =	vor.u32 s24, v3;
	v6 =	vld [tilespmem:s30+$0xFFFFE030];
	_ =	sdelay $0x2  }
0x444: {  	[tilespmem:v5+s1+$0x0] =	vst.idx.msk $0xffff, v4  }
0x445: {  	v5 =	vor.u32 s5, v1;
	v4 =	vld [tilespmem:s29+$0xFFFFE050]  }
0x446: {  	s6 =	simm.s32 $0xC04;
	[tilespmem:v7+s1+$0x0] =	vst.idx.msk $0xffff, v6  }
0x447: {  	v7 =	vor.u32 s6, v0;
	v6 =	vld [tilespmem:s30+$0x0];
	_ =	sdelay $0x2  }
0x448: {  	[tilespmem:v5+s1+$0x0] =	vst.idx.msk $0xffff, v4  }
0x449: {  	v5 =	vor.u32 s5, v2;
	v4 =	vld [tilespmem:s29+$0xFFFFE060]  }
0x44a: {  	[tilespmem:v7+s1+$0x0] =	vst.idx.msk $0xffff, v6  }
0x44b: {  	v7 =	vor.u32 s6, v1;
	v6 =	vld [tilespmem:s30+$0x10]  }
0x44c: {  	s7 =	simm.s32 $0x808;
	s31 =	simm.s32 $0xC600  }
0x44d: {  	v9 =	vor.u32 s7, v0;
	v8 =	vld [tilespmem:s31+$0xFFFFE000]  }
0x44e: {  	[tilespmem:v5+s1+$0x0] =	vst.idx.msk $0xffff, v4  }
0x44f: {  	v5 =	vor.u32 s5, v3;
	v4 =	vld [tilespmem:s29+$0xFFFFE070]  }
0x450: {  	[tilespmem:v7+s1+$0x0] =	vst.idx.msk $0xffff, v6  }
0x451: {  	v7 =	vor.u32 s6, v2;
	v6 =	vld [tilespmem:s30+$0x20]  }
0x452: {  	[tilespmem:v9+s1+$0x0] =	vst.idx.msk $0xffff, v8  }
0x453: {  	v9 =	vor.u32 s7, v1;
	v8 =	vld [tilespmem:s31+$0xFFFFE010]  }
0x454: {  	s8 =	simm.s32 $0xC01;
	[tilespmem:v5+s1+$0x0] =	vst.idx.msk $0xffff, v4  }
0x455: {  	v5 =	vor.u32 s8, v0;
	v4 =	vld [tilespmem:s29+$0x40]  }
0x456: {  	[tilespmem:v7+s1+$0x0] =	vst.idx.msk $0xffff, v6  }
0x457: {  	v7 =	vor.u32 s6, v3;
	v6 =	vld [tilespmem:s30+$0x30]  }
0x458: {  	[tilespmem:v9+s1+$0x0] =	vst.idx.msk $0xffff, v8  }
0x459: {  	v9 =	vor.u32 s7, v2;
	v8 =	vld [tilespmem:s31+$0xFFFFE020]  }
0x45a: {  	[tilespmem:v5+s1+$0x0] =	vst.idx.msk $0xffff, v4  }
0x45b: {  	v5 =	vor.u32 s8, v1;
	v4 =	vld [tilespmem:s29+$0x50]  }
0x45c: {  	s9 =	simm.s32 $0x805;
	[tilespmem:v7+s1+$0x0] =	vst.idx.msk $0xffff, v6  }
0x45d: {  	v7 =	vor.u32 s9, v0;
	v6 =	vld [tilespmem:s30+$0xFFFFE040]  }
0x45e: {  	[tilespmem:v9+s1+$0x0] =	vst.idx.msk $0xffff, v8  }
0x45f: {  	v9 =	vor.u32 s7, v3;
	v8 =	vld [tilespmem:s31+$0xFFFFE030]  }
0x460: {  	[tilespmem:v5+s1+$0x0] =	vst.idx.msk $0xffff, v4  }
0x461: {  	v5 =	vor.u32 s8, v2;
	v4 =	vld [tilespmem:s29+$0x60]  }
0x462: {  	[tilespmem:v7+s1+$0x0] =	vst.idx.msk $0xffff, v6  }
0x463: {  	v7 =	vor.u32 s9, v1;
	v6 =	vld [tilespmem:s30+$0xFFFFE050]  }
0x464: {  	s10 =	simm.s32 $0xC08;
	[tilespmem:v9+s1+$0x0] =	vst.idx.msk $0xffff, v8  }
0x465: {  	v9 =	vor.u32 s10, v0;
	v8 =	vld [tilespmem:s31+$0x0]  }
0x466: {  	[tilespmem:v5+s1+$0x0] =	vst.idx.msk $0xffff, v4  }
0x467: {  	v5 =	vor.u32 s8, v3;
	v4 =	vld [tilespmem:s29+$0x70]  }
0x468: {  	[tilespmem:v7+s1+$0x0] =	vst.idx.msk $0xffff, v6  }
0x469: {  	v7 =	vor.u32 s9, v2;
	v6 =	vld [tilespmem:s30+$0xFFFFE060]  }
0x46a: {  	[tilespmem:v9+s1+$0x0] =	vst.idx.msk $0xffff, v8  }
0x46b: {  	s11 =	simm.s32 $0x80C;
	s0 =	simm.s32 $0xC700;
	v9 =	vor.u32 s10, v1;
	v8 =	vld [tilespmem:s31+$0x10]  }
0x46c: {  	s14 =	simm.s32 $0x802;
	[tilespmem:v5+s1+$0x0] =	vst.idx.msk $0xffff, v4;
	v4 =	vld [tilespmem:s0+$0xFFFFE000];
	v5 =	vor.u32 s11, v0  }
0x46d: {  	v11 =	vor.u32 s14, v0;
	v10 =	vld [tilespmem:s29+$0xFFFFE080]  }
0x46e: {  	[tilespmem:v7+s1+$0x0] =	vst.idx.msk $0xffff, v6  }
0x46f: {  	v7 =	vor.u32 s9, v3;
	v6 =	vld [tilespmem:s30+$0xFFFFE070]  }
0x470: {  	[tilespmem:v9+s1+$0x0] =	vst.idx.msk $0xffff, v8  }
0x471: {  	v9 =	vor.u32 s10, v2;
	v8 =	vld [tilespmem:s31+$0x20];
	[tilespmem:v5+s1+$0x0] =	vst.idx.msk $0xffff, v4  }
0x472: {  	v5 =	vor.u32 s11, v1;
	v4 =	vld [tilespmem:s0+$0xFFFFE010];
	[tilespmem:v11+s1+$0x0] =	vst.idx.msk $0xffff, v10  }
0x473: {  	v11 =	vor.u32 s14, v1;
	v10 =	vld [tilespmem:s29+$0xFFFFE090]  }
0x474: {  	s15 =	simm.s32 $0xC05;
	[tilespmem:v7+s1+$0x0] =	vst.idx.msk $0xffff, v6  }
0x475: {  	v7 =	vor.u32 s15, v0;
	v6 =	vld [tilespmem:s30+$0x40]  }
0x476: {  	[tilespmem:v9+s1+$0x0] =	vst.idx.msk $0xffff, v8  }
0x477: {  	v9 =	vor.u32 s10, v3;
	v8 =	vld [tilespmem:s31+$0x30];
	[tilespmem:v5+s1+$0x0] =	vst.idx.msk $0xffff, v4  }
0x478: {  	v5 =	vor.u32 s11, v2;
	v4 =	vld [tilespmem:s0+$0xFFFFE020];
	[tilespmem:v11+s1+$0x0] =	vst.idx.msk $0xffff, v10  }
0x479: {  	v11 =	vor.u32 s14, v2;
	v10 =	vld [tilespmem:s29+$0xFFFFE0A0]  }
0x47a: {  	[tilespmem:v7+s1+$0x0] =	vst.idx.msk $0xffff, v6  }
0x47b: {  	v7 =	vor.u32 s15, v1;
	v6 =	vld [tilespmem:s30+$0x50]  }
0x47c: {  	s16 =	simm.s32 $0x809;
	[tilespmem:v9+s1+$0x0] =	vst.idx.msk $0xffff, v8  }
0x47d: {  	v9 =	vor.u32 s16, v0;
	v8 =	vld [tilespmem:s31+$0xFFFFE040];
	[tilespmem:v5+s1+$0x0] =	vst.idx.msk $0xffff, v4  }
0x47e: {  	v5 =	vor.u32 s11, v3;
	v4 =	vld [tilespmem:s0+$0xFFFFE030];
	[tilespmem:v11+s1+$0x0] =	vst.idx.msk $0xffff, v10  }
0x47f: {  	v11 =	vor.u32 s14, v3;
	v10 =	vld [tilespmem:s29+$0xFFFFE0B0]  }
0x480: {  	[tilespmem:v7+s1+$0x0] =	vst.idx.msk $0xffff, v6  }
0x481: {  	v7 =	vor.u32 s15, v2;
	v6 =	vld [tilespmem:s30+$0x60]  }
0x482: {  	[tilespmem:v9+s1+$0x0] =	vst.idx.msk $0xffff, v8  }
0x483: {  	s17 =	simm.s32 $0xC0C;
	v9 =	vor.u32 s16, v1;
	v8 =	vld [tilespmem:s31+$0xFFFFE050];
	[tilespmem:v5+s1+$0x0] =	vst.idx.msk $0xffff, v4  }
0x484: {  	s18 =	simm.s32 $0xC02;
	v5 =	vor.u32 s17, v0;
	v4 =	vld [tilespmem:s0+$0x0];
	[tilespmem:v11+s1+$0x0] =	vst.idx.msk $0xffff, v10  }
0x485: {  	v11 =	vor.u32 s18, v0;
	v10 =	vld [tilespmem:s29+$0x80]  }
0x486: {  	[tilespmem:v7+s1+$0x0] =	vst.idx.msk $0xffff, v6  }
0x487: {  	v7 =	vor.u32 s15, v3;
	v6 =	vld [tilespmem:s30+$0x70]  }
0x488: {  	[tilespmem:v9+s1+$0x0] =	vst.idx.msk $0xffff, v8  }
0x489: {  	v9 =	vor.u32 s16, v2;
	v8 =	vld [tilespmem:s31+$0xFFFFE060];
	[tilespmem:v5+s1+$0x0] =	vst.idx.msk $0xffff, v4  }
0x48a: {  	v5 =	vor.u32 s17, v1;
	v4 =	vld [tilespmem:s0+$0x10];
	[tilespmem:v11+s1+$0x0] =	vst.idx.msk $0xffff, v10  }
0x48b: {  	s19 =	simm.s32 $0x810;
	s15 =	simm.s32 $0xC800;
	v11 =	vor.u32 s18, v1;
	v10 =	vld [tilespmem:s29+$0x90]  }
0x48c: {  	s20 =	simm.s32 $0x806;
	[tilespmem:v7+s1+$0x0] =	vst.idx.msk $0xffff, v6;
	v6 =	vld [tilespmem:s15+$0xFFFFE000];
	v7 =	vor.u32 s19, v0  }
0x48d: {  	v13 =	vor.u32 s20, v0;
	v12 =	vld [tilespmem:s30+$0xFFFFE080]  }
0x48e: {  	[tilespmem:v9+s1+$0x0] =	vst.idx.msk $0xffff, v8  }
0x48f: {  	v9 =	vor.u32 s16, v3;
	v8 =	vld [tilespmem:s31+$0xFFFFE070];
	[tilespmem:v5+s1+$0x0] =	vst.idx.msk $0xffff, v4  }
0x490: {  	v5 =	vor.u32 s17, v2;
	v4 =	vld [tilespmem:s0+$0x20];
	[tilespmem:v11+s1+$0x0] =	vst.idx.msk $0xffff, v10  }
0x491: {  	[tilespmem:v7+s1+$0x0] =	vst.idx.msk $0xffff, v6;
	v7 =	vor.u32 s18, v2;
	v6 =	vld [tilespmem:s29+$0xA0]  }
0x492: {  	[tilespmem:v13+s1+$0x0] =	vst.idx.msk $0xffff, v12;
	v10 =	vld [tilespmem:s15+$0xFFFFE010];
	v11 =	vor.u32 s19, v1  }
0x493: {  	v13 =	vor.u32 s20, v1;
	v12 =	vld [tilespmem:s30+$0xFFFFE090]  }
0x494: {  	s24 =	simm.s32 $0xC09;
	[tilespmem:v9+s1+$0x0] =	vst.idx.msk $0xffff, v8  }
0x495: {  	v9 =	vor.u32 s24, v0;
	v8 =	vld [tilespmem:s31+$0x40];
	[tilespmem:v5+s1+$0x0] =	vst.idx.msk $0xffff, v4  }
0x496: {  	v5 =	vor.u32 s17, v3;
	v4 =	vld [tilespmem:s0+$0x30];
	[tilespmem:v7+s1+$0x0] =	vst.idx.msk $0xffff, v6  }
0x497: {  	[tilespmem:v11+s1+$0x0] =	vst.idx.msk $0xffff, v10;
	v7 =	vor.u32 s18, v3;
	v6 =	vld [tilespmem:s29+$0xB0]  }
0x498: {  	[tilespmem:v13+s1+$0x0] =	vst.idx.msk $0xffff, v12;
	v11 =	vor.u32 s19, v2;
	v10 =	vld [tilespmem:s15+$0xFFFFE020]  }
0x499: {  	v13 =	vor.u32 s20, v2;
	v12 =	vld [tilespmem:s30+$0xFFFFE0A0]  }
0x49a: {  	[tilespmem:v9+s1+$0x0] =	vst.idx.msk $0xffff, v8  }
0x49b: {  	s7 =	simm.s32 $0x80D;
	v9 =	vor.u32 s24, v1;
	v8 =	vld [tilespmem:s31+$0x50];
	[tilespmem:v5+s1+$0x0] =	vst.idx.msk $0xffff, v4  }
0x49c: {  	s2 =	simm.s32 $0x803;
	v5 =	vor.u32 s7, v0;
	v4 =	vld [tilespmem:s0+$0xFFFFE040];
	[tilespmem:v7+s1+$0x0] =	vst.idx.msk $0xffff, v6  }
0x49d: {  	[tilespmem:v11+s1+$0x0] =	vst.idx.msk $0xffff, v10;
	v7 =	vor.u32 s2, v0;
	v6 =	vld [tilespmem:s29+$0xFFFFE0C0]  }
0x49e: {  	[tilespmem:v13+s1+$0x0] =	vst.idx.msk $0xffff, v12;
	v11 =	vor.u32 s19, v3;
	v10 =	vld [tilespmem:s15+$0xFFFFE030]  }
0x49f: {  	v13 =	vor.u32 s20, v3;
	v12 =	vld [tilespmem:s30+$0xFFFFE0B0]  }
0x4a0: {  	[tilespmem:v9+s1+$0x0] =	vst.idx.msk $0xffff, v8  }
0x4a1: {  	v9 =	vor.u32 s24, v2;
	v8 =	vld [tilespmem:s31+$0x60];
	[tilespmem:v5+s1+$0x0] =	vst.idx.msk $0xffff, v4  }
0x4a2: {  	v5 =	vor.u32 s7, v1;
	v4 =	vld [tilespmem:s0+$0xFFFFE050];
	[tilespmem:v7+s1+$0x0] =	vst.idx.msk $0xffff, v6  }
0x4a3: {  	s8 =	simm.s32 $0xC10;
	[tilespmem:v11+s1+$0x0] =	vst.idx.msk $0xffff, v10;
	v7 =	vor.u32 s2, v1;
	v6 =	vld [tilespmem:s29+$0xFFFFE0D0]  }
0x4a4: {  	[tilespmem:v13+s1+$0x0] =	vst.idx.msk $0xffff, v12;
	s18 =	simm.s32 $0xC06;
	v11 =	vor.u32 s8, v0;
	v10 =	vld [tilespmem:s15+$0x0]  }
0x4a5: {  	v12 =	vld [tilespmem:s30+$0x80];
	v13 =	vor.u32 s18, v0  }
0x4a6: {  	[tilespmem:v9+s1+$0x0] =	vst.idx.msk $0xffff, v8  }
0x4a7: {  	v15 =	vor.u32 s24, v3;
	v14 =	vld [tilespmem:s31+$0x70];
	[tilespmem:v5+s1+$0x0] =	vst.idx.msk $0xffff, v4  }
0x4a8: {  	v9 =	vor.u32 s7, v2;
	v8 =	vld [tilespmem:s0+$0xFFFFE060];
	[tilespmem:v7+s1+$0x0] =	vst.idx.msk $0xffff, v6  }
0x4a9: {  	s10 =	simm.s32 $0x814;
	[tilespmem:v11+s1+$0x0] =	vst.idx.msk $0xffff, v10;
	v5 =	vor.u32 s2, v2;
	v4 =	vld [tilespmem:s29+$0xFFFFE0E0]  }
0x4aa: {  	s6 =	simm.s32 $0x80A;
	s16 =	simm.s32 $0xC13;
	s5 =	simm.s32 $0xC900;
	[tilespmem:v13+s1+$0x0] =	vst.idx.msk $0xffff, v12;
	v11 =	vor.u32 s8, v1;
	v10 =	vld [tilespmem:s15+$0x10]  }
0x4ab: {  	s9 =	simm.s32 $0xC1B;
	s24 =	simm.s32 $0xC07;
	s20 =	simm.s32 $0xC03;
	v6 =	vld [tilespmem:s30+$0x90];
	v7 =	vor.u32 s18, v1  }
0x4ac: {  	[tilespmem:v15+s1+$0x0] =	vst.idx.msk $0xffff, v14;
	s14 =	simm.s32 $0xC0B;
	s17 =	simm.s32 $0xC17;
	s19 =	simm.s32 $0xC0F;
	v12 =	vld [tilespmem:s5+$0xFFFFE000];
	v13 =	vor.u32 s10, v0  }
.LBB2_9:
0x4ad: {  	p1 =	sne.s32 s9, $0xC7F;
	[tilespmem:v9+s1+$0x0] =	vst.idx.msk $0xffff, v8;
	v8 =	vld [tilespmem:s31+$0xFFFFE080];
	v9 =	vor.u32 s6, v0  }
0x4ae: {  	v15 =	vor.u32 s7, v3;
	v14 =	vld [tilespmem:s0+$0xFFFFE070];
	[tilespmem:v5+s1+$0x0] =	vst.idx.msk $0xffff, v4  }
0x4af: {  	v5 =	vor.u32 s2, v3;
	[tilespmem:v11+s1+$0x0] =	vst.idx.msk $0xffff, v10;
	v4 =	vld [tilespmem:s29+$0xFFFFE0F0]  }
0x4b0: {  	v11 =	vor.u32 s8, v2;
	v10 =	vld [tilespmem:s15+$0x20];
	[tilespmem:v7+s1+$0x0] =	vst.idx.msk $0xffff, v6  }
0x4b1: {  	v7 =	vor.u32 s18, v2;
	[tilespmem:v13+s1+$0x0] =	vst.idx.msk $0xffff, v12;
	v6 =	vld [tilespmem:s30+$0xA0]  }
0x4b2: {  	v13 =	vor.u32 s10, v1;
	v12 =	vld [tilespmem:s5+$0xFFFFE010];
	[tilespmem:v9+s1+$0x0] =	vst.idx.msk $0xffff, v8  }
0x4b3: {  	s11 =	sadd.s32 $0xFFFFFFFE, s19;
	v9 =	vor.u32 s6, v1;
	[tilespmem:v15+s1+$0x0] =	vst.idx.msk $0xffff, v14;
	v8 =	vld [tilespmem:s31+$0xFFFFE090]  }
0x4b4: {  	v15 =	vor.u32 s11, v0;
	v14 =	vld [tilespmem:s0+$0x40];
	[tilespmem:v5+s1+$0x0] =	vst.idx.msk $0xffff, v4  }
0x4b5: {  	v5 =	vor.u32 s20, v0;
	[tilespmem:v11+s1+$0x0] =	vst.idx.msk $0xffff, v10;
	v4 =	vld [tilespmem:s29+$0xC0]  }
0x4b6: {  	v11 =	vor.u32 s8, v3;
	v10 =	vld [tilespmem:s15+$0x30];
	[tilespmem:v7+s1+$0x0] =	vst.idx.msk $0xffff, v6  }
0x4b7: {  	v7 =	vor.u32 s18, v3;
	[tilespmem:v13+s1+$0x0] =	vst.idx.msk $0xffff, v12;
	v6 =	vld [tilespmem:s30+$0xB0]  }
0x4b8: {  	v13 =	vor.u32 s10, v2;
	v12 =	vld [tilespmem:s5+$0xFFFFE020];
	[tilespmem:v9+s1+$0x0] =	vst.idx.msk $0xffff, v8  }
0x4b9: {  	v9 =	vor.u32 s6, v2;
	[tilespmem:v15+s1+$0x0] =	vst.idx.msk $0xffff, v14;
	v8 =	vld [tilespmem:s31+$0xFFFFE0A0]  }
0x4ba: {  	v15 =	vor.u32 s11, v1;
	v14 =	vld [tilespmem:s0+$0x50];
	[tilespmem:v5+s1+$0x0] =	vst.idx.msk $0xffff, v4  }
0x4bb: {  	s7 =	sadd.s32 $0xFFFFFBFE, s16;
	v5 =	vor.u32 s20, v1;
	[tilespmem:v11+s1+$0x0] =	vst.idx.msk $0xffff, v10;
	v4 =	vld [tilespmem:s29+$0xD0]  }
0x4bc: {  	s2 =	sadd.s32 $0xFFFFFC00, s24;
	v11 =	vor.u32 s7, v0;
	v10 =	vld [tilespmem:s15+$0xFFFFE040];
	[tilespmem:v7+s1+$0x0] =	vst.idx.msk $0xffff, v6  }
0x4bd: {  	v7 =	vor.u32 s2, v0;
	[tilespmem:v13+s1+$0x0] =	vst.idx.msk $0xffff, v12;
	v6 =	vld [tilespmem:s30+$0xFFFFE0C0]  }
0x4be: {  	v13 =	vor.u32 s10, v3;
	v12 =	vld [tilespmem:s5+$0xFFFFE030];
	[tilespmem:v9+s1+$0x0] =	vst.idx.msk $0xffff, v8  }
0x4bf: {  	v9 =	vor.u32 s6, v3;
	[tilespmem:v15+s1+$0x0] =	vst.idx.msk $0xffff, v14;
	v8 =	vld [tilespmem:s31+$0xFFFFE0B0]  }
0x4c0: {  	v15 =	vor.u32 s11, v2;
	v14 =	vld [tilespmem:s0+$0x60];
	[tilespmem:v5+s1+$0x0] =	vst.idx.msk $0xffff, v4  }
0x4c1: {  	v5 =	vor.u32 s20, v2;
	[tilespmem:v11+s1+$0x0] =	vst.idx.msk $0xffff, v10;
	v4 =	vld [tilespmem:s29+$0xE0]  }
0x4c2: {  	v11 =	vor.u32 s7, v1;
	v10 =	vld [tilespmem:s15+$0xFFFFE050];
	[tilespmem:v7+s1+$0x0] =	vst.idx.msk $0xffff, v6  }
0x4c3: {  	s8 =	sadd.s32 $0xFFFFFFFD, s17;
	v7 =	vor.u32 s2, v1;
	[tilespmem:v13+s1+$0x0] =	vst.idx.msk $0xffff, v12;
	v6 =	vld [tilespmem:s30+$0xFFFFE0D0]  }
0x4c4: {  	s18 =	sadd.s32 $0xFFFFFFFF, s14;
	v13 =	vor.u32 s8, v0;
	v12 =	vld [tilespmem:s5+$0x0];
	[tilespmem:v9+s1+$0x0] =	vst.idx.msk $0xffff, v8  }
0x4c5: {  	[tilespmem:v15+s1+$0x0] =	vst.idx.msk $0xffff, v14;
	v14 =	vld [tilespmem:s31+$0x80];
	v15 =	vor.u32 s18, v0  }
0x4c6: {  	v17 =	vor.u32 s11, v3;
	v16 =	vld [tilespmem:s0+$0x70];
	[tilespmem:v5+s1+$0x0] =	vst.idx.msk $0xffff, v4  }
0x4c7: {  	v19 =	vor.u32 s20, v3;
	[tilespmem:v11+s1+$0x0] =	vst.idx.msk $0xffff, v10;
	v18 =	vld [tilespmem:s29+$0xF0];
	s29 =	smov.u32 s30;
	s30 =	smov.u32 s31;
	s31 =	smov.u32 s0  }
.Ltmp3:
0x4c8: {  	v9 =	vor.u32 s7, v2;
	s0 =	smov.u32 s15;
	v8 =	vld [tilespmem:s15+$0xFFFFE060];
	[tilespmem:v7+s1+$0x0] =	vst.idx.msk $0xffff, v6;
	s15 =	smov.u32 s5;
	(pc) =	sbr.rel @p1 .LBB2_9-.Ltmp3, $4  }
0x4c9: {  	s20 =	smov.u32 s24;
	s24 =	smov.u32 s14;
	s14 =	smov.u32 s19;
	v5 =	vor.u32 s2, v2;
	[tilespmem:v13+s1+$0x0] =	vst.idx.msk $0xffff, v12;
	v4 =	vld [tilespmem:s29+$0xFFFFE0E0]  }
0x4ca: {  	s19 =	smov.u32 s16;
	s16 =	smov.u32 s17;
	s17 =	smov.u32 s9;
	v11 =	vor.u32 s8, v1;
	v10 =	vld [tilespmem:s5+$0x10];
	[tilespmem:v15+s1+$0x0] =	vst.idx.msk $0xffff, v14  }
0x4cb: {  	s10 =	sadd.s32 $0xFFFFFBFD, s9;
	v7 =	vor.u32 s18, v1;
	s5 =	sadd.s32 $0x100, s5;
	[tilespmem:v17+s1+$0x0] =	vst.idx.msk $0xffff, v16;
	v6 =	vld [tilespmem:s30+$0x90]  }
0x4cc: {  	s9 =	sadd.s32 $0x4, s9;
	s6 =	sadd.s32 $0xFFFFFBFF, s14;
	v13 =	vor.u32 s10, v0;
	v12 =	vld [tilespmem:s5+$0xFFFFE000];
	[tilespmem:v19+s1+$0x0] =	vst.idx.msk $0xffff, v18  }
0x4cd: {  	_ =	sdelay $0x3  }
0x4ce: {  	[tilespmem:v13+s1+$0x0] =	vst.idx.msk $0xffff, v12  }
0x4cf: {  	v55 =	vor.u32 s10, v1;
	v12 =	vld [tilespmem:s5+$0xFFFFE010];
	_ =	sdelay $0x4  }
0x4d0: {  	[tilespmem:v55+s1+$0x0] =	vst.idx.msk $0xffff, v12  }
0x4d1: {  	v56 =	vor.u32 s10, v2;
	v12 =	vld [tilespmem:s5+$0xFFFFE020];
	_ =	sdelay $0x4  }
0x4d2: {  	[tilespmem:v56+s1+$0x0] =	vst.idx.msk $0xffff, v12  }
0x4d3: {  	v57 =	vor.u32 s10, v3;
	v12 =	vld [tilespmem:s5+$0xFFFFE030];
	_ =	sdelay $0x4  }
0x4d4: {  	s9 =	sadd.s32 $0xFFFFFFFD, s17;
	[tilespmem:v57+s1+$0x0] =	vst.idx.msk $0xffff, v12  }
0x4d5: {  	v58 =	vor.u32 s9, v0;
	v12 =	vld [tilespmem:s5+$0x0];
	_ =	sdelay $0x4  }
0x4d6: {  	[tilespmem:v58+s1+$0x0] =	vst.idx.msk $0xffff, v12  }
0x4d7: {  	v59 =	vor.u32 s9, v1;
	v12 =	vld [tilespmem:s5+$0x10];
	_ =	sdelay $0x2  }
0x4d8: {  	[tilespmem:v11+s1+$0x0] =	vst.idx.msk $0xffff, v10  }
0x4d9: {  	v60 =	vor.u32 s8, v2;
	v10 =	vld [tilespmem:s15+$0x20]  }
0x4da: {  	[tilespmem:v59+s1+$0x0] =	vst.idx.msk $0xffff, v12  }
0x4db: {  	v61 =	vor.u32 s9, v2;
	v12 =	vld [tilespmem:s5+$0x20];
	_ =	sdelay $0x2  }
0x4dc: {  	[tilespmem:v60+s1+$0x0] =	vst.idx.msk $0xffff, v10  }
0x4dd: {  	v62 =	vor.u32 s8, v3;
	v10 =	vld [tilespmem:s15+$0x30]  }
0x4de: {  	[tilespmem:v61+s1+$0x0] =	vst.idx.msk $0xffff, v12  }
0x4df: {  	v63 =	vor.u32 s9, v3;
	v12 =	vld [tilespmem:s5+$0x30];
	_ =	sdelay $0x2  }
0x4e0: {  	s10 =	sadd.s32 $0xFFFFFBFE, s16;
	[tilespmem:v62+s1+$0x0] =	vst.idx.msk $0xffff, v10  }
0x4e1: {  	v16 =	vor.u32 s10, v0;
	v10 =	vld [tilespmem:s15+$0xFFFFE040]  }
0x4e2: {  	s11 =	sadd.s32 $0xFFFFFBFE, s17;
	[tilespmem:v63+s1+$0x0] =	vst.idx.msk $0xffff, v12  }
0x4e3: {  	v17 =	vor.u32 s11, v0;
	v12 =	vld [tilespmem:s5+$0xFFFFE040];
	_ =	sdelay $0x2  }
0x4e4: {  	[tilespmem:v16+s1+$0x0] =	vst.idx.msk $0xffff, v10  }
0x4e5: {  	v18 =	vor.u32 s10, v1;
	v10 =	vld [tilespmem:s15+$0xFFFFE050]  }
0x4e6: {  	[tilespmem:v17+s1+$0x0] =	vst.idx.msk $0xffff, v12  }
0x4e7: {  	v19 =	vor.u32 s11, v1;
	v12 =	vld [tilespmem:s5+$0xFFFFE050];
	_ =	sdelay $0x2  }
0x4e8: {  	[tilespmem:v18+s1+$0x0] =	vst.idx.msk $0xffff, v10  }
0x4e9: {  	v20 =	vor.u32 s10, v2;
	v10 =	vld [tilespmem:s15+$0xFFFFE060]  }
0x4ea: {  	[tilespmem:v19+s1+$0x0] =	vst.idx.msk $0xffff, v12  }
0x4eb: {  	v21 =	vor.u32 s11, v2;
	v12 =	vld [tilespmem:s5+$0xFFFFE060];
	_ =	sdelay $0x1  }
0x4ec: {  	[tilespmem:v9+s1+$0x0] =	vst.idx.msk $0xffff, v8  }
0x4ed: {  	v22 =	vor.u32 s7, v3;
	v8 =	vld [tilespmem:s0+$0xFFFFE070];
	[tilespmem:v20+s1+$0x0] =	vst.idx.msk $0xffff, v10  }
0x4ee: {  	v23 =	vor.u32 s10, v3;
	v10 =	vld [tilespmem:s15+$0xFFFFE070]  }
0x4ef: {  	[tilespmem:v21+s1+$0x0] =	vst.idx.msk $0xffff, v12  }
0x4f0: {  	v24 =	vor.u32 s11, v3;
	v12 =	vld [tilespmem:s5+$0xFFFFE070];
	_ =	sdelay $0x1  }
0x4f1: {  	s9 =	sadd.s32 $0xFFFFFFFE, s19;
	[tilespmem:v22+s1+$0x0] =	vst.idx.msk $0xffff, v8  }
0x4f2: {  	s10 =	sadd.s32 $0xFFFFFFFE, s16;
	v25 =	vor.u32 s9, v0;
	v8 =	vld [tilespmem:s0+$0x40];
	[tilespmem:v23+s1+$0x0] =	vst.idx.msk $0xffff, v10  }
0x4f3: {  	v26 =	vor.u32 s10, v0;
	v10 =	vld [tilespmem:s15+$0x40]  }
0x4f4: {  	s11 =	sadd.s32 $0xFFFFFFFE, s17;
	[tilespmem:v24+s1+$0x0] =	vst.idx.msk $0xffff, v12  }
0x4f5: {  	v27 =	vor.u32 s11, v0;
	v12 =	vld [tilespmem:s5+$0x40];
	_ =	sdelay $0x1  }
0x4f6: {  	[tilespmem:v25+s1+$0x0] =	vst.idx.msk $0xffff, v8  }
0x4f7: {  	v28 =	vor.u32 s9, v1;
	v8 =	vld [tilespmem:s0+$0x50];
	[tilespmem:v26+s1+$0x0] =	vst.idx.msk $0xffff, v10  }
0x4f8: {  	v29 =	vor.u32 s10, v1;
	v10 =	vld [tilespmem:s15+$0x50]  }
0x4f9: {  	[tilespmem:v27+s1+$0x0] =	vst.idx.msk $0xffff, v12  }
0x4fa: {  	v30 =	vor.u32 s11, v1;
	v12 =	vld [tilespmem:s5+$0x50];
	_ =	sdelay $0x1  }
0x4fb: {  	[tilespmem:v28+s1+$0x0] =	vst.idx.msk $0xffff, v8  }
0x4fc: {  	v31 =	vor.u32 s9, v2;
	v8 =	vld [tilespmem:s0+$0x60];
	[tilespmem:v29+s1+$0x0] =	vst.idx.msk $0xffff, v10  }
0x4fd: {  	v32 =	vor.u32 s10, v2;
	v10 =	vld [tilespmem:s15+$0x60]  }
0x4fe: {  	[tilespmem:v30+s1+$0x0] =	vst.idx.msk $0xffff, v12  }
0x4ff: {  	v33 =	vor.u32 s11, v2;
	v12 =	vld [tilespmem:s5+$0x60];
	_ =	sdelay $0x1  }
0x500: {  	[tilespmem:v31+s1+$0x0] =	vst.idx.msk $0xffff, v8  }
0x501: {  	v34 =	vor.u32 s9, v3;
	v8 =	vld [tilespmem:s0+$0x70];
	[tilespmem:v32+s1+$0x0] =	vst.idx.msk $0xffff, v10  }
0x502: {  	v35 =	vor.u32 s10, v3;
	v10 =	vld [tilespmem:s15+$0x70]  }
0x503: {  	[tilespmem:v33+s1+$0x0] =	vst.idx.msk $0xffff, v12  }
0x504: {  	v36 =	vor.u32 s11, v3;
	v12 =	vld [tilespmem:s5+$0x70];
	_ =	sdelay $0x1  }
0x505: {  	v14 =	vld [tilespmem:s31+$0xFFFFE080];
	v15 =	vor.u32 s6, v0;
	s9 =	sadd.s32 $0xFFFFFBFF, s19;
	[tilespmem:v34+s1+$0x0] =	vst.idx.msk $0xffff, v8  }
0x506: {  	s10 =	sadd.s32 $0xFFFFFBFF, s16;
	v37 =	vor.u32 s9, v0;
	v8 =	vld [tilespmem:s0+$0xFFFFE080];
	[tilespmem:v35+s1+$0x0] =	vst.idx.msk $0xffff, v10  }
0x507: {  	v38 =	vor.u32 s10, v0;
	v10 =	vld [tilespmem:s15+$0xFFFFE080]  }
0x508: {  	s11 =	sadd.s32 $0xFFFFFBFF, s17;
	[tilespmem:v36+s1+$0x0] =	vst.idx.msk $0xffff, v12  }
0x509: {  	v39 =	vor.u32 s11, v0;
	v12 =	vld [tilespmem:s5+$0xFFFFE080]  }
0x50a: {  	[tilespmem:v15+s1+$0x0] =	vst.idx.msk $0xffff, v14  }
0x50b: {  	v40 =	vor.u32 s6, v1;
	v14 =	vld [tilespmem:s31+$0xFFFFE090];
	[tilespmem:v37+s1+$0x0] =	vst.idx.msk $0xffff, v8  }
0x50c: {  	v41 =	vor.u32 s9, v1;
	v8 =	vld [tilespmem:s0+$0xFFFFE090];
	[tilespmem:v38+s1+$0x0] =	vst.idx.msk $0xffff, v10  }
0x50d: {  	v42 =	vor.u32 s10, v1;
	v10 =	vld [tilespmem:s15+$0xFFFFE090]  }
0x50e: {  	[tilespmem:v39+s1+$0x0] =	vst.idx.msk $0xffff, v12  }
0x50f: {  	v43 =	vor.u32 s11, v1;
	v12 =	vld [tilespmem:s5+$0xFFFFE090]  }
0x510: {  	[tilespmem:v40+s1+$0x0] =	vst.idx.msk $0xffff, v14  }
0x511: {  	v44 =	vor.u32 s6, v2;
	v14 =	vld [tilespmem:s31+$0xFFFFE0A0];
	[tilespmem:v41+s1+$0x0] =	vst.idx.msk $0xffff, v8  }
0x512: {  	v45 =	vor.u32 s9, v2;
	v8 =	vld [tilespmem:s0+$0xFFFFE0A0];
	[tilespmem:v42+s1+$0x0] =	vst.idx.msk $0xffff, v10  }
0x513: {  	v46 =	vor.u32 s10, v2;
	v10 =	vld [tilespmem:s15+$0xFFFFE0A0]  }
0x514: {  	[tilespmem:v43+s1+$0x0] =	vst.idx.msk $0xffff, v12  }
0x515: {  	v47 =	vor.u32 s11, v2;
	v12 =	vld [tilespmem:s5+$0xFFFFE0A0]  }
0x516: {  	[tilespmem:v44+s1+$0x0] =	vst.idx.msk $0xffff, v14  }
0x517: {  	v48 =	vor.u32 s6, v3;
	v14 =	vld [tilespmem:s31+$0xFFFFE0B0];
	[tilespmem:v45+s1+$0x0] =	vst.idx.msk $0xffff, v8  }
0x518: {  	v49 =	vor.u32 s9, v3;
	v8 =	vld [tilespmem:s0+$0xFFFFE0B0];
	[tilespmem:v46+s1+$0x0] =	vst.idx.msk $0xffff, v10  }
0x519: {  	v50 =	vor.u32 s10, v3;
	v10 =	vld [tilespmem:s15+$0xFFFFE0B0]  }
0x51a: {  	[tilespmem:v47+s1+$0x0] =	vst.idx.msk $0xffff, v12  }
0x51b: {  	v51 =	vor.u32 s11, v3;
	v12 =	vld [tilespmem:s5+$0xFFFFE0B0]  }
0x51c: {  	s8 =	sadd.s32 $0xFFFFFFFF, s14;
	[tilespmem:v48+s1+$0x0] =	vst.idx.msk $0xffff, v14  }
0x51d: {  	v52 =	vor.u32 s8, v0;
	s9 =	sadd.s32 $0xFFFFFFFF, s19;
	v14 =	vld [tilespmem:s31+$0x80];
	[tilespmem:v49+s1+$0x0] =	vst.idx.msk $0xffff, v8  }
0x51e: {  	s10 =	sadd.s32 $0xFFFFFFFF, s16;
	v53 =	vor.u32 s9, v0;
	v8 =	vld [tilespmem:s0+$0x80];
	[tilespmem:v50+s1+$0x0] =	vst.idx.msk $0xffff, v10  }
0x51f: {  	v54 =	vor.u32 s10, v0;
	v10 =	vld [tilespmem:s15+$0x80]  }
0x520: {  	s11 =	sadd.s32 $0xFFFFFFFF, s17;
	[tilespmem:v51+s1+$0x0] =	vst.idx.msk $0xffff, v12  }
0x521: {  	v55 =	vor.u32 s11, v0;
	v12 =	vld [tilespmem:s5+$0x80]  }
0x522: {  	[tilespmem:v52+s1+$0x0] =	vst.idx.msk $0xffff, v14  }
0x523: {  	v56 =	vor.u32 s8, v1;
	v14 =	vld [tilespmem:s31+$0x90];
	[tilespmem:v53+s1+$0x0] =	vst.idx.msk $0xffff, v8  }
0x524: {  	v57 =	vor.u32 s9, v1;
	v8 =	vld [tilespmem:s0+$0x90];
	[tilespmem:v54+s1+$0x0] =	vst.idx.msk $0xffff, v10  }
0x525: {  	v58 =	vor.u32 s10, v1;
	v10 =	vld [tilespmem:s15+$0x90]  }
0x526: {  	[tilespmem:v55+s1+$0x0] =	vst.idx.msk $0xffff, v12  }
0x527: {  	[tilespmem:v7+s1+$0x0] =	vst.idx.msk $0xffff, v6;
	v59 =	vor.u32 s11, v1;
	v12 =	vld [tilespmem:s5+$0x90]  }
0x528: {  	v6 =	vld [tilespmem:s30+$0xA0];
	v60 =	vor.u32 s18, v2;
	[tilespmem:v56+s1+$0x0] =	vst.idx.msk $0xffff, v14  }
0x529: {  	v14 =	vld [tilespmem:s31+$0xA0];
	v61 =	vor.u32 s8, v2;
	[tilespmem:v57+s1+$0x0] =	vst.idx.msk $0xffff, v8  }
0x52a: {  	v62 =	vor.u32 s9, v2;
	v8 =	vld [tilespmem:s0+$0xA0];
	[tilespmem:v58+s1+$0x0] =	vst.idx.msk $0xffff, v10  }
0x52b: {  	v63 =	vor.u32 s10, v2;
	v10 =	vld [tilespmem:s15+$0xA0]  }
0x52c: {  	[tilespmem:v59+s1+$0x0] =	vst.idx.msk $0xffff, v12  }
0x52d: {  	[tilespmem:v60+s1+$0x0] =	vst.idx.msk $0xffff, v6;
	v18 =	vor.u32 s11, v2;
	v12 =	vld [tilespmem:s5+$0xA0]  }
0x52e: {  	v6 =	vld [tilespmem:s30+$0xB0];
	[tilespmem:v61+s1+$0x0] =	vst.idx.msk $0xffff, v14;
	v19 =	vor.u32 s18, v3  }
0x52f: {  	v20 =	vor.u32 s8, v3;
	v14 =	vld [tilespmem:s31+$0xB0];
	[tilespmem:v62+s1+$0x0] =	vst.idx.msk $0xffff, v8  }
0x530: {  	v21 =	vor.u32 s9, v3;
	v8 =	vld [tilespmem:s0+$0xB0];
	[tilespmem:v63+s1+$0x0] =	vst.idx.msk $0xffff, v10  }
0x531: {  	v22 =	vor.u32 s10, v3;
	v10 =	vld [tilespmem:s15+$0xB0]  }
0x532: {  	[tilespmem:v18+s1+$0x0] =	vst.idx.msk $0xffff, v12  }
0x533: {  	v23 =	vor.u32 s11, v3;
	s8 =	sadd.s32 $0xFFFFFC00, s24;
	[tilespmem:v19+s1+$0x0] =	vst.idx.msk $0xffff, v6;
	v12 =	vld [tilespmem:s5+$0xB0]  }
0x534: {  	[tilespmem:v20+s1+$0x0] =	vst.idx.msk $0xffff, v14;
	v6 =	vld [tilespmem:s30+$0xFFFFE0C0];
	s9 =	sadd.s32 $0xFFFFFC00, s14;
	v24 =	vor.u32 s8, v0  }
0x535: {  	s10 =	sadd.s32 $0xFFFFFC00, s19;
	v14 =	vld [tilespmem:s31+$0xFFFFE0C0];
	v25 =	vor.u32 s9, v0;
	[tilespmem:v21+s1+$0x0] =	vst.idx.msk $0xffff, v8  }
0x536: {  	s11 =	sadd.s32 $0xFFFFFC00, s16;
	v26 =	vor.u32 s10, v0;
	v8 =	vld [tilespmem:s0+$0xFFFFE0C0];
	[tilespmem:v22+s1+$0x0] =	vst.idx.msk $0xffff, v10  }
0x537: {  	v27 =	vor.u32 s11, v0;
	v10 =	vld [tilespmem:s15+$0xFFFFE0C0]  }
0x538: {  	s18 =	sadd.s32 $0xFFFFFC00, s17;
	[tilespmem:v23+s1+$0x0] =	vst.idx.msk $0xffff, v12  }
0x539: {  	v28 =	vor.u32 s18, v0;
	[tilespmem:v24+s1+$0x0] =	vst.idx.msk $0xffff, v6;
	v12 =	vld [tilespmem:s5+$0xFFFFE0C0]  }
0x53a: {  	v29 =	vor.u32 s8, v1;
	[tilespmem:v25+s1+$0x0] =	vst.idx.msk $0xffff, v14;
	v6 =	vld [tilespmem:s30+$0xFFFFE0D0]  }
0x53b: {  	v14 =	vld [tilespmem:s31+$0xFFFFE0D0];
	v30 =	vor.u32 s9, v1;
	[tilespmem:v26+s1+$0x0] =	vst.idx.msk $0xffff, v8  }
0x53c: {  	v31 =	vor.u32 s10, v1;
	v8 =	vld [tilespmem:s0+$0xFFFFE0D0];
	[tilespmem:v27+s1+$0x0] =	vst.idx.msk $0xffff, v10  }
0x53d: {  	v32 =	vor.u32 s11, v1;
	v10 =	vld [tilespmem:s15+$0xFFFFE0D0]  }
0x53e: {  	[tilespmem:v28+s1+$0x0] =	vst.idx.msk $0xffff, v12  }
0x53f: {  	[tilespmem:v29+s1+$0x0] =	vst.idx.msk $0xffff, v6;
	v33 =	vor.u32 s18, v1;
	v12 =	vld [tilespmem:s5+$0xFFFFE0D0]  }
0x540: {  	v34 =	vor.u32 s8, v2;
	v6 =	vld [tilespmem:s30+$0xFFFFE0E0];
	[tilespmem:v30+s1+$0x0] =	vst.idx.msk $0xffff, v14  }
0x541: {  	v35 =	vor.u32 s9, v2;
	v14 =	vld [tilespmem:s31+$0xFFFFE0E0];
	[tilespmem:v31+s1+$0x0] =	vst.idx.msk $0xffff, v8  }
0x542: {  	v8 =	vld [tilespmem:s0+$0xFFFFE0E0];
	v36 =	vor.u32 s10, v2;
	[tilespmem:v32+s1+$0x0] =	vst.idx.msk $0xffff, v10  }
0x543: {  	[tilespmem:v5+s1+$0x0] =	vst.idx.msk $0xffff, v4;
	v37 =	vor.u32 s11, v2;
	v10 =	vld [tilespmem:s15+$0xFFFFE0E0]  }
0x544: {  	[tilespmem:v33+s1+$0x0] =	vst.idx.msk $0xffff, v12  }
0x545: {  	v5 =	vor.u32 s18, v2;
	[tilespmem:v34+s1+$0x0] =	vst.idx.msk $0xffff, v6;
	v4 =	vld [tilespmem:s5+$0xFFFFE0E0]  }
0x546: {  	v40 =	vor.u32 s8, v3;
	v7 =	vld [tilespmem:s30+$0xFFFFE0F0];
	[tilespmem:v35+s1+$0x0] =	vst.idx.msk $0xffff, v14  }
0x547: {  	v41 =	vor.u32 s9, v3;
	v15 =	vld [tilespmem:s31+$0xFFFFE0F0];
	[tilespmem:v36+s1+$0x0] =	vst.idx.msk $0xffff, v8  }
0x548: {  	v42 =	vor.u32 s10, v3;
	v9 =	vld [tilespmem:s0+$0xFFFFE0F0];
	[tilespmem:v37+s1+$0x0] =	vst.idx.msk $0xffff, v10  }
0x549: {  	v43 =	vor.u32 s11, v3;
	v11 =	vld [tilespmem:s15+$0xFFFFE0F0]  }
0x54a: {  	v38 =	vor.u32 s2, v3;
	v39 =	vld [tilespmem:s29+$0xFFFFE0F0];
	[tilespmem:v5+s1+$0x0] =	vst.idx.msk $0xffff, v4  }
0x54b: {  	[tilespmem:v40+s1+$0x0] =	vst.idx.msk $0xffff, v7;
	v4 =	vor.u32 s18, v3;
	v5 =	vld [tilespmem:s5+$0xFFFFE0F0]  }
0x54c: {  	v45 =	vor.u32 s24, v0;
	v6 =	vld [tilespmem:s30+$0xC0];
	[tilespmem:v41+s1+$0x0] =	vst.idx.msk $0xffff, v15  }
0x54d: {  	v46 =	vor.u32 s14, v0;
	v14 =	vld [tilespmem:s31+$0xC0];
	[tilespmem:v42+s1+$0x0] =	vst.idx.msk $0xffff, v9  }
0x54e: {  	v8 =	vld [tilespmem:s0+$0xC0];
	v47 =	vor.u32 s19, v0;
	[tilespmem:v43+s1+$0x0] =	vst.idx.msk $0xffff, v11  }
0x54f: {  	v48 =	vor.u32 s16, v0;
	[tilespmem:v38+s1+$0x0] =	vst.idx.msk $0xffff, v39;
	v10 =	vld [tilespmem:s15+$0xC0]  }
0x550: {  	v44 =	vor.u32 s20, v0;
	v12 =	vld [tilespmem:s29+$0xC0];
	[tilespmem:v4+s1+$0x0] =	vst.idx.msk $0xffff, v5  }
0x551: {  	[tilespmem:v45+s1+$0x0] =	vst.idx.msk $0xffff, v6;
	v5 =	vor.u32 s17, v0;
	v4 =	vld [tilespmem:s5+$0xC0]  }
0x552: {  	v50 =	vor.u32 s24, v1;
	v6 =	vld [tilespmem:s30+$0xD0];
	[tilespmem:v46+s1+$0x0] =	vst.idx.msk $0xffff, v14  }
0x553: {  	v14 =	vld [tilespmem:s31+$0xD0];
	[tilespmem:v47+s1+$0x0] =	vst.idx.msk $0xffff, v8;
	v51 =	vor.u32 s14, v1  }
0x554: {  	v52 =	vor.u32 s19, v1;
	v8 =	vld [tilespmem:s0+$0xD0];
	[tilespmem:v48+s1+$0x0] =	vst.idx.msk $0xffff, v10  }
0x555: {  	v53 =	vor.u32 s16, v1;
	v10 =	vld [tilespmem:s15+$0xD0];
	[tilespmem:v44+s1+$0x0] =	vst.idx.msk $0xffff, v12  }
0x556: {  	v49 =	vor.u32 s20, v1;
	v12 =	vld [tilespmem:s29+$0xD0];
	[tilespmem:v5+s1+$0x0] =	vst.idx.msk $0xffff, v4  }
0x557: {  	[tilespmem:v50+s1+$0x0] =	vst.idx.msk $0xffff, v6;
	v5 =	vor.u32 s17, v1;
	v4 =	vld [tilespmem:s5+$0xD0]  }
0x558: {  	v6 =	vld [tilespmem:s30+$0xE0];
	[tilespmem:v51+s1+$0x0] =	vst.idx.msk $0xffff, v14;
	v55 =	vor.u32 s24, v2  }
0x559: {  	v56 =	vor.u32 s14, v2;
	[tilespmem:v52+s1+$0x0] =	vst.idx.msk $0xffff, v8;
	v14 =	vld [tilespmem:s31+$0xE0]  }
0x55a: {  	v57 =	vor.u32 s19, v2;
	v8 =	vld [tilespmem:s0+$0xE0];
	[tilespmem:v53+s1+$0x0] =	vst.idx.msk $0xffff, v10  }
0x55b: {  	v58 =	vor.u32 s16, v2;
	v10 =	vld [tilespmem:s15+$0xE0];
	[tilespmem:v49+s1+$0x0] =	vst.idx.msk $0xffff, v12  }
0x55c: {  	v54 =	vor.u32 s20, v2;
	v12 =	vld [tilespmem:s29+$0xE0];
	[tilespmem:v5+s1+$0x0] =	vst.idx.msk $0xffff, v4  }
0x55d: {  	[tilespmem:v55+s1+$0x0] =	vst.idx.msk $0xffff, v6;
	v5 =	vor.u32 s17, v2;
	v4 =	vld [tilespmem:s5+$0xE0]  }
0x55e: {  	v60 =	vor.u32 s24, v3;
	[tilespmem:v56+s1+$0x0] =	vst.idx.msk $0xffff, v14;
	v6 =	vld [tilespmem:s30+$0xF0]  }
0x55f: {  	v61 =	vor.u32 s14, v3;
	[tilespmem:v57+s1+$0x0] =	vst.idx.msk $0xffff, v8;
	v14 =	vld [tilespmem:s31+$0xF0]  }
0x560: {  	v62 =	vor.u32 s19, v3;
	v8 =	vld [tilespmem:s0+$0xF0];
	[tilespmem:v58+s1+$0x0] =	vst.idx.msk $0xffff, v10  }
0x561: {  	v63 =	vor.u32 s16, v3;
	v10 =	vld [tilespmem:s15+$0xF0];
	[tilespmem:v54+s1+$0x0] =	vst.idx.msk $0xffff, v12  }
0x562: {  	v59 =	vor.u32 s20, v3;
	v12 =	vld [tilespmem:s29+$0xF0];
	[tilespmem:v5+s1+$0x0] =	vst.idx.msk $0xffff, v4  }
0x563: {  	[tilespmem:v60+s1+$0x0] =	vst.idx.msk $0xffff, v6;
	v5 =	vor.u32 s17, v3;
	v4 =	vld [tilespmem:s5+$0xF0]  }
0x564: {  	[tilespmem:v61+s1+$0x0] =	vst.idx.msk $0xffff, v14  }
0x565: {  	[tilespmem:v62+s1+$0x0] =	vst.idx.msk $0xffff, v8  }
0x566: {  	[tilespmem:v63+s1+$0x0] =	vst.idx.msk $0xffff, v10  }
0x567: {  	[tilespmem:v59+s1+$0x0] =	vst.idx.msk $0xffff, v12  }
0x568: {  	s2 =	simm.s32 @!p0 $0x100;
	s0 =	sadd.s32 @!p0 $0x500, s26;
	s5 =	simm.s32 @!p0 $0xA400;
	[tilespmem:v5+s1+$0x0] =	vst.idx.msk $0xffff, v4  }
0x569: {  	[tilespmem:s5], [sflag:$0x2] =	stream.indirect.gather @!p0 [hbm4b:s4+s2], $0x40, s0, s2, $0xb8;
	[tilespmem:$0x1E400] =	vst v63  }
0x56a: {  	s9 =	sshll.u32 s28, $0x14;
	s10 =	rddreg [dreg:$0x4]  }
0x56b: {  	s0 =	sor.u32 s10, s9  }
0x56c: {  	s11 =	rddreg [dreg:$0x1];
	s0 =	sshrl.u32 s0, $0x3  }
0x56d: {  	s25 =	sadd.s32 $0x1, s25;
	s14 =	rddreg [dreg:$0x5];
	s2 =	sadd.s32 s11, s0  }
0x56e: {  	[hbm4b:s2+s3] =	stream.linear.scatter [tilespmem:s1], [sflag:$0x4], $0x1000, $0x38;
	[tilespmem:$0x1E400] =	vst v63  }
0x56f: {  	s15 =	simm.s32 $0x17400;
	s16 =	rddreg [dreg:$0x6];
	s2 =	sadd.s32 s0, s14  }
0x570: {  	[hbm4b:s2+s3] =	stream.linear.scatter [tilespmem:s15], [sflag:$0x4], $0x1000, $0x38;
	[tilespmem:$0x1E400] =	vst v63  }
0x571: {  	s17 =	simm.s32 $0x18400;
	s18 =	rddreg [dreg:$0x7];
	s2 =	sadd.s32 s0, s16  }
0x572: {  	[hbm4b:s2+s3] =	stream.linear.scatter [tilespmem:s17], [sflag:$0x4], $0x1000, $0x38;
	[tilespmem:$0x1E400] =	vst v63  }
0x573: {  	s19 =	simm.s32 $0x19400;
	s20 =	rddreg [dreg:$0x8];
	s2 =	sadd.s32 s0, s18  }
0x574: {  	[hbm4b:s2+s3] =	stream.linear.scatter [tilespmem:s19], [sflag:$0x4], $0x1000, $0x38;
	[tilespmem:$0x1E400] =	vst v63  }
0x575: {  	s24 =	simm.s32 $0x1A400;
	s26 =	rddreg [dreg:$0x9];
	s2 =	sadd.s32 s0, s20  }
0x576: {  	[hbm4b:s2+s3] =	stream.linear.scatter [tilespmem:s24], [sflag:$0x4], $0x1000, $0x38;
	[tilespmem:$0x1E400] =	vst v63  }
0x577: {  	s28 =	simm.s32 $0x1B400;
	p0 =	sne.s32 s25, $0x19;
	s2 =	sadd.s32 s0, s26  }
0x578: {  	[hbm4b:s2+s3] =	stream.linear.scatter [tilespmem:s28], [sflag:$0x4], $0x1000, $0x38;
	[tilespmem:$0x1E400] =	vst v63  }
.Ltmp4:
0x579: {  	_ = 	snop;
	(pc) =	sbr.rel @p0 .LBB2_2-.Ltmp4, $4  }
0x57a: {  	s30 =	simm.s32 $0x1C400;
	s29 =	sadd.s32 s0, s12  }
0x57b: {  	[hbm4b:s29+s3] =	stream.linear.scatter [tilespmem:s30], [sflag:$0x4], $0x1000, $0x38;
	[tilespmem:$0x1E400] =	vst v63  }
0x57c: {  	s31 =	simm.s32 $0x1D400;
	s0 =	sadd.s32 s0, s13  }
0x57d: {  	[hbm4b:s0+s3] =	stream.linear.scatter [tilespmem:s31], [sflag:$0x4], $0x1000, $0x38;
	[tilespmem:$0x1E400] =	vst v63  }
0x57e: {  	s0 =	simm.s32 $0x3  }
0x57f: {  	_ =	swait.ge [sflag:s0], $0x1000  }
0x580: {  	[sflag:s0] =	ssyncset.done $0x0  }
0x581: {  	[sflag:s0] =	ssyncadd.s32 $0xFFFFF000  }
0x582: {  	_ =	swait.ge [sflag:s0], $0x1000  }
0x583: {  	[sflag:s0] =	ssyncset.done $0x0  }
0x584: {  	[sflag:s0] =	ssyncadd.s32 $0xFFFFF000  }
0x585: {  	_ =	swait.ge [sflag:s0], $0x1000  }
0x586: {  	[sflag:s0] =	ssyncset.done $0x0  }
0x587: {  	[sflag:s0] =	ssyncadd.s32 $0xFFFFF000  }
0x588: {  	_ =	swait.ge [sflag:s0], $0x1000  }
0x589: {  	[sflag:s0] =	ssyncset.done $0x0  }
0x58a: {  	[sflag:s0] =	ssyncadd.s32 $0xFFFFF000  }
0x58b: {  	_ =	swait.ge [sflag:s0], $0x1000  }
0x58c: {  	[sflag:s0] =	ssyncset.done $0x0  }
0x58d: {  	[sflag:s0] =	ssyncadd.s32 $0xFFFFF000  }
0x58e: {  	_ =	swait.ge [sflag:s0], $0x1000  }
0x58f: {  	[sflag:s0] =	ssyncset.done $0x0  }
0x590: {  	[sflag:s0] =	ssyncadd.s32 $0xFFFFF000  }
0x591: {  	_ =	swait.ge [sflag:s0], $0x1000  }
0x592: {  	[sflag:s0] =	ssyncset.done $0x0  }
0x593: {  	[sflag:s0] =	ssyncadd.s32 $0xFFFFF000  }
0x594: {  	_ =	swait.ge [sflag:s0], $0x1000  }
0x595: {  	[sflag:s0] =	ssyncset.done $0x0  }
0x596: {  	s2 =	simm.s32 $0x4;
	[sflag:s0] =	ssyncadd.s32 $0xFFFFF000  }
0x597: {  	_ =	swait.ge [sflag:s2], $0x1000  }
0x598: {  	[sflag:s2] =	ssyncset.done $0x0  }
0x599: {  	[sflag:s2] =	ssyncadd.s32 $0xFFFFF000  }
0x59a: {  	_ =	swait.ge [sflag:s2], $0x1000  }
0x59b: {  	[sflag:s2] =	ssyncset.done $0x0  }
0x59c: {  	[sflag:s2] =	ssyncadd.s32 $0xFFFFF000  }
0x59d: {  	_ =	swait.ge [sflag:s2], $0x1000  }
0x59e: {  	[sflag:s2] =	ssyncset.done $0x0  }
0x59f: {  	[sflag:s2] =	ssyncadd.s32 $0xFFFFF000  }
0x5a0: {  	_ =	swait.ge [sflag:s2], $0x1000  }
0x5a1: {  	[sflag:s2] =	ssyncset.done $0x0  }
0x5a2: {  	[sflag:s2] =	ssyncadd.s32 $0xFFFFF000  }
0x5a3: {  	_ =	swait.ge [sflag:s2], $0x1000  }
0x5a4: {  	[sflag:s2] =	ssyncset.done $0x0  }
0x5a5: {  	[sflag:s2] =	ssyncadd.s32 $0xFFFFF000  }
0x5a6: {  	_ =	swait.ge [sflag:s2], $0x1000  }
0x5a7: {  	[sflag:s2] =	ssyncset.done $0x0  }
0x5a8: {  	[sflag:s2] =	ssyncadd.s32 $0xFFFFF000  }
0x5a9: {  	_ =	swait.ge [sflag:s2], $0x1000  }
0x5aa: {  	[sflag:s2] =	ssyncset.done $0x0  }
0x5ab: {  	[sflag:s2] =	ssyncadd.s32 $0xFFFFF000  }
0x5ac: {  	_ =	swait.ge [sflag:s2], $0x1000  }
0x5ad: {  	s5 =	rddreg [dreg:$0xb]  }
0x5ae: {  	s31 =	rddreg [dreg:$0xa];
	s5 =	sadd.s32 $0x1, s5  }
0x5af: {  	p0 =	sne.s32 s5, s31  }
.Ltmp5:
0x5b0: {  	_ = 	snop;
	(pc) =	sbr.rel @p0 .LBB2_1-.Ltmp5, $3  }
0x5b1: {  	_ =	sdelay $0x1  }
0x5b2: {  	[sflag:s2] =	ssyncset.done $0x0  }
0x5b3: {  	[sflag:s2] =	ssyncadd.s32 $0xFFFFF000  }
0x5b4: {  	_ =	sfence.sel $0x180000  }
0x5b5: {  	[bflag:$0x0] =	sbarrier.arrive $0xFFFF  }
0x5b6: {  	_ =	strace $0x90000047  }
0x5b7: {  	s0 =	stileid.u32;
	[bflag:$0x2] =	sbarrier.arrive $0xFFFF  }
0x5b8: {  	p0 =	sne.s32 s0, $0x0;
	s0 =	rddreg [dreg:$0x2]  }
0x5b9: {  	s0 =	sadd.s32 @!p0 $0x100000, s0  }
0x5ba: {  	[sflag:s0] =	ssyncadd.tile.s32 @!p0 $0x1;
	_ =	shalt  }
.Lfunc_end2:
_tile_overlayer_lowered:
.L_overlay_start_2:
0x5bb: {  	(tag) =	ssettag $0x2  }
0x5bc: {  	s0 =	rddreg [dreg:$0x0];
	s2 =	stileid.u32  }
0x5bd: {  	s1 =	rddreg [dreg:$0x1];
	p0 =	sne.s32 s2, $0x0  }
0x5be: {  	s3 =	rddreg [dreg:$0x2];
	[bflag:$0x3] =	sbarrier.arrive $0xFFFF;
	s2 =	simm.s32 @!p0 $0x1C05  }
0x5bf: {  	[timem:s3], [sflag:s2] =	dma.local @!p0 [hbm:s0], s1  }
0x5c0: {  	s0 =	simm.s32 @!p0 $0x5  }
0x5c1: {  	_ =	swait.ge @!p0 [sflag:s0], s1  }
0x5c2: {  	s1 =	ssub.s32 @!p0 $0x0, s1;
	[sflag:s0] =	ssyncset.done @!p0 $0x0  }
0x5c3: {  	[sflag:s0] =	ssyncadd.s32 @!p0 s1  }
0x5c4: {  	[bflag:$0x3] =	sbarrier.arrive $0xFFFF  }
0x5c5: {  	_ =	shalt  }

</sc_bundles>
